<compile_context>
chip_gen: v7x
topology: tpu7x:2x2x1
jax: 0.10.2.dev20260603
libtpu: 0.0.44.dev20260713+nightly
codegen_flags: <defaults>
</compile_context>

<pallas_src>
import functools

import jax
import jax.numpy as jnp
from jax import lax
from jax.experimental import pallas as pl
from jax.experimental.pallas import tpu as pltpu
from jax.experimental.pallas import tpu_sc as plsc

NC = 2
NS = 16
NW = NC * NS
DG = 16


def _make_seg_sum(n, e, d, ch, nbuf, with_deg):
  et = e // NW
  nchunks = et // ch
  etail = et % ch
  nslot = 2 * nbuf
  ngroups = nchunks // nslot
  ntail = nchunks % nslot
  assert ch % 8 == 0 and (nchunks * ch) % 8 == 0 and nchunks >= nslot
  rpt = (n // NS + 7) // 8 * 8
  npad = rpt * NS

  out_type = [jax.ShapeDtypeStruct((NC, npad, d), jnp.float32)]
  scratch = [
      pltpu.VMEM((nslot, 2, ch), jnp.int32),
      pltpu.VMEM((nbuf, ch, d), jnp.float32),
      pltpu.VMEM_SHARED((npad, d), jnp.float32),
      pltpu.SemaphoreType.DMA((nslot,)),
      pltpu.SemaphoreType.DMA((nbuf,)),
  ]
  if with_deg:
    out_type.append(jax.ShapeDtypeStruct((NC, npad, DG), jnp.float32))
    scratch.append(pltpu.VMEM((ch, DG), jnp.float32))
    scratch.append(pltpu.VMEM_SHARED((npad, DG), jnp.float32))
  if etail:
    scratch.append(pltpu.VMEM((2, etail), jnp.int32))
    scratch.append(pltpu.VMEM((etail, d), jnp.float32))
    scratch.append(pltpu.SemaphoreType.DMA)

  mesh = plsc.VectorSubcoreMesh(core_axis_name="c", subcore_axis_name="s")

  def body(tab_hbm, ei_hbm, zrows_hbm, zdeg_hbm, out_hbm, deg_hbm,
           idx_v, rows_v, table_s, isems, gsems,
           ones_v, degtab_s, tidx_v, trows_v, tsem):
    c = lax.axis_index("c")
    s = lax.axis_index("s")
    wid = s * NC + c
    ebase = wid * et

    pltpu.sync_copy(zrows_hbm, table_s.at[pl.ds(s * rpt, rpt)])
    if with_deg:
      pltpu.sync_copy(zdeg_hbm, degtab_s.at[pl.ds(s * rpt, rpt)])
      for i in range(ch):
        ones_v[i] = jnp.ones((DG,), jnp.float32)

    def load_idx(j, q):
      eb = ebase + j * ch
      pltpu.async_copy(ei_hbm.at[pl.ds(0, 2), pl.ds(eb, ch)], idx_v.at[q],
                       isems.at[q])

    def issue_gather(q, b):
      pltpu.make_async_copy(ei_hbm.at[pl.ds(0, 2), pl.ds(0, ch)], idx_v.at[q],
                            isems.at[q]).wait()
      pltpu.async_copy(tab_hbm.at[idx_v.at[q, 0]], rows_v.at[b], gsems.at[b])

    for q in range(nslot):
      load_idx(q, q)
    for b in range(nbuf):
      issue_gather(b, b)

    plsc.subcore_barrier()

    if etail:
      tb = ebase + nchunks * ch
      pltpu.sync_copy(ei_hbm.at[pl.ds(0, 2), pl.ds(tb, etail)], tidx_v)
      pltpu.async_copy(tab_hbm.at[tidx_v.at[0]], trows_v, tsem).wait()
      pltpu.sync_copy(trows_v, table_s.at[tidx_v.at[1]], add=True)
      if with_deg:
        pltpu.sync_copy(ones_v.at[pl.ds(0, etail)],
                        degtab_s.at[tidx_v.at[1]], add=True)

    def stage(j, u, guard):
      b = u % nbuf
      pltpu.make_async_copy(tab_hbm.at[pl.ds(0, ch)], rows_v.at[b],
                            gsems.at[b]).wait()
      pltpu.sync_copy(rows_v.at[b], table_s.at[idx_v.at[u, 1]], add=True)
      if with_deg:
        pltpu.sync_copy(ones_v, degtab_s.at[idx_v.at[u, 1]], add=True)
      guard(j + nslot < nchunks, lambda: load_idx(j + nslot, u))
      guard(j + nbuf < nchunks,
            lambda: issue_gather((u + nbuf) % nslot, b))

    def traced_guard(cond, fn):
      pl.when(cond)(fn)

    def static_guard(cond, fn):
      if cond:
        fn()

    def group(g, carry):
      for u in range(nslot):
        stage(g * nslot + u, u, traced_guard)
      return carry

    lax.fori_loop(0, ngroups, group, 0, unroll=False)
    for u in range(ntail):
      stage(ngroups * nslot + u, u, static_guard)
    plsc.subcore_barrier()

    pltpu.sync_copy(table_s.at[pl.ds(s * rpt, rpt)],
                    out_hbm.at[c, pl.ds(s * rpt, rpt)])
    if with_deg:
      pltpu.sync_copy(degtab_s.at[pl.ds(s * rpt, rpt)],
                      deg_hbm.at[c, pl.ds(s * rpt, rpt)])

  kern = functools.partial(
      pl.kernel,
      mesh=mesh,
      compiler_params=pltpu.CompilerParams(use_tc_tiling_on_sc=False),
      out_type=tuple(out_type) if with_deg else out_type[0],
      scratch_types=scratch,
  )

  @kern
  def seg(*refs):
    it = iter(refs)
    tab, ei, zrows = next(it), next(it), next(it)
    zdeg = next(it) if with_deg else None
    out = next(it)
    deg = next(it) if with_deg else None
    idx_v, rows_v, table_s = next(it), next(it), next(it)
    isems, gsems = next(it), next(it)
    ones_v = next(it) if with_deg else None
    degtab_s = next(it) if with_deg else None
    tidx_v = next(it) if etail else None
    trows_v = next(it) if etail else None
    tsem = next(it) if etail else None
    body(tab, ei, zrows, zdeg, out, deg,
         idx_v, rows_v, table_s, isems, gsems,
         ones_v, degtab_s, tidx_v, trows_v, tsem)

  return seg


def _layer1_body(feat_ref, degt_ref, x_ref, w1_ref, b1_ref, w2_ref,
                 p_ref, invd_ref):
  aggx = feat_ref[0] + feat_ref[1] + x_ref[...]
  deg16 = degt_ref[0] + degt_ref[1]
  inv = 1.0 / (jnp.max(deg16, axis=1, keepdims=True) + 1.0)
  h = aggx * inv
  h1 = jnp.maximum(
      jnp.dot(h, w1_ref[...], preferred_element_type=jnp.float32)
      + b1_ref[...], 0.0)
  p_ref[...] = jnp.dot(h1, w2_ref[...], preferred_element_type=jnp.float32)
  invd_ref[...] = jnp.broadcast_to(inv, invd_ref.shape)


def _layer2_body(agg_ref, p_ref, invd_ref, b2_ref, z_ref):
  z_ref[...] = ((agg_ref[0] + agg_ref[1] + p_ref[...]) * invd_ref[...]
                + b2_ref[...])


def _decoder_body(zr_ref, zc_ref, out_ref):
  out_ref[...] = lax.dot_general(
      zr_ref[...], zc_ref[...], (((1,), (1,)), ((), ())),
      preferred_element_type=jnp.float32)


def kernel(x, edge_index, W1, b1, W2, b2):
  n, din = x.shape
  e = edge_index.shape[1]
  h1_dim = W1.shape[1]
  h2 = W2.shape[1]

  rpt = (n // NS + 7) // 8 * 8
  z1 = jnp.zeros((rpt, din), jnp.float32)
  zd = jnp.zeros((rpt, DG), jnp.float32)
  z2 = jnp.zeros((rpt, h2), jnp.float32)

  seg1 = _make_seg_sum(n, e, din, 80, 3, with_deg=True)
  seg2 = _make_seg_sum(n, e, h2, 128, 3, with_deg=False)

  feat, degt = seg1(x, edge_index, z1, zd)

  rblk = 2000
  grid1 = n // rblk
  p, invd = pl.pallas_call(
      _layer1_body,
      grid=(grid1,),
      in_specs=[
          pl.BlockSpec((NC, rblk, din), lambda i: (0, i, 0)),
          pl.BlockSpec((NC, rblk, DG), lambda i: (0, i, 0)),
          pl.BlockSpec((rblk, din), lambda i: (i, 0)),
          pl.BlockSpec((din, h1_dim), lambda i: (0, 0)),
          pl.BlockSpec((1, h1_dim), lambda i: (0, 0)),
          pl.BlockSpec((h1_dim, h2), lambda i: (0, 0)),
      ],
      out_specs=[
          pl.BlockSpec((rblk, h2), lambda i: (i, 0)),
          pl.BlockSpec((rblk, h2), lambda i: (i, 0)),
      ],
      out_shape=[
          jax.ShapeDtypeStruct((n, h2), jnp.float32),
          jax.ShapeDtypeStruct((n, h2), jnp.float32),
      ],
  )(feat, degt, x, W1, b1.reshape(1, h1_dim), W2)

  agg2 = seg2(p, edge_index, z2)

  z = pl.pallas_call(
      _layer2_body,
      grid=(grid1,),
      in_specs=[
          pl.BlockSpec((NC, rblk, h2), lambda i: (0, i, 0)),
          pl.BlockSpec((rblk, h2), lambda i: (i, 0)),
          pl.BlockSpec((rblk, h2), lambda i: (i, 0)),
          pl.BlockSpec((1, h2), lambda i: (0, 0)),
      ],
      out_specs=pl.BlockSpec((rblk, h2), lambda i: (i, 0)),
      out_shape=jax.ShapeDtypeStruct((n, h2), jnp.float32),
  )(agg2, p, invd, b2.reshape(1, h2))

  ablk = 512
  grid_a = pl.cdiv(n, ablk)
  adj = pl.pallas_call(
      _decoder_body,
      grid=(grid_a,),
      in_specs=[
          pl.BlockSpec((ablk, h2), lambda i: (i, 0)),
          pl.BlockSpec((n, h2), lambda i: (0, 0)),
      ],
      out_specs=pl.BlockSpec((ablk, n), lambda i: (i, 0)),
      out_shape=jax.ShapeDtypeStruct((n, n), jnp.float32),
      compiler_params=pltpu.CompilerParams(
          vmem_limit_bytes=100 * 1024 * 1024),
  )(z, z)

  return (z, adj)

# --- scband reference (transcript-rebuilt; emitter-appended) ---
"""Pipeline reference for scband-dgc-652835029057 (READ-ONLY COPY).

The authoritative reference and input builder live on the scoring server;
editing this copy changes nothing except your own understanding.
"""

import jax, jax.numpy as jnp
import numpy as np

N = 10000
E = 320000
D_IN = 128
H1 = 256
H2 = 16


def setup_inputs(seed: int = 0) -> dict:
    key = jax.random.key(seed)
    k1, k2, k3, k4, k5, k6 = jax.random.split(key, 6)
    x = jax.random.normal(k1, (N, D_IN), dtype=jnp.float32)
    edge_index = jax.random.randint(k2, (2, E), 0, N, dtype=jnp.int32)
    W1 = jax.random.normal(k3, (D_IN, H1), dtype=jnp.float32) * 0.05
    b1 = jnp.zeros((H1,), dtype=jnp.float32)
    W2 = jax.random.normal(k4, (H1, H2), dtype=jnp.float32) * 0.05
    b2 = jnp.zeros((H2,), dtype=jnp.float32)
    return {"x": x, "edge_index": edge_index, "W1": W1, "b1": b1, "W2": W2, "b2": b2}


def _sage_gcn(h, src, dst, W, b):
    # DGL SAGEConv aggregator_type='gcn':
    # h_neigh = (sum_{u->v} h_u + h_v) / (in_deg(v) + 1); out = h_neigh @ W + b
    msg = h[src]
    agg = jax.ops.segment_sum(msg, dst, num_segments=N)
    deg = jax.ops.segment_sum(jnp.ones((E,), dtype=jnp.float32), dst, num_segments=N)
    h_neigh = (agg + h) / (deg + 1.0)[:, None]
    return h_neigh @ W + b


def reference(x, edge_index, W1, b1, W2, b2):
    src = edge_index[0]
    dst = edge_index[1]
    h1 = jax.nn.relu(_sage_gcn(x, src, dst, W1, b1))
    z = _sage_gcn(h1, src, dst, W2, b2)  # encoder output (preds)
    adj_hat = z @ z.T  # InnerProductDecoder (logits)
    return (z, adj_hat)

if __name__ == "__main__":
    import jax
    _d = setup_inputs()
    print(jax.jit(kernel)(*tuple(_d.values())))

</pallas_src>

<mosaic_0001>
#map = affine_map<(d0, d1) -> (0, 0)>
#map1 = affine_map<(d0, d1) -> (0, 0, 0)>
module attributes {stable_mosaic.version = 14 : i64} {
  func.func @seg(%arg0: i32, %arg1: i32, %arg2: memref<10000x16xf32, #tpu.memory_space<hbm>>, %arg3: memref<2x320000xi32, #tpu.memory_space<hbm>>, %arg4: memref<632x16xf32, #tpu.memory_space<hbm>>, %arg5: memref<2x10112x16xf32, #tpu.memory_space<hbm>>, %arg6: memref<6x2x128xi32, #tpu.memory_space<vmem>>, %arg7: memref<3x128x16xf32, #tpu.memory_space<vmem>>, %arg8: memref<10112x16xf32, #tpu.memory_space<vmem_shared>>, %arg9: memref<6x!tpu.dma_semaphore, #tpu.memory_space<semaphore_mem>>, %arg10: memref<3x!tpu.dma_semaphore, #tpu.memory_space<semaphore_mem>>, %arg11: memref<2x16xi32, #tpu.memory_space<vmem>>, %arg12: memref<16x16xf32, #tpu.memory_space<vmem>>, %arg13: memref<!tpu.dma_semaphore, #tpu.memory_space<semaphore_mem>>) attributes {dimension_semantics = [#tpu.dimension_semantics<core_parallel>, #tpu.dimension_semantics<subcore_parallel>], iteration_bounds = array<i64: 2, 16>, scalar_prefetch = 0 : i64, scratch_operands = 8 : i64, tpu.core_type = #tpu.core_type<sc_vector_subcore>, window_params = [{transform_indices = #map}, {transform_indices = #map}, {transform_indices = #map}, {transform_indices = #map1}]} {
    %mul3A = arith.constant 2 : i32
    %mul3A_0 = arith.muli %arg1, %mul3A : i32
    %add3A = arith.addi %mul3A_0, %arg0 : i32
    %mul3A_1 = arith.constant 10000 : i32
    %mul3A_2 = arith.muli %add3A, %mul3A_1 : i32
    %mul3A_3 = arith.constant 632 : i32
    %mul3A_4 = arith.muli %arg1, %mul3A_3 : i32
    "tpu.region"() ({
      %run_scoped3A_239 = tpu.sem_alloc : memref<!tpu.dma_semaphore, #tpu.memory_space<semaphore_mem>>
      %dma_start3A_240 = arith.constant 0 : i32
      %dma_start3A_241 = tpu.memref_slice %arg8[%mul3A_4, %dma_start3A_240] : memref<10112x16xf32, #tpu.memory_space<vmem_shared>> -> memref<632x16xf32, #tpu.memory_space<vmem_shared>>
      tpu.enqueue_dma source(%arg4 : memref<632x16xf32, #tpu.memory_space<hbm>>) target(%dma_start3A_241 : memref<632x16xf32, #tpu.memory_space<vmem_shared>>) target_semaphore(%run_scoped3A_239 : memref<!tpu.dma_semaphore, #tpu.memory_space<semaphore_mem>>)
      %dma_wait3A_242 = arith.constant 0 : i32
      %dma_wait3A_243 = tpu.memref_slice %arg8[%mul3A_4, %dma_wait3A_242] : memref<10112x16xf32, #tpu.memory_space<vmem_shared>> -> memref<632x16xf32, #tpu.memory_space<vmem_shared>>
      tpu.wait_dma2 semaphore(%run_scoped3A_239 : memref<!tpu.dma_semaphore, #tpu.memory_space<semaphore_mem>>) src(%arg4 : memref<632x16xf32, #tpu.memory_space<hbm>>) dst(%dma_wait3A_243 : memref<632x16xf32, #tpu.memory_space<vmem_shared>>)
      tpu.yield
    }) : () -> ()
    %add3A_5 = arith.constant 0 : i32
    %add3A_6 = arith.addi %mul3A_2, %add3A_5 : i32
    %dma_start3A = arith.constant 0 : i32
    %dma_start3A_7 = arith.constant 0 : i32
    %dma_start3A_8 = arith.constant 0 : i32
    %dma_start3A_9 = arith.constant 0 : i32
    %dma_start3A_10 = tpu.memref_slice %arg6[%dma_start3A, %dma_start3A_8, %dma_start3A_9] : memref<6x2x128xi32, #tpu.memory_space<vmem>> -> memref<1x2x128xi32, #tpu.memory_space<vmem>>
    %dma_start3A_11 = tpu.memref_squeeze %dma_start3A_10 : memref<1x2x128xi32, #tpu.memory_space<vmem>> -> memref<2x128xi32, #tpu.memory_space<vmem>>
    %dma_start3A_12 = arith.constant 0 : i32
    %dma_start3A_13 = tpu.memref_slice %arg3[%dma_start3A_12, %add3A_6] : memref<2x320000xi32, #tpu.memory_space<hbm>> -> memref<2x128xi32, #tpu.memory_space<hbm>>
    %dma_start3A_14 = tpu.memref_slice %arg9[%dma_start3A_7] : memref<6x!tpu.dma_semaphore, #tpu.memory_space<semaphore_mem>> -> memref<1x!tpu.dma_semaphore, #tpu.memory_space<semaphore_mem>>
    %dma_start3A_15 = tpu.memref_squeeze %dma_start3A_14 : memref<1x!tpu.dma_semaphore, #tpu.memory_space<semaphore_mem>> -> memref<!tpu.dma_semaphore, #tpu.memory_space<semaphore_mem>>
    %dma_start3A_16 = arith.constant 0 : i32
    %dma_start3A_17 = arith.constant 0 : i32
    %dma_start3A_18 = tpu.memref_slice %arg6[%dma_start3A, %dma_start3A_16, %dma_start3A_17] : memref<6x2x128xi32, #tpu.memory_space<vmem>> -> memref<1x2x128xi32, #tpu.memory_space<vmem>>
    %dma_start3A_19 = tpu.memref_squeeze %dma_start3A_18 : memref<1x2x128xi32, #tpu.memory_space<vmem>> -> memref<2x128xi32, #tpu.memory_space<vmem>>
    %dma_start3A_20 = arith.constant 0 : i32
    %dma_start3A_21 = tpu.memref_slice %arg3[%dma_start3A_20, %add3A_6] : memref<2x320000xi32, #tpu.memory_space<hbm>> -> memref<2x128xi32, #tpu.memory_space<hbm>>
    tpu.enqueue_dma source(%dma_start3A_21 : memref<2x128xi32, #tpu.memory_space<hbm>>) target(%dma_start3A_19 : memref<2x128xi32, #tpu.memory_space<vmem>>) target_semaphore(%dma_start3A_15 : memref<!tpu.dma_semaphore, #tpu.memory_space<semaphore_mem>>)
    %add3A_22 = arith.constant 128 : i32
    %add3A_23 = arith.addi %mul3A_2, %add3A_22 : i32
    %dma_start3A_24 = arith.constant 1 : i32
    %dma_start3A_25 = arith.constant 1 : i32
    %dma_start3A_26 = arith.constant 0 : i32
    %dma_start3A_27 = arith.constant 0 : i32
    %dma_start3A_28 = tpu.memref_slice %arg6[%dma_start3A_24, %dma_start3A_26, %dma_start3A_27] : memref<6x2x128xi32, #tpu.memory_space<vmem>> -> memref<1x2x128xi32, #tpu.memory_space<vmem>>
    %dma_start3A_29 = tpu.memref_squeeze %dma_start3A_28 : memref<1x2x128xi32, #tpu.memory_space<vmem>> -> memref<2x128xi32, #tpu.memory_space<vmem>>
    %dma_start3A_30 = arith.constant 0 : i32
    %dma_start3A_31 = tpu.memref_slice %arg3[%dma_start3A_30, %add3A_23] : memref<2x320000xi32, #tpu.memory_space<hbm>> -> memref<2x128xi32, #tpu.memory_space<hbm>>
    %dma_start3A_32 = tpu.memref_slice %arg9[%dma_start3A_25] : memref<6x!tpu.dma_semaphore, #tpu.memory_space<semaphore_mem>> -> memref<1x!tpu.dma_semaphore, #tpu.memory_space<semaphore_mem>>
    %dma_start3A_33 = tpu.memref_squeeze %dma_start3A_32 : memref<1x!tpu.dma_semaphore, #tpu.memory_space<semaphore_mem>> -> memref<!tpu.dma_semaphore, #tpu.memory_space<semaphore_mem>>
    %dma_start3A_34 = arith.constant 0 : i32
    %dma_start3A_35 = arith.constant 0 : i32
    %dma_start3A_36 = tpu.memref_slice %arg6[%dma_start3A_24, %dma_start3A_34, %dma_start3A_35] : memref<6x2x128xi32, #tpu.memory_space<vmem>> -> memref<1x2x128xi32, #tpu.memory_space<vmem>>
    %dma_start3A_37 = tpu.memref_squeeze %dma_start3A_36 : memref<1x2x128xi32, #tpu.memory_space<vmem>> -> memref<2x128xi32, #tpu.memory_space<vmem>>
    %dma_start3A_38 = arith.constant 0 : i32
    %dma_start3A_39 = tpu.memref_slice %arg3[%dma_start3A_38, %add3A_23] : memref<2x320000xi32, #tpu.memory_space<hbm>> -> memref<2x128xi32, #tpu.memory_space<hbm>>
    tpu.enqueue_dma source(%dma_start3A_39 : memref<2x128xi32, #tpu.memory_space<hbm>>) target(%dma_start3A_37 : memref<2x128xi32, #tpu.memory_space<vmem>>) target_semaphore(%dma_start3A_33 : memref<!tpu.dma_semaphore, #tpu.memory_space<semaphore_mem>>)
    %add3A_40 = arith.constant 256 : i32
    %add3A_41 = arith.addi %mul3A_2, %add3A_40 : i32
    %dma_start3A_42 = arith.constant 2 : i32
    %dma_start3A_43 = arith.constant 2 : i32
    %dma_start3A_44 = arith.constant 0 : i32
    %dma_start3A_45 = arith.constant 0 : i32
    %dma_start3A_46 = tpu.memref_slice %arg6[%dma_start3A_42, %dma_start3A_44, %dma_start3A_45] : memref<6x2x128xi32, #tpu.memory_space<vmem>> -> memref<1x2x128xi32, #tpu.memory_space<vmem>>
    %dma_start3A_47 = tpu.memref_squeeze %dma_start3A_46 : memref<1x2x128xi32, #tpu.memory_space<vmem>> -> memref<2x128xi32, #tpu.memory_space<vmem>>
    %dma_start3A_48 = arith.constant 0 : i32
    %dma_start3A_49 = tpu.memref_slice %arg3[%dma_start3A_48, %add3A_41] : memref<2x320000xi32, #tpu.memory_space<hbm>> -> memref<2x128xi32, #tpu.memory_space<hbm>>
    %dma_start3A_50 = tpu.memref_slice %arg9[%dma_start3A_43] : memref<6x!tpu.dma_semaphore, #tpu.memory_space<semaphore_mem>> -> memref<1x!tpu.dma_semaphore, #tpu.memory_space<semaphore_mem>>
    %dma_start3A_51 = tpu.memref_squeeze %dma_start3A_50 : memref<1x!tpu.dma_semaphore, #tpu.memory_space<semaphore_mem>> -> memref<!tpu.dma_semaphore, #tpu.memory_space<semaphore_mem>>
    %dma_start3A_52 = arith.constant 0 : i32
    %dma_start3A_53 = arith.constant 0 : i32
    %dma_start3A_54 = tpu.memref_slice %arg6[%dma_start3A_42, %dma_start3A_52, %dma_start3A_53] : memref<6x2x128xi32, #tpu.memory_space<vmem>> -> memref<1x2x128xi32, #tpu.memory_space<vmem>>
    %dma_start3A_55 = tpu.memref_squeeze %dma_start3A_54 : memref<1x2x128xi32, #tpu.memory_space<vmem>> -> memref<2x128xi32, #tpu.memory_space<vmem>>
    %dma_start3A_56 = arith.constant 0 : i32
    %dma_start3A_57 = tpu.memref_slice %arg3[%dma_start3A_56, %add3A_41] : memref<2x320000xi32, #tpu.memory_space<hbm>> -> memref<2x128xi32, #tpu.memory_space<hbm>>
    tpu.enqueue_dma source(%dma_start3A_57 : memref<2x128xi32, #tpu.memory_space<hbm>>) target(%dma_start3A_55 : memref<2x128xi32, #tpu.memory_space<vmem>>) target_semaphore(%dma_start3A_51 : memref<!tpu.dma_semaphore, #tpu.memory_space<semaphore_mem>>)
    %add3A_58 = arith.constant 384 : i32
    %add3A_59 = arith.addi %mul3A_2, %add3A_58 : i32
    %dma_start3A_60 = arith.constant 3 : i32
    %dma_start3A_61 = arith.constant 3 : i32
    %dma_start3A_62 = arith.constant 0 : i32
    %dma_start3A_63 = arith.constant 0 : i32
    %dma_start3A_64 = tpu.memref_slice %arg6[%dma_start3A_60, %dma_start3A_62, %dma_start3A_63] : memref<6x2x128xi32, #tpu.memory_space<vmem>> -> memref<1x2x128xi32, #tpu.memory_space<vmem>>
    %dma_start3A_65 = tpu.memref_squeeze %dma_start3A_64 : memref<1x2x128xi32, #tpu.memory_space<vmem>> -> memref<2x128xi32, #tpu.memory_space<vmem>>
    %dma_start3A_66 = arith.constant 0 : i32
    %dma_start3A_67 = tpu.memref_slice %arg3[%dma_start3A_66, %add3A_59] : memref<2x320000xi32, #tpu.memory_space<hbm>> -> memref<2x128xi32, #tpu.memory_space<hbm>>
    %dma_start3A_68 = tpu.memref_slice %arg9[%dma_start3A_61] : memref<6x!tpu.dma_semaphore, #tpu.memory_space<semaphore_mem>> -> memref<1x!tpu.dma_semaphore, #tpu.memory_space<semaphore_mem>>
    %dma_start3A_69 = tpu.memref_squeeze %dma_start3A_68 : memref<1x!tpu.dma_semaphore, #tpu.memory_space<semaphore_mem>> -> memref<!tpu.dma_semaphore, #tpu.memory_space<semaphore_mem>>
    %dma_start3A_70 = arith.constant 0 : i32
    %dma_start3A_71 = arith.constant 0 : i32
    %dma_start3A_72 = tpu.memref_slice %arg6[%dma_start3A_60, %dma_start3A_70, %dma_start3A_71] : memref<6x2x128xi32, #tpu.memory_space<vmem>> -> memref<1x2x128xi32, #tpu.memory_space<vmem>>
    %dma_start3A_73 = tpu.memref_squeeze %dma_start3A_72 : memref<1x2x128xi32, #tpu.memory_space<vmem>> -> memref<2x128xi32, #tpu.memory_space<vmem>>
    %dma_start3A_74 = arith.constant 0 : i32
    %dma_start3A_75 = tpu.memref_slice %arg3[%dma_start3A_74, %add3A_59] : memref<2x320000xi32, #tpu.memory_space<hbm>> -> memref<2x128xi32, #tpu.memory_space<hbm>>
    tpu.enqueue_dma source(%dma_start3A_75 : memref<2x128xi32, #tpu.memory_space<hbm>>) target(%dma_start3A_73 : memref<2x128xi32, #tpu.memory_space<vmem>>) target_semaphore(%dma_start3A_69 : memref<!tpu.dma_semaphore, #tpu.memory_space<semaphore_mem>>)
    %add3A_76 = arith.constant 512 : i32
    %add3A_77 = arith.addi %mul3A_2, %add3A_76 : i32
    %dma_start3A_78 = arith.constant 4 : i32
    %dma_start3A_79 = arith.constant 4 : i32
    %dma_start3A_80 = arith.constant 0 : i32
    %dma_start3A_81 = arith.constant 0 : i32
    %dma_start3A_82 = tpu.memref_slice %arg6[%dma_start3A_78, %dma_start3A_80, %dma_start3A_81] : memref<6x2x128xi32, #tpu.memory_space<vmem>> -> memref<1x2x128xi32, #tpu.memory_space<vmem>>
    %dma_start3A_83 = tpu.memref_squeeze %dma_start3A_82 : memref<1x2x128xi32, #tpu.memory_space<vmem>> -> memref<2x128xi32, #tpu.memory_space<vmem>>
    %dma_start3A_84 = arith.constant 0 : i32
    %dma_start3A_85 = tpu.memref_slice %arg3[%dma_start3A_84, %add3A_77] : memref<2x320000xi32, #tpu.memory_space<hbm>> -> memref<2x128xi32, #tpu.memory_space<hbm>>
    %dma_start3A_86 = tpu.memref_slice %arg9[%dma_start3A_79] : memref<6x!tpu.dma_semaphore, #tpu.memory_space<semaphore_mem>> -> memref<1x!tpu.dma_semaphore, #tpu.memory_space<semaphore_mem>>
    %dma_start3A_87 = tpu.memref_squeeze %dma_start3A_86 : memref<1x!tpu.dma_semaphore, #tpu.memory_space<semaphore_mem>> -> memref<!tpu.dma_semaphore, #tpu.memory_space<semaphore_mem>>
    %dma_start3A_88 = arith.constant 0 : i32
    %dma_start3A_89 = arith.constant 0 : i32
    %dma_start3A_90 = tpu.memref_slice %arg6[%dma_start3A_78, %dma_start3A_88, %dma_start3A_89] : memref<6x2x128xi32, #tpu.memory_space<vmem>> -> memref<1x2x128xi32, #tpu.memory_space<vmem>>
    %dma_start3A_91 = tpu.memref_squeeze %dma_start3A_90 : memref<1x2x128xi32, #tpu.memory_space<vmem>> -> memref<2x128xi32, #tpu.memory_space<vmem>>
    %dma_start3A_92 = arith.constant 0 : i32
    %dma_start3A_93 = tpu.memref_slice %arg3[%dma_start3A_92, %add3A_77] : memref<2x320000xi32, #tpu.memory_space<hbm>> -> memref<2x128xi32, #tpu.memory_space<hbm>>
    tpu.enqueue_dma source(%dma_start3A_93 : memref<2x128xi32, #tpu.memory_space<hbm>>) target(%dma_start3A_91 : memref<2x128xi32, #tpu.memory_space<vmem>>) target_semaphore(%dma_start3A_87 : memref<!tpu.dma_semaphore, #tpu.memory_space<semaphore_mem>>)
    %add3A_94 = arith.constant 640 : i32
    %add3A_95 = arith.addi %mul3A_2, %add3A_94 : i32
    %dma_start3A_96 = arith.constant 5 : i32
    %dma_start3A_97 = arith.constant 5 : i32
    %dma_start3A_98 = arith.constant 0 : i32
    %dma_start3A_99 = arith.constant 0 : i32
    %dma_start3A_100 = tpu.memref_slice %arg6[%dma_start3A_96, %dma_start3A_98, %dma_start3A_99] : memref<6x2x128xi32, #tpu.memory_space<vmem>> -> memref<1x2x128xi32, #tpu.memory_space<vmem>>
    %dma_start3A_101 = tpu.memref_squeeze %dma_start3A_100 : memref<1x2x128xi32, #tpu.memory_space<vmem>> -> memref<2x128xi32, #tpu.memory_space<vmem>>
    %dma_start3A_102 = arith.constant 0 : i32
    %dma_start3A_103 = tpu.memref_slice %arg3[%dma_start3A_102, %add3A_95] : memref<2x320000xi32, #tpu.memory_space<hbm>> -> memref<2x128xi32, #tpu.memory_space<hbm>>
    %dma_start3A_104 = tpu.memref_slice %arg9[%dma_start3A_97] : memref<6x!tpu.dma_semaphore, #tpu.memory_space<semaphore_mem>> -> memref<1x!tpu.dma_semaphore, #tpu.memory_space<semaphore_mem>>
    %dma_start3A_105 = tpu.memref_squeeze %dma_start3A_104 : memref<1x!tpu.dma_semaphore, #tpu.memory_space<semaphore_mem>> -> memref<!tpu.dma_semaphore, #tpu.memory_space<semaphore_mem>>
    %dma_start3A_106 = arith.constant 0 : i32
    %dma_start3A_107 = arith.constant 0 : i32
    %dma_start3A_108 = tpu.memref_slice %arg6[%dma_start3A_96, %dma_start3A_106, %dma_start3A_107] : memref<6x2x128xi32, #tpu.memory_space<vmem>> -> memref<1x2x128xi32, #tpu.memory_space<vmem>>
    %dma_start3A_109 = tpu.memref_squeeze %dma_start3A_108 : memref<1x2x128xi32, #tpu.memory_space<vmem>> -> memref<2x128xi32, #tpu.memory_space<vmem>>
    %dma_start3A_110 = arith.constant 0 : i32
    %dma_start3A_111 = tpu.memref_slice %arg3[%dma_start3A_110, %add3A_95] : memref<2x320000xi32, #tpu.memory_space<hbm>> -> memref<2x128xi32, #tpu.memory_space<hbm>>
    tpu.enqueue_dma source(%dma_start3A_111 : memref<2x128xi32, #tpu.memory_space<hbm>>) target(%dma_start3A_109 : memref<2x128xi32, #tpu.memory_space<vmem>>) target_semaphore(%dma_start3A_105 : memref<!tpu.dma_semaphore, #tpu.memory_space<semaphore_mem>>)
    %dma_wait3A = arith.constant 0 : i32
    %dma_wait3A_112 = arith.constant 0 : i32
    %dma_wait3A_113 = arith.constant 0 : i32
    %dma_wait3A_114 = arith.constant 0 : i32
    %dma_wait3A_115 = tpu.memref_slice %arg6[%dma_wait3A, %dma_wait3A_113, %dma_wait3A_114] : memref<6x2x128xi32, #tpu.memory_space<vmem>> -> memref<1x2x128xi32, #tpu.memory_space<vmem>>
    %dma_wait3A_116 = tpu.memref_squeeze %dma_wait3A_115 : memref<1x2x128xi32, #tpu.memory_space<vmem>> -> memref<2x128xi32, #tpu.memory_space<vmem>>
    %dma_wait3A_117 = arith.constant 0 : i32
    %dma_wait3A_118 = arith.constant 0 : i32
    %dma_wait3A_119 = tpu.memref_slice %arg3[%dma_wait3A_117, %dma_wait3A_118] : memref<2x320000xi32, #tpu.memory_space<hbm>> -> memref<2x128xi32, #tpu.memory_space<hbm>>
    %dma_wait3A_120 = tpu.memref_slice %arg9[%dma_wait3A_112] : memref<6x!tpu.dma_semaphore, #tpu.memory_space<semaphore_mem>> -> memref<1x!tpu.dma_semaphore, #tpu.memory_space<semaphore_mem>>
    %dma_wait3A_121 = tpu.memref_squeeze %dma_wait3A_120 : memref<1x!tpu.dma_semaphore, #tpu.memory_space<semaphore_mem>> -> memref<!tpu.dma_semaphore, #tpu.memory_space<semaphore_mem>>
    %dma_wait3A_122 = arith.constant 0 : i32
    %dma_wait3A_123 = arith.constant 0 : i32
    %dma_wait3A_124 = tpu.memref_slice %arg6[%dma_wait3A, %dma_wait3A_122, %dma_wait3A_123] : memref<6x2x128xi32, #tpu.memory_space<vmem>> -> memref<1x2x128xi32, #tpu.memory_space<vmem>>
    %dma_wait3A_125 = tpu.memref_squeeze %dma_wait3A_124 : memref<1x2x128xi32, #tpu.memory_space<vmem>> -> memref<2x128xi32, #tpu.memory_space<vmem>>
    %dma_wait3A_126 = arith.constant 0 : i32
    %dma_wait3A_127 = arith.constant 0 : i32
    %dma_wait3A_128 = tpu.memref_slice %arg3[%dma_wait3A_126, %dma_wait3A_127] : memref<2x320000xi32, #tpu.memory_space<hbm>> -> memref<2x128xi32, #tpu.memory_space<hbm>>
    tpu.wait_dma2 semaphore(%dma_wait3A_121 : memref<!tpu.dma_semaphore, #tpu.memory_space<semaphore_mem>>) src(%dma_wait3A_128 : memref<2x128xi32, #tpu.memory_space<hbm>>) dst(%dma_wait3A_125 : memref<2x128xi32, #tpu.memory_space<vmem>>)
    %dma_start3A_129 = arith.constant 0 : i32
    %dma_start3A_130 = arith.constant 0 : i32
    %dma_start3A_131 = arith.constant 0 : i32
    %dma_start3A_132 = arith.constant 0 : i32
    %dma_start3A_133 = arith.constant 0 : i32
    %dma_start3A_134 = arith.constant 0 : i32
    %dma_start3A_135 = tpu.memref_slice %arg7[%dma_start3A_131, %dma_start3A_133, %dma_start3A_134] : memref<3x128x16xf32, #tpu.memory_space<vmem>> -> memref<1x128x16xf32, #tpu.memory_space<vmem>>
    %dma_start3A_136 = tpu.memref_squeeze %dma_start3A_135 : memref<1x128x16xf32, #tpu.memory_space<vmem>> -> memref<128x16xf32, #tpu.memory_space<vmem>>
    %dma_start3A_137 = arith.constant 0 : i32
    %dma_start3A_138 = tpu.memref_slice %arg6[%dma_start3A_129, %dma_start3A_130, %dma_start3A_137] : memref<6x2x128xi32, #tpu.memory_space<vmem>> -> memref<1x1x128xi32, #tpu.memory_space<vmem>>
    %dma_start3A_139 = tpu.memref_squeeze %dma_start3A_138 : memref<1x1x128xi32, #tpu.memory_space<vmem>> -> memref<128xi32, #tpu.memory_space<vmem>>
    %dma_start3A_140 = arith.constant 0 : i32
    %dma_start3A_141 = arith.constant 0 : i32
    %dma_start3A_142 = tpu.memref_slice %arg2[%dma_start3A_140, %dma_start3A_141] : memref<10000x16xf32, #tpu.memory_space<hbm>> -> memref<10000x16xf32, #tpu.memory_space<hbm>>
    %dma_start3A_143 = tpu.memref_slice %arg10[%dma_start3A_132] : memref<3x!tpu.dma_semaphore, #tpu.memory_space<semaphore_mem>> -> memref<1x!tpu.dma_semaphore, #tpu.memory_space<semaphore_mem>>
    %dma_start3A_144 = tpu.memref_squeeze %dma_start3A_143 : memref<1x!tpu.dma_semaphore, #tpu.memory_space<semaphore_mem>> -> memref<!tpu.dma_semaphore, #tpu.memory_space<semaphore_mem>>
    tpu.enqueue_indirect_dma source(%dma_start3A_142 : memref<10000x16xf32, #tpu.memory_space<hbm>>) target(%dma_start3A_136 : memref<128x16xf32, #tpu.memory_space<vmem>>) offsets(%dma_start3A_139 : memref<128xi32, #tpu.memory_space<vmem>>) semaphore(%dma_start3A_144 : memref<!tpu.dma_semaphore, #tpu.memory_space<semaphore_mem>>)
    %dma_wait3A_145 = arith.constant 1 : i32
    %dma_wait3A_146 = arith.constant 1 : i32
    %dma_wait3A_147 = arith.constant 0 : i32
    %dma_wait3A_148 = arith.constant 0 : i32
    %dma_wait3A_149 = tpu.memref_slice %arg6[%dma_wait3A_145, %dma_wait3A_147, %dma_wait3A_148] : memref<6x2x128xi32, #tpu.memory_space<vmem>> -> memref<1x2x128xi32, #tpu.memory_space<vmem>>
    %dma_wait3A_150 = tpu.memref_squeeze %dma_wait3A_149 : memref<1x2x128xi32, #tpu.memory_space<vmem>> -> memref<2x128xi32, #tpu.memory_space<vmem>>
    %dma_wait3A_151 = arith.constant 0 : i32
    %dma_wait3A_152 = arith.constant 0 : i32
    %dma_wait3A_153 = tpu.memref_slice %arg3[%dma_wait3A_151, %dma_wait3A_152] : memref<2x320000xi32, #tpu.memory_space<hbm>> -> memref<2x128xi32, #tpu.memory_space<hbm>>
    %dma_wait3A_154 = tpu.memref_slice %arg9[%dma_wait3A_146] : memref<6x!tpu.dma_semaphore, #tpu.memory_space<semaphore_mem>> -> memref<1x!tpu.dma_semaphore, #tpu.memory_space<semaphore_mem>>
    %dma_wait3A_155 = tpu.memref_squeeze %dma_wait3A_154 : memref<1x!tpu.dma_semaphore, #tpu.memory_space<semaphore_mem>> -> memref<!tpu.dma_semaphore, #tpu.memory_space<semaphore_mem>>
    %dma_wait3A_156 = arith.constant 0 : i32
    %dma_wait3A_157 = arith.constant 0 : i32
    %dma_wait3A_158 = tpu.memref_slice %arg6[%dma_wait3A_145, %dma_wait3A_156, %dma_wait3A_157] : memref<6x2x128xi32, #tpu.memory_space<vmem>> -> memref<1x2x128xi32, #tpu.memory_space<vmem>>
    %dma_wait3A_159 = tpu.memref_squeeze %dma_wait3A_158 : memref<1x2x128xi32, #tpu.memory_space<vmem>> -> memref<2x128xi32, #tpu.memory_space<vmem>>
    %dma_wait3A_160 = arith.constant 0 : i32
    %dma_wait3A_161 = arith.constant 0 : i32
    %dma_wait3A_162 = tpu.memref_slice %arg3[%dma_wait3A_160, %dma_wait3A_161] : memref<2x320000xi32, #tpu.memory_space<hbm>> -> memref<2x128xi32, #tpu.memory_space<hbm>>
    tpu.wait_dma2 semaphore(%dma_wait3A_155 : memref<!tpu.dma_semaphore, #tpu.memory_space<semaphore_mem>>) src(%dma_wait3A_162 : memref<2x128xi32, #tpu.memory_space<hbm>>) dst(%dma_wait3A_159 : memref<2x128xi32, #tpu.memory_space<vmem>>)
    %dma_start3A_163 = arith.constant 1 : i32
    %dma_start3A_164 = arith.constant 0 : i32
    %dma_start3A_165 = arith.constant 1 : i32
    %dma_start3A_166 = arith.constant 1 : i32
    %dma_start3A_167 = arith.constant 0 : i32
    %dma_start3A_168 = arith.constant 0 : i32
    %dma_start3A_169 = tpu.memref_slice %arg7[%dma_start3A_165, %dma_start3A_167, %dma_start3A_168] : memref<3x128x16xf32, #tpu.memory_space<vmem>> -> memref<1x128x16xf32, #tpu.memory_space<vmem>>
    %dma_start3A_170 = tpu.memref_squeeze %dma_start3A_169 : memref<1x128x16xf32, #tpu.memory_space<vmem>> -> memref<128x16xf32, #tpu.memory_space<vmem>>
    %dma_start3A_171 = arith.constant 0 : i32
    %dma_start3A_172 = tpu.memref_slice %arg6[%dma_start3A_163, %dma_start3A_164, %dma_start3A_171] : memref<6x2x128xi32, #tpu.memory_space<vmem>> -> memref<1x1x128xi32, #tpu.memory_space<vmem>>
    %dma_start3A_173 = tpu.memref_squeeze %dma_start3A_172 : memref<1x1x128xi32, #tpu.memory_space<vmem>> -> memref<128xi32, #tpu.memory_space<vmem>>
    %dma_start3A_174 = arith.constant 0 : i32
    %dma_start3A_175 = arith.constant 0 : i32
    %dma_start3A_176 = tpu.memref_slice %arg2[%dma_start3A_174, %dma_start3A_175] : memref<10000x16xf32, #tpu.memory_space<hbm>> -> memref<10000x16xf32, #tpu.memory_space<hbm>>
    %dma_start3A_177 = tpu.memref_slice %arg10[%dma_start3A_166] : memref<3x!tpu.dma_semaphore, #tpu.memory_space<semaphore_mem>> -> memref<1x!tpu.dma_semaphore, #tpu.memory_space<semaphore_mem>>
    %dma_start3A_178 = tpu.memref_squeeze %dma_start3A_177 : memref<1x!tpu.dma_semaphore, #tpu.memory_space<semaphore_mem>> -> memref<!tpu.dma_semaphore, #tpu.memory_space<semaphore_mem>>
    tpu.enqueue_indirect_dma source(%dma_start3A_176 : memref<10000x16xf32, #tpu.memory_space<hbm>>) target(%dma_start3A_170 : memref<128x16xf32, #tpu.memory_space<vmem>>) offsets(%dma_start3A_173 : memref<128xi32, #tpu.memory_space<vmem>>) semaphore(%dma_start3A_178 : memref<!tpu.dma_semaphore, #tpu.memory_space<semaphore_mem>>)
    %dma_wait3A_179 = arith.constant 2 : i32
    %dma_wait3A_180 = arith.constant 2 : i32
    %dma_wait3A_181 = arith.constant 0 : i32
    %dma_wait3A_182 = arith.constant 0 : i32
    %dma_wait3A_183 = tpu.memref_slice %arg6[%dma_wait3A_179, %dma_wait3A_181, %dma_wait3A_182] : memref<6x2x128xi32, #tpu.memory_space<vmem>> -> memref<1x2x128xi32, #tpu.memory_space<vmem>>
    %dma_wait3A_184 = tpu.memref_squeeze %dma_wait3A_183 : memref<1x2x128xi32, #tpu.memory_space<vmem>> -> memref<2x128xi32, #tpu.memory_space<vmem>>
    %dma_wait3A_185 = arith.constant 0 : i32
    %dma_wait3A_186 = arith.constant 0 : i32
    %dma_wait3A_187 = tpu.memref_slice %arg3[%dma_wait3A_185, %dma_wait3A_186] : memref<2x320000xi32, #tpu.memory_space<hbm>> -> memref<2x128xi32, #tpu.memory_space<hbm>>
    %dma_wait3A_188 = tpu.memref_slice %arg9[%dma_wait3A_180] : memref<6x!tpu.dma_semaphore, #tpu.memory_space<semaphore_mem>> -> memref<1x!tpu.dma_semaphore, #tpu.memory_space<semaphore_mem>>
    %dma_wait3A_189 = tpu.memref_squeeze %dma_wait3A_188 : memref<1x!tpu.dma_semaphore, #tpu.memory_space<semaphore_mem>> -> memref<!tpu.dma_semaphore, #tpu.memory_space<semaphore_mem>>
    %dma_wait3A_190 = arith.constant 0 : i32
    %dma_wait3A_191 = arith.constant 0 : i32
    %dma_wait3A_192 = tpu.memref_slice %arg6[%dma_wait3A_179, %dma_wait3A_190, %dma_wait3A_191] : memref<6x2x128xi32, #tpu.memory_space<vmem>> -> memref<1x2x128xi32, #tpu.memory_space<vmem>>
    %dma_wait3A_193 = tpu.memref_squeeze %dma_wait3A_192 : memref<1x2x128xi32, #tpu.memory_space<vmem>> -> memref<2x128xi32, #tpu.memory_space<vmem>>
    %dma_wait3A_194 = arith.constant 0 : i32
    %dma_wait3A_195 = arith.constant 0 : i32
    %dma_wait3A_196 = tpu.memref_slice %arg3[%dma_wait3A_194, %dma_wait3A_195] : memref<2x320000xi32, #tpu.memory_space<hbm>> -> memref<2x128xi32, #tpu.memory_space<hbm>>
    tpu.wait_dma2 semaphore(%dma_wait3A_189 : memref<!tpu.dma_semaphore, #tpu.memory_space<semaphore_mem>>) src(%dma_wait3A_196 : memref<2x128xi32, #tpu.memory_space<hbm>>) dst(%dma_wait3A_193 : memref<2x128xi32, #tpu.memory_space<vmem>>)
    %dma_start3A_197 = arith.constant 2 : i32
    %dma_start3A_198 = arith.constant 0 : i32
    %dma_start3A_199 = arith.constant 2 : i32
    %dma_start3A_200 = arith.constant 2 : i32
    %dma_start3A_201 = arith.constant 0 : i32
    %dma_start3A_202 = arith.constant 0 : i32
    %dma_start3A_203 = tpu.memref_slice %arg7[%dma_start3A_199, %dma_start3A_201, %dma_start3A_202] : memref<3x128x16xf32, #tpu.memory_space<vmem>> -> memref<1x128x16xf32, #tpu.memory_space<vmem>>
    %dma_start3A_204 = tpu.memref_squeeze %dma_start3A_203 : memref<1x128x16xf32, #tpu.memory_space<vmem>> -> memref<128x16xf32, #tpu.memory_space<vmem>>
    %dma_start3A_205 = arith.constant 0 : i32
    %dma_start3A_206 = tpu.memref_slice %arg6[%dma_start3A_197, %dma_start3A_198, %dma_start3A_205] : memref<6x2x128xi32, #tpu.memory_space<vmem>> -> memref<1x1x128xi32, #tpu.memory_space<vmem>>
    %dma_start3A_207 = tpu.memref_squeeze %dma_start3A_206 : memref<1x1x128xi32, #tpu.memory_space<vmem>> -> memref<128xi32, #tpu.memory_space<vmem>>
    %dma_start3A_208 = arith.constant 0 : i32
    %dma_start3A_209 = arith.constant 0 : i32
    %dma_start3A_210 = tpu.memref_slice %arg2[%dma_start3A_208, %dma_start3A_209] : memref<10000x16xf32, #tpu.memory_space<hbm>> -> memref<10000x16xf32, #tpu.memory_space<hbm>>
    %dma_start3A_211 = tpu.memref_slice %arg10[%dma_start3A_200] : memref<3x!tpu.dma_semaphore, #tpu.memory_space<semaphore_mem>> -> memref<1x!tpu.dma_semaphore, #tpu.memory_space<semaphore_mem>>
    %dma_start3A_212 = tpu.memref_squeeze %dma_start3A_211 : memref<1x!tpu.dma_semaphore, #tpu.memory_space<semaphore_mem>> -> memref<!tpu.dma_semaphore, #tpu.memory_space<semaphore_mem>>
    tpu.enqueue_indirect_dma source(%dma_start3A_210 : memref<10000x16xf32, #tpu.memory_space<hbm>>) target(%dma_start3A_204 : memref<128x16xf32, #tpu.memory_space<vmem>>) offsets(%dma_start3A_207 : memref<128xi32, #tpu.memory_space<vmem>>) semaphore(%dma_start3A_212 : memref<!tpu.dma_semaphore, #tpu.memory_space<semaphore_mem>>)
    %barrier3A = arith.constant 0 : index
    tpu.barrier barrier_id(%barrier3A)
    %add3A_213 = arith.constant 9984 : i32
    %add3A_214 = arith.addi %mul3A_2, %add3A_213 : i32
    "tpu.region"() ({
      %run_scoped3A_239 = tpu.sem_alloc : memref<!tpu.dma_semaphore, #tpu.memory_space<semaphore_mem>>
      %dma_start3A_240 = arith.constant 0 : i32
      %dma_start3A_241 = tpu.memref_slice %arg3[%dma_start3A_240, %add3A_214] : memref<2x320000xi32, #tpu.memory_space<hbm>> -> memref<2x16xi32, #tpu.memory_space<hbm>>
      %dma_start3A_242 = arith.constant 0 : i32
      %dma_start3A_243 = tpu.memref_slice %arg3[%dma_start3A_242, %add3A_214] : memref<2x320000xi32, #tpu.memory_space<hbm>> -> memref<2x16xi32, #tpu.memory_space<hbm>>
      tpu.enqueue_dma source(%dma_start3A_243 : memref<2x16xi32, #tpu.memory_space<hbm>>) target(%arg11 : memref<2x16xi32, #tpu.memory_space<vmem>>) target_semaphore(%run_scoped3A_239 : memref<!tpu.dma_semaphore, #tpu.memory_space<semaphore_mem>>)
      %dma_wait3A_244 = arith.constant 0 : i32
      %dma_wait3A_245 = tpu.memref_slice %arg3[%dma_wait3A_244, %add3A_214] : memref<2x320000xi32, #tpu.memory_space<hbm>> -> memref<2x16xi32, #tpu.memory_space<hbm>>
      %dma_wait3A_246 = arith.constant 0 : i32
      %dma_wait3A_247 = tpu.memref_slice %arg3[%dma_wait3A_246, %add3A_214] : memref<2x320000xi32, #tpu.memory_space<hbm>> -> memref<2x16xi32, #tpu.memory_space<hbm>>
      tpu.wait_dma2 semaphore(%run_scoped3A_239 : memref<!tpu.dma_semaphore, #tpu.memory_space<semaphore_mem>>) src(%dma_wait3A_247 : memref<2x16xi32, #tpu.memory_space<hbm>>) dst(%arg11 : memref<2x16xi32, #tpu.memory_space<vmem>>)
      tpu.yield
    }) : () -> ()
    %dma_start3A_215 = arith.constant 0 : i32
    %dma_start3A_216 = arith.constant 0 : i32
    %dma_start3A_217 = tpu.memref_slice %arg11[%dma_start3A_215, %dma_start3A_216] : memref<2x16xi32, #tpu.memory_space<vmem>> -> memref<1x16xi32, #tpu.memory_space<vmem>>
    %dma_start3A_218 = tpu.memref_squeeze %dma_start3A_217 : memref<1x16xi32, #tpu.memory_space<vmem>> -> memref<16xi32, #tpu.memory_space<vmem>>
    %dma_start3A_219 = arith.constant 0 : i32
    %dma_start3A_220 = arith.constant 0 : i32
    %dma_start3A_221 = tpu.memref_slice %arg2[%dma_start3A_219, %dma_start3A_220] : memref<10000x16xf32, #tpu.memory_space<hbm>> -> memref<10000x16xf32, #tpu.memory_space<hbm>>
    tpu.enqueue_indirect_dma source(%dma_start3A_221 : memref<10000x16xf32, #tpu.memory_space<hbm>>) target(%arg12 : memref<16x16xf32, #tpu.memory_space<vmem>>) offsets(%dma_start3A_218 : memref<16xi32, #tpu.memory_space<vmem>>) semaphore(%arg13 : memref<!tpu.dma_semaphore, #tpu.memory_space<semaphore_mem>>)
    %dma_wait3A_222 = arith.constant 0 : i32
    %dma_wait3A_223 = arith.constant 0 : i32
    %dma_wait3A_224 = tpu.memref_slice %arg11[%dma_wait3A_222, %dma_wait3A_223] : memref<2x16xi32, #tpu.memory_space<vmem>> -> memref<1x16xi32, #tpu.memory_space<vmem>>
    %dma_wait3A_225 = tpu.memref_squeeze %dma_wait3A_224 : memref<1x16xi32, #tpu.memory_space<vmem>> -> memref<16xi32, #tpu.memory_space<vmem>>
    %dma_wait3A_226 = arith.constant 0 : i32
    %dma_wait3A_227 = arith.constant 0 : i32
    %dma_wait3A_228 = tpu.memref_slice %arg2[%dma_wait3A_226, %dma_wait3A_227] : memref<10000x16xf32, #tpu.memory_space<hbm>> -> memref<10000x16xf32, #tpu.memory_space<hbm>>
    tpu.wait_indirect_dma semaphore(%arg13 : memref<!tpu.dma_semaphore, #tpu.memory_space<semaphore_mem>>) src(%dma_wait3A_228 : memref<10000x16xf32, #tpu.memory_space<hbm>>) dst(%arg12 : memref<16x16xf32, #tpu.memory_space<vmem>>)
    %run_scoped3A = arith.constant 1 : i32
    "tpu.region"() ({
      %run_scoped3A_239 = tpu.sem_alloc : memref<!tpu.dma_semaphore, #tpu.memory_space<semaphore_mem>>
      %dma_start3A_240 = arith.constant 0 : i32
      %dma_start3A_241 = tpu.memref_slice %arg11[%run_scoped3A, %dma_start3A_240] : memref<2x16xi32, #tpu.memory_space<vmem>> -> memref<1x16xi32, #tpu.memory_space<vmem>>
      %dma_start3A_242 = tpu.memref_squeeze %dma_start3A_241 : memref<1x16xi32, #tpu.memory_space<vmem>> -> memref<16xi32, #tpu.memory_space<vmem>>
      %dma_start3A_243 = arith.constant 0 : i32
      %dma_start3A_244 = arith.constant 0 : i32
      %dma_start3A_245 = tpu.memref_slice %arg8[%dma_start3A_243, %dma_start3A_244] : memref<10112x16xf32, #tpu.memory_space<vmem_shared>> -> memref<10112x16xf32, #tpu.memory_space<vmem_shared>>
      tpu.enqueue_indirect_dma source(%arg12 : memref<16x16xf32, #tpu.memory_space<vmem>>) target(%dma_start3A_245 : memref<10112x16xf32, #tpu.memory_space<vmem_shared>>) offsets(%dma_start3A_242 : memref<16xi32, #tpu.memory_space<vmem>>) semaphore(%run_scoped3A_239 : memref<!tpu.dma_semaphore, #tpu.memory_space<semaphore_mem>>) {add = true}
      %dma_wait3A_246 = arith.constant 0 : i32
      %dma_wait3A_247 = tpu.memref_slice %arg11[%run_scoped3A, %dma_wait3A_246] : memref<2x16xi32, #tpu.memory_space<vmem>> -> memref<1x16xi32, #tpu.memory_space<vmem>>
      %dma_wait3A_248 = tpu.memref_squeeze %dma_wait3A_247 : memref<1x16xi32, #tpu.memory_space<vmem>> -> memref<16xi32, #tpu.memory_space<vmem>>
      %dma_wait3A_249 = arith.constant 0 : i32
      %dma_wait3A_250 = arith.constant 0 : i32
      %dma_wait3A_251 = tpu.memref_slice %arg8[%dma_wait3A_249, %dma_wait3A_250] : memref<10112x16xf32, #tpu.memory_space<vmem_shared>> -> memref<10112x16xf32, #tpu.memory_space<vmem_shared>>
      tpu.wait_indirect_dma semaphore(%run_scoped3A_239 : memref<!tpu.dma_semaphore, #tpu.memory_space<semaphore_mem>>) src(%arg12 : memref<16x16xf32, #tpu.memory_space<vmem>>) dst(%dma_wait3A_251 : memref<10112x16xf32, #tpu.memory_space<vmem_shared>>)
      tpu.yield
    }) : () -> ()
    %scan3A = arith.constant 0 : i32
    %scan3A_229 = arith.constant 0 : i32
    %scan3A_230 = arith.constant 13 : i32
    %scan3A_231 = arith.addi %scan3A_229, %scan3A_230 : i32
    %scan3A_232 = arith.constant 1 : i32
    scf.for %scan3A_239 = %scan3A_229 to %scan3A_231 step %scan3A_232  : i32 {
      %mul3A_240 = arith.constant 6 : i32
      %mul3A_241 = arith.muli %scan3A_239, %mul3A_240 : i32
      %add3A_242 = arith.constant 0 : i32
      %add3A_243 = arith.addi %mul3A_241, %add3A_242 : i32
      %dma_wait3A_244 = arith.constant 0 : i32
      %dma_wait3A_245 = arith.constant 0 : i32
      %dma_wait3A_246 = arith.constant 0 : i32
      %dma_wait3A_247 = arith.constant 0 : i32
      %dma_wait3A_248 = tpu.memref_slice %arg7[%dma_wait3A_244, %dma_wait3A_246, %dma_wait3A_247] : memref<3x128x16xf32, #tpu.memory_space<vmem>> -> memref<1x128x16xf32, #tpu.memory_space<vmem>>
      %dma_wait3A_249 = tpu.memref_squeeze %dma_wait3A_248 : memref<1x128x16xf32, #tpu.memory_space<vmem>> -> memref<128x16xf32, #tpu.memory_space<vmem>>
      %dma_wait3A_250 = arith.constant 0 : i32
      %dma_wait3A_251 = arith.constant 0 : i32
      %dma_wait3A_252 = tpu.memref_slice %arg2[%dma_wait3A_250, %dma_wait3A_251] : memref<10000x16xf32, #tpu.memory_space<hbm>> -> memref<128x16xf32, #tpu.memory_space<hbm>>
      %dma_wait3A_253 = tpu.memref_slice %arg10[%dma_wait3A_245] : memref<3x!tpu.dma_semaphore, #tpu.memory_space<semaphore_mem>> -> memref<1x!tpu.dma_semaphore, #tpu.memory_space<semaphore_mem>>
      %dma_wait3A_254 = tpu.memref_squeeze %dma_wait3A_253 : memref<1x!tpu.dma_semaphore, #tpu.memory_space<semaphore_mem>> -> memref<!tpu.dma_semaphore, #tpu.memory_space<semaphore_mem>>
      %dma_wait3A_255 = arith.constant 0 : i32
      %dma_wait3A_256 = arith.constant 0 : i32
      %dma_wait3A_257 = tpu.memref_slice %arg7[%dma_wait3A_244, %dma_wait3A_255, %dma_wait3A_256] : memref<3x128x16xf32, #tpu.memory_space<vmem>> -> memref<1x128x16xf32, #tpu.memory_space<vmem>>
      %dma_wait3A_258 = tpu.memref_squeeze %dma_wait3A_257 : memref<1x128x16xf32, #tpu.memory_space<vmem>> -> memref<128x16xf32, #tpu.memory_space<vmem>>
      %dma_wait3A_259 = arith.constant 0 : i32
      %dma_wait3A_260 = arith.constant 0 : i32
      %dma_wait3A_261 = tpu.memref_slice %arg2[%dma_wait3A_259, %dma_wait3A_260] : memref<10000x16xf32, #tpu.memory_space<hbm>> -> memref<128x16xf32, #tpu.memory_space<hbm>>
      tpu.wait_dma2 semaphore(%dma_wait3A_254 : memref<!tpu.dma_semaphore, #tpu.memory_space<semaphore_mem>>) src(%dma_wait3A_261 : memref<128x16xf32, #tpu.memory_space<hbm>>) dst(%dma_wait3A_258 : memref<128x16xf32, #tpu.memory_space<vmem>>)
      %run_scoped3A_262 = arith.constant 0 : i32
      %run_scoped3A_263 = arith.constant 0 : i32
      %run_scoped3A_264 = arith.constant 1 : i32
      "tpu.region"() ({
        %run_scoped3A_471 = tpu.sem_alloc : memref<!tpu.dma_semaphore, #tpu.memory_space<semaphore_mem>>
        %dma_start3A_472 = arith.constant 0 : i32
        %dma_start3A_473 = arith.constant 0 : i32
        %dma_start3A_474 = tpu.memref_slice %arg7[%run_scoped3A_262, %dma_start3A_472, %dma_start3A_473] : memref<3x128x16xf32, #tpu.memory_space<vmem>> -> memref<1x128x16xf32, #tpu.memory_space<vmem>>
        %dma_start3A_475 = tpu.memref_squeeze %dma_start3A_474 : memref<1x128x16xf32, #tpu.memory_space<vmem>> -> memref<128x16xf32, #tpu.memory_space<vmem>>
        %dma_start3A_476 = arith.constant 0 : i32
        %dma_start3A_477 = tpu.memref_slice %arg6[%run_scoped3A_263, %run_scoped3A_264, %dma_start3A_476] : memref<6x2x128xi32, #tpu.memory_space<vmem>> -> memref<1x1x128xi32, #tpu.memory_space<vmem>>
        %dma_start3A_478 = tpu.memref_squeeze %dma_start3A_477 : memref<1x1x128xi32, #tpu.memory_space<vmem>> -> memref<128xi32, #tpu.memory_space<vmem>>
        %dma_start3A_479 = arith.constant 0 : i32
        %dma_start3A_480 = arith.constant 0 : i32
        %dma_start3A_481 = tpu.memref_slice %arg8[%dma_start3A_479, %dma_start3A_480] : memref<10112x16xf32, #tpu.memory_space<vmem_shared>> -> memref<10112x16xf32, #tpu.memory_space<vmem_shared>>
        tpu.enqueue_indirect_dma source(%dma_start3A_475 : memref<128x16xf32, #tpu.memory_space<vmem>>) target(%dma_start3A_481 : memref<10112x16xf32, #tpu.memory_space<vmem_shared>>) offsets(%dma_start3A_478 : memref<128xi32, #tpu.memory_space<vmem>>) semaphore(%run_scoped3A_471 : memref<!tpu.dma_semaphore, #tpu.memory_space<semaphore_mem>>) {add = true}
        %dma_wait3A_482 = arith.constant 0 : i32
        %dma_wait3A_483 = arith.constant 0 : i32
        %dma_wait3A_484 = tpu.memref_slice %arg7[%run_scoped3A_262, %dma_wait3A_482, %dma_wait3A_483] : memref<3x128x16xf32, #tpu.memory_space<vmem>> -> memref<1x128x16xf32, #tpu.memory_space<vmem>>
        %dma_wait3A_485 = tpu.memref_squeeze %dma_wait3A_484 : memref<1x128x16xf32, #tpu.memory_space<vmem>> -> memref<128x16xf32, #tpu.memory_space<vmem>>
        %dma_wait3A_486 = arith.constant 0 : i32
        %dma_wait3A_487 = tpu.memref_slice %arg6[%run_scoped3A_263, %run_scoped3A_264, %dma_wait3A_486] : memref<6x2x128xi32, #tpu.memory_space<vmem>> -> memref<1x1x128xi32, #tpu.memory_space<vmem>>
        %dma_wait3A_488 = tpu.memref_squeeze %dma_wait3A_487 : memref<1x1x128xi32, #tpu.memory_space<vmem>> -> memref<128xi32, #tpu.memory_space<vmem>>
        %dma_wait3A_489 = arith.constant 0 : i32
        %dma_wait3A_490 = arith.constant 0 : i32
        %dma_wait3A_491 = tpu.memref_slice %arg8[%dma_wait3A_489, %dma_wait3A_490] : memref<10112x16xf32, #tpu.memory_space<vmem_shared>> -> memref<10112x16xf32, #tpu.memory_space<vmem_shared>>
        tpu.wait_indirect_dma semaphore(%run_scoped3A_471 : memref<!tpu.dma_semaphore, #tpu.memory_space<semaphore_mem>>) src(%dma_wait3A_485 : memref<128x16xf32, #tpu.memory_space<vmem>>) dst(%dma_wait3A_491 : memref<10112x16xf32, #tpu.memory_space<vmem_shared>>)
        tpu.yield
      }) : () -> ()
      %add3A_265 = arith.constant 6 : i32
      %add3A_266 = arith.addi %add3A_243, %add3A_265 : i32
      %lt3A = arith.constant 78 : i32
      %lt3A_267 = arith.cmpi slt, %add3A_266, %lt3A : i32
      %convert_element_type3A = arith.extui %lt3A_267 : i1 to i32
      %cond3A = arith.constant 0 : i32
      %cond3A_268 = arith.cmpi ne, %convert_element_type3A, %cond3A : i32
      scf.if %cond3A_268 {
        %add3A_471 = arith.constant 6 : i32
        %add3A_472 = arith.addi %add3A_243, %add3A_471 : i32
        %mul3A_473 = arith.constant 128 : i32
        %mul3A_474 = arith.muli %add3A_472, %mul3A_473 : i32
        %add3A_475 = arith.addi %mul3A_2, %mul3A_474 : i32
        %dma_start3A_476 = arith.constant 0 : i32
        %dma_start3A_477 = arith.constant 0 : i32
        %dma_start3A_478 = arith.constant 0 : i32
        %dma_start3A_479 = arith.constant 0 : i32
        %dma_start3A_480 = tpu.memref_slice %arg6[%dma_start3A_476, %dma_start3A_478, %dma_start3A_479] : memref<6x2x128xi32, #tpu.memory_space<vmem>> -> memref<1x2x128xi32, #tpu.memory_space<vmem>>
        %dma_start3A_481 = tpu.memref_squeeze %dma_start3A_480 : memref<1x2x128xi32, #tpu.memory_space<vmem>> -> memref<2x128xi32, #tpu.memory_space<vmem>>
        %dma_start3A_482 = arith.constant 0 : i32
        %dma_start3A_483 = tpu.memref_slice %arg3[%dma_start3A_482, %add3A_475] : memref<2x320000xi32, #tpu.memory_space<hbm>> -> memref<2x128xi32, #tpu.memory_space<hbm>>
        %dma_start3A_484 = tpu.memref_slice %arg9[%dma_start3A_477] : memref<6x!tpu.dma_semaphore, #tpu.memory_space<semaphore_mem>> -> memref<1x!tpu.dma_semaphore, #tpu.memory_space<semaphore_mem>>
        %dma_start3A_485 = tpu.memref_squeeze %dma_start3A_484 : memref<1x!tpu.dma_semaphore, #tpu.memory_space<semaphore_mem>> -> memref<!tpu.dma_semaphore, #tpu.memory_space<semaphore_mem>>
        %dma_start3A_486 = arith.constant 0 : i32
        %dma_start3A_487 = arith.constant 0 : i32
        %dma_start3A_488 = tpu.memref_slice %arg6[%dma_start3A_476, %dma_start3A_486, %dma_start3A_487] : memref<6x2x128xi32, #tpu.memory_space<vmem>> -> memref<1x2x128xi32, #tpu.memory_space<vmem>>
        %dma_start3A_489 = tpu.memref_squeeze %dma_start3A_488 : memref<1x2x128xi32, #tpu.memory_space<vmem>> -> memref<2x128xi32, #tpu.memory_space<vmem>>
        %dma_start3A_490 = arith.constant 0 : i32
        %dma_start3A_491 = tpu.memref_slice %arg3[%dma_start3A_490, %add3A_475] : memref<2x320000xi32, #tpu.memory_space<hbm>> -> memref<2x128xi32, #tpu.memory_space<hbm>>
        tpu.enqueue_dma source(%dma_start3A_491 : memref<2x128xi32, #tpu.memory_space<hbm>>) target(%dma_start3A_489 : memref<2x128xi32, #tpu.memory_space<vmem>>) target_semaphore(%dma_start3A_485 : memref<!tpu.dma_semaphore, #tpu.memory_space<semaphore_mem>>)
      } else {
      }
      %add3A_269 = arith.constant 3 : i32
      %add3A_270 = arith.addi %add3A_243, %add3A_269 : i32
      %lt3A_271 = arith.constant 78 : i32
      %lt3A_272 = arith.cmpi slt, %add3A_270, %lt3A_271 : i32
      %convert_element_type3A_273 = arith.extui %lt3A_272 : i1 to i32
      %cond3A_274 = arith.constant 0 : i32
      %cond3A_275 = arith.cmpi ne, %convert_element_type3A_273, %cond3A_274 : i32
      scf.if %cond3A_275 {
        %dma_wait3A_471 = arith.constant 3 : i32
        %dma_wait3A_472 = arith.constant 3 : i32
        %dma_wait3A_473 = arith.constant 0 : i32
        %dma_wait3A_474 = arith.constant 0 : i32
        %dma_wait3A_475 = tpu.memref_slice %arg6[%dma_wait3A_471, %dma_wait3A_473, %dma_wait3A_474] : memref<6x2x128xi32, #tpu.memory_space<vmem>> -> memref<1x2x128xi32, #tpu.memory_space<vmem>>
        %dma_wait3A_476 = tpu.memref_squeeze %dma_wait3A_475 : memref<1x2x128xi32, #tpu.memory_space<vmem>> -> memref<2x128xi32, #tpu.memory_space<vmem>>
        %dma_wait3A_477 = arith.constant 0 : i32
        %dma_wait3A_478 = arith.constant 0 : i32
        %dma_wait3A_479 = tpu.memref_slice %arg3[%dma_wait3A_477, %dma_wait3A_478] : memref<2x320000xi32, #tpu.memory_space<hbm>> -> memref<2x128xi32, #tpu.memory_space<hbm>>
        %dma_wait3A_480 = tpu.memref_slice %arg9[%dma_wait3A_472] : memref<6x!tpu.dma_semaphore, #tpu.memory_space<semaphore_mem>> -> memref<1x!tpu.dma_semaphore, #tpu.memory_space<semaphore_mem>>
        %dma_wait3A_481 = tpu.memref_squeeze %dma_wait3A_480 : memref<1x!tpu.dma_semaphore, #tpu.memory_space<semaphore_mem>> -> memref<!tpu.dma_semaphore, #tpu.memory_space<semaphore_mem>>
        %dma_wait3A_482 = arith.constant 0 : i32
        %dma_wait3A_483 = arith.constant 0 : i32
        %dma_wait3A_484 = tpu.memref_slice %arg6[%dma_wait3A_471, %dma_wait3A_482, %dma_wait3A_483] : memref<6x2x128xi32, #tpu.memory_space<vmem>> -> memref<1x2x128xi32, #tpu.memory_space<vmem>>
        %dma_wait3A_485 = tpu.memref_squeeze %dma_wait3A_484 : memref<1x2x128xi32, #tpu.memory_space<vmem>> -> memref<2x128xi32, #tpu.memory_space<vmem>>
        %dma_wait3A_486 = arith.constant 0 : i32
        %dma_wait3A_487 = arith.constant 0 : i32
        %dma_wait3A_488 = tpu.memref_slice %arg3[%dma_wait3A_486, %dma_wait3A_487] : memref<2x320000xi32, #tpu.memory_space<hbm>> -> memref<2x128xi32, #tpu.memory_space<hbm>>
        tpu.wait_dma2 semaphore(%dma_wait3A_481 : memref<!tpu.dma_semaphore, #tpu.memory_space<semaphore_mem>>) src(%dma_wait3A_488 : memref<2x128xi32, #tpu.memory_space<hbm>>) dst(%dma_wait3A_485 : memref<2x128xi32, #tpu.memory_space<vmem>>)
        %dma_start3A_489 = arith.constant 3 : i32
        %dma_start3A_490 = arith.constant 0 : i32
        %dma_start3A_491 = arith.constant 0 : i32
        %dma_start3A_492 = arith.constant 0 : i32
        %dma_start3A_493 = arith.constant 0 : i32
        %dma_start3A_494 = arith.constant 0 : i32
        %dma_start3A_495 = tpu.memref_slice %arg7[%dma_start3A_491, %dma_start3A_493, %dma_start3A_494] : memref<3x128x16xf32, #tpu.memory_space<vmem>> -> memref<1x128x16xf32, #tpu.memory_space<vmem>>
        %dma_start3A_496 = tpu.memref_squeeze %dma_start3A_495 : memref<1x128x16xf32, #tpu.memory_space<vmem>> -> memref<128x16xf32, #tpu.memory_space<vmem>>
        %dma_start3A_497 = arith.constant 0 : i32
        %dma_start3A_498 = tpu.memref_slice %arg6[%dma_start3A_489, %dma_start3A_490, %dma_start3A_497] : memref<6x2x128xi32, #tpu.memory_space<vmem>> -> memref<1x1x128xi32, #tpu.memory_space<vmem>>
        %dma_start3A_499 = tpu.memref_squeeze %dma_start3A_498 : memref<1x1x128xi32, #tpu.memory_space<vmem>> -> memref<128xi32, #tpu.memory_space<vmem>>
        %dma_start3A_500 = arith.constant 0 : i32
        %dma_start3A_501 = arith.constant 0 : i32
        %dma_start3A_502 = tpu.memref_slice %arg2[%dma_start3A_500, %dma_start3A_501] : memref<10000x16xf32, #tpu.memory_space<hbm>> -> memref<10000x16xf32, #tpu.memory_space<hbm>>
        %dma_start3A_503 = tpu.memref_slice %arg10[%dma_start3A_492] : memref<3x!tpu.dma_semaphore, #tpu.memory_space<semaphore_mem>> -> memref<1x!tpu.dma_semaphore, #tpu.memory_space<semaphore_mem>>
        %dma_start3A_504 = tpu.memref_squeeze %dma_start3A_503 : memref<1x!tpu.dma_semaphore, #tpu.memory_space<semaphore_mem>> -> memref<!tpu.dma_semaphore, #tpu.memory_space<semaphore_mem>>
        tpu.enqueue_indirect_dma source(%dma_start3A_502 : memref<10000x16xf32, #tpu.memory_space<hbm>>) target(%dma_start3A_496 : memref<128x16xf32, #tpu.memory_space<vmem>>) offsets(%dma_start3A_499 : memref<128xi32, #tpu.memory_space<vmem>>) semaphore(%dma_start3A_504 : memref<!tpu.dma_semaphore, #tpu.memory_space<semaphore_mem>>)
      } else {
      }
      %mul3A_276 = arith.constant 6 : i32
      %mul3A_277 = arith.muli %scan3A_239, %mul3A_276 : i32
      %add3A_278 = arith.constant 1 : i32
      %add3A_279 = arith.addi %mul3A_277, %add3A_278 : i32
      %dma_wait3A_280 = arith.constant 1 : i32
      %dma_wait3A_281 = arith.constant 1 : i32
      %dma_wait3A_282 = arith.constant 0 : i32
      %dma_wait3A_283 = arith.constant 0 : i32
      %dma_wait3A_284 = tpu.memref_slice %arg7[%dma_wait3A_280, %dma_wait3A_282, %dma_wait3A_283] : memref<3x128x16xf32, #tpu.memory_space<vmem>> -> memref<1x128x16xf32, #tpu.memory_space<vmem>>
      %dma_wait3A_285 = tpu.memref_squeeze %dma_wait3A_284 : memref<1x128x16xf32, #tpu.memory_space<vmem>> -> memref<128x16xf32, #tpu.memory_space<vmem>>
      %dma_wait3A_286 = arith.constant 0 : i32
      %dma_wait3A_287 = arith.constant 0 : i32
      %dma_wait3A_288 = tpu.memref_slice %arg2[%dma_wait3A_286, %dma_wait3A_287] : memref<10000x16xf32, #tpu.memory_space<hbm>> -> memref<128x16xf32, #tpu.memory_space<hbm>>
      %dma_wait3A_289 = tpu.memref_slice %arg10[%dma_wait3A_281] : memref<3x!tpu.dma_semaphore, #tpu.memory_space<semaphore_mem>> -> memref<1x!tpu.dma_semaphore, #tpu.memory_space<semaphore_mem>>
      %dma_wait3A_290 = tpu.memref_squeeze %dma_wait3A_289 : memref<1x!tpu.dma_semaphore, #tpu.memory_space<semaphore_mem>> -> memref<!tpu.dma_semaphore, #tpu.memory_space<semaphore_mem>>
      %dma_wait3A_291 = arith.constant 0 : i32
      %dma_wait3A_292 = arith.constant 0 : i32
      %dma_wait3A_293 = tpu.memref_slice %arg7[%dma_wait3A_280, %dma_wait3A_291, %dma_wait3A_292] : memref<3x128x16xf32, #tpu.memory_space<vmem>> -> memref<1x128x16xf32, #tpu.memory_space<vmem>>
      %dma_wait3A_294 = tpu.memref_squeeze %dma_wait3A_293 : memref<1x128x16xf32, #tpu.memory_space<vmem>> -> memref<128x16xf32, #tpu.memory_space<vmem>>
      %dma_wait3A_295 = arith.constant 0 : i32
      %dma_wait3A_296 = arith.constant 0 : i32
      %dma_wait3A_297 = tpu.memref_slice %arg2[%dma_wait3A_295, %dma_wait3A_296] : memref<10000x16xf32, #tpu.memory_space<hbm>> -> memref<128x16xf32, #tpu.memory_space<hbm>>
      tpu.wait_dma2 semaphore(%dma_wait3A_290 : memref<!tpu.dma_semaphore, #tpu.memory_space<semaphore_mem>>) src(%dma_wait3A_297 : memref<128x16xf32, #tpu.memory_space<hbm>>) dst(%dma_wait3A_294 : memref<128x16xf32, #tpu.memory_space<vmem>>)
      %run_scoped3A_298 = arith.constant 1 : i32
      %run_scoped3A_299 = arith.constant 1 : i32
      %run_scoped3A_300 = arith.constant 1 : i32
      "tpu.region"() ({
        %run_scoped3A_471 = tpu.sem_alloc : memref<!tpu.dma_semaphore, #tpu.memory_space<semaphore_mem>>
        %dma_start3A_472 = arith.constant 0 : i32
        %dma_start3A_473 = arith.constant 0 : i32
        %dma_start3A_474 = tpu.memref_slice %arg7[%run_scoped3A_298, %dma_start3A_472, %dma_start3A_473] : memref<3x128x16xf32, #tpu.memory_space<vmem>> -> memref<1x128x16xf32, #tpu.memory_space<vmem>>
        %dma_start3A_475 = tpu.memref_squeeze %dma_start3A_474 : memref<1x128x16xf32, #tpu.memory_space<vmem>> -> memref<128x16xf32, #tpu.memory_space<vmem>>
        %dma_start3A_476 = arith.constant 0 : i32
        %dma_start3A_477 = tpu.memref_slice %arg6[%run_scoped3A_299, %run_scoped3A_300, %dma_start3A_476] : memref<6x2x128xi32, #tpu.memory_space<vmem>> -> memref<1x1x128xi32, #tpu.memory_space<vmem>>
        %dma_start3A_478 = tpu.memref_squeeze %dma_start3A_477 : memref<1x1x128xi32, #tpu.memory_space<vmem>> -> memref<128xi32, #tpu.memory_space<vmem>>
        %dma_start3A_479 = arith.constant 0 : i32
        %dma_start3A_480 = arith.constant 0 : i32
        %dma_start3A_481 = tpu.memref_slice %arg8[%dma_start3A_479, %dma_start3A_480] : memref<10112x16xf32, #tpu.memory_space<vmem_shared>> -> memref<10112x16xf32, #tpu.memory_space<vmem_shared>>
        tpu.enqueue_indirect_dma source(%dma_start3A_475 : memref<128x16xf32, #tpu.memory_space<vmem>>) target(%dma_start3A_481 : memref<10112x16xf32, #tpu.memory_space<vmem_shared>>) offsets(%dma_start3A_478 : memref<128xi32, #tpu.memory_space<vmem>>) semaphore(%run_scoped3A_471 : memref<!tpu.dma_semaphore, #tpu.memory_space<semaphore_mem>>) {add = true}
        %dma_wait3A_482 = arith.constant 0 : i32
        %dma_wait3A_483 = arith.constant 0 : i32
        %dma_wait3A_484 = tpu.memref_slice %arg7[%run_scoped3A_298, %dma_wait3A_482, %dma_wait3A_483] : memref<3x128x16xf32, #tpu.memory_space<vmem>> -> memref<1x128x16xf32, #tpu.memory_space<vmem>>
        %dma_wait3A_485 = tpu.memref_squeeze %dma_wait3A_484 : memref<1x128x16xf32, #tpu.memory_space<vmem>> -> memref<128x16xf32, #tpu.memory_space<vmem>>
        %dma_wait3A_486 = arith.constant 0 : i32
        %dma_wait3A_487 = tpu.memref_slice %arg6[%run_scoped3A_299, %run_scoped3A_300, %dma_wait3A_486] : memref<6x2x128xi32, #tpu.memory_space<vmem>> -> memref<1x1x128xi32, #tpu.memory_space<vmem>>
        %dma_wait3A_488 = tpu.memref_squeeze %dma_wait3A_487 : memref<1x1x128xi32, #tpu.memory_space<vmem>> -> memref<128xi32, #tpu.memory_space<vmem>>
        %dma_wait3A_489 = arith.constant 0 : i32
        %dma_wait3A_490 = arith.constant 0 : i32
        %dma_wait3A_491 = tpu.memref_slice %arg8[%dma_wait3A_489, %dma_wait3A_490] : memref<10112x16xf32, #tpu.memory_space<vmem_shared>> -> memref<10112x16xf32, #tpu.memory_space<vmem_shared>>
        tpu.wait_indirect_dma semaphore(%run_scoped3A_471 : memref<!tpu.dma_semaphore, #tpu.memory_space<semaphore_mem>>) src(%dma_wait3A_485 : memref<128x16xf32, #tpu.memory_space<vmem>>) dst(%dma_wait3A_491 : memref<10112x16xf32, #tpu.memory_space<vmem_shared>>)
        tpu.yield
      }) : () -> ()
      %add3A_301 = arith.constant 6 : i32
      %add3A_302 = arith.addi %add3A_279, %add3A_301 : i32
      %lt3A_303 = arith.constant 78 : i32
      %lt3A_304 = arith.cmpi slt, %add3A_302, %lt3A_303 : i32
      %convert_element_type3A_305 = arith.extui %lt3A_304 : i1 to i32
      %cond3A_306 = arith.constant 0 : i32
      %cond3A_307 = arith.cmpi ne, %convert_element_type3A_305, %cond3A_306 : i32
      scf.if %cond3A_307 {
        %add3A_471 = arith.constant 6 : i32
        %add3A_472 = arith.addi %add3A_279, %add3A_471 : i32
        %mul3A_473 = arith.constant 128 : i32
        %mul3A_474 = arith.muli %add3A_472, %mul3A_473 : i32
        %add3A_475 = arith.addi %mul3A_2, %mul3A_474 : i32
        %dma_start3A_476 = arith.constant 1 : i32
        %dma_start3A_477 = arith.constant 1 : i32
        %dma_start3A_478 = arith.constant 0 : i32
        %dma_start3A_479 = arith.constant 0 : i32
        %dma_start3A_480 = tpu.memref_slice %arg6[%dma_start3A_476, %dma_start3A_478, %dma_start3A_479] : memref<6x2x128xi32, #tpu.memory_space<vmem>> -> memref<1x2x128xi32, #tpu.memory_space<vmem>>
        %dma_start3A_481 = tpu.memref_squeeze %dma_start3A_480 : memref<1x2x128xi32, #tpu.memory_space<vmem>> -> memref<2x128xi32, #tpu.memory_space<vmem>>
        %dma_start3A_482 = arith.constant 0 : i32
        %dma_start3A_483 = tpu.memref_slice %arg3[%dma_start3A_482, %add3A_475] : memref<2x320000xi32, #tpu.memory_space<hbm>> -> memref<2x128xi32, #tpu.memory_space<hbm>>
        %dma_start3A_484 = tpu.memref_slice %arg9[%dma_start3A_477] : memref<6x!tpu.dma_semaphore, #tpu.memory_space<semaphore_mem>> -> memref<1x!tpu.dma_semaphore, #tpu.memory_space<semaphore_mem>>
        %dma_start3A_485 = tpu.memref_squeeze %dma_start3A_484 : memref<1x!tpu.dma_semaphore, #tpu.memory_space<semaphore_mem>> -> memref<!tpu.dma_semaphore, #tpu.memory_space<semaphore_mem>>
        %dma_start3A_486 = arith.constant 0 : i32
        %dma_start3A_487 = arith.constant 0 : i32
        %dma_start3A_488 = tpu.memref_slice %arg6[%dma_start3A_476, %dma_start3A_486, %dma_start3A_487] : memref<6x2x128xi32, #tpu.memory_space<vmem>> -> memref<1x2x128xi32, #tpu.memory_space<vmem>>
        %dma_start3A_489 = tpu.memref_squeeze %dma_start3A_488 : memref<1x2x128xi32, #tpu.memory_space<vmem>> -> memref<2x128xi32, #tpu.memory_space<vmem>>
        %dma_start3A_490 = arith.constant 0 : i32
        %dma_start3A_491 = tpu.memref_slice %arg3[%dma_start3A_490, %add3A_475] : memref<2x320000xi32, #tpu.memory_space<hbm>> -> memref<2x128xi32, #tpu.memory_space<hbm>>
        tpu.enqueue_dma source(%dma_start3A_491 : memref<2x128xi32, #tpu.memory_space<hbm>>) target(%dma_start3A_489 : memref<2x128xi32, #tpu.memory_space<vmem>>) target_semaphore(%dma_start3A_485 : memref<!tpu.dma_semaphore, #tpu.memory_space<semaphore_mem>>)
      } else {
      }
      %add3A_308 = arith.constant 3 : i32
      %add3A_309 = arith.addi %add3A_279, %add3A_308 : i32
      %lt3A_310 = arith.constant 78 : i32
      %lt3A_311 = arith.cmpi slt, %add3A_309, %lt3A_310 : i32
      %convert_element_type3A_312 = arith.extui %lt3A_311 : i1 to i32
      %cond3A_313 = arith.constant 0 : i32
      %cond3A_314 = arith.cmpi ne, %convert_element_type3A_312, %cond3A_313 : i32
      scf.if %cond3A_314 {
        %dma_wait3A_471 = arith.constant 4 : i32
        %dma_wait3A_472 = arith.constant 4 : i32
        %dma_wait3A_473 = arith.constant 0 : i32
        %dma_wait3A_474 = arith.constant 0 : i32
        %dma_wait3A_475 = tpu.memref_slice %arg6[%dma_wait3A_471, %dma_wait3A_473, %dma_wait3A_474] : memref<6x2x128xi32, #tpu.memory_space<vmem>> -> memref<1x2x128xi32, #tpu.memory_space<vmem>>
        %dma_wait3A_476 = tpu.memref_squeeze %dma_wait3A_475 : memref<1x2x128xi32, #tpu.memory_space<vmem>> -> memref<2x128xi32, #tpu.memory_space<vmem>>
        %dma_wait3A_477 = arith.constant 0 : i32
        %dma_wait3A_478 = arith.constant 0 : i32
        %dma_wait3A_479 = tpu.memref_slice %arg3[%dma_wait3A_477, %dma_wait3A_478] : memref<2x320000xi32, #tpu.memory_space<hbm>> -> memref<2x128xi32, #tpu.memory_space<hbm>>
        %dma_wait3A_480 = tpu.memref_slice %arg9[%dma_wait3A_472] : memref<6x!tpu.dma_semaphore, #tpu.memory_space<semaphore_mem>> -> memref<1x!tpu.dma_semaphore, #tpu.memory_space<semaphore_mem>>
        %dma_wait3A_481 = tpu.memref_squeeze %dma_wait3A_480 : memref<1x!tpu.dma_semaphore, #tpu.memory_space<semaphore_mem>> -> memref<!tpu.dma_semaphore, #tpu.memory_space<semaphore_mem>>
        %dma_wait3A_482 = arith.constant 0 : i32
        %dma_wait3A_483 = arith.constant 0 : i32
        %dma_wait3A_484 = tpu.memref_slice %arg6[%dma_wait3A_471, %dma_wait3A_482, %dma_wait3A_483] : memref<6x2x128xi32, #tpu.memory_space<vmem>> -> memref<1x2x128xi32, #tpu.memory_space<vmem>>
        %dma_wait3A_485 = tpu.memref_squeeze %dma_wait3A_484 : memref<1x2x128xi32, #tpu.memory_space<vmem>> -> memref<2x128xi32, #tpu.memory_space<vmem>>
        %dma_wait3A_486 = arith.constant 0 : i32
        %dma_wait3A_487 = arith.constant 0 : i32
        %dma_wait3A_488 = tpu.memref_slice %arg3[%dma_wait3A_486, %dma_wait3A_487] : memref<2x320000xi32, #tpu.memory_space<hbm>> -> memref<2x128xi32, #tpu.memory_space<hbm>>
        tpu.wait_dma2 semaphore(%dma_wait3A_481 : memref<!tpu.dma_semaphore, #tpu.memory_space<semaphore_mem>>) src(%dma_wait3A_488 : memref<2x128xi32, #tpu.memory_space<hbm>>) dst(%dma_wait3A_485 : memref<2x128xi32, #tpu.memory_space<vmem>>)
        %dma_start3A_489 = arith.constant 4 : i32
        %dma_start3A_490 = arith.constant 0 : i32
        %dma_start3A_491 = arith.constant 1 : i32
        %dma_start3A_492 = arith.constant 1 : i32
        %dma_start3A_493 = arith.constant 0 : i32
        %dma_start3A_494 = arith.constant 0 : i32
        %dma_start3A_495 = tpu.memref_slice %arg7[%dma_start3A_491, %dma_start3A_493, %dma_start3A_494] : memref<3x128x16xf32, #tpu.memory_space<vmem>> -> memref<1x128x16xf32, #tpu.memory_space<vmem>>
        %dma_start3A_496 = tpu.memref_squeeze %dma_start3A_495 : memref<1x128x16xf32, #tpu.memory_space<vmem>> -> memref<128x16xf32, #tpu.memory_space<vmem>>
        %dma_start3A_497 = arith.constant 0 : i32
        %dma_start3A_498 = tpu.memref_slice %arg6[%dma_start3A_489, %dma_start3A_490, %dma_start3A_497] : memref<6x2x128xi32, #tpu.memory_space<vmem>> -> memref<1x1x128xi32, #tpu.memory_space<vmem>>
        %dma_start3A_499 = tpu.memref_squeeze %dma_start3A_498 : memref<1x1x128xi32, #tpu.memory_space<vmem>> -> memref<128xi32, #tpu.memory_space<vmem>>
        %dma_start3A_500 = arith.constant 0 : i32
        %dma_start3A_501 = arith.constant 0 : i32
        %dma_start3A_502 = tpu.memref_slice %arg2[%dma_start3A_500, %dma_start3A_501] : memref<10000x16xf32, #tpu.memory_space<hbm>> -> memref<10000x16xf32, #tpu.memory_space<hbm>>
        %dma_start3A_503 = tpu.memref_slice %arg10[%dma_start3A_492] : memref<3x!tpu.dma_semaphore, #tpu.memory_space<semaphore_mem>> -> memref<1x!tpu.dma_semaphore, #tpu.memory_space<semaphore_mem>>
        %dma_start3A_504 = tpu.memref_squeeze %dma_start3A_503 : memref<1x!tpu.dma_semaphore, #tpu.memory_space<semaphore_mem>> -> memref<!tpu.dma_semaphore, #tpu.memory_space<semaphore_mem>>
        tpu.enqueue_indirect_dma source(%dma_start3A_502 : memref<10000x16xf32, #tpu.memory_space<hbm>>) target(%dma_start3A_496 : memref<128x16xf32, #tpu.memory_space<vmem>>) offsets(%dma_start3A_499 : memref<128xi32, #tpu.memory_space<vmem>>) semaphore(%dma_start3A_504 : memref<!tpu.dma_semaphore, #tpu.memory_space<semaphore_mem>>)
      } else {
      }
      %mul3A_315 = arith.constant 6 : i32
      %mul3A_316 = arith.muli %scan3A_239, %mul3A_315 : i32
      %add3A_317 = arith.constant 2 : i32
      %add3A_318 = arith.addi %mul3A_316, %add3A_317 : i32
      %dma_wait3A_319 = arith.constant 2 : i32
      %dma_wait3A_320 = arith.constant 2 : i32
      %dma_wait3A_321 = arith.constant 0 : i32
      %dma_wait3A_322 = arith.constant 0 : i32
      %dma_wait3A_323 = tpu.memref_slice %arg7[%dma_wait3A_319, %dma_wait3A_321, %dma_wait3A_322] : memref<3x128x16xf32, #tpu.memory_space<vmem>> -> memref<1x128x16xf32, #tpu.memory_space<vmem>>
      %dma_wait3A_324 = tpu.memref_squeeze %dma_wait3A_323 : memref<1x128x16xf32, #tpu.memory_space<vmem>> -> memref<128x16xf32, #tpu.memory_space<vmem>>
      %dma_wait3A_325 = arith.constant 0 : i32
      %dma_wait3A_326 = arith.constant 0 : i32
      %dma_wait3A_327 = tpu.memref_slice %arg2[%dma_wait3A_325, %dma_wait3A_326] : memref<10000x16xf32, #tpu.memory_space<hbm>> -> memref<128x16xf32, #tpu.memory_space<hbm>>
      %dma_wait3A_328 = tpu.memref_slice %arg10[%dma_wait3A_320] : memref<3x!tpu.dma_semaphore, #tpu.memory_space<semaphore_mem>> -> memref<1x!tpu.dma_semaphore, #tpu.memory_space<semaphore_mem>>
      %dma_wait3A_329 = tpu.memref_squeeze %dma_wait3A_328 : memref<1x!tpu.dma_semaphore, #tpu.memory_space<semaphore_mem>> -> memref<!tpu.dma_semaphore, #tpu.memory_space<semaphore_mem>>
      %dma_wait3A_330 = arith.constant 0 : i32
      %dma_wait3A_331 = arith.constant 0 : i32
      %dma_wait3A_332 = tpu.memref_slice %arg7[%dma_wait3A_319, %dma_wait3A_330, %dma_wait3A_331] : memref<3x128x16xf32, #tpu.memory_space<vmem>> -> memref<1x128x16xf32, #tpu.memory_space<vmem>>
      %dma_wait3A_333 = tpu.memref_squeeze %dma_wait3A_332 : memref<1x128x16xf32, #tpu.memory_space<vmem>> -> memref<128x16xf32, #tpu.memory_space<vmem>>
      %dma_wait3A_334 = arith.constant 0 : i32
      %dma_wait3A_335 = arith.constant 0 : i32
      %dma_wait3A_336 = tpu.memref_slice %arg2[%dma_wait3A_334, %dma_wait3A_335] : memref<10000x16xf32, #tpu.memory_space<hbm>> -> memref<128x16xf32, #tpu.memory_space<hbm>>
      tpu.wait_dma2 semaphore(%dma_wait3A_329 : memref<!tpu.dma_semaphore, #tpu.memory_space<semaphore_mem>>) src(%dma_wait3A_336 : memref<128x16xf32, #tpu.memory_space<hbm>>) dst(%dma_wait3A_333 : memref<128x16xf32, #tpu.memory_space<vmem>>)
      %run_scoped3A_337 = arith.constant 2 : i32
      %run_scoped3A_338 = arith.constant 2 : i32
      %run_scoped3A_339 = arith.constant 1 : i32
      "tpu.region"() ({
        %run_scoped3A_471 = tpu.sem_alloc : memref<!tpu.dma_semaphore, #tpu.memory_space<semaphore_mem>>
        %dma_start3A_472 = arith.constant 0 : i32
        %dma_start3A_473 = arith.constant 0 : i32
        %dma_start3A_474 = tpu.memref_slice %arg7[%run_scoped3A_337, %dma_start3A_472, %dma_start3A_473] : memref<3x128x16xf32, #tpu.memory_space<vmem>> -> memref<1x128x16xf32, #tpu.memory_space<vmem>>
        %dma_start3A_475 = tpu.memref_squeeze %dma_start3A_474 : memref<1x128x16xf32, #tpu.memory_space<vmem>> -> memref<128x16xf32, #tpu.memory_space<vmem>>
        %dma_start3A_476 = arith.constant 0 : i32
        %dma_start3A_477 = tpu.memref_slice %arg6[%run_scoped3A_338, %run_scoped3A_339, %dma_start3A_476] : memref<6x2x128xi32, #tpu.memory_space<vmem>> -> memref<1x1x128xi32, #tpu.memory_space<vmem>>
        %dma_start3A_478 = tpu.memref_squeeze %dma_start3A_477 : memref<1x1x128xi32, #tpu.memory_space<vmem>> -> memref<128xi32, #tpu.memory_space<vmem>>
        %dma_start3A_479 = arith.constant 0 : i32
        %dma_start3A_480 = arith.constant 0 : i32
        %dma_start3A_481 = tpu.memref_slice %arg8[%dma_start3A_479, %dma_start3A_480] : memref<10112x16xf32, #tpu.memory_space<vmem_shared>> -> memref<10112x16xf32, #tpu.memory_space<vmem_shared>>
        tpu.enqueue_indirect_dma source(%dma_start3A_475 : memref<128x16xf32, #tpu.memory_space<vmem>>) target(%dma_start3A_481 : memref<10112x16xf32, #tpu.memory_space<vmem_shared>>) offsets(%dma_start3A_478 : memref<128xi32, #tpu.memory_space<vmem>>) semaphore(%run_scoped3A_471 : memref<!tpu.dma_semaphore, #tpu.memory_space<semaphore_mem>>) {add = true}
        %dma_wait3A_482 = arith.constant 0 : i32
        %dma_wait3A_483 = arith.constant 0 : i32
        %dma_wait3A_484 = tpu.memref_slice %arg7[%run_scoped3A_337, %dma_wait3A_482, %dma_wait3A_483] : memref<3x128x16xf32, #tpu.memory_space<vmem>> -> memref<1x128x16xf32, #tpu.memory_space<vmem>>
        %dma_wait3A_485 = tpu.memref_squeeze %dma_wait3A_484 : memref<1x128x16xf32, #tpu.memory_space<vmem>> -> memref<128x16xf32, #tpu.memory_space<vmem>>
        %dma_wait3A_486 = arith.constant 0 : i32
        %dma_wait3A_487 = tpu.memref_slice %arg6[%run_scoped3A_338, %run_scoped3A_339, %dma_wait3A_486] : memref<6x2x128xi32, #tpu.memory_space<vmem>> -> memref<1x1x128xi32, #tpu.memory_space<vmem>>
        %dma_wait3A_488 = tpu.memref_squeeze %dma_wait3A_487 : memref<1x1x128xi32, #tpu.memory_space<vmem>> -> memref<128xi32, #tpu.memory_space<vmem>>
        %dma_wait3A_489 = arith.constant 0 : i32
        %dma_wait3A_490 = arith.constant 0 : i32
        %dma_wait3A_491 = tpu.memref_slice %arg8[%dma_wait3A_489, %dma_wait3A_490] : memref<10112x16xf32, #tpu.memory_space<vmem_shared>> -> memref<10112x16xf32, #tpu.memory_space<vmem_shared>>
        tpu.wait_indirect_dma semaphore(%run_scoped3A_471 : memref<!tpu.dma_semaphore, #tpu.memory_space<semaphore_mem>>) src(%dma_wait3A_485 : memref<128x16xf32, #tpu.memory_space<vmem>>) dst(%dma_wait3A_491 : memref<10112x16xf32, #tpu.memory_space<vmem_shared>>)
        tpu.yield
      }) : () -> ()
      %add3A_340 = arith.constant 6 : i32
      %add3A_341 = arith.addi %add3A_318, %add3A_340 : i32
      %lt3A_342 = arith.constant 78 : i32
      %lt3A_343 = arith.cmpi slt, %add3A_341, %lt3A_342 : i32
      %convert_element_type3A_344 = arith.extui %lt3A_343 : i1 to i32
      %cond3A_345 = arith.constant 0 : i32
      %cond3A_346 = arith.cmpi ne, %convert_element_type3A_344, %cond3A_345 : i32
      scf.if %cond3A_346 {
        %add3A_471 = arith.constant 6 : i32
        %add3A_472 = arith.addi %add3A_318, %add3A_471 : i32
        %mul3A_473 = arith.constant 128 : i32
        %mul3A_474 = arith.muli %add3A_472, %mul3A_473 : i32
        %add3A_475 = arith.addi %mul3A_2, %mul3A_474 : i32
        %dma_start3A_476 = arith.constant 2 : i32
        %dma_start3A_477 = arith.constant 2 : i32
        %dma_start3A_478 = arith.constant 0 : i32
        %dma_start3A_479 = arith.constant 0 : i32
        %dma_start3A_480 = tpu.memref_slice %arg6[%dma_start3A_476, %dma_start3A_478, %dma_start3A_479] : memref<6x2x128xi32, #tpu.memory_space<vmem>> -> memref<1x2x128xi32, #tpu.memory_space<vmem>>
        %dma_start3A_481 = tpu.memref_squeeze %dma_start3A_480 : memref<1x2x128xi32, #tpu.memory_space<vmem>> -> memref<2x128xi32, #tpu.memory_space<vmem>>
        %dma_start3A_482 = arith.constant 0 : i32
        %dma_start3A_483 = tpu.memref_slice %arg3[%dma_start3A_482, %add3A_475] : memref<2x320000xi32, #tpu.memory_space<hbm>> -> memref<2x128xi32, #tpu.memory_space<hbm>>
        %dma_start3A_484 = tpu.memref_slice %arg9[%dma_start3A_477] : memref<6x!tpu.dma_semaphore, #tpu.memory_space<semaphore_mem>> -> memref<1x!tpu.dma_semaphore, #tpu.memory_space<semaphore_mem>>
        %dma_start3A_485 = tpu.memref_squeeze %dma_start3A_484 : memref<1x!tpu.dma_semaphore, #tpu.memory_space<semaphore_mem>> -> memref<!tpu.dma_semaphore, #tpu.memory_space<semaphore_mem>>
        %dma_start3A_486 = arith.constant 0 : i32
        %dma_start3A_487 = arith.constant 0 : i32
        %dma_start3A_488 = tpu.memref_slice %arg6[%dma_start3A_476, %dma_start3A_486, %dma_start3A_487] : memref<6x2x128xi32, #tpu.memory_space<vmem>> -> memref<1x2x128xi32, #tpu.memory_space<vmem>>
        %dma_start3A_489 = tpu.memref_squeeze %dma_start3A_488 : memref<1x2x128xi32, #tpu.memory_space<vmem>> -> memref<2x128xi32, #tpu.memory_space<vmem>>
        %dma_start3A_490 = arith.constant 0 : i32
        %dma_start3A_491 = tpu.memref_slice %arg3[%dma_start3A_490, %add3A_475] : memref<2x320000xi32, #tpu.memory_space<hbm>> -> memref<2x128xi32, #tpu.memory_space<hbm>>
        tpu.enqueue_dma source(%dma_start3A_491 : memref<2x128xi32, #tpu.memory_space<hbm>>) target(%dma_start3A_489 : memref<2x128xi32, #tpu.memory_space<vmem>>) target_semaphore(%dma_start3A_485 : memref<!tpu.dma_semaphore, #tpu.memory_space<semaphore_mem>>)
      } else {
      }
      %add3A_347 = arith.constant 3 : i32
      %add3A_348 = arith.addi %add3A_318, %add3A_347 : i32
      %lt3A_349 = arith.constant 78 : i32
      %lt3A_350 = arith.cmpi slt, %add3A_348, %lt3A_349 : i32
      %convert_element_type3A_351 = arith.extui %lt3A_350 : i1 to i32
      %cond3A_352 = arith.constant 0 : i32
      %cond3A_353 = arith.cmpi ne, %convert_element_type3A_351, %cond3A_352 : i32
      scf.if %cond3A_353 {
        %dma_wait3A_471 = arith.constant 5 : i32
        %dma_wait3A_472 = arith.constant 5 : i32
        %dma_wait3A_473 = arith.constant 0 : i32
        %dma_wait3A_474 = arith.constant 0 : i32
        %dma_wait3A_475 = tpu.memref_slice %arg6[%dma_wait3A_471, %dma_wait3A_473, %dma_wait3A_474] : memref<6x2x128xi32, #tpu.memory_space<vmem>> -> memref<1x2x128xi32, #tpu.memory_space<vmem>>
        %dma_wait3A_476 = tpu.memref_squeeze %dma_wait3A_475 : memref<1x2x128xi32, #tpu.memory_space<vmem>> -> memref<2x128xi32, #tpu.memory_space<vmem>>
        %dma_wait3A_477 = arith.constant 0 : i32
        %dma_wait3A_478 = arith.constant 0 : i32
        %dma_wait3A_479 = tpu.memref_slice %arg3[%dma_wait3A_477, %dma_wait3A_478] : memref<2x320000xi32, #tpu.memory_space<hbm>> -> memref<2x128xi32, #tpu.memory_space<hbm>>
        %dma_wait3A_480 = tpu.memref_slice %arg9[%dma_wait3A_472] : memref<6x!tpu.dma_semaphore, #tpu.memory_space<semaphore_mem>> -> memref<1x!tpu.dma_semaphore, #tpu.memory_space<semaphore_mem>>
        %dma_wait3A_481 = tpu.memref_squeeze %dma_wait3A_480 : memref<1x!tpu.dma_semaphore, #tpu.memory_space<semaphore_mem>> -> memref<!tpu.dma_semaphore, #tpu.memory_space<semaphore_mem>>
        %dma_wait3A_482 = arith.constant 0 : i32
        %dma_wait3A_483 = arith.constant 0 : i32
        %dma_wait3A_484 = tpu.memref_slice %arg6[%dma_wait3A_471, %dma_wait3A_482, %dma_wait3A_483] : memref<6x2x128xi32, #tpu.memory_space<vmem>> -> memref<1x2x128xi32, #tpu.memory_space<vmem>>
        %dma_wait3A_485 = tpu.memref_squeeze %dma_wait3A_484 : memref<1x2x128xi32, #tpu.memory_space<vmem>> -> memref<2x128xi32, #tpu.memory_space<vmem>>
        %dma_wait3A_486 = arith.constant 0 : i32
        %dma_wait3A_487 = arith.constant 0 : i32
        %dma_wait3A_488 = tpu.memref_slice %arg3[%dma_wait3A_486, %dma_wait3A_487] : memref<2x320000xi32, #tpu.memory_space<hbm>> -> memref<2x128xi32, #tpu.memory_space<hbm>>
        tpu.wait_dma2 semaphore(%dma_wait3A_481 : memref<!tpu.dma_semaphore, #tpu.memory_space<semaphore_mem>>) src(%dma_wait3A_488 : memref<2x128xi32, #tpu.memory_space<hbm>>) dst(%dma_wait3A_485 : memref<2x128xi32, #tpu.memory_space<vmem>>)
        %dma_start3A_489 = arith.constant 5 : i32
        %dma_start3A_490 = arith.constant 0 : i32
        %dma_start3A_491 = arith.constant 2 : i32
        %dma_start3A_492 = arith.constant 2 : i32
        %dma_start3A_493 = arith.constant 0 : i32
        %dma_start3A_494 = arith.constant 0 : i32
        %dma_start3A_495 = tpu.memref_slice %arg7[%dma_start3A_491, %dma_start3A_493, %dma_start3A_494] : memref<3x128x16xf32, #tpu.memory_space<vmem>> -> memref<1x128x16xf32, #tpu.memory_space<vmem>>
        %dma_start3A_496 = tpu.memref_squeeze %dma_start3A_495 : memref<1x128x16xf32, #tpu.memory_space<vmem>> -> memref<128x16xf32, #tpu.memory_space<vmem>>
        %dma_start3A_497 = arith.constant 0 : i32
        %dma_start3A_498 = tpu.memref_slice %arg6[%dma_start3A_489, %dma_start3A_490, %dma_start3A_497] : memref<6x2x128xi32, #tpu.memory_space<vmem>> -> memref<1x1x128xi32, #tpu.memory_space<vmem>>
        %dma_start3A_499 = tpu.memref_squeeze %dma_start3A_498 : memref<1x1x128xi32, #tpu.memory_space<vmem>> -> memref<128xi32, #tpu.memory_space<vmem>>
        %dma_start3A_500 = arith.constant 0 : i32
        %dma_start3A_501 = arith.constant 0 : i32
        %dma_start3A_502 = tpu.memref_slice %arg2[%dma_start3A_500, %dma_start3A_501] : memref<10000x16xf32, #tpu.memory_space<hbm>> -> memref<10000x16xf32, #tpu.memory_space<hbm>>
        %dma_start3A_503 = tpu.memref_slice %arg10[%dma_start3A_492] : memref<3x!tpu.dma_semaphore, #tpu.memory_space<semaphore_mem>> -> memref<1x!tpu.dma_semaphore, #tpu.memory_space<semaphore_mem>>
        %dma_start3A_504 = tpu.memref_squeeze %dma_start3A_503 : memref<1x!tpu.dma_semaphore, #tpu.memory_space<semaphore_mem>> -> memref<!tpu.dma_semaphore, #tpu.memory_space<semaphore_mem>>
        tpu.enqueue_indirect_dma source(%dma_start3A_502 : memref<10000x16xf32, #tpu.memory_space<hbm>>) target(%dma_start3A_496 : memref<128x16xf32, #tpu.memory_space<vmem>>) offsets(%dma_start3A_499 : memref<128xi32, #tpu.memory_space<vmem>>) semaphore(%dma_start3A_504 : memref<!tpu.dma_semaphore, #tpu.memory_space<semaphore_mem>>)
      } else {
      }
      %mul3A_354 = arith.constant 6 : i32
      %mul3A_355 = arith.muli %scan3A_239, %mul3A_354 : i32
      %add3A_356 = arith.constant 3 : i32
      %add3A_357 = arith.addi %mul3A_355, %add3A_356 : i32
      %dma_wait3A_358 = arith.constant 0 : i32
      %dma_wait3A_359 = arith.constant 0 : i32
      %dma_wait3A_360 = arith.constant 0 : i32
      %dma_wait3A_361 = arith.constant 0 : i32
      %dma_wait3A_362 = tpu.memref_slice %arg7[%dma_wait3A_358, %dma_wait3A_360, %dma_wait3A_361] : memref<3x128x16xf32, #tpu.memory_space<vmem>> -> memref<1x128x16xf32, #tpu.memory_space<vmem>>
      %dma_wait3A_363 = tpu.memref_squeeze %dma_wait3A_362 : memref<1x128x16xf32, #tpu.memory_space<vmem>> -> memref<128x16xf32, #tpu.memory_space<vmem>>
      %dma_wait3A_364 = arith.constant 0 : i32
      %dma_wait3A_365 = arith.constant 0 : i32
      %dma_wait3A_366 = tpu.memref_slice %arg2[%dma_wait3A_364, %dma_wait3A_365] : memref<10000x16xf32, #tpu.memory_space<hbm>> -> memref<128x16xf32, #tpu.memory_space<hbm>>
      %dma_wait3A_367 = tpu.memref_slice %arg10[%dma_wait3A_359] : memref<3x!tpu.dma_semaphore, #tpu.memory_space<semaphore_mem>> -> memref<1x!tpu.dma_semaphore, #tpu.memory_space<semaphore_mem>>
      %dma_wait3A_368 = tpu.memref_squeeze %dma_wait3A_367 : memref<1x!tpu.dma_semaphore, #tpu.memory_space<semaphore_mem>> -> memref<!tpu.dma_semaphore, #tpu.memory_space<semaphore_mem>>
      %dma_wait3A_369 = arith.constant 0 : i32
      %dma_wait3A_370 = arith.constant 0 : i32
      %dma_wait3A_371 = tpu.memref_slice %arg7[%dma_wait3A_358, %dma_wait3A_369, %dma_wait3A_370] : memref<3x128x16xf32, #tpu.memory_space<vmem>> -> memref<1x128x16xf32, #tpu.memory_space<vmem>>
      %dma_wait3A_372 = tpu.memref_squeeze %dma_wait3A_371 : memref<1x128x16xf32, #tpu.memory_space<vmem>> -> memref<128x16xf32, #tpu.memory_space<vmem>>
      %dma_wait3A_373 = arith.constant 0 : i32
      %dma_wait3A_374 = arith.constant 0 : i32
      %dma_wait3A_375 = tpu.memref_slice %arg2[%dma_wait3A_373, %dma_wait3A_374] : memref<10000x16xf32, #tpu.memory_space<hbm>> -> memref<128x16xf32, #tpu.memory_space<hbm>>
      tpu.wait_dma2 semaphore(%dma_wait3A_368 : memref<!tpu.dma_semaphore, #tpu.memory_space<semaphore_mem>>) src(%dma_wait3A_375 : memref<128x16xf32, #tpu.memory_space<hbm>>) dst(%dma_wait3A_372 : memref<128x16xf32, #tpu.memory_space<vmem>>)
      %run_scoped3A_376 = arith.constant 0 : i32
      %run_scoped3A_377 = arith.constant 3 : i32
      %run_scoped3A_378 = arith.constant 1 : i32
      "tpu.region"() ({
        %run_scoped3A_471 = tpu.sem_alloc : memref<!tpu.dma_semaphore, #tpu.memory_space<semaphore_mem>>
        %dma_start3A_472 = arith.constant 0 : i32
        %dma_start3A_473 = arith.constant 0 : i32
        %dma_start3A_474 = tpu.memref_slice %arg7[%run_scoped3A_376, %dma_start3A_472, %dma_start3A_473] : memref<3x128x16xf32, #tpu.memory_space<vmem>> -> memref<1x128x16xf32, #tpu.memory_space<vmem>>
        %dma_start3A_475 = tpu.memref_squeeze %dma_start3A_474 : memref<1x128x16xf32, #tpu.memory_space<vmem>> -> memref<128x16xf32, #tpu.memory_space<vmem>>
        %dma_start3A_476 = arith.constant 0 : i32
        %dma_start3A_477 = tpu.memref_slice %arg6[%run_scoped3A_377, %run_scoped3A_378, %dma_start3A_476] : memref<6x2x128xi32, #tpu.memory_space<vmem>> -> memref<1x1x128xi32, #tpu.memory_space<vmem>>
        %dma_start3A_478 = tpu.memref_squeeze %dma_start3A_477 : memref<1x1x128xi32, #tpu.memory_space<vmem>> -> memref<128xi32, #tpu.memory_space<vmem>>
        %dma_start3A_479 = arith.constant 0 : i32
        %dma_start3A_480 = arith.constant 0 : i32
        %dma_start3A_481 = tpu.memref_slice %arg8[%dma_start3A_479, %dma_start3A_480] : memref<10112x16xf32, #tpu.memory_space<vmem_shared>> -> memref<10112x16xf32, #tpu.memory_space<vmem_shared>>
        tpu.enqueue_indirect_dma source(%dma_start3A_475 : memref<128x16xf32, #tpu.memory_space<vmem>>) target(%dma_start3A_481 : memref<10112x16xf32, #tpu.memory_space<vmem_shared>>) offsets(%dma_start3A_478 : memref<128xi32, #tpu.memory_space<vmem>>) semaphore(%run_scoped3A_471 : memref<!tpu.dma_semaphore, #tpu.memory_space<semaphore_mem>>) {add = true}
        %dma_wait3A_482 = arith.constant 0 : i32
        %dma_wait3A_483 = arith.constant 0 : i32
        %dma_wait3A_484 = tpu.memref_slice %arg7[%run_scoped3A_376, %dma_wait3A_482, %dma_wait3A_483] : memref<3x128x16xf32, #tpu.memory_space<vmem>> -> memref<1x128x16xf32, #tpu.memory_space<vmem>>
        %dma_wait3A_485 = tpu.memref_squeeze %dma_wait3A_484 : memref<1x128x16xf32, #tpu.memory_space<vmem>> -> memref<128x16xf32, #tpu.memory_space<vmem>>
        %dma_wait3A_486 = arith.constant 0 : i32
        %dma_wait3A_487 = tpu.memref_slice %arg6[%run_scoped3A_377, %run_scoped3A_378, %dma_wait3A_486] : memref<6x2x128xi32, #tpu.memory_space<vmem>> -> memref<1x1x128xi32, #tpu.memory_space<vmem>>
        %dma_wait3A_488 = tpu.memref_squeeze %dma_wait3A_487 : memref<1x1x128xi32, #tpu.memory_space<vmem>> -> memref<128xi32, #tpu.memory_space<vmem>>
        %dma_wait3A_489 = arith.constant 0 : i32
        %dma_wait3A_490 = arith.constant 0 : i32
        %dma_wait3A_491 = tpu.memref_slice %arg8[%dma_wait3A_489, %dma_wait3A_490] : memref<10112x16xf32, #tpu.memory_space<vmem_shared>> -> memref<10112x16xf32, #tpu.memory_space<vmem_shared>>
        tpu.wait_indirect_dma semaphore(%run_scoped3A_471 : memref<!tpu.dma_semaphore, #tpu.memory_space<semaphore_mem>>) src(%dma_wait3A_485 : memref<128x16xf32, #tpu.memory_space<vmem>>) dst(%dma_wait3A_491 : memref<10112x16xf32, #tpu.memory_space<vmem_shared>>)
        tpu.yield
      }) : () -> ()
      %add3A_379 = arith.constant 6 : i32
      %add3A_380 = arith.addi %add3A_357, %add3A_379 : i32
      %lt3A_381 = arith.constant 78 : i32
      %lt3A_382 = arith.cmpi slt, %add3A_380, %lt3A_381 : i32
      %convert_element_type3A_383 = arith.extui %lt3A_382 : i1 to i32
      %cond3A_384 = arith.constant 0 : i32
      %cond3A_385 = arith.cmpi ne, %convert_element_type3A_383, %cond3A_384 : i32
      scf.if %cond3A_385 {
        %add3A_471 = arith.constant 6 : i32
        %add3A_472 = arith.addi %add3A_357, %add3A_471 : i32
        %mul3A_473 = arith.constant 128 : i32
        %mul3A_474 = arith.muli %add3A_472, %mul3A_473 : i32
        %add3A_475 = arith.addi %mul3A_2, %mul3A_474 : i32
        %dma_start3A_476 = arith.constant 3 : i32
        %dma_start3A_477 = arith.constant 3 : i32
        %dma_start3A_478 = arith.constant 0 : i32
        %dma_start3A_479 = arith.constant 0 : i32
        %dma_start3A_480 = tpu.memref_slice %arg6[%dma_start3A_476, %dma_start3A_478, %dma_start3A_479] : memref<6x2x128xi32, #tpu.memory_space<vmem>> -> memref<1x2x128xi32, #tpu.memory_space<vmem>>
        %dma_start3A_481 = tpu.memref_squeeze %dma_start3A_480 : memref<1x2x128xi32, #tpu.memory_space<vmem>> -> memref<2x128xi32, #tpu.memory_space<vmem>>
        %dma_start3A_482 = arith.constant 0 : i32
        %dma_start3A_483 = tpu.memref_slice %arg3[%dma_start3A_482, %add3A_475] : memref<2x320000xi32, #tpu.memory_space<hbm>> -> memref<2x128xi32, #tpu.memory_space<hbm>>
        %dma_start3A_484 = tpu.memref_slice %arg9[%dma_start3A_477] : memref<6x!tpu.dma_semaphore, #tpu.memory_space<semaphore_mem>> -> memref<1x!tpu.dma_semaphore, #tpu.memory_space<semaphore_mem>>
        %dma_start3A_485 = tpu.memref_squeeze %dma_start3A_484 : memref<1x!tpu.dma_semaphore, #tpu.memory_space<semaphore_mem>> -> memref<!tpu.dma_semaphore, #tpu.memory_space<semaphore_mem>>
        %dma_start3A_486 = arith.constant 0 : i32
        %dma_start3A_487 = arith.constant 0 : i32
        %dma_start3A_488 = tpu.memref_slice %arg6[%dma_start3A_476, %dma_start3A_486, %dma_start3A_487] : memref<6x2x128xi32, #tpu.memory_space<vmem>> -> memref<1x2x128xi32, #tpu.memory_space<vmem>>
        %dma_start3A_489 = tpu.memref_squeeze %dma_start3A_488 : memref<1x2x128xi32, #tpu.memory_space<vmem>> -> memref<2x128xi32, #tpu.memory_space<vmem>>
        %dma_start3A_490 = arith.constant 0 : i32
        %dma_start3A_491 = tpu.memref_slice %arg3[%dma_start3A_490, %add3A_475] : memref<2x320000xi32, #tpu.memory_space<hbm>> -> memref<2x128xi32, #tpu.memory_space<hbm>>
        tpu.enqueue_dma source(%dma_start3A_491 : memref<2x128xi32, #tpu.memory_space<hbm>>) target(%dma_start3A_489 : memref<2x128xi32, #tpu.memory_space<vmem>>) target_semaphore(%dma_start3A_485 : memref<!tpu.dma_semaphore, #tpu.memory_space<semaphore_mem>>)
      } else {
      }
      %add3A_386 = arith.constant 3 : i32
      %add3A_387 = arith.addi %add3A_357, %add3A_386 : i32
      %lt3A_388 = arith.constant 78 : i32
      %lt3A_389 = arith.cmpi slt, %add3A_387, %lt3A_388 : i32
      %convert_element_type3A_390 = arith.extui %lt3A_389 : i1 to i32
      %cond3A_391 = arith.constant 0 : i32
      %cond3A_392 = arith.cmpi ne, %convert_element_type3A_390, %cond3A_391 : i32
      scf.if %cond3A_392 {
        %dma_wait3A_471 = arith.constant 0 : i32
        %dma_wait3A_472 = arith.constant 0 : i32
        %dma_wait3A_473 = arith.constant 0 : i32
        %dma_wait3A_474 = arith.constant 0 : i32
        %dma_wait3A_475 = tpu.memref_slice %arg6[%dma_wait3A_471, %dma_wait3A_473, %dma_wait3A_474] : memref<6x2x128xi32, #tpu.memory_space<vmem>> -> memref<1x2x128xi32, #tpu.memory_space<vmem>>
        %dma_wait3A_476 = tpu.memref_squeeze %dma_wait3A_475 : memref<1x2x128xi32, #tpu.memory_space<vmem>> -> memref<2x128xi32, #tpu.memory_space<vmem>>
        %dma_wait3A_477 = arith.constant 0 : i32
        %dma_wait3A_478 = arith.constant 0 : i32
        %dma_wait3A_479 = tpu.memref_slice %arg3[%dma_wait3A_477, %dma_wait3A_478] : memref<2x320000xi32, #tpu.memory_space<hbm>> -> memref<2x128xi32, #tpu.memory_space<hbm>>
        %dma_wait3A_480 = tpu.memref_slice %arg9[%dma_wait3A_472] : memref<6x!tpu.dma_semaphore, #tpu.memory_space<semaphore_mem>> -> memref<1x!tpu.dma_semaphore, #tpu.memory_space<semaphore_mem>>
        %dma_wait3A_481 = tpu.memref_squeeze %dma_wait3A_480 : memref<1x!tpu.dma_semaphore, #tpu.memory_space<semaphore_mem>> -> memref<!tpu.dma_semaphore, #tpu.memory_space<semaphore_mem>>
        %dma_wait3A_482 = arith.constant 0 : i32
        %dma_wait3A_483 = arith.constant 0 : i32
        %dma_wait3A_484 = tpu.memref_slice %arg6[%dma_wait3A_471, %dma_wait3A_482, %dma_wait3A_483] : memref<6x2x128xi32, #tpu.memory_space<vmem>> -> memref<1x2x128xi32, #tpu.memory_space<vmem>>
        %dma_wait3A_485 = tpu.memref_squeeze %dma_wait3A_484 : memref<1x2x128xi32, #tpu.memory_space<vmem>> -> memref<2x128xi32, #tpu.memory_space<vmem>>
        %dma_wait3A_486 = arith.constant 0 : i32
        %dma_wait3A_487 = arith.constant 0 : i32
        %dma_wait3A_488 = tpu.memref_slice %arg3[%dma_wait3A_486, %dma_wait3A_487] : memref<2x320000xi32, #tpu.memory_space<hbm>> -> memref<2x128xi32, #tpu.memory_space<hbm>>
        tpu.wait_dma2 semaphore(%dma_wait3A_481 : memref<!tpu.dma_semaphore, #tpu.memory_space<semaphore_mem>>) src(%dma_wait3A_488 : memref<2x128xi32, #tpu.memory_space<hbm>>) dst(%dma_wait3A_485 : memref<2x128xi32, #tpu.memory_space<vmem>>)
        %dma_start3A_489 = arith.constant 0 : i32
        %dma_start3A_490 = arith.constant 0 : i32
        %dma_start3A_491 = arith.constant 0 : i32
        %dma_start3A_492 = arith.constant 0 : i32
        %dma_start3A_493 = arith.constant 0 : i32
        %dma_start3A_494 = arith.constant 0 : i32
        %dma_start3A_495 = tpu.memref_slice %arg7[%dma_start3A_491, %dma_start3A_493, %dma_start3A_494] : memref<3x128x16xf32, #tpu.memory_space<vmem>> -> memref<1x128x16xf32, #tpu.memory_space<vmem>>
        %dma_start3A_496 = tpu.memref_squeeze %dma_start3A_495 : memref<1x128x16xf32, #tpu.memory_space<vmem>> -> memref<128x16xf32, #tpu.memory_space<vmem>>
        %dma_start3A_497 = arith.constant 0 : i32
        %dma_start3A_498 = tpu.memref_slice %arg6[%dma_start3A_489, %dma_start3A_490, %dma_start3A_497] : memref<6x2x128xi32, #tpu.memory_space<vmem>> -> memref<1x1x128xi32, #tpu.memory_space<vmem>>
        %dma_start3A_499 = tpu.memref_squeeze %dma_start3A_498 : memref<1x1x128xi32, #tpu.memory_space<vmem>> -> memref<128xi32, #tpu.memory_space<vmem>>
        %dma_start3A_500 = arith.constant 0 : i32
        %dma_start3A_501 = arith.constant 0 : i32
        %dma_start3A_502 = tpu.memref_slice %arg2[%dma_start3A_500, %dma_start3A_501] : memref<10000x16xf32, #tpu.memory_space<hbm>> -> memref<10000x16xf32, #tpu.memory_space<hbm>>
        %dma_start3A_503 = tpu.memref_slice %arg10[%dma_start3A_492] : memref<3x!tpu.dma_semaphore, #tpu.memory_space<semaphore_mem>> -> memref<1x!tpu.dma_semaphore, #tpu.memory_space<semaphore_mem>>
        %dma_start3A_504 = tpu.memref_squeeze %dma_start3A_503 : memref<1x!tpu.dma_semaphore, #tpu.memory_space<semaphore_mem>> -> memref<!tpu.dma_semaphore, #tpu.memory_space<semaphore_mem>>
        tpu.enqueue_indirect_dma source(%dma_start3A_502 : memref<10000x16xf32, #tpu.memory_space<hbm>>) target(%dma_start3A_496 : memref<128x16xf32, #tpu.memory_space<vmem>>) offsets(%dma_start3A_499 : memref<128xi32, #tpu.memory_space<vmem>>) semaphore(%dma_start3A_504 : memref<!tpu.dma_semaphore, #tpu.memory_space<semaphore_mem>>)
      } else {
      }
      %mul3A_393 = arith.constant 6 : i32
      %mul3A_394 = arith.muli %scan3A_239, %mul3A_393 : i32
      %add3A_395 = arith.constant 4 : i32
      %add3A_396 = arith.addi %mul3A_394, %add3A_395 : i32
      %dma_wait3A_397 = arith.constant 1 : i32
      %dma_wait3A_398 = arith.constant 1 : i32
      %dma_wait3A_399 = arith.constant 0 : i32
      %dma_wait3A_400 = arith.constant 0 : i32
      %dma_wait3A_401 = tpu.memref_slice %arg7[%dma_wait3A_397, %dma_wait3A_399, %dma_wait3A_400] : memref<3x128x16xf32, #tpu.memory_space<vmem>> -> memref<1x128x16xf32, #tpu.memory_space<vmem>>
      %dma_wait3A_402 = tpu.memref_squeeze %dma_wait3A_401 : memref<1x128x16xf32, #tpu.memory_space<vmem>> -> memref<128x16xf32, #tpu.memory_space<vmem>>
      %dma_wait3A_403 = arith.constant 0 : i32
      %dma_wait3A_404 = arith.constant 0 : i32
      %dma_wait3A_405 = tpu.memref_slice %arg2[%dma_wait3A_403, %dma_wait3A_404] : memref<10000x16xf32, #tpu.memory_space<hbm>> -> memref<128x16xf32, #tpu.memory_space<hbm>>
      %dma_wait3A_406 = tpu.memref_slice %arg10[%dma_wait3A_398] : memref<3x!tpu.dma_semaphore, #tpu.memory_space<semaphore_mem>> -> memref<1x!tpu.dma_semaphore, #tpu.memory_space<semaphore_mem>>
      %dma_wait3A_407 = tpu.memref_squeeze %dma_wait3A_406 : memref<1x!tpu.dma_semaphore, #tpu.memory_space<semaphore_mem>> -> memref<!tpu.dma_semaphore, #tpu.memory_space<semaphore_mem>>
      %dma_wait3A_408 = arith.constant 0 : i32
      %dma_wait3A_409 = arith.constant 0 : i32
      %dma_wait3A_410 = tpu.memref_slice %arg7[%dma_wait3A_397, %dma_wait3A_408, %dma_wait3A_409] : memref<3x128x16xf32, #tpu.memory_space<vmem>> -> memref<1x128x16xf32, #tpu.memory_space<vmem>>
      %dma_wait3A_411 = tpu.memref_squeeze %dma_wait3A_410 : memref<1x128x16xf32, #tpu.memory_space<vmem>> -> memref<128x16xf32, #tpu.memory_space<vmem>>
      %dma_wait3A_412 = arith.constant 0 : i32
      %dma_wait3A_413 = arith.constant 0 : i32
      %dma_wait3A_414 = tpu.memref_slice %arg2[%dma_wait3A_412, %dma_wait3A_413] : memref<10000x16xf32, #tpu.memory_space<hbm>> -> memref<128x16xf32, #tpu.memory_space<hbm>>
      tpu.wait_dma2 semaphore(%dma_wait3A_407 : memref<!tpu.dma_semaphore, #tpu.memory_space<semaphore_mem>>) src(%dma_wait3A_414 : memref<128x16xf32, #tpu.memory_space<hbm>>) dst(%dma_wait3A_411 : memref<128x16xf32, #tpu.memory_space<vmem>>)
      %run_scoped3A_415 = arith.constant 1 : i32
      %run_scoped3A_416 = arith.constant 4 : i32
      %run_scoped3A_417 = arith.constant 1 : i32
      "tpu.region"() ({
        %run_scoped3A_471 = tpu.sem_alloc : memref<!tpu.dma_semaphore, #tpu.memory_space<semaphore_mem>>
        %dma_start3A_472 = arith.constant 0 : i32
        %dma_start3A_473 = arith.constant 0 : i32
        %dma_start3A_474 = tpu.memref_slice %arg7[%run_scoped3A_415, %dma_start3A_472, %dma_start3A_473] : memref<3x128x16xf32, #tpu.memory_space<vmem>> -> memref<1x128x16xf32, #tpu.memory_space<vmem>>
        %dma_start3A_475 = tpu.memref_squeeze %dma_start3A_474 : memref<1x128x16xf32, #tpu.memory_space<vmem>> -> memref<128x16xf32, #tpu.memory_space<vmem>>
        %dma_start3A_476 = arith.constant 0 : i32
        %dma_start3A_477 = tpu.memref_slice %arg6[%run_scoped3A_416, %run_scoped3A_417, %dma_start3A_476] : memref<6x2x128xi32, #tpu.memory_space<vmem>> -> memref<1x1x128xi32, #tpu.memory_space<vmem>>
        %dma_start3A_478 = tpu.memref_squeeze %dma_start3A_477 : memref<1x1x128xi32, #tpu.memory_space<vmem>> -> memref<128xi32, #tpu.memory_space<vmem>>
        %dma_start3A_479 = arith.constant 0 : i32
        %dma_start3A_480 = arith.constant 0 : i32
        %dma_start3A_481 = tpu.memref_slice %arg8[%dma_start3A_479, %dma_start3A_480] : memref<10112x16xf32, #tpu.memory_space<vmem_shared>> -> memref<10112x16xf32, #tpu.memory_space<vmem_shared>>
        tpu.enqueue_indirect_dma source(%dma_start3A_475 : memref<128x16xf32, #tpu.memory_space<vmem>>) target(%dma_start3A_481 : memref<10112x16xf32, #tpu.memory_space<vmem_shared>>) offsets(%dma_start3A_478 : memref<128xi32, #tpu.memory_space<vmem>>) semaphore(%run_scoped3A_471 : memref<!tpu.dma_semaphore, #tpu.memory_space<semaphore_mem>>) {add = true}
        %dma_wait3A_482 = arith.constant 0 : i32
        %dma_wait3A_483 = arith.constant 0 : i32
        %dma_wait3A_484 = tpu.memref_slice %arg7[%run_scoped3A_415, %dma_wait3A_482, %dma_wait3A_483] : memref<3x128x16xf32, #tpu.memory_space<vmem>> -> memref<1x128x16xf32, #tpu.memory_space<vmem>>
        %dma_wait3A_485 = tpu.memref_squeeze %dma_wait3A_484 : memref<1x128x16xf32, #tpu.memory_space<vmem>> -> memref<128x16xf32, #tpu.memory_space<vmem>>
        %dma_wait3A_486 = arith.constant 0 : i32
        %dma_wait3A_487 = tpu.memref_slice %arg6[%run_scoped3A_416, %run_scoped3A_417, %dma_wait3A_486] : memref<6x2x128xi32, #tpu.memory_space<vmem>> -> memref<1x1x128xi32, #tpu.memory_space<vmem>>
        %dma_wait3A_488 = tpu.memref_squeeze %dma_wait3A_487 : memref<1x1x128xi32, #tpu.memory_space<vmem>> -> memref<128xi32, #tpu.memory_space<vmem>>
        %dma_wait3A_489 = arith.constant 0 : i32
        %dma_wait3A_490 = arith.constant 0 : i32
        %dma_wait3A_491 = tpu.memref_slice %arg8[%dma_wait3A_489, %dma_wait3A_490] : memref<10112x16xf32, #tpu.memory_space<vmem_shared>> -> memref<10112x16xf32, #tpu.memory_space<vmem_shared>>
        tpu.wait_indirect_dma semaphore(%run_scoped3A_471 : memref<!tpu.dma_semaphore, #tpu.memory_space<semaphore_mem>>) src(%dma_wait3A_485 : memref<128x16xf32, #tpu.memory_space<vmem>>) dst(%dma_wait3A_491 : memref<10112x16xf32, #tpu.memory_space<vmem_shared>>)
        tpu.yield
      }) : () -> ()
      %add3A_418 = arith.constant 6 : i32
      %add3A_419 = arith.addi %add3A_396, %add3A_418 : i32
      %lt3A_420 = arith.constant 78 : i32
      %lt3A_421 = arith.cmpi slt, %add3A_419, %lt3A_420 : i32
      %convert_element_type3A_422 = arith.extui %lt3A_421 : i1 to i32
      %cond3A_423 = arith.constant 0 : i32
      %cond3A_424 = arith.cmpi ne, %convert_element_type3A_422, %cond3A_423 : i32
      scf.if %cond3A_424 {
        %add3A_471 = arith.constant 6 : i32
        %add3A_472 = arith.addi %add3A_396, %add3A_471 : i32
        %mul3A_473 = arith.constant 128 : i32
        %mul3A_474 = arith.muli %add3A_472, %mul3A_473 : i32
        %add3A_475 = arith.addi %mul3A_2, %mul3A_474 : i32
        %dma_start3A_476 = arith.constant 4 : i32
        %dma_start3A_477 = arith.constant 4 : i32
        %dma_start3A_478 = arith.constant 0 : i32
        %dma_start3A_479 = arith.constant 0 : i32
        %dma_start3A_480 = tpu.memref_slice %arg6[%dma_start3A_476, %dma_start3A_478, %dma_start3A_479] : memref<6x2x128xi32, #tpu.memory_space<vmem>> -> memref<1x2x128xi32, #tpu.memory_space<vmem>>
        %dma_start3A_481 = tpu.memref_squeeze %dma_start3A_480 : memref<1x2x128xi32, #tpu.memory_space<vmem>> -> memref<2x128xi32, #tpu.memory_space<vmem>>
        %dma_start3A_482 = arith.constant 0 : i32
        %dma_start3A_483 = tpu.memref_slice %arg3[%dma_start3A_482, %add3A_475] : memref<2x320000xi32, #tpu.memory_space<hbm>> -> memref<2x128xi32, #tpu.memory_space<hbm>>
        %dma_start3A_484 = tpu.memref_slice %arg9[%dma_start3A_477] : memref<6x!tpu.dma_semaphore, #tpu.memory_space<semaphore_mem>> -> memref<1x!tpu.dma_semaphore, #tpu.memory_space<semaphore_mem>>
        %dma_start3A_485 = tpu.memref_squeeze %dma_start3A_484 : memref<1x!tpu.dma_semaphore, #tpu.memory_space<semaphore_mem>> -> memref<!tpu.dma_semaphore, #tpu.memory_space<semaphore_mem>>
        %dma_start3A_486 = arith.constant 0 : i32
        %dma_start3A_487 = arith.constant 0 : i32
        %dma_start3A_488 = tpu.memref_slice %arg6[%dma_start3A_476, %dma_start3A_486, %dma_start3A_487] : memref<6x2x128xi32, #tpu.memory_space<vmem>> -> memref<1x2x128xi32, #tpu.memory_space<vmem>>
        %dma_start3A_489 = tpu.memref_squeeze %dma_start3A_488 : memref<1x2x128xi32, #tpu.memory_space<vmem>> -> memref<2x128xi32, #tpu.memory_space<vmem>>
        %dma_start3A_490 = arith.constant 0 : i32
        %dma_start3A_491 = tpu.memref_slice %arg3[%dma_start3A_490, %add3A_475] : memref<2x320000xi32, #tpu.memory_space<hbm>> -> memref<2x128xi32, #tpu.memory_space<hbm>>
        tpu.enqueue_dma source(%dma_start3A_491 : memref<2x128xi32, #tpu.memory_space<hbm>>) target(%dma_start3A_489 : memref<2x128xi32, #tpu.memory_space<vmem>>) target_semaphore(%dma_start3A_485 : memref<!tpu.dma_semaphore, #tpu.memory_space<semaphore_mem>>)
      } else {
      }
      %add3A_425 = arith.constant 3 : i32
      %add3A_426 = arith.addi %add3A_396, %add3A_425 : i32
      %lt3A_427 = arith.constant 78 : i32
      %lt3A_428 = arith.cmpi slt, %add3A_426, %lt3A_427 : i32
      %convert_element_type3A_429 = arith.extui %lt3A_428 : i1 to i32
      %cond3A_430 = arith.constant 0 : i32
      %cond3A_431 = arith.cmpi ne, %convert_element_type3A_429, %cond3A_430 : i32
      scf.if %cond3A_431 {
        %dma_wait3A_471 = arith.constant 1 : i32
        %dma_wait3A_472 = arith.constant 1 : i32
        %dma_wait3A_473 = arith.constant 0 : i32
        %dma_wait3A_474 = arith.constant 0 : i32
        %dma_wait3A_475 = tpu.memref_slice %arg6[%dma_wait3A_471, %dma_wait3A_473, %dma_wait3A_474] : memref<6x2x128xi32, #tpu.memory_space<vmem>> -> memref<1x2x128xi32, #tpu.memory_space<vmem>>
        %dma_wait3A_476 = tpu.memref_squeeze %dma_wait3A_475 : memref<1x2x128xi32, #tpu.memory_space<vmem>> -> memref<2x128xi32, #tpu.memory_space<vmem>>
        %dma_wait3A_477 = arith.constant 0 : i32
        %dma_wait3A_478 = arith.constant 0 : i32
        %dma_wait3A_479 = tpu.memref_slice %arg3[%dma_wait3A_477, %dma_wait3A_478] : memref<2x320000xi32, #tpu.memory_space<hbm>> -> memref<2x128xi32, #tpu.memory_space<hbm>>
        %dma_wait3A_480 = tpu.memref_slice %arg9[%dma_wait3A_472] : memref<6x!tpu.dma_semaphore, #tpu.memory_space<semaphore_mem>> -> memref<1x!tpu.dma_semaphore, #tpu.memory_space<semaphore_mem>>
        %dma_wait3A_481 = tpu.memref_squeeze %dma_wait3A_480 : memref<1x!tpu.dma_semaphore, #tpu.memory_space<semaphore_mem>> -> memref<!tpu.dma_semaphore, #tpu.memory_space<semaphore_mem>>
        %dma_wait3A_482 = arith.constant 0 : i32
        %dma_wait3A_483 = arith.constant 0 : i32
        %dma_wait3A_484 = tpu.memref_slice %arg6[%dma_wait3A_471, %dma_wait3A_482, %dma_wait3A_483] : memref<6x2x128xi32, #tpu.memory_space<vmem>> -> memref<1x2x128xi32, #tpu.memory_space<vmem>>
        %dma_wait3A_485 = tpu.memref_squeeze %dma_wait3A_484 : memref<1x2x128xi32, #tpu.memory_space<vmem>> -> memref<2x128xi32, #tpu.memory_space<vmem>>
        %dma_wait3A_486 = arith.constant 0 : i32
        %dma_wait3A_487 = arith.constant 0 : i32
        %dma_wait3A_488 = tpu.memref_slice %arg3[%dma_wait3A_486, %dma_wait3A_487] : memref<2x320000xi32, #tpu.memory_space<hbm>> -> memref<2x128xi32, #tpu.memory_space<hbm>>
        tpu.wait_dma2 semaphore(%dma_wait3A_481 : memref<!tpu.dma_semaphore, #tpu.memory_space<semaphore_mem>>) src(%dma_wait3A_488 : memref<2x128xi32, #tpu.memory_space<hbm>>) dst(%dma_wait3A_485 : memref<2x128xi32, #tpu.memory_space<vmem>>)
        %dma_start3A_489 = arith.constant 1 : i32
        %dma_start3A_490 = arith.constant 0 : i32
        %dma_start3A_491 = arith.constant 1 : i32
        %dma_start3A_492 = arith.constant 1 : i32
        %dma_start3A_493 = arith.constant 0 : i32
        %dma_start3A_494 = arith.constant 0 : i32
        %dma_start3A_495 = tpu.memref_slice %arg7[%dma_start3A_491, %dma_start3A_493, %dma_start3A_494] : memref<3x128x16xf32, #tpu.memory_space<vmem>> -> memref<1x128x16xf32, #tpu.memory_space<vmem>>
        %dma_start3A_496 = tpu.memref_squeeze %dma_start3A_495 : memref<1x128x16xf32, #tpu.memory_space<vmem>> -> memref<128x16xf32, #tpu.memory_space<vmem>>
        %dma_start3A_497 = arith.constant 0 : i32
        %dma_start3A_498 = tpu.memref_slice %arg6[%dma_start3A_489, %dma_start3A_490, %dma_start3A_497] : memref<6x2x128xi32, #tpu.memory_space<vmem>> -> memref<1x1x128xi32, #tpu.memory_space<vmem>>
        %dma_start3A_499 = tpu.memref_squeeze %dma_start3A_498 : memref<1x1x128xi32, #tpu.memory_space<vmem>> -> memref<128xi32, #tpu.memory_space<vmem>>
        %dma_start3A_500 = arith.constant 0 : i32
        %dma_start3A_501 = arith.constant 0 : i32
        %dma_start3A_502 = tpu.memref_slice %arg2[%dma_start3A_500, %dma_start3A_501] : memref<10000x16xf32, #tpu.memory_space<hbm>> -> memref<10000x16xf32, #tpu.memory_space<hbm>>
        %dma_start3A_503 = tpu.memref_slice %arg10[%dma_start3A_492] : memref<3x!tpu.dma_semaphore, #tpu.memory_space<semaphore_mem>> -> memref<1x!tpu.dma_semaphore, #tpu.memory_space<semaphore_mem>>
        %dma_start3A_504 = tpu.memref_squeeze %dma_start3A_503 : memref<1x!tpu.dma_semaphore, #tpu.memory_space<semaphore_mem>> -> memref<!tpu.dma_semaphore, #tpu.memory_space<semaphore_mem>>
        tpu.enqueue_indirect_dma source(%dma_start3A_502 : memref<10000x16xf32, #tpu.memory_space<hbm>>) target(%dma_start3A_496 : memref<128x16xf32, #tpu.memory_space<vmem>>) offsets(%dma_start3A_499 : memref<128xi32, #tpu.memory_space<vmem>>) semaphore(%dma_start3A_504 : memref<!tpu.dma_semaphore, #tpu.memory_space<semaphore_mem>>)
      } else {
      }
      %mul3A_432 = arith.constant 6 : i32
      %mul3A_433 = arith.muli %scan3A_239, %mul3A_432 : i32
      %add3A_434 = arith.constant 5 : i32
      %add3A_435 = arith.addi %mul3A_433, %add3A_434 : i32
      %dma_wait3A_436 = arith.constant 2 : i32
      %dma_wait3A_437 = arith.constant 2 : i32
      %dma_wait3A_438 = arith.constant 0 : i32
      %dma_wait3A_439 = arith.constant 0 : i32
      %dma_wait3A_440 = tpu.memref_slice %arg7[%dma_wait3A_436, %dma_wait3A_438, %dma_wait3A_439] : memref<3x128x16xf32, #tpu.memory_space<vmem>> -> memref<1x128x16xf32, #tpu.memory_space<vmem>>
      %dma_wait3A_441 = tpu.memref_squeeze %dma_wait3A_440 : memref<1x128x16xf32, #tpu.memory_space<vmem>> -> memref<128x16xf32, #tpu.memory_space<vmem>>
      %dma_wait3A_442 = arith.constant 0 : i32
      %dma_wait3A_443 = arith.constant 0 : i32
      %dma_wait3A_444 = tpu.memref_slice %arg2[%dma_wait3A_442, %dma_wait3A_443] : memref<10000x16xf32, #tpu.memory_space<hbm>> -> memref<128x16xf32, #tpu.memory_space<hbm>>
      %dma_wait3A_445 = tpu.memref_slice %arg10[%dma_wait3A_437] : memref<3x!tpu.dma_semaphore, #tpu.memory_space<semaphore_mem>> -> memref<1x!tpu.dma_semaphore, #tpu.memory_space<semaphore_mem>>
      %dma_wait3A_446 = tpu.memref_squeeze %dma_wait3A_445 : memref<1x!tpu.dma_semaphore, #tpu.memory_space<semaphore_mem>> -> memref<!tpu.dma_semaphore, #tpu.memory_space<semaphore_mem>>
      %dma_wait3A_447 = arith.constant 0 : i32
      %dma_wait3A_448 = arith.constant 0 : i32
      %dma_wait3A_449 = tpu.memref_slice %arg7[%dma_wait3A_436, %dma_wait3A_447, %dma_wait3A_448] : memref<3x128x16xf32, #tpu.memory_space<vmem>> -> memref<1x128x16xf32, #tpu.memory_space<vmem>>
      %dma_wait3A_450 = tpu.memref_squeeze %dma_wait3A_449 : memref<1x128x16xf32, #tpu.memory_space<vmem>> -> memref<128x16xf32, #tpu.memory_space<vmem>>
      %dma_wait3A_451 = arith.constant 0 : i32
      %dma_wait3A_452 = arith.constant 0 : i32
      %dma_wait3A_453 = tpu.memref_slice %arg2[%dma_wait3A_451, %dma_wait3A_452] : memref<10000x16xf32, #tpu.memory_space<hbm>> -> memref<128x16xf32, #tpu.memory_space<hbm>>
      tpu.wait_dma2 semaphore(%dma_wait3A_446 : memref<!tpu.dma_semaphore, #tpu.memory_space<semaphore_mem>>) src(%dma_wait3A_453 : memref<128x16xf32, #tpu.memory_space<hbm>>) dst(%dma_wait3A_450 : memref<128x16xf32, #tpu.memory_space<vmem>>)
      %run_scoped3A_454 = arith.constant 2 : i32
      %run_scoped3A_455 = arith.constant 5 : i32
      %run_scoped3A_456 = arith.constant 1 : i32
      "tpu.region"() ({
        %run_scoped3A_471 = tpu.sem_alloc : memref<!tpu.dma_semaphore, #tpu.memory_space<semaphore_mem>>
        %dma_start3A_472 = arith.constant 0 : i32
        %dma_start3A_473 = arith.constant 0 : i32
        %dma_start3A_474 = tpu.memref_slice %arg7[%run_scoped3A_454, %dma_start3A_472, %dma_start3A_473] : memref<3x128x16xf32, #tpu.memory_space<vmem>> -> memref<1x128x16xf32, #tpu.memory_space<vmem>>
        %dma_start3A_475 = tpu.memref_squeeze %dma_start3A_474 : memref<1x128x16xf32, #tpu.memory_space<vmem>> -> memref<128x16xf32, #tpu.memory_space<vmem>>
        %dma_start3A_476 = arith.constant 0 : i32
        %dma_start3A_477 = tpu.memref_slice %arg6[%run_scoped3A_455, %run_scoped3A_456, %dma_start3A_476] : memref<6x2x128xi32, #tpu.memory_space<vmem>> -> memref<1x1x128xi32, #tpu.memory_space<vmem>>
        %dma_start3A_478 = tpu.memref_squeeze %dma_start3A_477 : memref<1x1x128xi32, #tpu.memory_space<vmem>> -> memref<128xi32, #tpu.memory_space<vmem>>
        %dma_start3A_479 = arith.constant 0 : i32
        %dma_start3A_480 = arith.constant 0 : i32
        %dma_start3A_481 = tpu.memref_slice %arg8[%dma_start3A_479, %dma_start3A_480] : memref<10112x16xf32, #tpu.memory_space<vmem_shared>> -> memref<10112x16xf32, #tpu.memory_space<vmem_shared>>
        tpu.enqueue_indirect_dma source(%dma_start3A_475 : memref<128x16xf32, #tpu.memory_space<vmem>>) target(%dma_start3A_481 : memref<10112x16xf32, #tpu.memory_space<vmem_shared>>) offsets(%dma_start3A_478 : memref<128xi32, #tpu.memory_space<vmem>>) semaphore(%run_scoped3A_471 : memref<!tpu.dma_semaphore, #tpu.memory_space<semaphore_mem>>) {add = true}
        %dma_wait3A_482 = arith.constant 0 : i32
        %dma_wait3A_483 = arith.constant 0 : i32
        %dma_wait3A_484 = tpu.memref_slice %arg7[%run_scoped3A_454, %dma_wait3A_482, %dma_wait3A_483] : memref<3x128x16xf32, #tpu.memory_space<vmem>> -> memref<1x128x16xf32, #tpu.memory_space<vmem>>
        %dma_wait3A_485 = tpu.memref_squeeze %dma_wait3A_484 : memref<1x128x16xf32, #tpu.memory_space<vmem>> -> memref<128x16xf32, #tpu.memory_space<vmem>>
        %dma_wait3A_486 = arith.constant 0 : i32
        %dma_wait3A_487 = tpu.memref_slice %arg6[%run_scoped3A_455, %run_scoped3A_456, %dma_wait3A_486] : memref<6x2x128xi32, #tpu.memory_space<vmem>> -> memref<1x1x128xi32, #tpu.memory_space<vmem>>
        %dma_wait3A_488 = tpu.memref_squeeze %dma_wait3A_487 : memref<1x1x128xi32, #tpu.memory_space<vmem>> -> memref<128xi32, #tpu.memory_space<vmem>>
        %dma_wait3A_489 = arith.constant 0 : i32
        %dma_wait3A_490 = arith.constant 0 : i32
        %dma_wait3A_491 = tpu.memref_slice %arg8[%dma_wait3A_489, %dma_wait3A_490] : memref<10112x16xf32, #tpu.memory_space<vmem_shared>> -> memref<10112x16xf32, #tpu.memory_space<vmem_shared>>
        tpu.wait_indirect_dma semaphore(%run_scoped3A_471 : memref<!tpu.dma_semaphore, #tpu.memory_space<semaphore_mem>>) src(%dma_wait3A_485 : memref<128x16xf32, #tpu.memory_space<vmem>>) dst(%dma_wait3A_491 : memref<10112x16xf32, #tpu.memory_space<vmem_shared>>)
        tpu.yield
      }) : () -> ()
      %add3A_457 = arith.constant 6 : i32
      %add3A_458 = arith.addi %add3A_435, %add3A_457 : i32
      %lt3A_459 = arith.constant 78 : i32
      %lt3A_460 = arith.cmpi slt, %add3A_458, %lt3A_459 : i32
      %convert_element_type3A_461 = arith.extui %lt3A_460 : i1 to i32
      %cond3A_462 = arith.constant 0 : i32
      %cond3A_463 = arith.cmpi ne, %convert_element_type3A_461, %cond3A_462 : i32
      scf.if %cond3A_463 {
        %add3A_471 = arith.constant 6 : i32
        %add3A_472 = arith.addi %add3A_435, %add3A_471 : i32
        %mul3A_473 = arith.constant 128 : i32
        %mul3A_474 = arith.muli %add3A_472, %mul3A_473 : i32
        %add3A_475 = arith.addi %mul3A_2, %mul3A_474 : i32
        %dma_start3A_476 = arith.constant 5 : i32
        %dma_start3A_477 = arith.constant 5 : i32
        %dma_start3A_478 = arith.constant 0 : i32
        %dma_start3A_479 = arith.constant 0 : i32
        %dma_start3A_480 = tpu.memref_slice %arg6[%dma_start3A_476, %dma_start3A_478, %dma_start3A_479] : memref<6x2x128xi32, #tpu.memory_space<vmem>> -> memref<1x2x128xi32, #tpu.memory_space<vmem>>
        %dma_start3A_481 = tpu.memref_squeeze %dma_start3A_480 : memref<1x2x128xi32, #tpu.memory_space<vmem>> -> memref<2x128xi32, #tpu.memory_space<vmem>>
        %dma_start3A_482 = arith.constant 0 : i32
        %dma_start3A_483 = tpu.memref_slice %arg3[%dma_start3A_482, %add3A_475] : memref<2x320000xi32, #tpu.memory_space<hbm>> -> memref<2x128xi32, #tpu.memory_space<hbm>>
        %dma_start3A_484 = tpu.memref_slice %arg9[%dma_start3A_477] : memref<6x!tpu.dma_semaphore, #tpu.memory_space<semaphore_mem>> -> memref<1x!tpu.dma_semaphore, #tpu.memory_space<semaphore_mem>>
        %dma_start3A_485 = tpu.memref_squeeze %dma_start3A_484 : memref<1x!tpu.dma_semaphore, #tpu.memory_space<semaphore_mem>> -> memref<!tpu.dma_semaphore, #tpu.memory_space<semaphore_mem>>
        %dma_start3A_486 = arith.constant 0 : i32
        %dma_start3A_487 = arith.constant 0 : i32
        %dma_start3A_488 = tpu.memref_slice %arg6[%dma_start3A_476, %dma_start3A_486, %dma_start3A_487] : memref<6x2x128xi32, #tpu.memory_space<vmem>> -> memref<1x2x128xi32, #tpu.memory_space<vmem>>
        %dma_start3A_489 = tpu.memref_squeeze %dma_start3A_488 : memref<1x2x128xi32, #tpu.memory_space<vmem>> -> memref<2x128xi32, #tpu.memory_space<vmem>>
        %dma_start3A_490 = arith.constant 0 : i32
        %dma_start3A_491 = tpu.memref_slice %arg3[%dma_start3A_490, %add3A_475] : memref<2x320000xi32, #tpu.memory_space<hbm>> -> memref<2x128xi32, #tpu.memory_space<hbm>>
        tpu.enqueue_dma source(%dma_start3A_491 : memref<2x128xi32, #tpu.memory_space<hbm>>) target(%dma_start3A_489 : memref<2x128xi32, #tpu.memory_space<vmem>>) target_semaphore(%dma_start3A_485 : memref<!tpu.dma_semaphore, #tpu.memory_space<semaphore_mem>>)
      } else {
      }
      %add3A_464 = arith.constant 3 : i32
      %add3A_465 = arith.addi %add3A_435, %add3A_464 : i32
      %lt3A_466 = arith.constant 78 : i32
      %lt3A_467 = arith.cmpi slt, %add3A_465, %lt3A_466 : i32
      %convert_element_type3A_468 = arith.extui %lt3A_467 : i1 to i32
      %cond3A_469 = arith.constant 0 : i32
      %cond3A_470 = arith.cmpi ne, %convert_element_type3A_468, %cond3A_469 : i32
      scf.if %cond3A_470 {
        %dma_wait3A_471 = arith.constant 2 : i32
        %dma_wait3A_472 = arith.constant 2 : i32
        %dma_wait3A_473 = arith.constant 0 : i32
        %dma_wait3A_474 = arith.constant 0 : i32
        %dma_wait3A_475 = tpu.memref_slice %arg6[%dma_wait3A_471, %dma_wait3A_473, %dma_wait3A_474] : memref<6x2x128xi32, #tpu.memory_space<vmem>> -> memref<1x2x128xi32, #tpu.memory_space<vmem>>
        %dma_wait3A_476 = tpu.memref_squeeze %dma_wait3A_475 : memref<1x2x128xi32, #tpu.memory_space<vmem>> -> memref<2x128xi32, #tpu.memory_space<vmem>>
        %dma_wait3A_477 = arith.constant 0 : i32
        %dma_wait3A_478 = arith.constant 0 : i32
        %dma_wait3A_479 = tpu.memref_slice %arg3[%dma_wait3A_477, %dma_wait3A_478] : memref<2x320000xi32, #tpu.memory_space<hbm>> -> memref<2x128xi32, #tpu.memory_space<hbm>>
        %dma_wait3A_480 = tpu.memref_slice %arg9[%dma_wait3A_472] : memref<6x!tpu.dma_semaphore, #tpu.memory_space<semaphore_mem>> -> memref<1x!tpu.dma_semaphore, #tpu.memory_space<semaphore_mem>>
        %dma_wait3A_481 = tpu.memref_squeeze %dma_wait3A_480 : memref<1x!tpu.dma_semaphore, #tpu.memory_space<semaphore_mem>> -> memref<!tpu.dma_semaphore, #tpu.memory_space<semaphore_mem>>
        %dma_wait3A_482 = arith.constant 0 : i32
        %dma_wait3A_483 = arith.constant 0 : i32
        %dma_wait3A_484 = tpu.memref_slice %arg6[%dma_wait3A_471, %dma_wait3A_482, %dma_wait3A_483] : memref<6x2x128xi32, #tpu.memory_space<vmem>> -> memref<1x2x128xi32, #tpu.memory_space<vmem>>
        %dma_wait3A_485 = tpu.memref_squeeze %dma_wait3A_484 : memref<1x2x128xi32, #tpu.memory_space<vmem>> -> memref<2x128xi32, #tpu.memory_space<vmem>>
        %dma_wait3A_486 = arith.constant 0 : i32
        %dma_wait3A_487 = arith.constant 0 : i32
        %dma_wait3A_488 = tpu.memref_slice %arg3[%dma_wait3A_486, %dma_wait3A_487] : memref<2x320000xi32, #tpu.memory_space<hbm>> -> memref<2x128xi32, #tpu.memory_space<hbm>>
        tpu.wait_dma2 semaphore(%dma_wait3A_481 : memref<!tpu.dma_semaphore, #tpu.memory_space<semaphore_mem>>) src(%dma_wait3A_488 : memref<2x128xi32, #tpu.memory_space<hbm>>) dst(%dma_wait3A_485 : memref<2x128xi32, #tpu.memory_space<vmem>>)
        %dma_start3A_489 = arith.constant 2 : i32
        %dma_start3A_490 = arith.constant 0 : i32
        %dma_start3A_491 = arith.constant 2 : i32
        %dma_start3A_492 = arith.constant 2 : i32
        %dma_start3A_493 = arith.constant 0 : i32
        %dma_start3A_494 = arith.constant 0 : i32
        %dma_start3A_495 = tpu.memref_slice %arg7[%dma_start3A_491, %dma_start3A_493, %dma_start3A_494] : memref<3x128x16xf32, #tpu.memory_space<vmem>> -> memref<1x128x16xf32, #tpu.memory_space<vmem>>
        %dma_start3A_496 = tpu.memref_squeeze %dma_start3A_495 : memref<1x128x16xf32, #tpu.memory_space<vmem>> -> memref<128x16xf32, #tpu.memory_space<vmem>>
        %dma_start3A_497 = arith.constant 0 : i32
        %dma_start3A_498 = tpu.memref_slice %arg6[%dma_start3A_489, %dma_start3A_490, %dma_start3A_497] : memref<6x2x128xi32, #tpu.memory_space<vmem>> -> memref<1x1x128xi32, #tpu.memory_space<vmem>>
        %dma_start3A_499 = tpu.memref_squeeze %dma_start3A_498 : memref<1x1x128xi32, #tpu.memory_space<vmem>> -> memref<128xi32, #tpu.memory_space<vmem>>
        %dma_start3A_500 = arith.constant 0 : i32
        %dma_start3A_501 = arith.constant 0 : i32
        %dma_start3A_502 = tpu.memref_slice %arg2[%dma_start3A_500, %dma_start3A_501] : memref<10000x16xf32, #tpu.memory_space<hbm>> -> memref<10000x16xf32, #tpu.memory_space<hbm>>
        %dma_start3A_503 = tpu.memref_slice %arg10[%dma_start3A_492] : memref<3x!tpu.dma_semaphore, #tpu.memory_space<semaphore_mem>> -> memref<1x!tpu.dma_semaphore, #tpu.memory_space<semaphore_mem>>
        %dma_start3A_504 = tpu.memref_squeeze %dma_start3A_503 : memref<1x!tpu.dma_semaphore, #tpu.memory_space<semaphore_mem>> -> memref<!tpu.dma_semaphore, #tpu.memory_space<semaphore_mem>>
        tpu.enqueue_indirect_dma source(%dma_start3A_502 : memref<10000x16xf32, #tpu.memory_space<hbm>>) target(%dma_start3A_496 : memref<128x16xf32, #tpu.memory_space<vmem>>) offsets(%dma_start3A_499 : memref<128xi32, #tpu.memory_space<vmem>>) semaphore(%dma_start3A_504 : memref<!tpu.dma_semaphore, #tpu.memory_space<semaphore_mem>>)
      } else {
      }
    }
    %scan3A_233 = arith.constant 13 : i32
    %barrier3A_234 = arith.constant 0 : index
    tpu.barrier barrier_id(%barrier3A_234)
    %mul3A_235 = arith.constant 632 : i32
    %mul3A_236 = arith.muli %arg1, %mul3A_235 : i32
    %mul3A_237 = arith.constant 632 : i32
    %mul3A_238 = arith.muli %arg1, %mul3A_237 : i32
    "tpu.region"() ({
      %run_scoped3A_239 = tpu.sem_alloc : memref<!tpu.dma_semaphore, #tpu.memory_space<semaphore_mem>>
      %dma_start3A_240 = arith.constant 0 : i32
      %dma_start3A_241 = tpu.memref_slice %arg5[%arg0, %mul3A_238, %dma_start3A_240] : memref<2x10112x16xf32, #tpu.memory_space<hbm>> -> memref<1x632x16xf32, #tpu.memory_space<hbm>>
      %dma_start3A_242 = tpu.memref_squeeze %dma_start3A_241 : memref<1x632x16xf32, #tpu.memory_space<hbm>> -> memref<632x16xf32, #tpu.memory_space<hbm>>
      %dma_start3A_243 = arith.constant 0 : i32
      %dma_start3A_244 = tpu.memref_slice %arg8[%mul3A_236, %dma_start3A_243] : memref<10112x16xf32, #tpu.memory_space<vmem_shared>> -> memref<632x16xf32, #tpu.memory_space<vmem_shared>>
      tpu.enqueue_dma source(%dma_start3A_244 : memref<632x16xf32, #tpu.memory_space<vmem_shared>>) target(%dma_start3A_242 : memref<632x16xf32, #tpu.memory_space<hbm>>) target_semaphore(%run_scoped3A_239 : memref<!tpu.dma_semaphore, #tpu.memory_space<semaphore_mem>>)
      %dma_wait3A_245 = arith.constant 0 : i32
      %dma_wait3A_246 = tpu.memref_slice %arg5[%arg0, %mul3A_238, %dma_wait3A_245] : memref<2x10112x16xf32, #tpu.memory_space<hbm>> -> memref<1x632x16xf32, #tpu.memory_space<hbm>>
      %dma_wait3A_247 = tpu.memref_squeeze %dma_wait3A_246 : memref<1x632x16xf32, #tpu.memory_space<hbm>> -> memref<632x16xf32, #tpu.memory_space<hbm>>
      %dma_wait3A_248 = arith.constant 0 : i32
      %dma_wait3A_249 = tpu.memref_slice %arg8[%mul3A_236, %dma_wait3A_248] : memref<10112x16xf32, #tpu.memory_space<vmem_shared>> -> memref<632x16xf32, #tpu.memory_space<vmem_shared>>
      tpu.wait_dma2 semaphore(%run_scoped3A_239 : memref<!tpu.dma_semaphore, #tpu.memory_space<semaphore_mem>>) src(%dma_wait3A_249 : memref<632x16xf32, #tpu.memory_space<vmem_shared>>) dst(%dma_wait3A_247 : memref<632x16xf32, #tpu.memory_space<hbm>>)
      tpu.yield
    }) : () -> ()
    return
  }
}

#map = affine_map<(d0, d1) -> (0, 0)>
#map1 = affine_map<(d0, d1) -> (0, 0, 0)>
module attributes {stable_mosaic.version = 14 : i64} {
  func.func @seg(%arg0: i32, %arg1: i32, %arg2: memref<10000x128xf32, #tpu.memory_space<hbm>>, %arg3: memref<2x320000xi32, #tpu.memory_space<hbm>>, %arg4: memref<632x128xf32, #tpu.memory_space<hbm>>, %arg5: memref<632x16xf32, #tpu.memory_space<hbm>>, %arg6: memref<2x10112x128xf32, #tpu.memory_space<hbm>>, %arg7: memref<2x10112x16xf32, #tpu.memory_space<hbm>>, %arg8: memref<6x2x80xi32, #tpu.memory_space<vmem>>, %arg9: memref<3x80x128xf32, #tpu.memory_space<vmem>>, %arg10: memref<10112x128xf32, #tpu.memory_space<vmem_shared>>, %arg11: memref<6x!tpu.dma_semaphore, #tpu.memory_space<semaphore_mem>>, %arg12: memref<3x!tpu.dma_semaphore, #tpu.memory_space<semaphore_mem>>, %arg13: memref<80x16xf32, #tpu.memory_space<vmem>>, %arg14: memref<10112x16xf32, #tpu.memory_space<vmem_shared>>) attributes {dimension_semantics = [#tpu.dimension_semantics<core_parallel>, #tpu.dimension_semantics<subcore_parallel>], iteration_bounds = array<i64: 2, 16>, scalar_prefetch = 0 : i64, scratch_operands = 7 : i64, tpu.core_type = #tpu.core_type<sc_vector_subcore>, window_params = [{transform_indices = #map}, {transform_indices = #map}, {transform_indices = #map}, {transform_indices = #map}, {transform_indices = #map1}, {transform_indices = #map1}]} {
    %mul3A = arith.constant 2 : i32
    %mul3A_0 = arith.muli %arg1, %mul3A : i32
    %add3A = arith.addi %mul3A_0, %arg0 : i32
    %mul3A_1 = arith.constant 10000 : i32
    %mul3A_2 = arith.muli %add3A, %mul3A_1 : i32
    %mul3A_3 = arith.constant 632 : i32
    %mul3A_4 = arith.muli %arg1, %mul3A_3 : i32
    "tpu.region"() ({
      %run_scoped3A_1049 = tpu.sem_alloc : memref<!tpu.dma_semaphore, #tpu.memory_space<semaphore_mem>>
      %dma_start3A_1050 = arith.constant 0 : i32
      %dma_start3A_1051 = tpu.memref_slice %arg10[%mul3A_4, %dma_start3A_1050] : memref<10112x128xf32, #tpu.memory_space<vmem_shared>> -> memref<632x128xf32, #tpu.memory_space<vmem_shared>>
      tpu.enqueue_dma source(%arg4 : memref<632x128xf32, #tpu.memory_space<hbm>>) target(%dma_start3A_1051 : memref<632x128xf32, #tpu.memory_space<vmem_shared>>) target_semaphore(%run_scoped3A_1049 : memref<!tpu.dma_semaphore, #tpu.memory_space<semaphore_mem>>)
      %dma_wait3A_1052 = arith.constant 0 : i32
      %dma_wait3A_1053 = tpu.memref_slice %arg10[%mul3A_4, %dma_wait3A_1052] : memref<10112x128xf32, #tpu.memory_space<vmem_shared>> -> memref<632x128xf32, #tpu.memory_space<vmem_shared>>
      tpu.wait_dma2 semaphore(%run_scoped3A_1049 : memref<!tpu.dma_semaphore, #tpu.memory_space<semaphore_mem>>) src(%arg4 : memref<632x128xf32, #tpu.memory_space<hbm>>) dst(%dma_wait3A_1053 : memref<632x128xf32, #tpu.memory_space<vmem_shared>>)
      tpu.yield
    }) : () -> ()
    %mul3A_5 = arith.constant 632 : i32
    %mul3A_6 = arith.muli %arg1, %mul3A_5 : i32
    "tpu.region"() ({
      %run_scoped3A_1049 = tpu.sem_alloc : memref<!tpu.dma_semaphore, #tpu.memory_space<semaphore_mem>>
      %dma_start3A_1050 = arith.constant 0 : i32
      %dma_start3A_1051 = tpu.memref_slice %arg14[%mul3A_6, %dma_start3A_1050] : memref<10112x16xf32, #tpu.memory_space<vmem_shared>> -> memref<632x16xf32, #tpu.memory_space<vmem_shared>>
      tpu.enqueue_dma source(%arg5 : memref<632x16xf32, #tpu.memory_space<hbm>>) target(%dma_start3A_1051 : memref<632x16xf32, #tpu.memory_space<vmem_shared>>) target_semaphore(%run_scoped3A_1049 : memref<!tpu.dma_semaphore, #tpu.memory_space<semaphore_mem>>)
      %dma_wait3A_1052 = arith.constant 0 : i32
      %dma_wait3A_1053 = tpu.memref_slice %arg14[%mul3A_6, %dma_wait3A_1052] : memref<10112x16xf32, #tpu.memory_space<vmem_shared>> -> memref<632x16xf32, #tpu.memory_space<vmem_shared>>
      tpu.wait_dma2 semaphore(%run_scoped3A_1049 : memref<!tpu.dma_semaphore, #tpu.memory_space<semaphore_mem>>) src(%arg5 : memref<632x16xf32, #tpu.memory_space<hbm>>) dst(%dma_wait3A_1053 : memref<632x16xf32, #tpu.memory_space<vmem_shared>>)
      tpu.yield
    }) : () -> ()
    %broadcast_in_dim3A = arith.constant 1.000000e+00 : f32
    %broadcast_in_dim3A_7 = vector.broadcast %broadcast_in_dim3A : f32 to vector<16xf32>
    %swap3A = arith.constant 0 : i32
    %swap3A_8 = arith.index_cast %swap3A : i32 to index
    %swap3A_9 = arith.constant 0 : index
    %swap3A_10 = tpu.vector_load %arg13[%swap3A_8, %swap3A_9] {strides = array<i32>} : memref<80x16xf32, #tpu.memory_space<vmem>>, vector<1x16xf32>,
    %swap3A_11 = vector.shape_cast %swap3A_10 : vector<1x16xf32> to vector<16xf32>
    %swap3A_12 = vector.shape_cast %broadcast_in_dim3A_7 : vector<16xf32> to vector<1x16xf32>
    tpu.vector_store %arg13[%swap3A_8, %swap3A_9], %swap3A_12 {strides = array<i32>} : memref<80x16xf32, #tpu.memory_space<vmem>>, vector<1x16xf32>,
    %broadcast_in_dim3A_13 = arith.constant 1.000000e+00 : f32
    %broadcast_in_dim3A_14 = vector.broadcast %broadcast_in_dim3A_13 : f32 to vector<16xf32>
    %swap3A_15 = arith.constant 1 : i32
    %swap3A_16 = arith.index_cast %swap3A_15 : i32 to index
    %swap3A_17 = arith.constant 0 : index
    %swap3A_18 = tpu.vector_load %arg13[%swap3A_16, %swap3A_17] {strides = array<i32>} : memref<80x16xf32, #tpu.memory_space<vmem>>, vector<1x16xf32>,
    %swap3A_19 = vector.shape_cast %swap3A_18 : vector<1x16xf32> to vector<16xf32>
    %swap3A_20 = vector.shape_cast %broadcast_in_dim3A_14 : vector<16xf32> to vector<1x16xf32>
    tpu.vector_store %arg13[%swap3A_16, %swap3A_17], %swap3A_20 {strides = array<i32>} : memref<80x16xf32, #tpu.memory_space<vmem>>, vector<1x16xf32>,
    %broadcast_in_dim3A_21 = arith.constant 1.000000e+00 : f32
    %broadcast_in_dim3A_22 = vector.broadcast %broadcast_in_dim3A_21 : f32 to vector<16xf32>
    %swap3A_23 = arith.constant 2 : i32
    %swap3A_24 = arith.index_cast %swap3A_23 : i32 to index
    %swap3A_25 = arith.constant 0 : index
    %swap3A_26 = tpu.vector_load %arg13[%swap3A_24, %swap3A_25] {strides = array<i32>} : memref<80x16xf32, #tpu.memory_space<vmem>>, vector<1x16xf32>,
    %swap3A_27 = vector.shape_cast %swap3A_26 : vector<1x16xf32> to vector<16xf32>
    %swap3A_28 = vector.shape_cast %broadcast_in_dim3A_22 : vector<16xf32> to vector<1x16xf32>
    tpu.vector_store %arg13[%swap3A_24, %swap3A_25], %swap3A_28 {strides = array<i32>} : memref<80x16xf32, #tpu.memory_space<vmem>>, vector<1x16xf32>,
    %broadcast_in_dim3A_29 = arith.constant 1.000000e+00 : f32
    %broadcast_in_dim3A_30 = vector.broadcast %broadcast_in_dim3A_29 : f32 to vector<16xf32>
    %swap3A_31 = arith.constant 3 : i32
    %swap3A_32 = arith.index_cast %swap3A_31 : i32 to index
    %swap3A_33 = arith.constant 0 : index
    %swap3A_34 = tpu.vector_load %arg13[%swap3A_32, %swap3A_33] {strides = array<i32>} : memref<80x16xf32, #tpu.memory_space<vmem>>, vector<1x16xf32>,
    %swap3A_35 = vector.shape_cast %swap3A_34 : vector<1x16xf32> to vector<16xf32>
    %swap3A_36 = vector.shape_cast %broadcast_in_dim3A_30 : vector<16xf32> to vector<1x16xf32>
    tpu.vector_store %arg13[%swap3A_32, %swap3A_33], %swap3A_36 {strides = array<i32>} : memref<80x16xf32, #tpu.memory_space<vmem>>, vector<1x16xf32>,
    %broadcast_in_dim3A_37 = arith.constant 1.000000e+00 : f32
    %broadcast_in_dim3A_38 = vector.broadcast %broadcast_in_dim3A_37 : f32 to vector<16xf32>
    %swap3A_39 = arith.constant 4 : i32
    %swap3A_40 = arith.index_cast %swap3A_39 : i32 to index
    %swap3A_41 = arith.constant 0 : index
    %swap3A_42 = tpu.vector_load %arg13[%swap3A_40, %swap3A_41] {strides = array<i32>} : memref<80x16xf32, #tpu.memory_space<vmem>>, vector<1x16xf32>,
    %swap3A_43 = vector.shape_cast %swap3A_42 : vector<1x16xf32> to vector<16xf32>
    %swap3A_44 = vector.shape_cast %broadcast_in_dim3A_38 : vector<16xf32> to vector<1x16xf32>
    tpu.vector_store %arg13[%swap3A_40, %swap3A_41], %swap3A_44 {strides = array<i32>} : memref<80x16xf32, #tpu.memory_space<vmem>>, vector<1x16xf32>,
    %broadcast_in_dim3A_45 = arith.constant 1.000000e+00 : f32
    %broadcast_in_dim3A_46 = vector.broadcast %broadcast_in_dim3A_45 : f32 to vector<16xf32>
    %swap3A_47 = arith.constant 5 : i32
    %swap3A_48 = arith.index_cast %swap3A_47 : i32 to index
    %swap3A_49 = arith.constant 0 : index
    %swap3A_50 = tpu.vector_load %arg13[%swap3A_48, %swap3A_49] {strides = array<i32>} : memref<80x16xf32, #tpu.memory_space<vmem>>, vector<1x16xf32>,
    %swap3A_51 = vector.shape_cast %swap3A_50 : vector<1x16xf32> to vector<16xf32>
    %swap3A_52 = vector.shape_cast %broadcast_in_dim3A_46 : vector<16xf32> to vector<1x16xf32>
    tpu.vector_store %arg13[%swap3A_48, %swap3A_49], %swap3A_52 {strides = array<i32>} : memref<80x16xf32, #tpu.memory_space<vmem>>, vector<1x16xf32>,
    %broadcast_in_dim3A_53 = arith.constant 1.000000e+00 : f32
    %broadcast_in_dim3A_54 = vector.broadcast %broadcast_in_dim3A_53 : f32 to vector<16xf32>
    %swap3A_55 = arith.constant 6 : i32
    %swap3A_56 = arith.index_cast %swap3A_55 : i32 to index
    %swap3A_57 = arith.constant 0 : index
    %swap3A_58 = tpu.vector_load %arg13[%swap3A_56, %swap3A_57] {strides = array<i32>} : memref<80x16xf32, #tpu.memory_space<vmem>>, vector<1x16xf32>,
    %swap3A_59 = vector.shape_cast %swap3A_58 : vector<1x16xf32> to vector<16xf32>
    %swap3A_60 = vector.shape_cast %broadcast_in_dim3A_54 : vector<16xf32> to vector<1x16xf32>
    tpu.vector_store %arg13[%swap3A_56, %swap3A_57], %swap3A_60 {strides = array<i32>} : memref<80x16xf32, #tpu.memory_space<vmem>>, vector<1x16xf32>,
    %broadcast_in_dim3A_61 = arith.constant 1.000000e+00 : f32
    %broadcast_in_dim3A_62 = vector.broadcast %broadcast_in_dim3A_61 : f32 to vector<16xf32>
    %swap3A_63 = arith.constant 7 : i32
    %swap3A_64 = arith.index_cast %swap3A_63 : i32 to index
    %swap3A_65 = arith.constant 0 : index
    %swap3A_66 = tpu.vector_load %arg13[%swap3A_64, %swap3A_65] {strides = array<i32>} : memref<80x16xf32, #tpu.memory_space<vmem>>, vector<1x16xf32>,
    %swap3A_67 = vector.shape_cast %swap3A_66 : vector<1x16xf32> to vector<16xf32>
    %swap3A_68 = vector.shape_cast %broadcast_in_dim3A_62 : vector<16xf32> to vector<1x16xf32>
    tpu.vector_store %arg13[%swap3A_64, %swap3A_65], %swap3A_68 {strides = array<i32>} : memref<80x16xf32, #tpu.memory_space<vmem>>, vector<1x16xf32>,
    %broadcast_in_dim3A_69 = arith.constant 1.000000e+00 : f32
    %broadcast_in_dim3A_70 = vector.broadcast %broadcast_in_dim3A_69 : f32 to vector<16xf32>
    %swap3A_71 = arith.constant 8 : i32
    %swap3A_72 = arith.index_cast %swap3A_71 : i32 to index
    %swap3A_73 = arith.constant 0 : index
    %swap3A_74 = tpu.vector_load %arg13[%swap3A_72, %swap3A_73] {strides = array<i32>} : memref<80x16xf32, #tpu.memory_space<vmem>>, vector<1x16xf32>,
    %swap3A_75 = vector.shape_cast %swap3A_74 : vector<1x16xf32> to vector<16xf32>
    %swap3A_76 = vector.shape_cast %broadcast_in_dim3A_70 : vector<16xf32> to vector<1x16xf32>
    tpu.vector_store %arg13[%swap3A_72, %swap3A_73], %swap3A_76 {strides = array<i32>} : memref<80x16xf32, #tpu.memory_space<vmem>>, vector<1x16xf32>,
    %broadcast_in_dim3A_77 = arith.constant 1.000000e+00 : f32
    %broadcast_in_dim3A_78 = vector.broadcast %broadcast_in_dim3A_77 : f32 to vector<16xf32>
    %swap3A_79 = arith.constant 9 : i32
    %swap3A_80 = arith.index_cast %swap3A_79 : i32 to index
    %swap3A_81 = arith.constant 0 : index
    %swap3A_82 = tpu.vector_load %arg13[%swap3A_80, %swap3A_81] {strides = array<i32>} : memref<80x16xf32, #tpu.memory_space<vmem>>, vector<1x16xf32>,
    %swap3A_83 = vector.shape_cast %swap3A_82 : vector<1x16xf32> to vector<16xf32>
    %swap3A_84 = vector.shape_cast %broadcast_in_dim3A_78 : vector<16xf32> to vector<1x16xf32>
    tpu.vector_store %arg13[%swap3A_80, %swap3A_81], %swap3A_84 {strides = array<i32>} : memref<80x16xf32, #tpu.memory_space<vmem>>, vector<1x16xf32>,
    %broadcast_in_dim3A_85 = arith.constant 1.000000e+00 : f32
    %broadcast_in_dim3A_86 = vector.broadcast %broadcast_in_dim3A_85 : f32 to vector<16xf32>
    %swap3A_87 = arith.constant 10 : i32
    %swap3A_88 = arith.index_cast %swap3A_87 : i32 to index
    %swap3A_89 = arith.constant 0 : index
    %swap3A_90 = tpu.vector_load %arg13[%swap3A_88, %swap3A_89] {strides = array<i32>} : memref<80x16xf32, #tpu.memory_space<vmem>>, vector<1x16xf32>,
    %swap3A_91 = vector.shape_cast %swap3A_90 : vector<1x16xf32> to vector<16xf32>
    %swap3A_92 = vector.shape_cast %broadcast_in_dim3A_86 : vector<16xf32> to vector<1x16xf32>
    tpu.vector_store %arg13[%swap3A_88, %swap3A_89], %swap3A_92 {strides = array<i32>} : memref<80x16xf32, #tpu.memory_space<vmem>>, vector<1x16xf32>,
    %broadcast_in_dim3A_93 = arith.constant 1.000000e+00 : f32
    %broadcast_in_dim3A_94 = vector.broadcast %broadcast_in_dim3A_93 : f32 to vector<16xf32>
    %swap3A_95 = arith.constant 11 : i32
    %swap3A_96 = arith.index_cast %swap3A_95 : i32 to index
    %swap3A_97 = arith.constant 0 : index
    %swap3A_98 = tpu.vector_load %arg13[%swap3A_96, %swap3A_97] {strides = array<i32>} : memref<80x16xf32, #tpu.memory_space<vmem>>, vector<1x16xf32>,
    %swap3A_99 = vector.shape_cast %swap3A_98 : vector<1x16xf32> to vector<16xf32>
    %swap3A_100 = vector.shape_cast %broadcast_in_dim3A_94 : vector<16xf32> to vector<1x16xf32>
    tpu.vector_store %arg13[%swap3A_96, %swap3A_97], %swap3A_100 {strides = array<i32>} : memref<80x16xf32, #tpu.memory_space<vmem>>, vector<1x16xf32>,
    %broadcast_in_dim3A_101 = arith.constant 1.000000e+00 : f32
    %broadcast_in_dim3A_102 = vector.broadcast %broadcast_in_dim3A_101 : f32 to vector<16xf32>
    %swap3A_103 = arith.constant 12 : i32
    %swap3A_104 = arith.index_cast %swap3A_103 : i32 to index
    %swap3A_105 = arith.constant 0 : index
    %swap3A_106 = tpu.vector_load %arg13[%swap3A_104, %swap3A_105] {strides = array<i32>} : memref<80x16xf32, #tpu.memory_space<vmem>>, vector<1x16xf32>,
    %swap3A_107 = vector.shape_cast %swap3A_106 : vector<1x16xf32> to vector<16xf32>
    %swap3A_108 = vector.shape_cast %broadcast_in_dim3A_102 : vector<16xf32> to vector<1x16xf32>
    tpu.vector_store %arg13[%swap3A_104, %swap3A_105], %swap3A_108 {strides = array<i32>} : memref<80x16xf32, #tpu.memory_space<vmem>>, vector<1x16xf32>,
    %broadcast_in_dim3A_109 = arith.constant 1.000000e+00 : f32
    %broadcast_in_dim3A_110 = vector.broadcast %broadcast_in_dim3A_109 : f32 to vector<16xf32>
    %swap3A_111 = arith.constant 13 : i32
    %swap3A_112 = arith.index_cast %swap3A_111 : i32 to index
    %swap3A_113 = arith.constant 0 : index
    %swap3A_114 = tpu.vector_load %arg13[%swap3A_112, %swap3A_113] {strides = array<i32>} : memref<80x16xf32, #tpu.memory_space<vmem>>, vector<1x16xf32>,
    %swap3A_115 = vector.shape_cast %swap3A_114 : vector<1x16xf32> to vector<16xf32>
    %swap3A_116 = vector.shape_cast %broadcast_in_dim3A_110 : vector<16xf32> to vector<1x16xf32>
    tpu.vector_store %arg13[%swap3A_112, %swap3A_113], %swap3A_116 {strides = array<i32>} : memref<80x16xf32, #tpu.memory_space<vmem>>, vector<1x16xf32>,
    %broadcast_in_dim3A_117 = arith.constant 1.000000e+00 : f32
    %broadcast_in_dim3A_118 = vector.broadcast %broadcast_in_dim3A_117 : f32 to vector<16xf32>
    %swap3A_119 = arith.constant 14 : i32
    %swap3A_120 = arith.index_cast %swap3A_119 : i32 to index
    %swap3A_121 = arith.constant 0 : index
    %swap3A_122 = tpu.vector_load %arg13[%swap3A_120, %swap3A_121] {strides = array<i32>} : memref<80x16xf32, #tpu.memory_space<vmem>>, vector<1x16xf32>,
    %swap3A_123 = vector.shape_cast %swap3A_122 : vector<1x16xf32> to vector<16xf32>
    %swap3A_124 = vector.shape_cast %broadcast_in_dim3A_118 : vector<16xf32> to vector<1x16xf32>
    tpu.vector_store %arg13[%swap3A_120, %swap3A_121], %swap3A_124 {strides = array<i32>} : memref<80x16xf32, #tpu.memory_space<vmem>>, vector<1x16xf32>,
    %broadcast_in_dim3A_125 = arith.constant 1.000000e+00 : f32
    %broadcast_in_dim3A_126 = vector.broadcast %broadcast_in_dim3A_125 : f32 to vector<16xf32>
    %swap3A_127 = arith.constant 15 : i32
    %swap3A_128 = arith.index_cast %swap3A_127 : i32 to index
    %swap3A_129 = arith.constant 0 : index
    %swap3A_130 = tpu.vector_load %arg13[%swap3A_128, %swap3A_129] {strides = array<i32>} : memref<80x16xf32, #tpu.memory_space<vmem>>, vector<1x16xf32>,
    %swap3A_131 = vector.shape_cast %swap3A_130 : vector<1x16xf32> to vector<16xf32>
    %swap3A_132 = vector.shape_cast %broadcast_in_dim3A_126 : vector<16xf32> to vector<1x16xf32>
    tpu.vector_store %arg13[%swap3A_128, %swap3A_129], %swap3A_132 {strides = array<i32>} : memref<80x16xf32, #tpu.memory_space<vmem>>, vector<1x16xf32>,
    %broadcast_in_dim3A_133 = arith.constant 1.000000e+00 : f32
    %broadcast_in_dim3A_134 = vector.broadcast %broadcast_in_dim3A_133 : f32 to vector<16xf32>
    %swap3A_135 = arith.constant 16 : i32
    %swap3A_136 = arith.index_cast %swap3A_135 : i32 to index
    %swap3A_137 = arith.constant 0 : index
    %swap3A_138 = tpu.vector_load %arg13[%swap3A_136, %swap3A_137] {strides = array<i32>} : memref<80x16xf32, #tpu.memory_space<vmem>>, vector<1x16xf32>,
    %swap3A_139 = vector.shape_cast %swap3A_138 : vector<1x16xf32> to vector<16xf32>
    %swap3A_140 = vector.shape_cast %broadcast_in_dim3A_134 : vector<16xf32> to vector<1x16xf32>
    tpu.vector_store %arg13[%swap3A_136, %swap3A_137], %swap3A_140 {strides = array<i32>} : memref<80x16xf32, #tpu.memory_space<vmem>>, vector<1x16xf32>,
    %broadcast_in_dim3A_141 = arith.constant 1.000000e+00 : f32
    %broadcast_in_dim3A_142 = vector.broadcast %broadcast_in_dim3A_141 : f32 to vector<16xf32>
    %swap3A_143 = arith.constant 17 : i32
    %swap3A_144 = arith.index_cast %swap3A_143 : i32 to index
    %swap3A_145 = arith.constant 0 : index
    %swap3A_146 = tpu.vector_load %arg13[%swap3A_144, %swap3A_145] {strides = array<i32>} : memref<80x16xf32, #tpu.memory_space<vmem>>, vector<1x16xf32>,
    %swap3A_147 = vector.shape_cast %swap3A_146 : vector<1x16xf32> to vector<16xf32>
    %swap3A_148 = vector.shape_cast %broadcast_in_dim3A_142 : vector<16xf32> to vector<1x16xf32>
    tpu.vector_store %arg13[%swap3A_144, %swap3A_145], %swap3A_148 {strides = array<i32>} : memref<80x16xf32, #tpu.memory_space<vmem>>, vector<1x16xf32>,
    %broadcast_in_dim3A_149 = arith.constant 1.000000e+00 : f32
    %broadcast_in_dim3A_150 = vector.broadcast %broadcast_in_dim3A_149 : f32 to vector<16xf32>
    %swap3A_151 = arith.constant 18 : i32
    %swap3A_152 = arith.index_cast %swap3A_151 : i32 to index
    %swap3A_153 = arith.constant 0 : index
    %swap3A_154 = tpu.vector_load %arg13[%swap3A_152, %swap3A_153] {strides = array<i32>} : memref<80x16xf32, #tpu.memory_space<vmem>>, vector<1x16xf32>,
    %swap3A_155 = vector.shape_cast %swap3A_154 : vector<1x16xf32> to vector<16xf32>
    %swap3A_156 = vector.shape_cast %broadcast_in_dim3A_150 : vector<16xf32> to vector<1x16xf32>
    tpu.vector_store %arg13[%swap3A_152, %swap3A_153], %swap3A_156 {strides = array<i32>} : memref<80x16xf32, #tpu.memory_space<vmem>>, vector<1x16xf32>,
    %broadcast_in_dim3A_157 = arith.constant 1.000000e+00 : f32
    %broadcast_in_dim3A_158 = vector.broadcast %broadcast_in_dim3A_157 : f32 to vector<16xf32>
    %swap3A_159 = arith.constant 19 : i32
    %swap3A_160 = arith.index_cast %swap3A_159 : i32 to index
    %swap3A_161 = arith.constant 0 : index
    %swap3A_162 = tpu.vector_load %arg13[%swap3A_160, %swap3A_161] {strides = array<i32>} : memref<80x16xf32, #tpu.memory_space<vmem>>, vector<1x16xf32>,
    %swap3A_163 = vector.shape_cast %swap3A_162 : vector<1x16xf32> to vector<16xf32>
    %swap3A_164 = vector.shape_cast %broadcast_in_dim3A_158 : vector<16xf32> to vector<1x16xf32>
    tpu.vector_store %arg13[%swap3A_160, %swap3A_161], %swap3A_164 {strides = array<i32>} : memref<80x16xf32, #tpu.memory_space<vmem>>, vector<1x16xf32>,
    %broadcast_in_dim3A_165 = arith.constant 1.000000e+00 : f32
    %broadcast_in_dim3A_166 = vector.broadcast %broadcast_in_dim3A_165 : f32 to vector<16xf32>
    %swap3A_167 = arith.constant 20 : i32
    %swap3A_168 = arith.index_cast %swap3A_167 : i32 to index
    %swap3A_169 = arith.constant 0 : index
    %swap3A_170 = tpu.vector_load %arg13[%swap3A_168, %swap3A_169] {strides = array<i32>} : memref<80x16xf32, #tpu.memory_space<vmem>>, vector<1x16xf32>,
    %swap3A_171 = vector.shape_cast %swap3A_170 : vector<1x16xf32> to vector<16xf32>
    %swap3A_172 = vector.shape_cast %broadcast_in_dim3A_166 : vector<16xf32> to vector<1x16xf32>
    tpu.vector_store %arg13[%swap3A_168, %swap3A_169], %swap3A_172 {strides = array<i32>} : memref<80x16xf32, #tpu.memory_space<vmem>>, vector<1x16xf32>,
    %broadcast_in_dim3A_173 = arith.constant 1.000000e+00 : f32
    %broadcast_in_dim3A_174 = vector.broadcast %broadcast_in_dim3A_173 : f32 to vector<16xf32>
    %swap3A_175 = arith.constant 21 : i32
    %swap3A_176 = arith.index_cast %swap3A_175 : i32 to index
    %swap3A_177 = arith.constant 0 : index
    %swap3A_178 = tpu.vector_load %arg13[%swap3A_176, %swap3A_177] {strides = array<i32>} : memref<80x16xf32, #tpu.memory_space<vmem>>, vector<1x16xf32>,
    %swap3A_179 = vector.shape_cast %swap3A_178 : vector<1x16xf32> to vector<16xf32>
    %swap3A_180 = vector.shape_cast %broadcast_in_dim3A_174 : vector<16xf32> to vector<1x16xf32>
    tpu.vector_store %arg13[%swap3A_176, %swap3A_177], %swap3A_180 {strides = array<i32>} : memref<80x16xf32, #tpu.memory_space<vmem>>, vector<1x16xf32>,
    %broadcast_in_dim3A_181 = arith.constant 1.000000e+00 : f32
    %broadcast_in_dim3A_182 = vector.broadcast %broadcast_in_dim3A_181 : f32 to vector<16xf32>
    %swap3A_183 = arith.constant 22 : i32
    %swap3A_184 = arith.index_cast %swap3A_183 : i32 to index
    %swap3A_185 = arith.constant 0 : index
    %swap3A_186 = tpu.vector_load %arg13[%swap3A_184, %swap3A_185] {strides = array<i32>} : memref<80x16xf32, #tpu.memory_space<vmem>>, vector<1x16xf32>,
    %swap3A_187 = vector.shape_cast %swap3A_186 : vector<1x16xf32> to vector<16xf32>
    %swap3A_188 = vector.shape_cast %broadcast_in_dim3A_182 : vector<16xf32> to vector<1x16xf32>
    tpu.vector_store %arg13[%swap3A_184, %swap3A_185], %swap3A_188 {strides = array<i32>} : memref<80x16xf32, #tpu.memory_space<vmem>>, vector<1x16xf32>,
    %broadcast_in_dim3A_189 = arith.constant 1.000000e+00 : f32
    %broadcast_in_dim3A_190 = vector.broadcast %broadcast_in_dim3A_189 : f32 to vector<16xf32>
    %swap3A_191 = arith.constant 23 : i32
    %swap3A_192 = arith.index_cast %swap3A_191 : i32 to index
    %swap3A_193 = arith.constant 0 : index
    %swap3A_194 = tpu.vector_load %arg13[%swap3A_192, %swap3A_193] {strides = array<i32>} : memref<80x16xf32, #tpu.memory_space<vmem>>, vector<1x16xf32>,
    %swap3A_195 = vector.shape_cast %swap3A_194 : vector<1x16xf32> to vector<16xf32>
    %swap3A_196 = vector.shape_cast %broadcast_in_dim3A_190 : vector<16xf32> to vector<1x16xf32>
    tpu.vector_store %arg13[%swap3A_192, %swap3A_193], %swap3A_196 {strides = array<i32>} : memref<80x16xf32, #tpu.memory_space<vmem>>, vector<1x16xf32>,
    %broadcast_in_dim3A_197 = arith.constant 1.000000e+00 : f32
    %broadcast_in_dim3A_198 = vector.broadcast %broadcast_in_dim3A_197 : f32 to vector<16xf32>
    %swap3A_199 = arith.constant 24 : i32
    %swap3A_200 = arith.index_cast %swap3A_199 : i32 to index
    %swap3A_201 = arith.constant 0 : index
    %swap3A_202 = tpu.vector_load %arg13[%swap3A_200, %swap3A_201] {strides = array<i32>} : memref<80x16xf32, #tpu.memory_space<vmem>>, vector<1x16xf32>,
    %swap3A_203 = vector.shape_cast %swap3A_202 : vector<1x16xf32> to vector<16xf32>
    %swap3A_204 = vector.shape_cast %broadcast_in_dim3A_198 : vector<16xf32> to vector<1x16xf32>
    tpu.vector_store %arg13[%swap3A_200, %swap3A_201], %swap3A_204 {strides = array<i32>} : memref<80x16xf32, #tpu.memory_space<vmem>>, vector<1x16xf32>,
    %broadcast_in_dim3A_205 = arith.constant 1.000000e+00 : f32
    %broadcast_in_dim3A_206 = vector.broadcast %broadcast_in_dim3A_205 : f32 to vector<16xf32>
    %swap3A_207 = arith.constant 25 : i32
    %swap3A_208 = arith.index_cast %swap3A_207 : i32 to index
    %swap3A_209 = arith.constant 0 : index
    %swap3A_210 = tpu.vector_load %arg13[%swap3A_208, %swap3A_209] {strides = array<i32>} : memref<80x16xf32, #tpu.memory_space<vmem>>, vector<1x16xf32>,
    %swap3A_211 = vector.shape_cast %swap3A_210 : vector<1x16xf32> to vector<16xf32>
    %swap3A_212 = vector.shape_cast %broadcast_in_dim3A_206 : vector<16xf32> to vector<1x16xf32>
    tpu.vector_store %arg13[%swap3A_208, %swap3A_209], %swap3A_212 {strides = array<i32>} : memref<80x16xf32, #tpu.memory_space<vmem>>, vector<1x16xf32>,
    %broadcast_in_dim3A_213 = arith.constant 1.000000e+00 : f32
    %broadcast_in_dim3A_214 = vector.broadcast %broadcast_in_dim3A_213 : f32 to vector<16xf32>
    %swap3A_215 = arith.constant 26 : i32
    %swap3A_216 = arith.index_cast %swap3A_215 : i32 to index
    %swap3A_217 = arith.constant 0 : index
    %swap3A_218 = tpu.vector_load %arg13[%swap3A_216, %swap3A_217] {strides = array<i32>} : memref<80x16xf32, #tpu.memory_space<vmem>>, vector<1x16xf32>,
    %swap3A_219 = vector.shape_cast %swap3A_218 : vector<1x16xf32> to vector<16xf32>
    %swap3A_220 = vector.shape_cast %broadcast_in_dim3A_214 : vector<16xf32> to vector<1x16xf32>
    tpu.vector_store %arg13[%swap3A_216, %swap3A_217], %swap3A_220 {strides = array<i32>} : memref<80x16xf32, #tpu.memory_space<vmem>>, vector<1x16xf32>,
    %broadcast_in_dim3A_221 = arith.constant 1.000000e+00 : f32
    %broadcast_in_dim3A_222 = vector.broadcast %broadcast_in_dim3A_221 : f32 to vector<16xf32>
    %swap3A_223 = arith.constant 27 : i32
    %swap3A_224 = arith.index_cast %swap3A_223 : i32 to index
    %swap3A_225 = arith.constant 0 : index
    %swap3A_226 = tpu.vector_load %arg13[%swap3A_224, %swap3A_225] {strides = array<i32>} : memref<80x16xf32, #tpu.memory_space<vmem>>, vector<1x16xf32>,
    %swap3A_227 = vector.shape_cast %swap3A_226 : vector<1x16xf32> to vector<16xf32>
    %swap3A_228 = vector.shape_cast %broadcast_in_dim3A_222 : vector<16xf32> to vector<1x16xf32>
    tpu.vector_store %arg13[%swap3A_224, %swap3A_225], %swap3A_228 {strides = array<i32>} : memref<80x16xf32, #tpu.memory_space<vmem>>, vector<1x16xf32>,
    %broadcast_in_dim3A_229 = arith.constant 1.000000e+00 : f32
    %broadcast_in_dim3A_230 = vector.broadcast %broadcast_in_dim3A_229 : f32 to vector<16xf32>
    %swap3A_231 = arith.constant 28 : i32
    %swap3A_232 = arith.index_cast %swap3A_231 : i32 to index
    %swap3A_233 = arith.constant 0 : index
    %swap3A_234 = tpu.vector_load %arg13[%swap3A_232, %swap3A_233] {strides = array<i32>} : memref<80x16xf32, #tpu.memory_space<vmem>>, vector<1x16xf32>,
    %swap3A_235 = vector.shape_cast %swap3A_234 : vector<1x16xf32> to vector<16xf32>
    %swap3A_236 = vector.shape_cast %broadcast_in_dim3A_230 : vector<16xf32> to vector<1x16xf32>
    tpu.vector_store %arg13[%swap3A_232, %swap3A_233], %swap3A_236 {strides = array<i32>} : memref<80x16xf32, #tpu.memory_space<vmem>>, vector<1x16xf32>,
    %broadcast_in_dim3A_237 = arith.constant 1.000000e+00 : f32
    %broadcast_in_dim3A_238 = vector.broadcast %broadcast_in_dim3A_237 : f32 to vector<16xf32>
    %swap3A_239 = arith.constant 29 : i32
    %swap3A_240 = arith.index_cast %swap3A_239 : i32 to index
    %swap3A_241 = arith.constant 0 : index
    %swap3A_242 = tpu.vector_load %arg13[%swap3A_240, %swap3A_241] {strides = array<i32>} : memref<80x16xf32, #tpu.memory_space<vmem>>, vector<1x16xf32>,
    %swap3A_243 = vector.shape_cast %swap3A_242 : vector<1x16xf32> to vector<16xf32>
    %swap3A_244 = vector.shape_cast %broadcast_in_dim3A_238 : vector<16xf32> to vector<1x16xf32>
    tpu.vector_store %arg13[%swap3A_240, %swap3A_241], %swap3A_244 {strides = array<i32>} : memref<80x16xf32, #tpu.memory_space<vmem>>, vector<1x16xf32>,
    %broadcast_in_dim3A_245 = arith.constant 1.000000e+00 : f32
    %broadcast_in_dim3A_246 = vector.broadcast %broadcast_in_dim3A_245 : f32 to vector<16xf32>
    %swap3A_247 = arith.constant 30 : i32
    %swap3A_248 = arith.index_cast %swap3A_247 : i32 to index
    %swap3A_249 = arith.constant 0 : index
    %swap3A_250 = tpu.vector_load %arg13[%swap3A_248, %swap3A_249] {strides = array<i32>} : memref<80x16xf32, #tpu.memory_space<vmem>>, vector<1x16xf32>,
    %swap3A_251 = vector.shape_cast %swap3A_250 : vector<1x16xf32> to vector<16xf32>
    %swap3A_252 = vector.shape_cast %broadcast_in_dim3A_246 : vector<16xf32> to vector<1x16xf32>
    tpu.vector_store %arg13[%swap3A_248, %swap3A_249], %swap3A_252 {strides = array<i32>} : memref<80x16xf32, #tpu.memory_space<vmem>>, vector<1x16xf32>,
    %broadcast_in_dim3A_253 = arith.constant 1.000000e+00 : f32
    %broadcast_in_dim3A_254 = vector.broadcast %broadcast_in_dim3A_253 : f32 to vector<16xf32>
    %swap3A_255 = arith.constant 31 : i32
    %swap3A_256 = arith.index_cast %swap3A_255 : i32 to index
    %swap3A_257 = arith.constant 0 : index
    %swap3A_258 = tpu.vector_load %arg13[%swap3A_256, %swap3A_257] {strides = array<i32>} : memref<80x16xf32, #tpu.memory_space<vmem>>, vector<1x16xf32>,
    %swap3A_259 = vector.shape_cast %swap3A_258 : vector<1x16xf32> to vector<16xf32>
    %swap3A_260 = vector.shape_cast %broadcast_in_dim3A_254 : vector<16xf32> to vector<1x16xf32>
    tpu.vector_store %arg13[%swap3A_256, %swap3A_257], %swap3A_260 {strides = array<i32>} : memref<80x16xf32, #tpu.memory_space<vmem>>, vector<1x16xf32>,
    %broadcast_in_dim3A_261 = arith.constant 1.000000e+00 : f32
    %broadcast_in_dim3A_262 = vector.broadcast %broadcast_in_dim3A_261 : f32 to vector<16xf32>
    %swap3A_263 = arith.constant 32 : i32
    %swap3A_264 = arith.index_cast %swap3A_263 : i32 to index
    %swap3A_265 = arith.constant 0 : index
    %swap3A_266 = tpu.vector_load %arg13[%swap3A_264, %swap3A_265] {strides = array<i32>} : memref<80x16xf32, #tpu.memory_space<vmem>>, vector<1x16xf32>,
    %swap3A_267 = vector.shape_cast %swap3A_266 : vector<1x16xf32> to vector<16xf32>
    %swap3A_268 = vector.shape_cast %broadcast_in_dim3A_262 : vector<16xf32> to vector<1x16xf32>
    tpu.vector_store %arg13[%swap3A_264, %swap3A_265], %swap3A_268 {strides = array<i32>} : memref<80x16xf32, #tpu.memory_space<vmem>>, vector<1x16xf32>,
    %broadcast_in_dim3A_269 = arith.constant 1.000000e+00 : f32
    %broadcast_in_dim3A_270 = vector.broadcast %broadcast_in_dim3A_269 : f32 to vector<16xf32>
    %swap3A_271 = arith.constant 33 : i32
    %swap3A_272 = arith.index_cast %swap3A_271 : i32 to index
    %swap3A_273 = arith.constant 0 : index
    %swap3A_274 = tpu.vector_load %arg13[%swap3A_272, %swap3A_273] {strides = array<i32>} : memref<80x16xf32, #tpu.memory_space<vmem>>, vector<1x16xf32>,
    %swap3A_275 = vector.shape_cast %swap3A_274 : vector<1x16xf32> to vector<16xf32>
    %swap3A_276 = vector.shape_cast %broadcast_in_dim3A_270 : vector<16xf32> to vector<1x16xf32>
    tpu.vector_store %arg13[%swap3A_272, %swap3A_273], %swap3A_276 {strides = array<i32>} : memref<80x16xf32, #tpu.memory_space<vmem>>, vector<1x16xf32>,
    %broadcast_in_dim3A_277 = arith.constant 1.000000e+00 : f32
    %broadcast_in_dim3A_278 = vector.broadcast %broadcast_in_dim3A_277 : f32 to vector<16xf32>
    %swap3A_279 = arith.constant 34 : i32
    %swap3A_280 = arith.index_cast %swap3A_279 : i32 to index
    %swap3A_281 = arith.constant 0 : index
    %swap3A_282 = tpu.vector_load %arg13[%swap3A_280, %swap3A_281] {strides = array<i32>} : memref<80x16xf32, #tpu.memory_space<vmem>>, vector<1x16xf32>,
    %swap3A_283 = vector.shape_cast %swap3A_282 : vector<1x16xf32> to vector<16xf32>
    %swap3A_284 = vector.shape_cast %broadcast_in_dim3A_278 : vector<16xf32> to vector<1x16xf32>
    tpu.vector_store %arg13[%swap3A_280, %swap3A_281], %swap3A_284 {strides = array<i32>} : memref<80x16xf32, #tpu.memory_space<vmem>>, vector<1x16xf32>,
    %broadcast_in_dim3A_285 = arith.constant 1.000000e+00 : f32
    %broadcast_in_dim3A_286 = vector.broadcast %broadcast_in_dim3A_285 : f32 to vector<16xf32>
    %swap3A_287 = arith.constant 35 : i32
    %swap3A_288 = arith.index_cast %swap3A_287 : i32 to index
    %swap3A_289 = arith.constant 0 : index
    %swap3A_290 = tpu.vector_load %arg13[%swap3A_288, %swap3A_289] {strides = array<i32>} : memref<80x16xf32, #tpu.memory_space<vmem>>, vector<1x16xf32>,
    %swap3A_291 = vector.shape_cast %swap3A_290 : vector<1x16xf32> to vector<16xf32>
    %swap3A_292 = vector.shape_cast %broadcast_in_dim3A_286 : vector<16xf32> to vector<1x16xf32>
    tpu.vector_store %arg13[%swap3A_288, %swap3A_289], %swap3A_292 {strides = array<i32>} : memref<80x16xf32, #tpu.memory_space<vmem>>, vector<1x16xf32>,
    %broadcast_in_dim3A_293 = arith.constant 1.000000e+00 : f32
    %broadcast_in_dim3A_294 = vector.broadcast %broadcast_in_dim3A_293 : f32 to vector<16xf32>
    %swap3A_295 = arith.constant 36 : i32
    %swap3A_296 = arith.index_cast %swap3A_295 : i32 to index
    %swap3A_297 = arith.constant 0 : index
    %swap3A_298 = tpu.vector_load %arg13[%swap3A_296, %swap3A_297] {strides = array<i32>} : memref<80x16xf32, #tpu.memory_space<vmem>>, vector<1x16xf32>,
    %swap3A_299 = vector.shape_cast %swap3A_298 : vector<1x16xf32> to vector<16xf32>
    %swap3A_300 = vector.shape_cast %broadcast_in_dim3A_294 : vector<16xf32> to vector<1x16xf32>
    tpu.vector_store %arg13[%swap3A_296, %swap3A_297], %swap3A_300 {strides = array<i32>} : memref<80x16xf32, #tpu.memory_space<vmem>>, vector<1x16xf32>,
    %broadcast_in_dim3A_301 = arith.constant 1.000000e+00 : f32
    %broadcast_in_dim3A_302 = vector.broadcast %broadcast_in_dim3A_301 : f32 to vector<16xf32>
    %swap3A_303 = arith.constant 37 : i32
    %swap3A_304 = arith.index_cast %swap3A_303 : i32 to index
    %swap3A_305 = arith.constant 0 : index
    %swap3A_306 = tpu.vector_load %arg13[%swap3A_304, %swap3A_305] {strides = array<i32>} : memref<80x16xf32, #tpu.memory_space<vmem>>, vector<1x16xf32>,
    %swap3A_307 = vector.shape_cast %swap3A_306 : vector<1x16xf32> to vector<16xf32>
    %swap3A_308 = vector.shape_cast %broadcast_in_dim3A_302 : vector<16xf32> to vector<1x16xf32>
    tpu.vector_store %arg13[%swap3A_304, %swap3A_305], %swap3A_308 {strides = array<i32>} : memref<80x16xf32, #tpu.memory_space<vmem>>, vector<1x16xf32>,
    %broadcast_in_dim3A_309 = arith.constant 1.000000e+00 : f32
    %broadcast_in_dim3A_310 = vector.broadcast %broadcast_in_dim3A_309 : f32 to vector<16xf32>
    %swap3A_311 = arith.constant 38 : i32
    %swap3A_312 = arith.index_cast %swap3A_311 : i32 to index
    %swap3A_313 = arith.constant 0 : index
    %swap3A_314 = tpu.vector_load %arg13[%swap3A_312, %swap3A_313] {strides = array<i32>} : memref<80x16xf32, #tpu.memory_space<vmem>>, vector<1x16xf32>,
    %swap3A_315 = vector.shape_cast %swap3A_314 : vector<1x16xf32> to vector<16xf32>
    %swap3A_316 = vector.shape_cast %broadcast_in_dim3A_310 : vector<16xf32> to vector<1x16xf32>
    tpu.vector_store %arg13[%swap3A_312, %swap3A_313], %swap3A_316 {strides = array<i32>} : memref<80x16xf32, #tpu.memory_space<vmem>>, vector<1x16xf32>,
    %broadcast_in_dim3A_317 = arith.constant 1.000000e+00 : f32
    %broadcast_in_dim3A_318 = vector.broadcast %broadcast_in_dim3A_317 : f32 to vector<16xf32>
    %swap3A_319 = arith.constant 39 : i32
    %swap3A_320 = arith.index_cast %swap3A_319 : i32 to index
    %swap3A_321 = arith.constant 0 : index
    %swap3A_322 = tpu.vector_load %arg13[%swap3A_320, %swap3A_321] {strides = array<i32>} : memref<80x16xf32, #tpu.memory_space<vmem>>, vector<1x16xf32>,
    %swap3A_323 = vector.shape_cast %swap3A_322 : vector<1x16xf32> to vector<16xf32>
    %swap3A_324 = vector.shape_cast %broadcast_in_dim3A_318 : vector<16xf32> to vector<1x16xf32>
    tpu.vector_store %arg13[%swap3A_320, %swap3A_321], %swap3A_324 {strides = array<i32>} : memref<80x16xf32, #tpu.memory_space<vmem>>, vector<1x16xf32>,
    %broadcast_in_dim3A_325 = arith.constant 1.000000e+00 : f32
    %broadcast_in_dim3A_326 = vector.broadcast %broadcast_in_dim3A_325 : f32 to vector<16xf32>
    %swap3A_327 = arith.constant 40 : i32
    %swap3A_328 = arith.index_cast %swap3A_327 : i32 to index
    %swap3A_329 = arith.constant 0 : index
    %swap3A_330 = tpu.vector_load %arg13[%swap3A_328, %swap3A_329] {strides = array<i32>} : memref<80x16xf32, #tpu.memory_space<vmem>>, vector<1x16xf32>,
    %swap3A_331 = vector.shape_cast %swap3A_330 : vector<1x16xf32> to vector<16xf32>
    %swap3A_332 = vector.shape_cast %broadcast_in_dim3A_326 : vector<16xf32> to vector<1x16xf32>
    tpu.vector_store %arg13[%swap3A_328, %swap3A_329], %swap3A_332 {strides = array<i32>} : memref<80x16xf32, #tpu.memory_space<vmem>>, vector<1x16xf32>,
    %broadcast_in_dim3A_333 = arith.constant 1.000000e+00 : f32
    %broadcast_in_dim3A_334 = vector.broadcast %broadcast_in_dim3A_333 : f32 to vector<16xf32>
    %swap3A_335 = arith.constant 41 : i32
    %swap3A_336 = arith.index_cast %swap3A_335 : i32 to index
    %swap3A_337 = arith.constant 0 : index
    %swap3A_338 = tpu.vector_load %arg13[%swap3A_336, %swap3A_337] {strides = array<i32>} : memref<80x16xf32, #tpu.memory_space<vmem>>, vector<1x16xf32>,
    %swap3A_339 = vector.shape_cast %swap3A_338 : vector<1x16xf32> to vector<16xf32>
    %swap3A_340 = vector.shape_cast %broadcast_in_dim3A_334 : vector<16xf32> to vector<1x16xf32>
    tpu.vector_store %arg13[%swap3A_336, %swap3A_337], %swap3A_340 {strides = array<i32>} : memref<80x16xf32, #tpu.memory_space<vmem>>, vector<1x16xf32>,
    %broadcast_in_dim3A_341 = arith.constant 1.000000e+00 : f32
    %broadcast_in_dim3A_342 = vector.broadcast %broadcast_in_dim3A_341 : f32 to vector<16xf32>
    %swap3A_343 = arith.constant 42 : i32
    %swap3A_344 = arith.index_cast %swap3A_343 : i32 to index
    %swap3A_345 = arith.constant 0 : index
    %swap3A_346 = tpu.vector_load %arg13[%swap3A_344, %swap3A_345] {strides = array<i32>} : memref<80x16xf32, #tpu.memory_space<vmem>>, vector<1x16xf32>,
    %swap3A_347 = vector.shape_cast %swap3A_346 : vector<1x16xf32> to vector<16xf32>
    %swap3A_348 = vector.shape_cast %broadcast_in_dim3A_342 : vector<16xf32> to vector<1x16xf32>
    tpu.vector_store %arg13[%swap3A_344, %swap3A_345], %swap3A_348 {strides = array<i32>} : memref<80x16xf32, #tpu.memory_space<vmem>>, vector<1x16xf32>,
    %broadcast_in_dim3A_349 = arith.constant 1.000000e+00 : f32
    %broadcast_in_dim3A_350 = vector.broadcast %broadcast_in_dim3A_349 : f32 to vector<16xf32>
    %swap3A_351 = arith.constant 43 : i32
    %swap3A_352 = arith.index_cast %swap3A_351 : i32 to index
    %swap3A_353 = arith.constant 0 : index
    %swap3A_354 = tpu.vector_load %arg13[%swap3A_352, %swap3A_353] {strides = array<i32>} : memref<80x16xf32, #tpu.memory_space<vmem>>, vector<1x16xf32>,
    %swap3A_355 = vector.shape_cast %swap3A_354 : vector<1x16xf32> to vector<16xf32>
    %swap3A_356 = vector.shape_cast %broadcast_in_dim3A_350 : vector<16xf32> to vector<1x16xf32>
    tpu.vector_store %arg13[%swap3A_352, %swap3A_353], %swap3A_356 {strides = array<i32>} : memref<80x16xf32, #tpu.memory_space<vmem>>, vector<1x16xf32>,
    %broadcast_in_dim3A_357 = arith.constant 1.000000e+00 : f32
    %broadcast_in_dim3A_358 = vector.broadcast %broadcast_in_dim3A_357 : f32 to vector<16xf32>
    %swap3A_359 = arith.constant 44 : i32
    %swap3A_360 = arith.index_cast %swap3A_359 : i32 to index
    %swap3A_361 = arith.constant 0 : index
    %swap3A_362 = tpu.vector_load %arg13[%swap3A_360, %swap3A_361] {strides = array<i32>} : memref<80x16xf32, #tpu.memory_space<vmem>>, vector<1x16xf32>,
    %swap3A_363 = vector.shape_cast %swap3A_362 : vector<1x16xf32> to vector<16xf32>
    %swap3A_364 = vector.shape_cast %broadcast_in_dim3A_358 : vector<16xf32> to vector<1x16xf32>
    tpu.vector_store %arg13[%swap3A_360, %swap3A_361], %swap3A_364 {strides = array<i32>} : memref<80x16xf32, #tpu.memory_space<vmem>>, vector<1x16xf32>,
    %broadcast_in_dim3A_365 = arith.constant 1.000000e+00 : f32
    %broadcast_in_dim3A_366 = vector.broadcast %broadcast_in_dim3A_365 : f32 to vector<16xf32>
    %swap3A_367 = arith.constant 45 : i32
    %swap3A_368 = arith.index_cast %swap3A_367 : i32 to index
    %swap3A_369 = arith.constant 0 : index
    %swap3A_370 = tpu.vector_load %arg13[%swap3A_368, %swap3A_369] {strides = array<i32>} : memref<80x16xf32, #tpu.memory_space<vmem>>, vector<1x16xf32>,
    %swap3A_371 = vector.shape_cast %swap3A_370 : vector<1x16xf32> to vector<16xf32>
    %swap3A_372 = vector.shape_cast %broadcast_in_dim3A_366 : vector<16xf32> to vector<1x16xf32>
    tpu.vector_store %arg13[%swap3A_368, %swap3A_369], %swap3A_372 {strides = array<i32>} : memref<80x16xf32, #tpu.memory_space<vmem>>, vector<1x16xf32>,
    %broadcast_in_dim3A_373 = arith.constant 1.000000e+00 : f32
    %broadcast_in_dim3A_374 = vector.broadcast %broadcast_in_dim3A_373 : f32 to vector<16xf32>
    %swap3A_375 = arith.constant 46 : i32
    %swap3A_376 = arith.index_cast %swap3A_375 : i32 to index
    %swap3A_377 = arith.constant 0 : index
    %swap3A_378 = tpu.vector_load %arg13[%swap3A_376, %swap3A_377] {strides = array<i32>} : memref<80x16xf32, #tpu.memory_space<vmem>>, vector<1x16xf32>,
    %swap3A_379 = vector.shape_cast %swap3A_378 : vector<1x16xf32> to vector<16xf32>
    %swap3A_380 = vector.shape_cast %broadcast_in_dim3A_374 : vector<16xf32> to vector<1x16xf32>
    tpu.vector_store %arg13[%swap3A_376, %swap3A_377], %swap3A_380 {strides = array<i32>} : memref<80x16xf32, #tpu.memory_space<vmem>>, vector<1x16xf32>,
    %broadcast_in_dim3A_381 = arith.constant 1.000000e+00 : f32
    %broadcast_in_dim3A_382 = vector.broadcast %broadcast_in_dim3A_381 : f32 to vector<16xf32>
    %swap3A_383 = arith.constant 47 : i32
    %swap3A_384 = arith.index_cast %swap3A_383 : i32 to index
    %swap3A_385 = arith.constant 0 : index
    %swap3A_386 = tpu.vector_load %arg13[%swap3A_384, %swap3A_385] {strides = array<i32>} : memref<80x16xf32, #tpu.memory_space<vmem>>, vector<1x16xf32>,
    %swap3A_387 = vector.shape_cast %swap3A_386 : vector<1x16xf32> to vector<16xf32>
    %swap3A_388 = vector.shape_cast %broadcast_in_dim3A_382 : vector<16xf32> to vector<1x16xf32>
    tpu.vector_store %arg13[%swap3A_384, %swap3A_385], %swap3A_388 {strides = array<i32>} : memref<80x16xf32, #tpu.memory_space<vmem>>, vector<1x16xf32>,
    %broadcast_in_dim3A_389 = arith.constant 1.000000e+00 : f32
    %broadcast_in_dim3A_390 = vector.broadcast %broadcast_in_dim3A_389 : f32 to vector<16xf32>
    %swap3A_391 = arith.constant 48 : i32
    %swap3A_392 = arith.index_cast %swap3A_391 : i32 to index
    %swap3A_393 = arith.constant 0 : index
    %swap3A_394 = tpu.vector_load %arg13[%swap3A_392, %swap3A_393] {strides = array<i32>} : memref<80x16xf32, #tpu.memory_space<vmem>>, vector<1x16xf32>,
    %swap3A_395 = vector.shape_cast %swap3A_394 : vector<1x16xf32> to vector<16xf32>
    %swap3A_396 = vector.shape_cast %broadcast_in_dim3A_390 : vector<16xf32> to vector<1x16xf32>
    tpu.vector_store %arg13[%swap3A_392, %swap3A_393], %swap3A_396 {strides = array<i32>} : memref<80x16xf32, #tpu.memory_space<vmem>>, vector<1x16xf32>,
    %broadcast_in_dim3A_397 = arith.constant 1.000000e+00 : f32
    %broadcast_in_dim3A_398 = vector.broadcast %broadcast_in_dim3A_397 : f32 to vector<16xf32>
    %swap3A_399 = arith.constant 49 : i32
    %swap3A_400 = arith.index_cast %swap3A_399 : i32 to index
    %swap3A_401 = arith.constant 0 : index
    %swap3A_402 = tpu.vector_load %arg13[%swap3A_400, %swap3A_401] {strides = array<i32>} : memref<80x16xf32, #tpu.memory_space<vmem>>, vector<1x16xf32>,
    %swap3A_403 = vector.shape_cast %swap3A_402 : vector<1x16xf32> to vector<16xf32>
    %swap3A_404 = vector.shape_cast %broadcast_in_dim3A_398 : vector<16xf32> to vector<1x16xf32>
    tpu.vector_store %arg13[%swap3A_400, %swap3A_401], %swap3A_404 {strides = array<i32>} : memref<80x16xf32, #tpu.memory_space<vmem>>, vector<1x16xf32>,
    %broadcast_in_dim3A_405 = arith.constant 1.000000e+00 : f32
    %broadcast_in_dim3A_406 = vector.broadcast %broadcast_in_dim3A_405 : f32 to vector<16xf32>
    %swap3A_407 = arith.constant 50 : i32
    %swap3A_408 = arith.index_cast %swap3A_407 : i32 to index
    %swap3A_409 = arith.constant 0 : index
    %swap3A_410 = tpu.vector_load %arg13[%swap3A_408, %swap3A_409] {strides = array<i32>} : memref<80x16xf32, #tpu.memory_space<vmem>>, vector<1x16xf32>,
    %swap3A_411 = vector.shape_cast %swap3A_410 : vector<1x16xf32> to vector<16xf32>
    %swap3A_412 = vector.shape_cast %broadcast_in_dim3A_406 : vector<16xf32> to vector<1x16xf32>
    tpu.vector_store %arg13[%swap3A_408, %swap3A_409], %swap3A_412 {strides = array<i32>} : memref<80x16xf32, #tpu.memory_space<vmem>>, vector<1x16xf32>,
    %broadcast_in_dim3A_413 = arith.constant 1.000000e+00 : f32
    %broadcast_in_dim3A_414 = vector.broadcast %broadcast_in_dim3A_413 : f32 to vector<16xf32>
    %swap3A_415 = arith.constant 51 : i32
    %swap3A_416 = arith.index_cast %swap3A_415 : i32 to index
    %swap3A_417 = arith.constant 0 : index
    %swap3A_418 = tpu.vector_load %arg13[%swap3A_416, %swap3A_417] {strides = array<i32>} : memref<80x16xf32, #tpu.memory_space<vmem>>, vector<1x16xf32>,
    %swap3A_419 = vector.shape_cast %swap3A_418 : vector<1x16xf32> to vector<16xf32>
    %swap3A_420 = vector.shape_cast %broadcast_in_dim3A_414 : vector<16xf32> to vector<1x16xf32>
    tpu.vector_store %arg13[%swap3A_416, %swap3A_417], %swap3A_420 {strides = array<i32>} : memref<80x16xf32, #tpu.memory_space<vmem>>, vector<1x16xf32>,
    %broadcast_in_dim3A_421 = arith.constant 1.000000e+00 : f32
    %broadcast_in_dim3A_422 = vector.broadcast %broadcast_in_dim3A_421 : f32 to vector<16xf32>
    %swap3A_423 = arith.constant 52 : i32
    %swap3A_424 = arith.index_cast %swap3A_423 : i32 to index
    %swap3A_425 = arith.constant 0 : index
    %swap3A_426 = tpu.vector_load %arg13[%swap3A_424, %swap3A_425] {strides = array<i32>} : memref<80x16xf32, #tpu.memory_space<vmem>>, vector<1x16xf32>,
    %swap3A_427 = vector.shape_cast %swap3A_426 : vector<1x16xf32> to vector<16xf32>
    %swap3A_428 = vector.shape_cast %broadcast_in_dim3A_422 : vector<16xf32> to vector<1x16xf32>
    tpu.vector_store %arg13[%swap3A_424, %swap3A_425], %swap3A_428 {strides = array<i32>} : memref<80x16xf32, #tpu.memory_space<vmem>>, vector<1x16xf32>,
    %broadcast_in_dim3A_429 = arith.constant 1.000000e+00 : f32
    %broadcast_in_dim3A_430 = vector.broadcast %broadcast_in_dim3A_429 : f32 to vector<16xf32>
    %swap3A_431 = arith.constant 53 : i32
    %swap3A_432 = arith.index_cast %swap3A_431 : i32 to index
    %swap3A_433 = arith.constant 0 : index
    %swap3A_434 = tpu.vector_load %arg13[%swap3A_432, %swap3A_433] {strides = array<i32>} : memref<80x16xf32, #tpu.memory_space<vmem>>, vector<1x16xf32>,
    %swap3A_435 = vector.shape_cast %swap3A_434 : vector<1x16xf32> to vector<16xf32>
    %swap3A_436 = vector.shape_cast %broadcast_in_dim3A_430 : vector<16xf32> to vector<1x16xf32>
    tpu.vector_store %arg13[%swap3A_432, %swap3A_433], %swap3A_436 {strides = array<i32>} : memref<80x16xf32, #tpu.memory_space<vmem>>, vector<1x16xf32>,
    %broadcast_in_dim3A_437 = arith.constant 1.000000e+00 : f32
    %broadcast_in_dim3A_438 = vector.broadcast %broadcast_in_dim3A_437 : f32 to vector<16xf32>
    %swap3A_439 = arith.constant 54 : i32
    %swap3A_440 = arith.index_cast %swap3A_439 : i32 to index
    %swap3A_441 = arith.constant 0 : index
    %swap3A_442 = tpu.vector_load %arg13[%swap3A_440, %swap3A_441] {strides = array<i32>} : memref<80x16xf32, #tpu.memory_space<vmem>>, vector<1x16xf32>,
    %swap3A_443 = vector.shape_cast %swap3A_442 : vector<1x16xf32> to vector<16xf32>
    %swap3A_444 = vector.shape_cast %broadcast_in_dim3A_438 : vector<16xf32> to vector<1x16xf32>
    tpu.vector_store %arg13[%swap3A_440, %swap3A_441], %swap3A_444 {strides = array<i32>} : memref<80x16xf32, #tpu.memory_space<vmem>>, vector<1x16xf32>,
    %broadcast_in_dim3A_445 = arith.constant 1.000000e+00 : f32
    %broadcast_in_dim3A_446 = vector.broadcast %broadcast_in_dim3A_445 : f32 to vector<16xf32>
    %swap3A_447 = arith.constant 55 : i32
    %swap3A_448 = arith.index_cast %swap3A_447 : i32 to index
    %swap3A_449 = arith.constant 0 : index
    %swap3A_450 = tpu.vector_load %arg13[%swap3A_448, %swap3A_449] {strides = array<i32>} : memref<80x16xf32, #tpu.memory_space<vmem>>, vector<1x16xf32>,
    %swap3A_451 = vector.shape_cast %swap3A_450 : vector<1x16xf32> to vector<16xf32>
    %swap3A_452 = vector.shape_cast %broadcast_in_dim3A_446 : vector<16xf32> to vector<1x16xf32>
    tpu.vector_store %arg13[%swap3A_448, %swap3A_449], %swap3A_452 {strides = array<i32>} : memref<80x16xf32, #tpu.memory_space<vmem>>, vector<1x16xf32>,
    %broadcast_in_dim3A_453 = arith.constant 1.000000e+00 : f32
    %broadcast_in_dim3A_454 = vector.broadcast %broadcast_in_dim3A_453 : f32 to vector<16xf32>
    %swap3A_455 = arith.constant 56 : i32
    %swap3A_456 = arith.index_cast %swap3A_455 : i32 to index
    %swap3A_457 = arith.constant 0 : index
    %swap3A_458 = tpu.vector_load %arg13[%swap3A_456, %swap3A_457] {strides = array<i32>} : memref<80x16xf32, #tpu.memory_space<vmem>>, vector<1x16xf32>,
    %swap3A_459 = vector.shape_cast %swap3A_458 : vector<1x16xf32> to vector<16xf32>
    %swap3A_460 = vector.shape_cast %broadcast_in_dim3A_454 : vector<16xf32> to vector<1x16xf32>
    tpu.vector_store %arg13[%swap3A_456, %swap3A_457], %swap3A_460 {strides = array<i32>} : memref<80x16xf32, #tpu.memory_space<vmem>>, vector<1x16xf32>,
    %broadcast_in_dim3A_461 = arith.constant 1.000000e+00 : f32
    %broadcast_in_dim3A_462 = vector.broadcast %broadcast_in_dim3A_461 : f32 to vector<16xf32>
    %swap3A_463 = arith.constant 57 : i32
    %swap3A_464 = arith.index_cast %swap3A_463 : i32 to index
    %swap3A_465 = arith.constant 0 : index
    %swap3A_466 = tpu.vector_load %arg13[%swap3A_464, %swap3A_465] {strides = array<i32>} : memref<80x16xf32, #tpu.memory_space<vmem>>, vector<1x16xf32>,
    %swap3A_467 = vector.shape_cast %swap3A_466 : vector<1x16xf32> to vector<16xf32>
    %swap3A_468 = vector.shape_cast %broadcast_in_dim3A_462 : vector<16xf32> to vector<1x16xf32>
    tpu.vector_store %arg13[%swap3A_464, %swap3A_465], %swap3A_468 {strides = array<i32>} : memref<80x16xf32, #tpu.memory_space<vmem>>, vector<1x16xf32>,
    %broadcast_in_dim3A_469 = arith.constant 1.000000e+00 : f32
    %broadcast_in_dim3A_470 = vector.broadcast %broadcast_in_dim3A_469 : f32 to vector<16xf32>
    %swap3A_471 = arith.constant 58 : i32
    %swap3A_472 = arith.index_cast %swap3A_471 : i32 to index
    %swap3A_473 = arith.constant 0 : index
    %swap3A_474 = tpu.vector_load %arg13[%swap3A_472, %swap3A_473] {strides = array<i32>} : memref<80x16xf32, #tpu.memory_space<vmem>>, vector<1x16xf32>,
    %swap3A_475 = vector.shape_cast %swap3A_474 : vector<1x16xf32> to vector<16xf32>
    %swap3A_476 = vector.shape_cast %broadcast_in_dim3A_470 : vector<16xf32> to vector<1x16xf32>
    tpu.vector_store %arg13[%swap3A_472, %swap3A_473], %swap3A_476 {strides = array<i32>} : memref<80x16xf32, #tpu.memory_space<vmem>>, vector<1x16xf32>,
    %broadcast_in_dim3A_477 = arith.constant 1.000000e+00 : f32
    %broadcast_in_dim3A_478 = vector.broadcast %broadcast_in_dim3A_477 : f32 to vector<16xf32>
    %swap3A_479 = arith.constant 59 : i32
    %swap3A_480 = arith.index_cast %swap3A_479 : i32 to index
    %swap3A_481 = arith.constant 0 : index
    %swap3A_482 = tpu.vector_load %arg13[%swap3A_480, %swap3A_481] {strides = array<i32>} : memref<80x16xf32, #tpu.memory_space<vmem>>, vector<1x16xf32>,
    %swap3A_483 = vector.shape_cast %swap3A_482 : vector<1x16xf32> to vector<16xf32>
    %swap3A_484 = vector.shape_cast %broadcast_in_dim3A_478 : vector<16xf32> to vector<1x16xf32>
    tpu.vector_store %arg13[%swap3A_480, %swap3A_481], %swap3A_484 {strides = array<i32>} : memref<80x16xf32, #tpu.memory_space<vmem>>, vector<1x16xf32>,
    %broadcast_in_dim3A_485 = arith.constant 1.000000e+00 : f32
    %broadcast_in_dim3A_486 = vector.broadcast %broadcast_in_dim3A_485 : f32 to vector<16xf32>
    %swap3A_487 = arith.constant 60 : i32
    %swap3A_488 = arith.index_cast %swap3A_487 : i32 to index
    %swap3A_489 = arith.constant 0 : index
    %swap3A_490 = tpu.vector_load %arg13[%swap3A_488, %swap3A_489] {strides = array<i32>} : memref<80x16xf32, #tpu.memory_space<vmem>>, vector<1x16xf32>,
    %swap3A_491 = vector.shape_cast %swap3A_490 : vector<1x16xf32> to vector<16xf32>
    %swap3A_492 = vector.shape_cast %broadcast_in_dim3A_486 : vector<16xf32> to vector<1x16xf32>
    tpu.vector_store %arg13[%swap3A_488, %swap3A_489], %swap3A_492 {strides = array<i32>} : memref<80x16xf32, #tpu.memory_space<vmem>>, vector<1x16xf32>,
    %broadcast_in_dim3A_493 = arith.constant 1.000000e+00 : f32
    %broadcast_in_dim3A_494 = vector.broadcast %broadcast_in_dim3A_493 : f32 to vector<16xf32>
    %swap3A_495 = arith.constant 61 : i32
    %swap3A_496 = arith.index_cast %swap3A_495 : i32 to index
    %swap3A_497 = arith.constant 0 : index
    %swap3A_498 = tpu.vector_load %arg13[%swap3A_496, %swap3A_497] {strides = array<i32>} : memref<80x16xf32, #tpu.memory_space<vmem>>, vector<1x16xf32>,
    %swap3A_499 = vector.shape_cast %swap3A_498 : vector<1x16xf32> to vector<16xf32>
    %swap3A_500 = vector.shape_cast %broadcast_in_dim3A_494 : vector<16xf32> to vector<1x16xf32>
    tpu.vector_store %arg13[%swap3A_496, %swap3A_497], %swap3A_500 {strides = array<i32>} : memref<80x16xf32, #tpu.memory_space<vmem>>, vector<1x16xf32>,
    %broadcast_in_dim3A_501 = arith.constant 1.000000e+00 : f32
    %broadcast_in_dim3A_502 = vector.broadcast %broadcast_in_dim3A_501 : f32 to vector<16xf32>
    %swap3A_503 = arith.constant 62 : i32
    %swap3A_504 = arith.index_cast %swap3A_503 : i32 to index
    %swap3A_505 = arith.constant 0 : index
    %swap3A_506 = tpu.vector_load %arg13[%swap3A_504, %swap3A_505] {strides = array<i32>} : memref<80x16xf32, #tpu.memory_space<vmem>>, vector<1x16xf32>,
    %swap3A_507 = vector.shape_cast %swap3A_506 : vector<1x16xf32> to vector<16xf32>
    %swap3A_508 = vector.shape_cast %broadcast_in_dim3A_502 : vector<16xf32> to vector<1x16xf32>
    tpu.vector_store %arg13[%swap3A_504, %swap3A_505], %swap3A_508 {strides = array<i32>} : memref<80x16xf32, #tpu.memory_space<vmem>>, vector<1x16xf32>,
    %broadcast_in_dim3A_509 = arith.constant 1.000000e+00 : f32
    %broadcast_in_dim3A_510 = vector.broadcast %broadcast_in_dim3A_509 : f32 to vector<16xf32>
    %swap3A_511 = arith.constant 63 : i32
    %swap3A_512 = arith.index_cast %swap3A_511 : i32 to index
    %swap3A_513 = arith.constant 0 : index
    %swap3A_514 = tpu.vector_load %arg13[%swap3A_512, %swap3A_513] {strides = array<i32>} : memref<80x16xf32, #tpu.memory_space<vmem>>, vector<1x16xf32>,
    %swap3A_515 = vector.shape_cast %swap3A_514 : vector<1x16xf32> to vector<16xf32>
    %swap3A_516 = vector.shape_cast %broadcast_in_dim3A_510 : vector<16xf32> to vector<1x16xf32>
    tpu.vector_store %arg13[%swap3A_512, %swap3A_513], %swap3A_516 {strides = array<i32>} : memref<80x16xf32, #tpu.memory_space<vmem>>, vector<1x16xf32>,
    %broadcast_in_dim3A_517 = arith.constant 1.000000e+00 : f32
    %broadcast_in_dim3A_518 = vector.broadcast %broadcast_in_dim3A_517 : f32 to vector<16xf32>
    %swap3A_519 = arith.constant 64 : i32
    %swap3A_520 = arith.index_cast %swap3A_519 : i32 to index
    %swap3A_521 = arith.constant 0 : index
    %swap3A_522 = tpu.vector_load %arg13[%swap3A_520, %swap3A_521] {strides = array<i32>} : memref<80x16xf32, #tpu.memory_space<vmem>>, vector<1x16xf32>,
    %swap3A_523 = vector.shape_cast %swap3A_522 : vector<1x16xf32> to vector<16xf32>
    %swap3A_524 = vector.shape_cast %broadcast_in_dim3A_518 : vector<16xf32> to vector<1x16xf32>
    tpu.vector_store %arg13[%swap3A_520, %swap3A_521], %swap3A_524 {strides = array<i32>} : memref<80x16xf32, #tpu.memory_space<vmem>>, vector<1x16xf32>,
    %broadcast_in_dim3A_525 = arith.constant 1.000000e+00 : f32
    %broadcast_in_dim3A_526 = vector.broadcast %broadcast_in_dim3A_525 : f32 to vector<16xf32>
    %swap3A_527 = arith.constant 65 : i32
    %swap3A_528 = arith.index_cast %swap3A_527 : i32 to index
    %swap3A_529 = arith.constant 0 : index
    %swap3A_530 = tpu.vector_load %arg13[%swap3A_528, %swap3A_529] {strides = array<i32>} : memref<80x16xf32, #tpu.memory_space<vmem>>, vector<1x16xf32>,
    %swap3A_531 = vector.shape_cast %swap3A_530 : vector<1x16xf32> to vector<16xf32>
    %swap3A_532 = vector.shape_cast %broadcast_in_dim3A_526 : vector<16xf32> to vector<1x16xf32>
    tpu.vector_store %arg13[%swap3A_528, %swap3A_529], %swap3A_532 {strides = array<i32>} : memref<80x16xf32, #tpu.memory_space<vmem>>, vector<1x16xf32>,
    %broadcast_in_dim3A_533 = arith.constant 1.000000e+00 : f32
    %broadcast_in_dim3A_534 = vector.broadcast %broadcast_in_dim3A_533 : f32 to vector<16xf32>
    %swap3A_535 = arith.constant 66 : i32
    %swap3A_536 = arith.index_cast %swap3A_535 : i32 to index
    %swap3A_537 = arith.constant 0 : index
    %swap3A_538 = tpu.vector_load %arg13[%swap3A_536, %swap3A_537] {strides = array<i32>} : memref<80x16xf32, #tpu.memory_space<vmem>>, vector<1x16xf32>,
    %swap3A_539 = vector.shape_cast %swap3A_538 : vector<1x16xf32> to vector<16xf32>
    %swap3A_540 = vector.shape_cast %broadcast_in_dim3A_534 : vector<16xf32> to vector<1x16xf32>
    tpu.vector_store %arg13[%swap3A_536, %swap3A_537], %swap3A_540 {strides = array<i32>} : memref<80x16xf32, #tpu.memory_space<vmem>>, vector<1x16xf32>,
    %broadcast_in_dim3A_541 = arith.constant 1.000000e+00 : f32
    %broadcast_in_dim3A_542 = vector.broadcast %broadcast_in_dim3A_541 : f32 to vector<16xf32>
    %swap3A_543 = arith.constant 67 : i32
    %swap3A_544 = arith.index_cast %swap3A_543 : i32 to index
    %swap3A_545 = arith.constant 0 : index
    %swap3A_546 = tpu.vector_load %arg13[%swap3A_544, %swap3A_545] {strides = array<i32>} : memref<80x16xf32, #tpu.memory_space<vmem>>, vector<1x16xf32>,
    %swap3A_547 = vector.shape_cast %swap3A_546 : vector<1x16xf32> to vector<16xf32>
    %swap3A_548 = vector.shape_cast %broadcast_in_dim3A_542 : vector<16xf32> to vector<1x16xf32>
    tpu.vector_store %arg13[%swap3A_544, %swap3A_545], %swap3A_548 {strides = array<i32>} : memref<80x16xf32, #tpu.memory_space<vmem>>, vector<1x16xf32>,
    %broadcast_in_dim3A_549 = arith.constant 1.000000e+00 : f32
    %broadcast_in_dim3A_550 = vector.broadcast %broadcast_in_dim3A_549 : f32 to vector<16xf32>
    %swap3A_551 = arith.constant 68 : i32
    %swap3A_552 = arith.index_cast %swap3A_551 : i32 to index
    %swap3A_553 = arith.constant 0 : index
    %swap3A_554 = tpu.vector_load %arg13[%swap3A_552, %swap3A_553] {strides = array<i32>} : memref<80x16xf32, #tpu.memory_space<vmem>>, vector<1x16xf32>,
    %swap3A_555 = vector.shape_cast %swap3A_554 : vector<1x16xf32> to vector<16xf32>
    %swap3A_556 = vector.shape_cast %broadcast_in_dim3A_550 : vector<16xf32> to vector<1x16xf32>
    tpu.vector_store %arg13[%swap3A_552, %swap3A_553], %swap3A_556 {strides = array<i32>} : memref<80x16xf32, #tpu.memory_space<vmem>>, vector<1x16xf32>,
    %broadcast_in_dim3A_557 = arith.constant 1.000000e+00 : f32
    %broadcast_in_dim3A_558 = vector.broadcast %broadcast_in_dim3A_557 : f32 to vector<16xf32>
    %swap3A_559 = arith.constant 69 : i32
    %swap3A_560 = arith.index_cast %swap3A_559 : i32 to index
    %swap3A_561 = arith.constant 0 : index
    %swap3A_562 = tpu.vector_load %arg13[%swap3A_560, %swap3A_561] {strides = array<i32>} : memref<80x16xf32, #tpu.memory_space<vmem>>, vector<1x16xf32>,
    %swap3A_563 = vector.shape_cast %swap3A_562 : vector<1x16xf32> to vector<16xf32>
    %swap3A_564 = vector.shape_cast %broadcast_in_dim3A_558 : vector<16xf32> to vector<1x16xf32>
    tpu.vector_store %arg13[%swap3A_560, %swap3A_561], %swap3A_564 {strides = array<i32>} : memref<80x16xf32, #tpu.memory_space<vmem>>, vector<1x16xf32>,
    %broadcast_in_dim3A_565 = arith.constant 1.000000e+00 : f32
    %broadcast_in_dim3A_566 = vector.broadcast %broadcast_in_dim3A_565 : f32 to vector<16xf32>
    %swap3A_567 = arith.constant 70 : i32
    %swap3A_568 = arith.index_cast %swap3A_567 : i32 to index
    %swap3A_569 = arith.constant 0 : index
    %swap3A_570 = tpu.vector_load %arg13[%swap3A_568, %swap3A_569] {strides = array<i32>} : memref<80x16xf32, #tpu.memory_space<vmem>>, vector<1x16xf32>,
    %swap3A_571 = vector.shape_cast %swap3A_570 : vector<1x16xf32> to vector<16xf32>
    %swap3A_572 = vector.shape_cast %broadcast_in_dim3A_566 : vector<16xf32> to vector<1x16xf32>
    tpu.vector_store %arg13[%swap3A_568, %swap3A_569], %swap3A_572 {strides = array<i32>} : memref<80x16xf32, #tpu.memory_space<vmem>>, vector<1x16xf32>,
    %broadcast_in_dim3A_573 = arith.constant 1.000000e+00 : f32
    %broadcast_in_dim3A_574 = vector.broadcast %broadcast_in_dim3A_573 : f32 to vector<16xf32>
    %swap3A_575 = arith.constant 71 : i32
    %swap3A_576 = arith.index_cast %swap3A_575 : i32 to index
    %swap3A_577 = arith.constant 0 : index
    %swap3A_578 = tpu.vector_load %arg13[%swap3A_576, %swap3A_577] {strides = array<i32>} : memref<80x16xf32, #tpu.memory_space<vmem>>, vector<1x16xf32>,
    %swap3A_579 = vector.shape_cast %swap3A_578 : vector<1x16xf32> to vector<16xf32>
    %swap3A_580 = vector.shape_cast %broadcast_in_dim3A_574 : vector<16xf32> to vector<1x16xf32>
    tpu.vector_store %arg13[%swap3A_576, %swap3A_577], %swap3A_580 {strides = array<i32>} : memref<80x16xf32, #tpu.memory_space<vmem>>, vector<1x16xf32>,
    %broadcast_in_dim3A_581 = arith.constant 1.000000e+00 : f32
    %broadcast_in_dim3A_582 = vector.broadcast %broadcast_in_dim3A_581 : f32 to vector<16xf32>
    %swap3A_583 = arith.constant 72 : i32
    %swap3A_584 = arith.index_cast %swap3A_583 : i32 to index
    %swap3A_585 = arith.constant 0 : index
    %swap3A_586 = tpu.vector_load %arg13[%swap3A_584, %swap3A_585] {strides = array<i32>} : memref<80x16xf32, #tpu.memory_space<vmem>>, vector<1x16xf32>,
    %swap3A_587 = vector.shape_cast %swap3A_586 : vector<1x16xf32> to vector<16xf32>
    %swap3A_588 = vector.shape_cast %broadcast_in_dim3A_582 : vector<16xf32> to vector<1x16xf32>
    tpu.vector_store %arg13[%swap3A_584, %swap3A_585], %swap3A_588 {strides = array<i32>} : memref<80x16xf32, #tpu.memory_space<vmem>>, vector<1x16xf32>,
    %broadcast_in_dim3A_589 = arith.constant 1.000000e+00 : f32
    %broadcast_in_dim3A_590 = vector.broadcast %broadcast_in_dim3A_589 : f32 to vector<16xf32>
    %swap3A_591 = arith.constant 73 : i32
    %swap3A_592 = arith.index_cast %swap3A_591 : i32 to index
    %swap3A_593 = arith.constant 0 : index
    %swap3A_594 = tpu.vector_load %arg13[%swap3A_592, %swap3A_593] {strides = array<i32>} : memref<80x16xf32, #tpu.memory_space<vmem>>, vector<1x16xf32>,
    %swap3A_595 = vector.shape_cast %swap3A_594 : vector<1x16xf32> to vector<16xf32>
    %swap3A_596 = vector.shape_cast %broadcast_in_dim3A_590 : vector<16xf32> to vector<1x16xf32>
    tpu.vector_store %arg13[%swap3A_592, %swap3A_593], %swap3A_596 {strides = array<i32>} : memref<80x16xf32, #tpu.memory_space<vmem>>, vector<1x16xf32>,
    %broadcast_in_dim3A_597 = arith.constant 1.000000e+00 : f32
    %broadcast_in_dim3A_598 = vector.broadcast %broadcast_in_dim3A_597 : f32 to vector<16xf32>
    %swap3A_599 = arith.constant 74 : i32
    %swap3A_600 = arith.index_cast %swap3A_599 : i32 to index
    %swap3A_601 = arith.constant 0 : index
    %swap3A_602 = tpu.vector_load %arg13[%swap3A_600, %swap3A_601] {strides = array<i32>} : memref<80x16xf32, #tpu.memory_space<vmem>>, vector<1x16xf32>,
    %swap3A_603 = vector.shape_cast %swap3A_602 : vector<1x16xf32> to vector<16xf32>
    %swap3A_604 = vector.shape_cast %broadcast_in_dim3A_598 : vector<16xf32> to vector<1x16xf32>
    tpu.vector_store %arg13[%swap3A_600, %swap3A_601], %swap3A_604 {strides = array<i32>} : memref<80x16xf32, #tpu.memory_space<vmem>>, vector<1x16xf32>,
    %broadcast_in_dim3A_605 = arith.constant 1.000000e+00 : f32
    %broadcast_in_dim3A_606 = vector.broadcast %broadcast_in_dim3A_605 : f32 to vector<16xf32>
    %swap3A_607 = arith.constant 75 : i32
    %swap3A_608 = arith.index_cast %swap3A_607 : i32 to index
    %swap3A_609 = arith.constant 0 : index
    %swap3A_610 = tpu.vector_load %arg13[%swap3A_608, %swap3A_609] {strides = array<i32>} : memref<80x16xf32, #tpu.memory_space<vmem>>, vector<1x16xf32>,
    %swap3A_611 = vector.shape_cast %swap3A_610 : vector<1x16xf32> to vector<16xf32>
    %swap3A_612 = vector.shape_cast %broadcast_in_dim3A_606 : vector<16xf32> to vector<1x16xf32>
    tpu.vector_store %arg13[%swap3A_608, %swap3A_609], %swap3A_612 {strides = array<i32>} : memref<80x16xf32, #tpu.memory_space<vmem>>, vector<1x16xf32>,
    %broadcast_in_dim3A_613 = arith.constant 1.000000e+00 : f32
    %broadcast_in_dim3A_614 = vector.broadcast %broadcast_in_dim3A_613 : f32 to vector<16xf32>
    %swap3A_615 = arith.constant 76 : i32
    %swap3A_616 = arith.index_cast %swap3A_615 : i32 to index
    %swap3A_617 = arith.constant 0 : index
    %swap3A_618 = tpu.vector_load %arg13[%swap3A_616, %swap3A_617] {strides = array<i32>} : memref<80x16xf32, #tpu.memory_space<vmem>>, vector<1x16xf32>,
    %swap3A_619 = vector.shape_cast %swap3A_618 : vector<1x16xf32> to vector<16xf32>
    %swap3A_620 = vector.shape_cast %broadcast_in_dim3A_614 : vector<16xf32> to vector<1x16xf32>
    tpu.vector_store %arg13[%swap3A_616, %swap3A_617], %swap3A_620 {strides = array<i32>} : memref<80x16xf32, #tpu.memory_space<vmem>>, vector<1x16xf32>,
    %broadcast_in_dim3A_621 = arith.constant 1.000000e+00 : f32
    %broadcast_in_dim3A_622 = vector.broadcast %broadcast_in_dim3A_621 : f32 to vector<16xf32>
    %swap3A_623 = arith.constant 77 : i32
    %swap3A_624 = arith.index_cast %swap3A_623 : i32 to index
    %swap3A_625 = arith.constant 0 : index
    %swap3A_626 = tpu.vector_load %arg13[%swap3A_624, %swap3A_625] {strides = array<i32>} : memref<80x16xf32, #tpu.memory_space<vmem>>, vector<1x16xf32>,
    %swap3A_627 = vector.shape_cast %swap3A_626 : vector<1x16xf32> to vector<16xf32>
    %swap3A_628 = vector.shape_cast %broadcast_in_dim3A_622 : vector<16xf32> to vector<1x16xf32>
    tpu.vector_store %arg13[%swap3A_624, %swap3A_625], %swap3A_628 {strides = array<i32>} : memref<80x16xf32, #tpu.memory_space<vmem>>, vector<1x16xf32>,
    %broadcast_in_dim3A_629 = arith.constant 1.000000e+00 : f32
    %broadcast_in_dim3A_630 = vector.broadcast %broadcast_in_dim3A_629 : f32 to vector<16xf32>
    %swap3A_631 = arith.constant 78 : i32
    %swap3A_632 = arith.index_cast %swap3A_631 : i32 to index
    %swap3A_633 = arith.constant 0 : index
    %swap3A_634 = tpu.vector_load %arg13[%swap3A_632, %swap3A_633] {strides = array<i32>} : memref<80x16xf32, #tpu.memory_space<vmem>>, vector<1x16xf32>,
    %swap3A_635 = vector.shape_cast %swap3A_634 : vector<1x16xf32> to vector<16xf32>
    %swap3A_636 = vector.shape_cast %broadcast_in_dim3A_630 : vector<16xf32> to vector<1x16xf32>
    tpu.vector_store %arg13[%swap3A_632, %swap3A_633], %swap3A_636 {strides = array<i32>} : memref<80x16xf32, #tpu.memory_space<vmem>>, vector<1x16xf32>,
    %broadcast_in_dim3A_637 = arith.constant 1.000000e+00 : f32
    %broadcast_in_dim3A_638 = vector.broadcast %broadcast_in_dim3A_637 : f32 to vector<16xf32>
    %swap3A_639 = arith.constant 79 : i32
    %swap3A_640 = arith.index_cast %swap3A_639 : i32 to index
    %swap3A_641 = arith.constant 0 : index
    %swap3A_642 = tpu.vector_load %arg13[%swap3A_640, %swap3A_641] {strides = array<i32>} : memref<80x16xf32, #tpu.memory_space<vmem>>, vector<1x16xf32>,
    %swap3A_643 = vector.shape_cast %swap3A_642 : vector<1x16xf32> to vector<16xf32>
    %swap3A_644 = vector.shape_cast %broadcast_in_dim3A_638 : vector<16xf32> to vector<1x16xf32>
    tpu.vector_store %arg13[%swap3A_640, %swap3A_641], %swap3A_644 {strides = array<i32>} : memref<80x16xf32, #tpu.memory_space<vmem>>, vector<1x16xf32>,
    %add3A_645 = arith.constant 0 : i32
    %add3A_646 = arith.addi %mul3A_2, %add3A_645 : i32
    %dma_start3A = arith.constant 0 : i32
    %dma_start3A_647 = arith.constant 0 : i32
    %dma_start3A_648 = arith.constant 0 : i32
    %dma_start3A_649 = arith.constant 0 : i32
    %dma_start3A_650 = tpu.memref_slice %arg8[%dma_start3A, %dma_start3A_648, %dma_start3A_649] : memref<6x2x80xi32, #tpu.memory_space<vmem>> -> memref<1x2x80xi32, #tpu.memory_space<vmem>>
    %dma_start3A_651 = tpu.memref_squeeze %dma_start3A_650 : memref<1x2x80xi32, #tpu.memory_space<vmem>> -> memref<2x80xi32, #tpu.memory_space<vmem>>
    %dma_start3A_652 = arith.constant 0 : i32
    %dma_start3A_653 = tpu.memref_slice %arg3[%dma_start3A_652, %add3A_646] : memref<2x320000xi32, #tpu.memory_space<hbm>> -> memref<2x80xi32, #tpu.memory_space<hbm>>
    %dma_start3A_654 = tpu.memref_slice %arg11[%dma_start3A_647] : memref<6x!tpu.dma_semaphore, #tpu.memory_space<semaphore_mem>> -> memref<1x!tpu.dma_semaphore, #tpu.memory_space<semaphore_mem>>
    %dma_start3A_655 = tpu.memref_squeeze %dma_start3A_654 : memref<1x!tpu.dma_semaphore, #tpu.memory_space<semaphore_mem>> -> memref<!tpu.dma_semaphore, #tpu.memory_space<semaphore_mem>>
    %dma_start3A_656 = arith.constant 0 : i32
    %dma_start3A_657 = arith.constant 0 : i32
    %dma_start3A_658 = tpu.memref_slice %arg8[%dma_start3A, %dma_start3A_656, %dma_start3A_657] : memref<6x2x80xi32, #tpu.memory_space<vmem>> -> memref<1x2x80xi32, #tpu.memory_space<vmem>>
    %dma_start3A_659 = tpu.memref_squeeze %dma_start3A_658 : memref<1x2x80xi32, #tpu.memory_space<vmem>> -> memref<2x80xi32, #tpu.memory_space<vmem>>
    %dma_start3A_660 = arith.constant 0 : i32
    %dma_start3A_661 = tpu.memref_slice %arg3[%dma_start3A_660, %add3A_646] : memref<2x320000xi32, #tpu.memory_space<hbm>> -> memref<2x80xi32, #tpu.memory_space<hbm>>
    tpu.enqueue_dma source(%dma_start3A_661 : memref<2x80xi32, #tpu.memory_space<hbm>>) target(%dma_start3A_659 : memref<2x80xi32, #tpu.memory_space<vmem>>) target_semaphore(%dma_start3A_655 : memref<!tpu.dma_semaphore, #tpu.memory_space<semaphore_mem>>)
    %add3A_662 = arith.constant 80 : i32
    %add3A_663 = arith.addi %mul3A_2, %add3A_662 : i32
    %dma_start3A_664 = arith.constant 1 : i32
    %dma_start3A_665 = arith.constant 1 : i32
    %dma_start3A_666 = arith.constant 0 : i32
    %dma_start3A_667 = arith.constant 0 : i32
    %dma_start3A_668 = tpu.memref_slice %arg8[%dma_start3A_664, %dma_start3A_666, %dma_start3A_667] : memref<6x2x80xi32, #tpu.memory_space<vmem>> -> memref<1x2x80xi32, #tpu.memory_space<vmem>>
    %dma_start3A_669 = tpu.memref_squeeze %dma_start3A_668 : memref<1x2x80xi32, #tpu.memory_space<vmem>> -> memref<2x80xi32, #tpu.memory_space<vmem>>
    %dma_start3A_670 = arith.constant 0 : i32
    %dma_start3A_671 = tpu.memref_slice %arg3[%dma_start3A_670, %add3A_663] : memref<2x320000xi32, #tpu.memory_space<hbm>> -> memref<2x80xi32, #tpu.memory_space<hbm>>
    %dma_start3A_672 = tpu.memref_slice %arg11[%dma_start3A_665] : memref<6x!tpu.dma_semaphore, #tpu.memory_space<semaphore_mem>> -> memref<1x!tpu.dma_semaphore, #tpu.memory_space<semaphore_mem>>
    %dma_start3A_673 = tpu.memref_squeeze %dma_start3A_672 : memref<1x!tpu.dma_semaphore, #tpu.memory_space<semaphore_mem>> -> memref<!tpu.dma_semaphore, #tpu.memory_space<semaphore_mem>>
    %dma_start3A_674 = arith.constant 0 : i32
    %dma_start3A_675 = arith.constant 0 : i32
    %dma_start3A_676 = tpu.memref_slice %arg8[%dma_start3A_664, %dma_start3A_674, %dma_start3A_675] : memref<6x2x80xi32, #tpu.memory_space<vmem>> -> memref<1x2x80xi32, #tpu.memory_space<vmem>>
    %dma_start3A_677 = tpu.memref_squeeze %dma_start3A_676 : memref<1x2x80xi32, #tpu.memory_space<vmem>> -> memref<2x80xi32, #tpu.memory_space<vmem>>
    %dma_start3A_678 = arith.constant 0 : i32
    %dma_start3A_679 = tpu.memref_slice %arg3[%dma_start3A_678, %add3A_663] : memref<2x320000xi32, #tpu.memory_space<hbm>> -> memref<2x80xi32, #tpu.memory_space<hbm>>
    tpu.enqueue_dma source(%dma_start3A_679 : memref<2x80xi32, #tpu.memory_space<hbm>>) target(%dma_start3A_677 : memref<2x80xi32, #tpu.memory_space<vmem>>) target_semaphore(%dma_start3A_673 : memref<!tpu.dma_semaphore, #tpu.memory_space<semaphore_mem>>)
    %add3A_680 = arith.constant 160 : i32
    %add3A_681 = arith.addi %mul3A_2, %add3A_680 : i32
    %dma_start3A_682 = arith.constant 2 : i32
    %dma_start3A_683 = arith.constant 2 : i32
    %dma_start3A_684 = arith.constant 0 : i32
    %dma_start3A_685 = arith.constant 0 : i32
    %dma_start3A_686 = tpu.memref_slice %arg8[%dma_start3A_682, %dma_start3A_684, %dma_start3A_685] : memref<6x2x80xi32, #tpu.memory_space<vmem>> -> memref<1x2x80xi32, #tpu.memory_space<vmem>>
    %dma_start3A_687 = tpu.memref_squeeze %dma_start3A_686 : memref<1x2x80xi32, #tpu.memory_space<vmem>> -> memref<2x80xi32, #tpu.memory_space<vmem>>
    %dma_start3A_688 = arith.constant 0 : i32
    %dma_start3A_689 = tpu.memref_slice %arg3[%dma_start3A_688, %add3A_681] : memref<2x320000xi32, #tpu.memory_space<hbm>> -> memref<2x80xi32, #tpu.memory_space<hbm>>
    %dma_start3A_690 = tpu.memref_slice %arg11[%dma_start3A_683] : memref<6x!tpu.dma_semaphore, #tpu.memory_space<semaphore_mem>> -> memref<1x!tpu.dma_semaphore, #tpu.memory_space<semaphore_mem>>
    %dma_start3A_691 = tpu.memref_squeeze %dma_start3A_690 : memref<1x!tpu.dma_semaphore, #tpu.memory_space<semaphore_mem>> -> memref<!tpu.dma_semaphore, #tpu.memory_space<semaphore_mem>>
    %dma_start3A_692 = arith.constant 0 : i32
    %dma_start3A_693 = arith.constant 0 : i32
    %dma_start3A_694 = tpu.memref_slice %arg8[%dma_start3A_682, %dma_start3A_692, %dma_start3A_693] : memref<6x2x80xi32, #tpu.memory_space<vmem>> -> memref<1x2x80xi32, #tpu.memory_space<vmem>>
    %dma_start3A_695 = tpu.memref_squeeze %dma_start3A_694 : memref<1x2x80xi32, #tpu.memory_space<vmem>> -> memref<2x80xi32, #tpu.memory_space<vmem>>
    %dma_start3A_696 = arith.constant 0 : i32
    %dma_start3A_697 = tpu.memref_slice %arg3[%dma_start3A_696, %add3A_681] : memref<2x320000xi32, #tpu.memory_space<hbm>> -> memref<2x80xi32, #tpu.memory_space<hbm>>
    tpu.enqueue_dma source(%dma_start3A_697 : memref<2x80xi32, #tpu.memory_space<hbm>>) target(%dma_start3A_695 : memref<2x80xi32, #tpu.memory_space<vmem>>) target_semaphore(%dma_start3A_691 : memref<!tpu.dma_semaphore, #tpu.memory_space<semaphore_mem>>)
    %add3A_698 = arith.constant 240 : i32
    %add3A_699 = arith.addi %mul3A_2, %add3A_698 : i32
    %dma_start3A_700 = arith.constant 3 : i32
    %dma_start3A_701 = arith.constant 3 : i32
    %dma_start3A_702 = arith.constant 0 : i32
    %dma_start3A_703 = arith.constant 0 : i32
    %dma_start3A_704 = tpu.memref_slice %arg8[%dma_start3A_700, %dma_start3A_702, %dma_start3A_703] : memref<6x2x80xi32, #tpu.memory_space<vmem>> -> memref<1x2x80xi32, #tpu.memory_space<vmem>>
    %dma_start3A_705 = tpu.memref_squeeze %dma_start3A_704 : memref<1x2x80xi32, #tpu.memory_space<vmem>> -> memref<2x80xi32, #tpu.memory_space<vmem>>
    %dma_start3A_706 = arith.constant 0 : i32
    %dma_start3A_707 = tpu.memref_slice %arg3[%dma_start3A_706, %add3A_699] : memref<2x320000xi32, #tpu.memory_space<hbm>> -> memref<2x80xi32, #tpu.memory_space<hbm>>
    %dma_start3A_708 = tpu.memref_slice %arg11[%dma_start3A_701] : memref<6x!tpu.dma_semaphore, #tpu.memory_space<semaphore_mem>> -> memref<1x!tpu.dma_semaphore, #tpu.memory_space<semaphore_mem>>
    %dma_start3A_709 = tpu.memref_squeeze %dma_start3A_708 : memref<1x!tpu.dma_semaphore, #tpu.memory_space<semaphore_mem>> -> memref<!tpu.dma_semaphore, #tpu.memory_space<semaphore_mem>>
    %dma_start3A_710 = arith.constant 0 : i32
    %dma_start3A_711 = arith.constant 0 : i32
    %dma_start3A_712 = tpu.memref_slice %arg8[%dma_start3A_700, %dma_start3A_710, %dma_start3A_711] : memref<6x2x80xi32, #tpu.memory_space<vmem>> -> memref<1x2x80xi32, #tpu.memory_space<vmem>>
    %dma_start3A_713 = tpu.memref_squeeze %dma_start3A_712 : memref<1x2x80xi32, #tpu.memory_space<vmem>> -> memref<2x80xi32, #tpu.memory_space<vmem>>
    %dma_start3A_714 = arith.constant 0 : i32
    %dma_start3A_715 = tpu.memref_slice %arg3[%dma_start3A_714, %add3A_699] : memref<2x320000xi32, #tpu.memory_space<hbm>> -> memref<2x80xi32, #tpu.memory_space<hbm>>
    tpu.enqueue_dma source(%dma_start3A_715 : memref<2x80xi32, #tpu.memory_space<hbm>>) target(%dma_start3A_713 : memref<2x80xi32, #tpu.memory_space<vmem>>) target_semaphore(%dma_start3A_709 : memref<!tpu.dma_semaphore, #tpu.memory_space<semaphore_mem>>)
    %add3A_716 = arith.constant 320 : i32
    %add3A_717 = arith.addi %mul3A_2, %add3A_716 : i32
    %dma_start3A_718 = arith.constant 4 : i32
    %dma_start3A_719 = arith.constant 4 : i32
    %dma_start3A_720 = arith.constant 0 : i32
    %dma_start3A_721 = arith.constant 0 : i32
    %dma_start3A_722 = tpu.memref_slice %arg8[%dma_start3A_718, %dma_start3A_720, %dma_start3A_721] : memref<6x2x80xi32, #tpu.memory_space<vmem>> -> memref<1x2x80xi32, #tpu.memory_space<vmem>>
    %dma_start3A_723 = tpu.memref_squeeze %dma_start3A_722 : memref<1x2x80xi32, #tpu.memory_space<vmem>> -> memref<2x80xi32, #tpu.memory_space<vmem>>
    %dma_start3A_724 = arith.constant 0 : i32
    %dma_start3A_725 = tpu.memref_slice %arg3[%dma_start3A_724, %add3A_717] : memref<2x320000xi32, #tpu.memory_space<hbm>> -> memref<2x80xi32, #tpu.memory_space<hbm>>
    %dma_start3A_726 = tpu.memref_slice %arg11[%dma_start3A_719] : memref<6x!tpu.dma_semaphore, #tpu.memory_space<semaphore_mem>> -> memref<1x!tpu.dma_semaphore, #tpu.memory_space<semaphore_mem>>
    %dma_start3A_727 = tpu.memref_squeeze %dma_start3A_726 : memref<1x!tpu.dma_semaphore, #tpu.memory_space<semaphore_mem>> -> memref<!tpu.dma_semaphore, #tpu.memory_space<semaphore_mem>>
    %dma_start3A_728 = arith.constant 0 : i32
    %dma_start3A_729 = arith.constant 0 : i32
    %dma_start3A_730 = tpu.memref_slice %arg8[%dma_start3A_718, %dma_start3A_728, %dma_start3A_729] : memref<6x2x80xi32, #tpu.memory_space<vmem>> -> memref<1x2x80xi32, #tpu.memory_space<vmem>>
    %dma_start3A_731 = tpu.memref_squeeze %dma_start3A_730 : memref<1x2x80xi32, #tpu.memory_space<vmem>> -> memref<2x80xi32, #tpu.memory_space<vmem>>
    %dma_start3A_732 = arith.constant 0 : i32
    %dma_start3A_733 = tpu.memref_slice %arg3[%dma_start3A_732, %add3A_717] : memref<2x320000xi32, #tpu.memory_space<hbm>> -> memref<2x80xi32, #tpu.memory_space<hbm>>
    tpu.enqueue_dma source(%dma_start3A_733 : memref<2x80xi32, #tpu.memory_space<hbm>>) target(%dma_start3A_731 : memref<2x80xi32, #tpu.memory_space<vmem>>) target_semaphore(%dma_start3A_727 : memref<!tpu.dma_semaphore, #tpu.memory_space<semaphore_mem>>)
    %add3A_734 = arith.constant 400 : i32
    %add3A_735 = arith.addi %mul3A_2, %add3A_734 : i32
    %dma_start3A_736 = arith.constant 5 : i32
    %dma_start3A_737 = arith.constant 5 : i32
    %dma_start3A_738 = arith.constant 0 : i32
    %dma_start3A_739 = arith.constant 0 : i32
    %dma_start3A_740 = tpu.memref_slice %arg8[%dma_start3A_736, %dma_start3A_738, %dma_start3A_739] : memref<6x2x80xi32, #tpu.memory_space<vmem>> -> memref<1x2x80xi32, #tpu.memory_space<vmem>>
    %dma_start3A_741 = tpu.memref_squeeze %dma_start3A_740 : memref<1x2x80xi32, #tpu.memory_space<vmem>> -> memref<2x80xi32, #tpu.memory_space<vmem>>
    %dma_start3A_742 = arith.constant 0 : i32
    %dma_start3A_743 = tpu.memref_slice %arg3[%dma_start3A_742, %add3A_735] : memref<2x320000xi32, #tpu.memory_space<hbm>> -> memref<2x80xi32, #tpu.memory_space<hbm>>
    %dma_start3A_744 = tpu.memref_slice %arg11[%dma_start3A_737] : memref<6x!tpu.dma_semaphore, #tpu.memory_space<semaphore_mem>> -> memref<1x!tpu.dma_semaphore, #tpu.memory_space<semaphore_mem>>
    %dma_start3A_745 = tpu.memref_squeeze %dma_start3A_744 : memref<1x!tpu.dma_semaphore, #tpu.memory_space<semaphore_mem>> -> memref<!tpu.dma_semaphore, #tpu.memory_space<semaphore_mem>>
    %dma_start3A_746 = arith.constant 0 : i32
    %dma_start3A_747 = arith.constant 0 : i32
    %dma_start3A_748 = tpu.memref_slice %arg8[%dma_start3A_736, %dma_start3A_746, %dma_start3A_747] : memref<6x2x80xi32, #tpu.memory_space<vmem>> -> memref<1x2x80xi32, #tpu.memory_space<vmem>>
    %dma_start3A_749 = tpu.memref_squeeze %dma_start3A_748 : memref<1x2x80xi32, #tpu.memory_space<vmem>> -> memref<2x80xi32, #tpu.memory_space<vmem>>
    %dma_start3A_750 = arith.constant 0 : i32
    %dma_start3A_751 = tpu.memref_slice %arg3[%dma_start3A_750, %add3A_735] : memref<2x320000xi32, #tpu.memory_space<hbm>> -> memref<2x80xi32, #tpu.memory_space<hbm>>
    tpu.enqueue_dma source(%dma_start3A_751 : memref<2x80xi32, #tpu.memory_space<hbm>>) target(%dma_start3A_749 : memref<2x80xi32, #tpu.memory_space<vmem>>) target_semaphore(%dma_start3A_745 : memref<!tpu.dma_semaphore, #tpu.memory_space<semaphore_mem>>)
    %dma_wait3A = arith.constant 0 : i32
    %dma_wait3A_752 = arith.constant 0 : i32
    %dma_wait3A_753 = arith.constant 0 : i32
    %dma_wait3A_754 = arith.constant 0 : i32
    %dma_wait3A_755 = tpu.memref_slice %arg8[%dma_wait3A, %dma_wait3A_753, %dma_wait3A_754] : memref<6x2x80xi32, #tpu.memory_space<vmem>> -> memref<1x2x80xi32, #tpu.memory_space<vmem>>
    %dma_wait3A_756 = tpu.memref_squeeze %dma_wait3A_755 : memref<1x2x80xi32, #tpu.memory_space<vmem>> -> memref<2x80xi32, #tpu.memory_space<vmem>>
    %dma_wait3A_757 = arith.constant 0 : i32
    %dma_wait3A_758 = arith.constant 0 : i32
    %dma_wait3A_759 = tpu.memref_slice %arg3[%dma_wait3A_757, %dma_wait3A_758] : memref<2x320000xi32, #tpu.memory_space<hbm>> -> memref<2x80xi32, #tpu.memory_space<hbm>>
    %dma_wait3A_760 = tpu.memref_slice %arg11[%dma_wait3A_752] : memref<6x!tpu.dma_semaphore, #tpu.memory_space<semaphore_mem>> -> memref<1x!tpu.dma_semaphore, #tpu.memory_space<semaphore_mem>>
    %dma_wait3A_761 = tpu.memref_squeeze %dma_wait3A_760 : memref<1x!tpu.dma_semaphore, #tpu.memory_space<semaphore_mem>> -> memref<!tpu.dma_semaphore, #tpu.memory_space<semaphore_mem>>
    %dma_wait3A_762 = arith.constant 0 : i32
    %dma_wait3A_763 = arith.constant 0 : i32
    %dma_wait3A_764 = tpu.memref_slice %arg8[%dma_wait3A, %dma_wait3A_762, %dma_wait3A_763] : memref<6x2x80xi32, #tpu.memory_space<vmem>> -> memref<1x2x80xi32, #tpu.memory_space<vmem>>
    %dma_wait3A_765 = tpu.memref_squeeze %dma_wait3A_764 : memref<1x2x80xi32, #tpu.memory_space<vmem>> -> memref<2x80xi32, #tpu.memory_space<vmem>>
    %dma_wait3A_766 = arith.constant 0 : i32
    %dma_wait3A_767 = arith.constant 0 : i32
    %dma_wait3A_768 = tpu.memref_slice %arg3[%dma_wait3A_766, %dma_wait3A_767] : memref<2x320000xi32, #tpu.memory_space<hbm>> -> memref<2x80xi32, #tpu.memory_space<hbm>>
    tpu.wait_dma2 semaphore(%dma_wait3A_761 : memref<!tpu.dma_semaphore, #tpu.memory_space<semaphore_mem>>) src(%dma_wait3A_768 : memref<2x80xi32, #tpu.memory_space<hbm>>) dst(%dma_wait3A_765 : memref<2x80xi32, #tpu.memory_space<vmem>>)
    %dma_start3A_769 = arith.constant 0 : i32
    %dma_start3A_770 = arith.constant 0 : i32
    %dma_start3A_771 = arith.constant 0 : i32
    %dma_start3A_772 = arith.constant 0 : i32
    %dma_start3A_773 = arith.constant 0 : i32
    %dma_start3A_774 = arith.constant 0 : i32
    %dma_start3A_775 = tpu.memref_slice %arg9[%dma_start3A_771, %dma_start3A_773, %dma_start3A_774] : memref<3x80x128xf32, #tpu.memory_space<vmem>> -> memref<1x80x128xf32, #tpu.memory_space<vmem>>
    %dma_start3A_776 = tpu.memref_squeeze %dma_start3A_775 : memref<1x80x128xf32, #tpu.memory_space<vmem>> -> memref<80x128xf32, #tpu.memory_space<vmem>>
    %dma_start3A_777 = arith.constant 0 : i32
    %dma_start3A_778 = tpu.memref_slice %arg8[%dma_start3A_769, %dma_start3A_770, %dma_start3A_777] : memref<6x2x80xi32, #tpu.memory_space<vmem>> -> memref<1x1x80xi32, #tpu.memory_space<vmem>>
    %dma_start3A_779 = tpu.memref_squeeze %dma_start3A_778 : memref<1x1x80xi32, #tpu.memory_space<vmem>> -> memref<80xi32, #tpu.memory_space<vmem>>
    %dma_start3A_780 = arith.constant 0 : i32
    %dma_start3A_781 = arith.constant 0 : i32
    %dma_start3A_782 = tpu.memref_slice %arg2[%dma_start3A_780, %dma_start3A_781] : memref<10000x128xf32, #tpu.memory_space<hbm>> -> memref<10000x128xf32, #tpu.memory_space<hbm>>
    %dma_start3A_783 = tpu.memref_slice %arg12[%dma_start3A_772] : memref<3x!tpu.dma_semaphore, #tpu.memory_space<semaphore_mem>> -> memref<1x!tpu.dma_semaphore, #tpu.memory_space<semaphore_mem>>
    %dma_start3A_784 = tpu.memref_squeeze %dma_start3A_783 : memref<1x!tpu.dma_semaphore, #tpu.memory_space<semaphore_mem>> -> memref<!tpu.dma_semaphore, #tpu.memory_space<semaphore_mem>>
    tpu.enqueue_indirect_dma source(%dma_start3A_782 : memref<10000x128xf32, #tpu.memory_space<hbm>>) target(%dma_start3A_776 : memref<80x128xf32, #tpu.memory_space<vmem>>) offsets(%dma_start3A_779 : memref<80xi32, #tpu.memory_space<vmem>>) semaphore(%dma_start3A_784 : memref<!tpu.dma_semaphore, #tpu.memory_space<semaphore_mem>>)
    %dma_wait3A_785 = arith.constant 1 : i32
    %dma_wait3A_786 = arith.constant 1 : i32
    %dma_wait3A_787 = arith.constant 0 : i32
    %dma_wait3A_788 = arith.constant 0 : i32
    %dma_wait3A_789 = tpu.memref_slice %arg8[%dma_wait3A_785, %dma_wait3A_787, %dma_wait3A_788] : memref<6x2x80xi32, #tpu.memory_space<vmem>> -> memref<1x2x80xi32, #tpu.memory_space<vmem>>
    %dma_wait3A_790 = tpu.memref_squeeze %dma_wait3A_789 : memref<1x2x80xi32, #tpu.memory_space<vmem>> -> memref<2x80xi32, #tpu.memory_space<vmem>>
    %dma_wait3A_791 = arith.constant 0 : i32
    %dma_wait3A_792 = arith.constant 0 : i32
    %dma_wait3A_793 = tpu.memref_slice %arg3[%dma_wait3A_791, %dma_wait3A_792] : memref<2x320000xi32, #tpu.memory_space<hbm>> -> memref<2x80xi32, #tpu.memory_space<hbm>>
    %dma_wait3A_794 = tpu.memref_slice %arg11[%dma_wait3A_786] : memref<6x!tpu.dma_semaphore, #tpu.memory_space<semaphore_mem>> -> memref<1x!tpu.dma_semaphore, #tpu.memory_space<semaphore_mem>>
    %dma_wait3A_795 = tpu.memref_squeeze %dma_wait3A_794 : memref<1x!tpu.dma_semaphore, #tpu.memory_space<semaphore_mem>> -> memref<!tpu.dma_semaphore, #tpu.memory_space<semaphore_mem>>
    %dma_wait3A_796 = arith.constant 0 : i32
    %dma_wait3A_797 = arith.constant 0 : i32
    %dma_wait3A_798 = tpu.memref_slice %arg8[%dma_wait3A_785, %dma_wait3A_796, %dma_wait3A_797] : memref<6x2x80xi32, #tpu.memory_space<vmem>> -> memref<1x2x80xi32, #tpu.memory_space<vmem>>
    %dma_wait3A_799 = tpu.memref_squeeze %dma_wait3A_798 : memref<1x2x80xi32, #tpu.memory_space<vmem>> -> memref<2x80xi32, #tpu.memory_space<vmem>>
    %dma_wait3A_800 = arith.constant 0 : i32
    %dma_wait3A_801 = arith.constant 0 : i32
    %dma_wait3A_802 = tpu.memref_slice %arg3[%dma_wait3A_800, %dma_wait3A_801] : memref<2x320000xi32, #tpu.memory_space<hbm>> -> memref<2x80xi32, #tpu.memory_space<hbm>>
    tpu.wait_dma2 semaphore(%dma_wait3A_795 : memref<!tpu.dma_semaphore, #tpu.memory_space<semaphore_mem>>) src(%dma_wait3A_802 : memref<2x80xi32, #tpu.memory_space<hbm>>) dst(%dma_wait3A_799 : memref<2x80xi32, #tpu.memory_space<vmem>>)
    %dma_start3A_803 = arith.constant 1 : i32
    %dma_start3A_804 = arith.constant 0 : i32
    %dma_start3A_805 = arith.constant 1 : i32
    %dma_start3A_806 = arith.constant 1 : i32
    %dma_start3A_807 = arith.constant 0 : i32
    %dma_start3A_808 = arith.constant 0 : i32
    %dma_start3A_809 = tpu.memref_slice %arg9[%dma_start3A_805, %dma_start3A_807, %dma_start3A_808] : memref<3x80x128xf32, #tpu.memory_space<vmem>> -> memref<1x80x128xf32, #tpu.memory_space<vmem>>
    %dma_start3A_810 = tpu.memref_squeeze %dma_start3A_809 : memref<1x80x128xf32, #tpu.memory_space<vmem>> -> memref<80x128xf32, #tpu.memory_space<vmem>>
    %dma_start3A_811 = arith.constant 0 : i32
    %dma_start3A_812 = tpu.memref_slice %arg8[%dma_start3A_803, %dma_start3A_804, %dma_start3A_811] : memref<6x2x80xi32, #tpu.memory_space<vmem>> -> memref<1x1x80xi32, #tpu.memory_space<vmem>>
    %dma_start3A_813 = tpu.memref_squeeze %dma_start3A_812 : memref<1x1x80xi32, #tpu.memory_space<vmem>> -> memref<80xi32, #tpu.memory_space<vmem>>
    %dma_start3A_814 = arith.constant 0 : i32
    %dma_start3A_815 = arith.constant 0 : i32
    %dma_start3A_816 = tpu.memref_slice %arg2[%dma_start3A_814, %dma_start3A_815] : memref<10000x128xf32, #tpu.memory_space<hbm>> -> memref<10000x128xf32, #tpu.memory_space<hbm>>
    %dma_start3A_817 = tpu.memref_slice %arg12[%dma_start3A_806] : memref<3x!tpu.dma_semaphore, #tpu.memory_space<semaphore_mem>> -> memref<1x!tpu.dma_semaphore, #tpu.memory_space<semaphore_mem>>
    %dma_start3A_818 = tpu.memref_squeeze %dma_start3A_817 : memref<1x!tpu.dma_semaphore, #tpu.memory_space<semaphore_mem>> -> memref<!tpu.dma_semaphore, #tpu.memory_space<semaphore_mem>>
    tpu.enqueue_indirect_dma source(%dma_start3A_816 : memref<10000x128xf32, #tpu.memory_space<hbm>>) target(%dma_start3A_810 : memref<80x128xf32, #tpu.memory_space<vmem>>) offsets(%dma_start3A_813 : memref<80xi32, #tpu.memory_space<vmem>>) semaphore(%dma_start3A_818 : memref<!tpu.dma_semaphore, #tpu.memory_space<semaphore_mem>>)
    %dma_wait3A_819 = arith.constant 2 : i32
    %dma_wait3A_820 = arith.constant 2 : i32
    %dma_wait3A_821 = arith.constant 0 : i32
    %dma_wait3A_822 = arith.constant 0 : i32
    %dma_wait3A_823 = tpu.memref_slice %arg8[%dma_wait3A_819, %dma_wait3A_821, %dma_wait3A_822] : memref<6x2x80xi32, #tpu.memory_space<vmem>> -> memref<1x2x80xi32, #tpu.memory_space<vmem>>
    %dma_wait3A_824 = tpu.memref_squeeze %dma_wait3A_823 : memref<1x2x80xi32, #tpu.memory_space<vmem>> -> memref<2x80xi32, #tpu.memory_space<vmem>>
    %dma_wait3A_825 = arith.constant 0 : i32
    %dma_wait3A_826 = arith.constant 0 : i32
    %dma_wait3A_827 = tpu.memref_slice %arg3[%dma_wait3A_825, %dma_wait3A_826] : memref<2x320000xi32, #tpu.memory_space<hbm>> -> memref<2x80xi32, #tpu.memory_space<hbm>>
    %dma_wait3A_828 = tpu.memref_slice %arg11[%dma_wait3A_820] : memref<6x!tpu.dma_semaphore, #tpu.memory_space<semaphore_mem>> -> memref<1x!tpu.dma_semaphore, #tpu.memory_space<semaphore_mem>>
    %dma_wait3A_829 = tpu.memref_squeeze %dma_wait3A_828 : memref<1x!tpu.dma_semaphore, #tpu.memory_space<semaphore_mem>> -> memref<!tpu.dma_semaphore, #tpu.memory_space<semaphore_mem>>
    %dma_wait3A_830 = arith.constant 0 : i32
    %dma_wait3A_831 = arith.constant 0 : i32
    %dma_wait3A_832 = tpu.memref_slice %arg8[%dma_wait3A_819, %dma_wait3A_830, %dma_wait3A_831] : memref<6x2x80xi32, #tpu.memory_space<vmem>> -> memref<1x2x80xi32, #tpu.memory_space<vmem>>
    %dma_wait3A_833 = tpu.memref_squeeze %dma_wait3A_832 : memref<1x2x80xi32, #tpu.memory_space<vmem>> -> memref<2x80xi32, #tpu.memory_space<vmem>>
    %dma_wait3A_834 = arith.constant 0 : i32
    %dma_wait3A_835 = arith.constant 0 : i32
    %dma_wait3A_836 = tpu.memref_slice %arg3[%dma_wait3A_834, %dma_wait3A_835] : memref<2x320000xi32, #tpu.memory_space<hbm>> -> memref<2x80xi32, #tpu.memory_space<hbm>>
    tpu.wait_dma2 semaphore(%dma_wait3A_829 : memref<!tpu.dma_semaphore, #tpu.memory_space<semaphore_mem>>) src(%dma_wait3A_836 : memref<2x80xi32, #tpu.memory_space<hbm>>) dst(%dma_wait3A_833 : memref<2x80xi32, #tpu.memory_space<vmem>>)
    %dma_start3A_837 = arith.constant 2 : i32
    %dma_start3A_838 = arith.constant 0 : i32
    %dma_start3A_839 = arith.constant 2 : i32
    %dma_start3A_840 = arith.constant 2 : i32
    %dma_start3A_841 = arith.constant 0 : i32
    %dma_start3A_842 = arith.constant 0 : i32
    %dma_start3A_843 = tpu.memref_slice %arg9[%dma_start3A_839, %dma_start3A_841, %dma_start3A_842] : memref<3x80x128xf32, #tpu.memory_space<vmem>> -> memref<1x80x128xf32, #tpu.memory_space<vmem>>
    %dma_start3A_844 = tpu.memref_squeeze %dma_start3A_843 : memref<1x80x128xf32, #tpu.memory_space<vmem>> -> memref<80x128xf32, #tpu.memory_space<vmem>>
    %dma_start3A_845 = arith.constant 0 : i32
    %dma_start3A_846 = tpu.memref_slice %arg8[%dma_start3A_837, %dma_start3A_838, %dma_start3A_845] : memref<6x2x80xi32, #tpu.memory_space<vmem>> -> memref<1x1x80xi32, #tpu.memory_space<vmem>>
    %dma_start3A_847 = tpu.memref_squeeze %dma_start3A_846 : memref<1x1x80xi32, #tpu.memory_space<vmem>> -> memref<80xi32, #tpu.memory_space<vmem>>
    %dma_start3A_848 = arith.constant 0 : i32
    %dma_start3A_849 = arith.constant 0 : i32
    %dma_start3A_850 = tpu.memref_slice %arg2[%dma_start3A_848, %dma_start3A_849] : memref<10000x128xf32, #tpu.memory_space<hbm>> -> memref<10000x128xf32, #tpu.memory_space<hbm>>
    %dma_start3A_851 = tpu.memref_slice %arg12[%dma_start3A_840] : memref<3x!tpu.dma_semaphore, #tpu.memory_space<semaphore_mem>> -> memref<1x!tpu.dma_semaphore, #tpu.memory_space<semaphore_mem>>
    %dma_start3A_852 = tpu.memref_squeeze %dma_start3A_851 : memref<1x!tpu.dma_semaphore, #tpu.memory_space<semaphore_mem>> -> memref<!tpu.dma_semaphore, #tpu.memory_space<semaphore_mem>>
    tpu.enqueue_indirect_dma source(%dma_start3A_850 : memref<10000x128xf32, #tpu.memory_space<hbm>>) target(%dma_start3A_844 : memref<80x128xf32, #tpu.memory_space<vmem>>) offsets(%dma_start3A_847 : memref<80xi32, #tpu.memory_space<vmem>>) semaphore(%dma_start3A_852 : memref<!tpu.dma_semaphore, #tpu.memory_space<semaphore_mem>>)
    %barrier3A = arith.constant 0 : index
    tpu.barrier barrier_id(%barrier3A)
    %scan3A = arith.constant 0 : i32
    %scan3A_853 = arith.constant 0 : i32
    %scan3A_854 = arith.constant 20 : i32
    %scan3A_855 = arith.addi %scan3A_853, %scan3A_854 : i32
    %scan3A_856 = arith.constant 1 : i32
    scf.for %scan3A_1049 = %scan3A_853 to %scan3A_855 step %scan3A_856  : i32 {
      %mul3A_1050 = arith.constant 6 : i32
      %mul3A_1051 = arith.muli %scan3A_1049, %mul3A_1050 : i32
      %add3A_1052 = arith.constant 0 : i32
      %add3A_1053 = arith.addi %mul3A_1051, %add3A_1052 : i32
      %dma_wait3A_1054 = arith.constant 0 : i32
      %dma_wait3A_1055 = arith.constant 0 : i32
      %dma_wait3A_1056 = arith.constant 0 : i32
      %dma_wait3A_1057 = arith.constant 0 : i32
      %dma_wait3A_1058 = tpu.memref_slice %arg9[%dma_wait3A_1054, %dma_wait3A_1056, %dma_wait3A_1057] : memref<3x80x128xf32, #tpu.memory_space<vmem>> -> memref<1x80x128xf32, #tpu.memory_space<vmem>>
      %dma_wait3A_1059 = tpu.memref_squeeze %dma_wait3A_1058 : memref<1x80x128xf32, #tpu.memory_space<vmem>> -> memref<80x128xf32, #tpu.memory_space<vmem>>
      %dma_wait3A_1060 = arith.constant 0 : i32
      %dma_wait3A_1061 = arith.constant 0 : i32
      %dma_wait3A_1062 = tpu.memref_slice %arg2[%dma_wait3A_1060, %dma_wait3A_1061] : memref<10000x128xf32, #tpu.memory_space<hbm>> -> memref<80x128xf32, #tpu.memory_space<hbm>>
      %dma_wait3A_1063 = tpu.memref_slice %arg12[%dma_wait3A_1055] : memref<3x!tpu.dma_semaphore, #tpu.memory_space<semaphore_mem>> -> memref<1x!tpu.dma_semaphore, #tpu.memory_space<semaphore_mem>>
      %dma_wait3A_1064 = tpu.memref_squeeze %dma_wait3A_1063 : memref<1x!tpu.dma_semaphore, #tpu.memory_space<semaphore_mem>> -> memref<!tpu.dma_semaphore, #tpu.memory_space<semaphore_mem>>
      %dma_wait3A_1065 = arith.constant 0 : i32
      %dma_wait3A_1066 = arith.constant 0 : i32
      %dma_wait3A_1067 = tpu.memref_slice %arg9[%dma_wait3A_1054, %dma_wait3A_1065, %dma_wait3A_1066] : memref<3x80x128xf32, #tpu.memory_space<vmem>> -> memref<1x80x128xf32, #tpu.memory_space<vmem>>
      %dma_wait3A_1068 = tpu.memref_squeeze %dma_wait3A_1067 : memref<1x80x128xf32, #tpu.memory_space<vmem>> -> memref<80x128xf32, #tpu.memory_space<vmem>>
      %dma_wait3A_1069 = arith.constant 0 : i32
      %dma_wait3A_1070 = arith.constant 0 : i32
      %dma_wait3A_1071 = tpu.memref_slice %arg2[%dma_wait3A_1069, %dma_wait3A_1070] : memref<10000x128xf32, #tpu.memory_space<hbm>> -> memref<80x128xf32, #tpu.memory_space<hbm>>
      tpu.wait_dma2 semaphore(%dma_wait3A_1064 : memref<!tpu.dma_semaphore, #tpu.memory_space<semaphore_mem>>) src(%dma_wait3A_1071 : memref<80x128xf32, #tpu.memory_space<hbm>>) dst(%dma_wait3A_1068 : memref<80x128xf32, #tpu.memory_space<vmem>>)
      %run_scoped3A_1072 = arith.constant 0 : i32
      %run_scoped3A_1073 = arith.constant 0 : i32
      %run_scoped3A_1074 = arith.constant 1 : i32
      "tpu.region"() ({
        %run_scoped3A_1293 = tpu.sem_alloc : memref<!tpu.dma_semaphore, #tpu.memory_space<semaphore_mem>>
        %dma_start3A_1294 = arith.constant 0 : i32
        %dma_start3A_1295 = arith.constant 0 : i32
        %dma_start3A_1296 = tpu.memref_slice %arg9[%run_scoped3A_1072, %dma_start3A_1294, %dma_start3A_1295] : memref<3x80x128xf32, #tpu.memory_space<vmem>> -> memref<1x80x128xf32, #tpu.memory_space<vmem>>
        %dma_start3A_1297 = tpu.memref_squeeze %dma_start3A_1296 : memref<1x80x128xf32, #tpu.memory_space<vmem>> -> memref<80x128xf32, #tpu.memory_space<vmem>>
        %dma_start3A_1298 = arith.constant 0 : i32
        %dma_start3A_1299 = tpu.memref_slice %arg8[%run_scoped3A_1073, %run_scoped3A_1074, %dma_start3A_1298] : memref<6x2x80xi32, #tpu.memory_space<vmem>> -> memref<1x1x80xi32, #tpu.memory_space<vmem>>
        %dma_start3A_1300 = tpu.memref_squeeze %dma_start3A_1299 : memref<1x1x80xi32, #tpu.memory_space<vmem>> -> memref<80xi32, #tpu.memory_space<vmem>>
        %dma_start3A_1301 = arith.constant 0 : i32
        %dma_start3A_1302 = arith.constant 0 : i32
        %dma_start3A_1303 = tpu.memref_slice %arg10[%dma_start3A_1301, %dma_start3A_1302] : memref<10112x128xf32, #tpu.memory_space<vmem_shared>> -> memref<10112x128xf32, #tpu.memory_space<vmem_shared>>
        tpu.enqueue_indirect_dma source(%dma_start3A_1297 : memref<80x128xf32, #tpu.memory_space<vmem>>) target(%dma_start3A_1303 : memref<10112x128xf32, #tpu.memory_space<vmem_shared>>) offsets(%dma_start3A_1300 : memref<80xi32, #tpu.memory_space<vmem>>) semaphore(%run_scoped3A_1293 : memref<!tpu.dma_semaphore, #tpu.memory_space<semaphore_mem>>) {add = true}
        %dma_wait3A_1304 = arith.constant 0 : i32
        %dma_wait3A_1305 = arith.constant 0 : i32
        %dma_wait3A_1306 = tpu.memref_slice %arg9[%run_scoped3A_1072, %dma_wait3A_1304, %dma_wait3A_1305] : memref<3x80x128xf32, #tpu.memory_space<vmem>> -> memref<1x80x128xf32, #tpu.memory_space<vmem>>
        %dma_wait3A_1307 = tpu.memref_squeeze %dma_wait3A_1306 : memref<1x80x128xf32, #tpu.memory_space<vmem>> -> memref<80x128xf32, #tpu.memory_space<vmem>>
        %dma_wait3A_1308 = arith.constant 0 : i32
        %dma_wait3A_1309 = tpu.memref_slice %arg8[%run_scoped3A_1073, %run_scoped3A_1074, %dma_wait3A_1308] : memref<6x2x80xi32, #tpu.memory_space<vmem>> -> memref<1x1x80xi32, #tpu.memory_space<vmem>>
        %dma_wait3A_1310 = tpu.memref_squeeze %dma_wait3A_1309 : memref<1x1x80xi32, #tpu.memory_space<vmem>> -> memref<80xi32, #tpu.memory_space<vmem>>
        %dma_wait3A_1311 = arith.constant 0 : i32
        %dma_wait3A_1312 = arith.constant 0 : i32
        %dma_wait3A_1313 = tpu.memref_slice %arg10[%dma_wait3A_1311, %dma_wait3A_1312] : memref<10112x128xf32, #tpu.memory_space<vmem_shared>> -> memref<10112x128xf32, #tpu.memory_space<vmem_shared>>
        tpu.wait_indirect_dma semaphore(%run_scoped3A_1293 : memref<!tpu.dma_semaphore, #tpu.memory_space<semaphore_mem>>) src(%dma_wait3A_1307 : memref<80x128xf32, #tpu.memory_space<vmem>>) dst(%dma_wait3A_1313 : memref<10112x128xf32, #tpu.memory_space<vmem_shared>>)
        tpu.yield
      }) : () -> ()
      %run_scoped3A_1075 = arith.constant 0 : i32
      %run_scoped3A_1076 = arith.constant 1 : i32
      "tpu.region"() ({
        %run_scoped3A_1293 = tpu.sem_alloc : memref<!tpu.dma_semaphore, #tpu.memory_space<semaphore_mem>>
        %dma_start3A_1294 = arith.constant 0 : i32
        %dma_start3A_1295 = tpu.memref_slice %arg8[%run_scoped3A_1075, %run_scoped3A_1076, %dma_start3A_1294] : memref<6x2x80xi32, #tpu.memory_space<vmem>> -> memref<1x1x80xi32, #tpu.memory_space<vmem>>
        %dma_start3A_1296 = tpu.memref_squeeze %dma_start3A_1295 : memref<1x1x80xi32, #tpu.memory_space<vmem>> -> memref<80xi32, #tpu.memory_space<vmem>>
        %dma_start3A_1297 = arith.constant 0 : i32
        %dma_start3A_1298 = arith.constant 0 : i32
        %dma_start3A_1299 = tpu.memref_slice %arg14[%dma_start3A_1297, %dma_start3A_1298] : memref<10112x16xf32, #tpu.memory_space<vmem_shared>> -> memref<10112x16xf32, #tpu.memory_space<vmem_shared>>
        tpu.enqueue_indirect_dma source(%arg13 : memref<80x16xf32, #tpu.memory_space<vmem>>) target(%dma_start3A_1299 : memref<10112x16xf32, #tpu.memory_space<vmem_shared>>) offsets(%dma_start3A_1296 : memref<80xi32, #tpu.memory_space<vmem>>) semaphore(%run_scoped3A_1293 : memref<!tpu.dma_semaphore, #tpu.memory_space<semaphore_mem>>) {add = true}
        %dma_wait3A_1300 = arith.constant 0 : i32
        %dma_wait3A_1301 = tpu.memref_slice %arg8[%run_scoped3A_1075, %run_scoped3A_1076, %dma_wait3A_1300] : memref<6x2x80xi32, #tpu.memory_space<vmem>> -> memref<1x1x80xi32, #tpu.memory_space<vmem>>
        %dma_wait3A_1302 = tpu.memref_squeeze %dma_wait3A_1301 : memref<1x1x80xi32, #tpu.memory_space<vmem>> -> memref<80xi32, #tpu.memory_space<vmem>>
        %dma_wait3A_1303 = arith.constant 0 : i32
        %dma_wait3A_1304 = arith.constant 0 : i32
        %dma_wait3A_1305 = tpu.memref_slice %arg14[%dma_wait3A_1303, %dma_wait3A_1304] : memref<10112x16xf32, #tpu.memory_space<vmem_shared>> -> memref<10112x16xf32, #tpu.memory_space<vmem_shared>>
        tpu.wait_indirect_dma semaphore(%run_scoped3A_1293 : memref<!tpu.dma_semaphore, #tpu.memory_space<semaphore_mem>>) src(%arg13 : memref<80x16xf32, #tpu.memory_space<vmem>>) dst(%dma_wait3A_1305 : memref<10112x16xf32, #tpu.memory_space<vmem_shared>>)
        tpu.yield
      }) : () -> ()
      %add3A_1077 = arith.constant 6 : i32
      %add3A_1078 = arith.addi %add3A_1053, %add3A_1077 : i32
      %lt3A = arith.constant 125 : i32
      %lt3A_1079 = arith.cmpi slt, %add3A_1078, %lt3A : i32
      %convert_element_type3A = arith.extui %lt3A_1079 : i1 to i32
      %cond3A = arith.constant 0 : i32
      %cond3A_1080 = arith.cmpi ne, %convert_element_type3A, %cond3A : i32
      scf.if %cond3A_1080 {
        %add3A_1293 = arith.constant 6 : i32
        %add3A_1294 = arith.addi %add3A_1053, %add3A_1293 : i32
        %mul3A_1295 = arith.constant 80 : i32
        %mul3A_1296 = arith.muli %add3A_1294, %mul3A_1295 : i32
        %add3A_1297 = arith.addi %mul3A_2, %mul3A_1296 : i32
        %dma_start3A_1298 = arith.constant 0 : i32
        %dma_start3A_1299 = arith.constant 0 : i32
        %dma_start3A_1300 = arith.constant 0 : i32
        %dma_start3A_1301 = arith.constant 0 : i32
        %dma_start3A_1302 = tpu.memref_slice %arg8[%dma_start3A_1298, %dma_start3A_1300, %dma_start3A_1301] : memref<6x2x80xi32, #tpu.memory_space<vmem>> -> memref<1x2x80xi32, #tpu.memory_space<vmem>>
        %dma_start3A_1303 = tpu.memref_squeeze %dma_start3A_1302 : memref<1x2x80xi32, #tpu.memory_space<vmem>> -> memref<2x80xi32, #tpu.memory_space<vmem>>
        %dma_start3A_1304 = arith.constant 0 : i32
        %dma_start3A_1305 = tpu.memref_slice %arg3[%dma_start3A_1304, %add3A_1297] : memref<2x320000xi32, #tpu.memory_space<hbm>> -> memref<2x80xi32, #tpu.memory_space<hbm>>
        %dma_start3A_1306 = tpu.memref_slice %arg11[%dma_start3A_1299] : memref<6x!tpu.dma_semaphore, #tpu.memory_space<semaphore_mem>> -> memref<1x!tpu.dma_semaphore, #tpu.memory_space<semaphore_mem>>
        %dma_start3A_1307 = tpu.memref_squeeze %dma_start3A_1306 : memref<1x!tpu.dma_semaphore, #tpu.memory_space<semaphore_mem>> -> memref<!tpu.dma_semaphore, #tpu.memory_space<semaphore_mem>>
        %dma_start3A_1308 = arith.constant 0 : i32
        %dma_start3A_1309 = arith.constant 0 : i32
        %dma_start3A_1310 = tpu.memref_slice %arg8[%dma_start3A_1298, %dma_start3A_1308, %dma_start3A_1309] : memref<6x2x80xi32, #tpu.memory_space<vmem>> -> memref<1x2x80xi32, #tpu.memory_space<vmem>>
        %dma_start3A_1311 = tpu.memref_squeeze %dma_start3A_1310 : memref<1x2x80xi32, #tpu.memory_space<vmem>> -> memref<2x80xi32, #tpu.memory_space<vmem>>
        %dma_start3A_1312 = arith.constant 0 : i32
        %dma_start3A_1313 = tpu.memref_slice %arg3[%dma_start3A_1312, %add3A_1297] : memref<2x320000xi32, #tpu.memory_space<hbm>> -> memref<2x80xi32, #tpu.memory_space<hbm>>
        tpu.enqueue_dma source(%dma_start3A_1313 : memref<2x80xi32, #tpu.memory_space<hbm>>) target(%dma_start3A_1311 : memref<2x80xi32, #tpu.memory_space<vmem>>) target_semaphore(%dma_start3A_1307 : memref<!tpu.dma_semaphore, #tpu.memory_space<semaphore_mem>>)
      } else {
      }
      %add3A_1081 = arith.constant 3 : i32
      %add3A_1082 = arith.addi %add3A_1053, %add3A_1081 : i32
      %lt3A_1083 = arith.constant 125 : i32
      %lt3A_1084 = arith.cmpi slt, %add3A_1082, %lt3A_1083 : i32
      %convert_element_type3A_1085 = arith.extui %lt3A_1084 : i1 to i32
      %cond3A_1086 = arith.constant 0 : i32
      %cond3A_1087 = arith.cmpi ne, %convert_element_type3A_1085, %cond3A_1086 : i32
      scf.if %cond3A_1087 {
        %dma_wait3A_1293 = arith.constant 3 : i32
        %dma_wait3A_1294 = arith.constant 3 : i32
        %dma_wait3A_1295 = arith.constant 0 : i32
        %dma_wait3A_1296 = arith.constant 0 : i32
        %dma_wait3A_1297 = tpu.memref_slice %arg8[%dma_wait3A_1293, %dma_wait3A_1295, %dma_wait3A_1296] : memref<6x2x80xi32, #tpu.memory_space<vmem>> -> memref<1x2x80xi32, #tpu.memory_space<vmem>>
        %dma_wait3A_1298 = tpu.memref_squeeze %dma_wait3A_1297 : memref<1x2x80xi32, #tpu.memory_space<vmem>> -> memref<2x80xi32, #tpu.memory_space<vmem>>
        %dma_wait3A_1299 = arith.constant 0 : i32
        %dma_wait3A_1300 = arith.constant 0 : i32
        %dma_wait3A_1301 = tpu.memref_slice %arg3[%dma_wait3A_1299, %dma_wait3A_1300] : memref<2x320000xi32, #tpu.memory_space<hbm>> -> memref<2x80xi32, #tpu.memory_space<hbm>>
        %dma_wait3A_1302 = tpu.memref_slice %arg11[%dma_wait3A_1294] : memref<6x!tpu.dma_semaphore, #tpu.memory_space<semaphore_mem>> -> memref<1x!tpu.dma_semaphore, #tpu.memory_space<semaphore_mem>>
        %dma_wait3A_1303 = tpu.memref_squeeze %dma_wait3A_1302 : memref<1x!tpu.dma_semaphore, #tpu.memory_space<semaphore_mem>> -> memref<!tpu.dma_semaphore, #tpu.memory_space<semaphore_mem>>
        %dma_wait3A_1304 = arith.constant 0 : i32
        %dma_wait3A_1305 = arith.constant 0 : i32
        %dma_wait3A_1306 = tpu.memref_slice %arg8[%dma_wait3A_1293, %dma_wait3A_1304, %dma_wait3A_1305] : memref<6x2x80xi32, #tpu.memory_space<vmem>> -> memref<1x2x80xi32, #tpu.memory_space<vmem>>
        %dma_wait3A_1307 = tpu.memref_squeeze %dma_wait3A_1306 : memref<1x2x80xi32, #tpu.memory_space<vmem>> -> memref<2x80xi32, #tpu.memory_space<vmem>>
        %dma_wait3A_1308 = arith.constant 0 : i32
        %dma_wait3A_1309 = arith.constant 0 : i32
        %dma_wait3A_1310 = tpu.memref_slice %arg3[%dma_wait3A_1308, %dma_wait3A_1309] : memref<2x320000xi32, #tpu.memory_space<hbm>> -> memref<2x80xi32, #tpu.memory_space<hbm>>
        tpu.wait_dma2 semaphore(%dma_wait3A_1303 : memref<!tpu.dma_semaphore, #tpu.memory_space<semaphore_mem>>) src(%dma_wait3A_1310 : memref<2x80xi32, #tpu.memory_space<hbm>>) dst(%dma_wait3A_1307 : memref<2x80xi32, #tpu.memory_space<vmem>>)
        %dma_start3A_1311 = arith.constant 3 : i32
        %dma_start3A_1312 = arith.constant 0 : i32
        %dma_start3A_1313 = arith.constant 0 : i32
        %dma_start3A_1314 = arith.constant 0 : i32
        %dma_start3A_1315 = arith.constant 0 : i32
        %dma_start3A_1316 = arith.constant 0 : i32
        %dma_start3A_1317 = tpu.memref_slice %arg9[%dma_start3A_1313, %dma_start3A_1315, %dma_start3A_1316] : memref<3x80x128xf32, #tpu.memory_space<vmem>> -> memref<1x80x128xf32, #tpu.memory_space<vmem>>
        %dma_start3A_1318 = tpu.memref_squeeze %dma_start3A_1317 : memref<1x80x128xf32, #tpu.memory_space<vmem>> -> memref<80x128xf32, #tpu.memory_space<vmem>>
        %dma_start3A_1319 = arith.constant 0 : i32
        %dma_start3A_1320 = tpu.memref_slice %arg8[%dma_start3A_1311, %dma_start3A_1312, %dma_start3A_1319] : memref<6x2x80xi32, #tpu.memory_space<vmem>> -> memref<1x1x80xi32, #tpu.memory_space<vmem>>
        %dma_start3A_1321 = tpu.memref_squeeze %dma_start3A_1320 : memref<1x1x80xi32, #tpu.memory_space<vmem>> -> memref<80xi32, #tpu.memory_space<vmem>>
        %dma_start3A_1322 = arith.constant 0 : i32
        %dma_start3A_1323 = arith.constant 0 : i32
        %dma_start3A_1324 = tpu.memref_slice %arg2[%dma_start3A_1322, %dma_start3A_1323] : memref<10000x128xf32, #tpu.memory_space<hbm>> -> memref<10000x128xf32, #tpu.memory_space<hbm>>
        %dma_start3A_1325 = tpu.memref_slice %arg12[%dma_start3A_1314] : memref<3x!tpu.dma_semaphore, #tpu.memory_space<semaphore_mem>> -> memref<1x!tpu.dma_semaphore, #tpu.memory_space<semaphore_mem>>
        %dma_start3A_1326 = tpu.memref_squeeze %dma_start3A_1325 : memref<1x!tpu.dma_semaphore, #tpu.memory_space<semaphore_mem>> -> memref<!tpu.dma_semaphore, #tpu.memory_space<semaphore_mem>>
        tpu.enqueue_indirect_dma source(%dma_start3A_1324 : memref<10000x128xf32, #tpu.memory_space<hbm>>) target(%dma_start3A_1318 : memref<80x128xf32, #tpu.memory_space<vmem>>) offsets(%dma_start3A_1321 : memref<80xi32, #tpu.memory_space<vmem>>) semaphore(%dma_start3A_1326 : memref<!tpu.dma_semaphore, #tpu.memory_space<semaphore_mem>>)
      } else {
      }
      %mul3A_1088 = arith.constant 6 : i32
      %mul3A_1089 = arith.muli %scan3A_1049, %mul3A_1088 : i32
      %add3A_1090 = arith.constant 1 : i32
      %add3A_1091 = arith.addi %mul3A_1089, %add3A_1090 : i32
      %dma_wait3A_1092 = arith.constant 1 : i32
      %dma_wait3A_1093 = arith.constant 1 : i32
      %dma_wait3A_1094 = arith.constant 0 : i32
      %dma_wait3A_1095 = arith.constant 0 : i32
      %dma_wait3A_1096 = tpu.memref_slice %arg9[%dma_wait3A_1092, %dma_wait3A_1094, %dma_wait3A_1095] : memref<3x80x128xf32, #tpu.memory_space<vmem>> -> memref<1x80x128xf32, #tpu.memory_space<vmem>>
      %dma_wait3A_1097 = tpu.memref_squeeze %dma_wait3A_1096 : memref<1x80x128xf32, #tpu.memory_space<vmem>> -> memref<80x128xf32, #tpu.memory_space<vmem>>
      %dma_wait3A_1098 = arith.constant 0 : i32
      %dma_wait3A_1099 = arith.constant 0 : i32
      %dma_wait3A_1100 = tpu.memref_slice %arg2[%dma_wait3A_1098, %dma_wait3A_1099] : memref<10000x128xf32, #tpu.memory_space<hbm>> -> memref<80x128xf32, #tpu.memory_space<hbm>>
      %dma_wait3A_1101 = tpu.memref_slice %arg12[%dma_wait3A_1093] : memref<3x!tpu.dma_semaphore, #tpu.memory_space<semaphore_mem>> -> memref<1x!tpu.dma_semaphore, #tpu.memory_space<semaphore_mem>>
      %dma_wait3A_1102 = tpu.memref_squeeze %dma_wait3A_1101 : memref<1x!tpu.dma_semaphore, #tpu.memory_space<semaphore_mem>> -> memref<!tpu.dma_semaphore, #tpu.memory_space<semaphore_mem>>
      %dma_wait3A_1103 = arith.constant 0 : i32
      %dma_wait3A_1104 = arith.constant 0 : i32
      %dma_wait3A_1105 = tpu.memref_slice %arg9[%dma_wait3A_1092, %dma_wait3A_1103, %dma_wait3A_1104] : memref<3x80x128xf32, #tpu.memory_space<vmem>> -> memref<1x80x128xf32, #tpu.memory_space<vmem>>
      %dma_wait3A_1106 = tpu.memref_squeeze %dma_wait3A_1105 : memref<1x80x128xf32, #tpu.memory_space<vmem>> -> memref<80x128xf32, #tpu.memory_space<vmem>>
      %dma_wait3A_1107 = arith.constant 0 : i32
      %dma_wait3A_1108 = arith.constant 0 : i32
      %dma_wait3A_1109 = tpu.memref_slice %arg2[%dma_wait3A_1107, %dma_wait3A_1108] : memref<10000x128xf32, #tpu.memory_space<hbm>> -> memref<80x128xf32, #tpu.memory_space<hbm>>
      tpu.wait_dma2 semaphore(%dma_wait3A_1102 : memref<!tpu.dma_semaphore, #tpu.memory_space<semaphore_mem>>) src(%dma_wait3A_1109 : memref<80x128xf32, #tpu.memory_space<hbm>>) dst(%dma_wait3A_1106 : memref<80x128xf32, #tpu.memory_space<vmem>>)
      %run_scoped3A_1110 = arith.constant 1 : i32
      %run_scoped3A_1111 = arith.constant 1 : i32
      %run_scoped3A_1112 = arith.constant 1 : i32
      "tpu.region"() ({
        %run_scoped3A_1293 = tpu.sem_alloc : memref<!tpu.dma_semaphore, #tpu.memory_space<semaphore_mem>>
        %dma_start3A_1294 = arith.constant 0 : i32
        %dma_start3A_1295 = arith.constant 0 : i32
        %dma_start3A_1296 = tpu.memref_slice %arg9[%run_scoped3A_1110, %dma_start3A_1294, %dma_start3A_1295] : memref<3x80x128xf32, #tpu.memory_space<vmem>> -> memref<1x80x128xf32, #tpu.memory_space<vmem>>
        %dma_start3A_1297 = tpu.memref_squeeze %dma_start3A_1296 : memref<1x80x128xf32, #tpu.memory_space<vmem>> -> memref<80x128xf32, #tpu.memory_space<vmem>>
        %dma_start3A_1298 = arith.constant 0 : i32
        %dma_start3A_1299 = tpu.memref_slice %arg8[%run_scoped3A_1111, %run_scoped3A_1112, %dma_start3A_1298] : memref<6x2x80xi32, #tpu.memory_space<vmem>> -> memref<1x1x80xi32, #tpu.memory_space<vmem>>
        %dma_start3A_1300 = tpu.memref_squeeze %dma_start3A_1299 : memref<1x1x80xi32, #tpu.memory_space<vmem>> -> memref<80xi32, #tpu.memory_space<vmem>>
        %dma_start3A_1301 = arith.constant 0 : i32
        %dma_start3A_1302 = arith.constant 0 : i32
        %dma_start3A_1303 = tpu.memref_slice %arg10[%dma_start3A_1301, %dma_start3A_1302] : memref<10112x128xf32, #tpu.memory_space<vmem_shared>> -> memref<10112x128xf32, #tpu.memory_space<vmem_shared>>
        tpu.enqueue_indirect_dma source(%dma_start3A_1297 : memref<80x128xf32, #tpu.memory_space<vmem>>) target(%dma_start3A_1303 : memref<10112x128xf32, #tpu.memory_space<vmem_shared>>) offsets(%dma_start3A_1300 : memref<80xi32, #tpu.memory_space<vmem>>) semaphore(%run_scoped3A_1293 : memref<!tpu.dma_semaphore, #tpu.memory_space<semaphore_mem>>) {add = true}
        %dma_wait3A_1304 = arith.constant 0 : i32
        %dma_wait3A_1305 = arith.constant 0 : i32
        %dma_wait3A_1306 = tpu.memref_slice %arg9[%run_scoped3A_1110, %dma_wait3A_1304, %dma_wait3A_1305] : memref<3x80x128xf32, #tpu.memory_space<vmem>> -> memref<1x80x128xf32, #tpu.memory_space<vmem>>
        %dma_wait3A_1307 = tpu.memref_squeeze %dma_wait3A_1306 : memref<1x80x128xf32, #tpu.memory_space<vmem>> -> memref<80x128xf32, #tpu.memory_space<vmem>>
        %dma_wait3A_1308 = arith.constant 0 : i32
        %dma_wait3A_1309 = tpu.memref_slice %arg8[%run_scoped3A_1111, %run_scoped3A_1112, %dma_wait3A_1308] : memref<6x2x80xi32, #tpu.memory_space<vmem>> -> memref<1x1x80xi32, #tpu.memory_space<vmem>>
        %dma_wait3A_1310 = tpu.memref_squeeze %dma_wait3A_1309 : memref<1x1x80xi32, #tpu.memory_space<vmem>> -> memref<80xi32, #tpu.memory_space<vmem>>
        %dma_wait3A_1311 = arith.constant 0 : i32
        %dma_wait3A_1312 = arith.constant 0 : i32
        %dma_wait3A_1313 = tpu.memref_slice %arg10[%dma_wait3A_1311, %dma_wait3A_1312] : memref<10112x128xf32, #tpu.memory_space<vmem_shared>> -> memref<10112x128xf32, #tpu.memory_space<vmem_shared>>
        tpu.wait_indirect_dma semaphore(%run_scoped3A_1293 : memref<!tpu.dma_semaphore, #tpu.memory_space<semaphore_mem>>) src(%dma_wait3A_1307 : memref<80x128xf32, #tpu.memory_space<vmem>>) dst(%dma_wait3A_1313 : memref<10112x128xf32, #tpu.memory_space<vmem_shared>>)
        tpu.yield
      }) : () -> ()
      %run_scoped3A_1113 = arith.constant 1 : i32
      %run_scoped3A_1114 = arith.constant 1 : i32
      "tpu.region"() ({
        %run_scoped3A_1293 = tpu.sem_alloc : memref<!tpu.dma_semaphore, #tpu.memory_space<semaphore_mem>>
        %dma_start3A_1294 = arith.constant 0 : i32
        %dma_start3A_1295 = tpu.memref_slice %arg8[%run_scoped3A_1113, %run_scoped3A_1114, %dma_start3A_1294] : memref<6x2x80xi32, #tpu.memory_space<vmem>> -> memref<1x1x80xi32, #tpu.memory_space<vmem>>
        %dma_start3A_1296 = tpu.memref_squeeze %dma_start3A_1295 : memref<1x1x80xi32, #tpu.memory_space<vmem>> -> memref<80xi32, #tpu.memory_space<vmem>>
        %dma_start3A_1297 = arith.constant 0 : i32
        %dma_start3A_1298 = arith.constant 0 : i32
        %dma_start3A_1299 = tpu.memref_slice %arg14[%dma_start3A_1297, %dma_start3A_1298] : memref<10112x16xf32, #tpu.memory_space<vmem_shared>> -> memref<10112x16xf32, #tpu.memory_space<vmem_shared>>
        tpu.enqueue_indirect_dma source(%arg13 : memref<80x16xf32, #tpu.memory_space<vmem>>) target(%dma_start3A_1299 : memref<10112x16xf32, #tpu.memory_space<vmem_shared>>) offsets(%dma_start3A_1296 : memref<80xi32, #tpu.memory_space<vmem>>) semaphore(%run_scoped3A_1293 : memref<!tpu.dma_semaphore, #tpu.memory_space<semaphore_mem>>) {add = true}
        %dma_wait3A_1300 = arith.constant 0 : i32
        %dma_wait3A_1301 = tpu.memref_slice %arg8[%run_scoped3A_1113, %run_scoped3A_1114, %dma_wait3A_1300] : memref<6x2x80xi32, #tpu.memory_space<vmem>> -> memref<1x1x80xi32, #tpu.memory_space<vmem>>
        %dma_wait3A_1302 = tpu.memref_squeeze %dma_wait3A_1301 : memref<1x1x80xi32, #tpu.memory_space<vmem>> -> memref<80xi32, #tpu.memory_space<vmem>>
        %dma_wait3A_1303 = arith.constant 0 : i32
        %dma_wait3A_1304 = arith.constant 0 : i32
        %dma_wait3A_1305 = tpu.memref_slice %arg14[%dma_wait3A_1303, %dma_wait3A_1304] : memref<10112x16xf32, #tpu.memory_space<vmem_shared>> -> memref<10112x16xf32, #tpu.memory_space<vmem_shared>>
        tpu.wait_indirect_dma semaphore(%run_scoped3A_1293 : memref<!tpu.dma_semaphore, #tpu.memory_space<semaphore_mem>>) src(%arg13 : memref<80x16xf32, #tpu.memory_space<vmem>>) dst(%dma_wait3A_1305 : memref<10112x16xf32, #tpu.memory_space<vmem_shared>>)
        tpu.yield
      }) : () -> ()
      %add3A_1115 = arith.constant 6 : i32
      %add3A_1116 = arith.addi %add3A_1091, %add3A_1115 : i32
      %lt3A_1117 = arith.constant 125 : i32
      %lt3A_1118 = arith.cmpi slt, %add3A_1116, %lt3A_1117 : i32
      %convert_element_type3A_1119 = arith.extui %lt3A_1118 : i1 to i32
      %cond3A_1120 = arith.constant 0 : i32
      %cond3A_1121 = arith.cmpi ne, %convert_element_type3A_1119, %cond3A_1120 : i32
      scf.if %cond3A_1121 {
        %add3A_1293 = arith.constant 6 : i32
        %add3A_1294 = arith.addi %add3A_1091, %add3A_1293 : i32
        %mul3A_1295 = arith.constant 80 : i32
        %mul3A_1296 = arith.muli %add3A_1294, %mul3A_1295 : i32
        %add3A_1297 = arith.addi %mul3A_2, %mul3A_1296 : i32
        %dma_start3A_1298 = arith.constant 1 : i32
        %dma_start3A_1299 = arith.constant 1 : i32
        %dma_start3A_1300 = arith.constant 0 : i32
        %dma_start3A_1301 = arith.constant 0 : i32
        %dma_start3A_1302 = tpu.memref_slice %arg8[%dma_start3A_1298, %dma_start3A_1300, %dma_start3A_1301] : memref<6x2x80xi32, #tpu.memory_space<vmem>> -> memref<1x2x80xi32, #tpu.memory_space<vmem>>
        %dma_start3A_1303 = tpu.memref_squeeze %dma_start3A_1302 : memref<1x2x80xi32, #tpu.memory_space<vmem>> -> memref<2x80xi32, #tpu.memory_space<vmem>>
        %dma_start3A_1304 = arith.constant 0 : i32
        %dma_start3A_1305 = tpu.memref_slice %arg3[%dma_start3A_1304, %add3A_1297] : memref<2x320000xi32, #tpu.memory_space<hbm>> -> memref<2x80xi32, #tpu.memory_space<hbm>>
        %dma_start3A_1306 = tpu.memref_slice %arg11[%dma_start3A_1299] : memref<6x!tpu.dma_semaphore, #tpu.memory_space<semaphore_mem>> -> memref<1x!tpu.dma_semaphore, #tpu.memory_space<semaphore_mem>>
        %dma_start3A_1307 = tpu.memref_squeeze %dma_start3A_1306 : memref<1x!tpu.dma_semaphore, #tpu.memory_space<semaphore_mem>> -> memref<!tpu.dma_semaphore, #tpu.memory_space<semaphore_mem>>
        %dma_start3A_1308 = arith.constant 0 : i32
        %dma_start3A_1309 = arith.constant 0 : i32
        %dma_start3A_1310 = tpu.memref_slice %arg8[%dma_start3A_1298, %dma_start3A_1308, %dma_start3A_1309] : memref<6x2x80xi32, #tpu.memory_space<vmem>> -> memref<1x2x80xi32, #tpu.memory_space<vmem>>
        %dma_start3A_1311 = tpu.memref_squeeze %dma_start3A_1310 : memref<1x2x80xi32, #tpu.memory_space<vmem>> -> memref<2x80xi32, #tpu.memory_space<vmem>>
        %dma_start3A_1312 = arith.constant 0 : i32
        %dma_start3A_1313 = tpu.memref_slice %arg3[%dma_start3A_1312, %add3A_1297] : memref<2x320000xi32, #tpu.memory_space<hbm>> -> memref<2x80xi32, #tpu.memory_space<hbm>>
        tpu.enqueue_dma source(%dma_start3A_1313 : memref<2x80xi32, #tpu.memory_space<hbm>>) target(%dma_start3A_1311 : memref<2x80xi32, #tpu.memory_space<vmem>>) target_semaphore(%dma_start3A_1307 : memref<!tpu.dma_semaphore, #tpu.memory_space<semaphore_mem>>)
      } else {
      }
      %add3A_1122 = arith.constant 3 : i32
      %add3A_1123 = arith.addi %add3A_1091, %add3A_1122 : i32
      %lt3A_1124 = arith.constant 125 : i32
      %lt3A_1125 = arith.cmpi slt, %add3A_1123, %lt3A_1124 : i32
      %convert_element_type3A_1126 = arith.extui %lt3A_1125 : i1 to i32
      %cond3A_1127 = arith.constant 0 : i32
      %cond3A_1128 = arith.cmpi ne, %convert_element_type3A_1126, %cond3A_1127 : i32
      scf.if %cond3A_1128 {
        %dma_wait3A_1293 = arith.constant 4 : i32
        %dma_wait3A_1294 = arith.constant 4 : i32
        %dma_wait3A_1295 = arith.constant 0 : i32
        %dma_wait3A_1296 = arith.constant 0 : i32
        %dma_wait3A_1297 = tpu.memref_slice %arg8[%dma_wait3A_1293, %dma_wait3A_1295, %dma_wait3A_1296] : memref<6x2x80xi32, #tpu.memory_space<vmem>> -> memref<1x2x80xi32, #tpu.memory_space<vmem>>
        %dma_wait3A_1298 = tpu.memref_squeeze %dma_wait3A_1297 : memref<1x2x80xi32, #tpu.memory_space<vmem>> -> memref<2x80xi32, #tpu.memory_space<vmem>>
        %dma_wait3A_1299 = arith.constant 0 : i32
        %dma_wait3A_1300 = arith.constant 0 : i32
        %dma_wait3A_1301 = tpu.memref_slice %arg3[%dma_wait3A_1299, %dma_wait3A_1300] : memref<2x320000xi32, #tpu.memory_space<hbm>> -> memref<2x80xi32, #tpu.memory_space<hbm>>
        %dma_wait3A_1302 = tpu.memref_slice %arg11[%dma_wait3A_1294] : memref<6x!tpu.dma_semaphore, #tpu.memory_space<semaphore_mem>> -> memref<1x!tpu.dma_semaphore, #tpu.memory_space<semaphore_mem>>
        %dma_wait3A_1303 = tpu.memref_squeeze %dma_wait3A_1302 : memref<1x!tpu.dma_semaphore, #tpu.memory_space<semaphore_mem>> -> memref<!tpu.dma_semaphore, #tpu.memory_space<semaphore_mem>>
        %dma_wait3A_1304 = arith.constant 0 : i32
        %dma_wait3A_1305 = arith.constant 0 : i32
        %dma_wait3A_1306 = tpu.memref_slice %arg8[%dma_wait3A_1293, %dma_wait3A_1304, %dma_wait3A_1305] : memref<6x2x80xi32, #tpu.memory_space<vmem>> -> memref<1x2x80xi32, #tpu.memory_space<vmem>>
        %dma_wait3A_1307 = tpu.memref_squeeze %dma_wait3A_1306 : memref<1x2x80xi32, #tpu.memory_space<vmem>> -> memref<2x80xi32, #tpu.memory_space<vmem>>
        %dma_wait3A_1308 = arith.constant 0 : i32
        %dma_wait3A_1309 = arith.constant 0 : i32
        %dma_wait3A_1310 = tpu.memref_slice %arg3[%dma_wait3A_1308, %dma_wait3A_1309] : memref<2x320000xi32, #tpu.memory_space<hbm>> -> memref<2x80xi32, #tpu.memory_space<hbm>>
        tpu.wait_dma2 semaphore(%dma_wait3A_1303 : memref<!tpu.dma_semaphore, #tpu.memory_space<semaphore_mem>>) src(%dma_wait3A_1310 : memref<2x80xi32, #tpu.memory_space<hbm>>) dst(%dma_wait3A_1307 : memref<2x80xi32, #tpu.memory_space<vmem>>)
        %dma_start3A_1311 = arith.constant 4 : i32
        %dma_start3A_1312 = arith.constant 0 : i32
        %dma_start3A_1313 = arith.constant 1 : i32
        %dma_start3A_1314 = arith.constant 1 : i32
        %dma_start3A_1315 = arith.constant 0 : i32
        %dma_start3A_1316 = arith.constant 0 : i32
        %dma_start3A_1317 = tpu.memref_slice %arg9[%dma_start3A_1313, %dma_start3A_1315, %dma_start3A_1316] : memref<3x80x128xf32, #tpu.memory_space<vmem>> -> memref<1x80x128xf32, #tpu.memory_space<vmem>>
        %dma_start3A_1318 = tpu.memref_squeeze %dma_start3A_1317 : memref<1x80x128xf32, #tpu.memory_space<vmem>> -> memref<80x128xf32, #tpu.memory_space<vmem>>
        %dma_start3A_1319 = arith.constant 0 : i32
        %dma_start3A_1320 = tpu.memref_slice %arg8[%dma_start3A_1311, %dma_start3A_1312, %dma_start3A_1319] : memref<6x2x80xi32, #tpu.memory_space<vmem>> -> memref<1x1x80xi32, #tpu.memory_space<vmem>>
        %dma_start3A_1321 = tpu.memref_squeeze %dma_start3A_1320 : memref<1x1x80xi32, #tpu.memory_space<vmem>> -> memref<80xi32, #tpu.memory_space<vmem>>
        %dma_start3A_1322 = arith.constant 0 : i32
        %dma_start3A_1323 = arith.constant 0 : i32
        %dma_start3A_1324 = tpu.memref_slice %arg2[%dma_start3A_1322, %dma_start3A_1323] : memref<10000x128xf32, #tpu.memory_space<hbm>> -> memref<10000x128xf32, #tpu.memory_space<hbm>>
        %dma_start3A_1325 = tpu.memref_slice %arg12[%dma_start3A_1314] : memref<3x!tpu.dma_semaphore, #tpu.memory_space<semaphore_mem>> -> memref<1x!tpu.dma_semaphore, #tpu.memory_space<semaphore_mem>>
        %dma_start3A_1326 = tpu.memref_squeeze %dma_start3A_1325 : memref<1x!tpu.dma_semaphore, #tpu.memory_space<semaphore_mem>> -> memref<!tpu.dma_semaphore, #tpu.memory_space<semaphore_mem>>
        tpu.enqueue_indirect_dma source(%dma_start3A_1324 : memref<10000x128xf32, #tpu.memory_space<hbm>>) target(%dma_start3A_1318 : memref<80x128xf32, #tpu.memory_space<vmem>>) offsets(%dma_start3A_1321 : memref<80xi32, #tpu.memory_space<vmem>>) semaphore(%dma_start3A_1326 : memref<!tpu.dma_semaphore, #tpu.memory_space<semaphore_mem>>)
      } else {
      }
      %mul3A_1129 = arith.constant 6 : i32
      %mul3A_1130 = arith.muli %scan3A_1049, %mul3A_1129 : i32
      %add3A_1131 = arith.constant 2 : i32
      %add3A_1132 = arith.addi %mul3A_1130, %add3A_1131 : i32
      %dma_wait3A_1133 = arith.constant 2 : i32
      %dma_wait3A_1134 = arith.constant 2 : i32
      %dma_wait3A_1135 = arith.constant 0 : i32
      %dma_wait3A_1136 = arith.constant 0 : i32
      %dma_wait3A_1137 = tpu.memref_slice %arg9[%dma_wait3A_1133, %dma_wait3A_1135, %dma_wait3A_1136] : memref<3x80x128xf32, #tpu.memory_space<vmem>> -> memref<1x80x128xf32, #tpu.memory_space<vmem>>
      %dma_wait3A_1138 = tpu.memref_squeeze %dma_wait3A_1137 : memref<1x80x128xf32, #tpu.memory_space<vmem>> -> memref<80x128xf32, #tpu.memory_space<vmem>>
      %dma_wait3A_1139 = arith.constant 0 : i32
      %dma_wait3A_1140 = arith.constant 0 : i32
      %dma_wait3A_1141 = tpu.memref_slice %arg2[%dma_wait3A_1139, %dma_wait3A_1140] : memref<10000x128xf32, #tpu.memory_space<hbm>> -> memref<80x128xf32, #tpu.memory_space<hbm>>
      %dma_wait3A_1142 = tpu.memref_slice %arg12[%dma_wait3A_1134] : memref<3x!tpu.dma_semaphore, #tpu.memory_space<semaphore_mem>> -> memref<1x!tpu.dma_semaphore, #tpu.memory_space<semaphore_mem>>
      %dma_wait3A_1143 = tpu.memref_squeeze %dma_wait3A_1142 : memref<1x!tpu.dma_semaphore, #tpu.memory_space<semaphore_mem>> -> memref<!tpu.dma_semaphore, #tpu.memory_space<semaphore_mem>>
      %dma_wait3A_1144 = arith.constant 0 : i32
      %dma_wait3A_1145 = arith.constant 0 : i32
      %dma_wait3A_1146 = tpu.memref_slice %arg9[%dma_wait3A_1133, %dma_wait3A_1144, %dma_wait3A_1145] : memref<3x80x128xf32, #tpu.memory_space<vmem>> -> memref<1x80x128xf32, #tpu.memory_space<vmem>>
      %dma_wait3A_1147 = tpu.memref_squeeze %dma_wait3A_1146 : memref<1x80x128xf32, #tpu.memory_space<vmem>> -> memref<80x128xf32, #tpu.memory_space<vmem>>
      %dma_wait3A_1148 = arith.constant 0 : i32
      %dma_wait3A_1149 = arith.constant 0 : i32
      %dma_wait3A_1150 = tpu.memref_slice %arg2[%dma_wait3A_1148, %dma_wait3A_1149] : memref<10000x128xf32, #tpu.memory_space<hbm>> -> memref<80x128xf32, #tpu.memory_space<hbm>>
      tpu.wait_dma2 semaphore(%dma_wait3A_1143 : memref<!tpu.dma_semaphore, #tpu.memory_space<semaphore_mem>>) src(%dma_wait3A_1150 : memref<80x128xf32, #tpu.memory_space<hbm>>) dst(%dma_wait3A_1147 : memref<80x128xf32, #tpu.memory_space<vmem>>)
      %run_scoped3A_1151 = arith.constant 2 : i32
      %run_scoped3A_1152 = arith.constant 2 : i32
      %run_scoped3A_1153 = arith.constant 1 : i32
      "tpu.region"() ({
        %run_scoped3A_1293 = tpu.sem_alloc : memref<!tpu.dma_semaphore, #tpu.memory_space<semaphore_mem>>
        %dma_start3A_1294 = arith.constant 0 : i32
        %dma_start3A_1295 = arith.constant 0 : i32
        %dma_start3A_1296 = tpu.memref_slice %arg9[%run_scoped3A_1151, %dma_start3A_1294, %dma_start3A_1295] : memref<3x80x128xf32, #tpu.memory_space<vmem>> -> memref<1x80x128xf32, #tpu.memory_space<vmem>>
        %dma_start3A_1297 = tpu.memref_squeeze %dma_start3A_1296 : memref<1x80x128xf32, #tpu.memory_space<vmem>> -> memref<80x128xf32, #tpu.memory_space<vmem>>
        %dma_start3A_1298 = arith.constant 0 : i32
        %dma_start3A_1299 = tpu.memref_slice %arg8[%run_scoped3A_1152, %run_scoped3A_1153, %dma_start3A_1298] : memref<6x2x80xi32, #tpu.memory_space<vmem>> -> memref<1x1x80xi32, #tpu.memory_space<vmem>>
        %dma_start3A_1300 = tpu.memref_squeeze %dma_start3A_1299 : memref<1x1x80xi32, #tpu.memory_space<vmem>> -> memref<80xi32, #tpu.memory_space<vmem>>
        %dma_start3A_1301 = arith.constant 0 : i32
        %dma_start3A_1302 = arith.constant 0 : i32
        %dma_start3A_1303 = tpu.memref_slice %arg10[%dma_start3A_1301, %dma_start3A_1302] : memref<10112x128xf32, #tpu.memory_space<vmem_shared>> -> memref<10112x128xf32, #tpu.memory_space<vmem_shared>>
        tpu.enqueue_indirect_dma source(%dma_start3A_1297 : memref<80x128xf32, #tpu.memory_space<vmem>>) target(%dma_start3A_1303 : memref<10112x128xf32, #tpu.memory_space<vmem_shared>>) offsets(%dma_start3A_1300 : memref<80xi32, #tpu.memory_space<vmem>>) semaphore(%run_scoped3A_1293 : memref<!tpu.dma_semaphore, #tpu.memory_space<semaphore_mem>>) {add = true}
        %dma_wait3A_1304 = arith.constant 0 : i32
        %dma_wait3A_1305 = arith.constant 0 : i32
        %dma_wait3A_1306 = tpu.memref_slice %arg9[%run_scoped3A_1151, %dma_wait3A_1304, %dma_wait3A_1305] : memref<3x80x128xf32, #tpu.memory_space<vmem>> -> memref<1x80x128xf32, #tpu.memory_space<vmem>>
        %dma_wait3A_1307 = tpu.memref_squeeze %dma_wait3A_1306 : memref<1x80x128xf32, #tpu.memory_space<vmem>> -> memref<80x128xf32, #tpu.memory_space<vmem>>
        %dma_wait3A_1308 = arith.constant 0 : i32
        %dma_wait3A_1309 = tpu.memref_slice %arg8[%run_scoped3A_1152, %run_scoped3A_1153, %dma_wait3A_1308] : memref<6x2x80xi32, #tpu.memory_space<vmem>> -> memref<1x1x80xi32, #tpu.memory_space<vmem>>
        %dma_wait3A_1310 = tpu.memref_squeeze %dma_wait3A_1309 : memref<1x1x80xi32, #tpu.memory_space<vmem>> -> memref<80xi32, #tpu.memory_space<vmem>>
        %dma_wait3A_1311 = arith.constant 0 : i32
        %dma_wait3A_1312 = arith.constant 0 : i32
        %dma_wait3A_1313 = tpu.memref_slice %arg10[%dma_wait3A_1311, %dma_wait3A_1312] : memref<10112x128xf32, #tpu.memory_space<vmem_shared>> -> memref<10112x128xf32, #tpu.memory_space<vmem_shared>>
        tpu.wait_indirect_dma semaphore(%run_scoped3A_1293 : memref<!tpu.dma_semaphore, #tpu.memory_space<semaphore_mem>>) src(%dma_wait3A_1307 : memref<80x128xf32, #tpu.memory_space<vmem>>) dst(%dma_wait3A_1313 : memref<10112x128xf32, #tpu.memory_space<vmem_shared>>)
        tpu.yield
      }) : () -> ()
      %run_scoped3A_1154 = arith.constant 2 : i32
      %run_scoped3A_1155 = arith.constant 1 : i32
      "tpu.region"() ({
        %run_scoped3A_1293 = tpu.sem_alloc : memref<!tpu.dma_semaphore, #tpu.memory_space<semaphore_mem>>
        %dma_start3A_1294 = arith.constant 0 : i32
        %dma_start3A_1295 = tpu.memref_slice %arg8[%run_scoped3A_1154, %run_scoped3A_1155, %dma_start3A_1294] : memref<6x2x80xi32, #tpu.memory_space<vmem>> -> memref<1x1x80xi32, #tpu.memory_space<vmem>>
        %dma_start3A_1296 = tpu.memref_squeeze %dma_start3A_1295 : memref<1x1x80xi32, #tpu.memory_space<vmem>> -> memref<80xi32, #tpu.memory_space<vmem>>
        %dma_start3A_1297 = arith.constant 0 : i32
        %dma_start3A_1298 = arith.constant 0 : i32
        %dma_start3A_1299 = tpu.memref_slice %arg14[%dma_start3A_1297, %dma_start3A_1298] : memref<10112x16xf32, #tpu.memory_space<vmem_shared>> -> memref<10112x16xf32, #tpu.memory_space<vmem_shared>>
        tpu.enqueue_indirect_dma source(%arg13 : memref<80x16xf32, #tpu.memory_space<vmem>>) target(%dma_start3A_1299 : memref<10112x16xf32, #tpu.memory_space<vmem_shared>>) offsets(%dma_start3A_1296 : memref<80xi32, #tpu.memory_space<vmem>>) semaphore(%run_scoped3A_1293 : memref<!tpu.dma_semaphore, #tpu.memory_space<semaphore_mem>>) {add = true}
        %dma_wait3A_1300 = arith.constant 0 : i32
        %dma_wait3A_1301 = tpu.memref_slice %arg8[%run_scoped3A_1154, %run_scoped3A_1155, %dma_wait3A_1300] : memref<6x2x80xi32, #tpu.memory_space<vmem>> -> memref<1x1x80xi32, #tpu.memory_space<vmem>>
        %dma_wait3A_1302 = tpu.memref_squeeze %dma_wait3A_1301 : memref<1x1x80xi32, #tpu.memory_space<vmem>> -> memref<80xi32, #tpu.memory_space<vmem>>
        %dma_wait3A_1303 = arith.constant 0 : i32
        %dma_wait3A_1304 = arith.constant 0 : i32
        %dma_wait3A_1305 = tpu.memref_slice %arg14[%dma_wait3A_1303, %dma_wait3A_1304] : memref<10112x16xf32, #tpu.memory_space<vmem_shared>> -> memref<10112x16xf32, #tpu.memory_space<vmem_shared>>
        tpu.wait_indirect_dma semaphore(%run_scoped3A_1293 : memref<!tpu.dma_semaphore, #tpu.memory_space<semaphore_mem>>) src(%arg13 : memref<80x16xf32, #tpu.memory_space<vmem>>) dst(%dma_wait3A_1305 : memref<10112x16xf32, #tpu.memory_space<vmem_shared>>)
        tpu.yield
      }) : () -> ()
      %add3A_1156 = arith.constant 6 : i32
      %add3A_1157 = arith.addi %add3A_1132, %add3A_1156 : i32
      %lt3A_1158 = arith.constant 125 : i32
      %lt3A_1159 = arith.cmpi slt, %add3A_1157, %lt3A_1158 : i32
      %convert_element_type3A_1160 = arith.extui %lt3A_1159 : i1 to i32
      %cond3A_1161 = arith.constant 0 : i32
      %cond3A_1162 = arith.cmpi ne, %convert_element_type3A_1160, %cond3A_1161 : i32
      scf.if %cond3A_1162 {
        %add3A_1293 = arith.constant 6 : i32
        %add3A_1294 = arith.addi %add3A_1132, %add3A_1293 : i32
        %mul3A_1295 = arith.constant 80 : i32
        %mul3A_1296 = arith.muli %add3A_1294, %mul3A_1295 : i32
        %add3A_1297 = arith.addi %mul3A_2, %mul3A_1296 : i32
        %dma_start3A_1298 = arith.constant 2 : i32
        %dma_start3A_1299 = arith.constant 2 : i32
        %dma_start3A_1300 = arith.constant 0 : i32
        %dma_start3A_1301 = arith.constant 0 : i32
        %dma_start3A_1302 = tpu.memref_slice %arg8[%dma_start3A_1298, %dma_start3A_1300, %dma_start3A_1301] : memref<6x2x80xi32, #tpu.memory_space<vmem>> -> memref<1x2x80xi32, #tpu.memory_space<vmem>>
        %dma_start3A_1303 = tpu.memref_squeeze %dma_start3A_1302 : memref<1x2x80xi32, #tpu.memory_space<vmem>> -> memref<2x80xi32, #tpu.memory_space<vmem>>
        %dma_start3A_1304 = arith.constant 0 : i32
        %dma_start3A_1305 = tpu.memref_slice %arg3[%dma_start3A_1304, %add3A_1297] : memref<2x320000xi32, #tpu.memory_space<hbm>> -> memref<2x80xi32, #tpu.memory_space<hbm>>
        %dma_start3A_1306 = tpu.memref_slice %arg11[%dma_start3A_1299] : memref<6x!tpu.dma_semaphore, #tpu.memory_space<semaphore_mem>> -> memref<1x!tpu.dma_semaphore, #tpu.memory_space<semaphore_mem>>
        %dma_start3A_1307 = tpu.memref_squeeze %dma_start3A_1306 : memref<1x!tpu.dma_semaphore, #tpu.memory_space<semaphore_mem>> -> memref<!tpu.dma_semaphore, #tpu.memory_space<semaphore_mem>>
        %dma_start3A_1308 = arith.constant 0 : i32
        %dma_start3A_1309 = arith.constant 0 : i32
        %dma_start3A_1310 = tpu.memref_slice %arg8[%dma_start3A_1298, %dma_start3A_1308, %dma_start3A_1309] : memref<6x2x80xi32, #tpu.memory_space<vmem>> -> memref<1x2x80xi32, #tpu.memory_space<vmem>>
        %dma_start3A_1311 = tpu.memref_squeeze %dma_start3A_1310 : memref<1x2x80xi32, #tpu.memory_space<vmem>> -> memref<2x80xi32, #tpu.memory_space<vmem>>
        %dma_start3A_1312 = arith.constant 0 : i32
        %dma_start3A_1313 = tpu.memref_slice %arg3[%dma_start3A_1312, %add3A_1297] : memref<2x320000xi32, #tpu.memory_space<hbm>> -> memref<2x80xi32, #tpu.memory_space<hbm>>
        tpu.enqueue_dma source(%dma_start3A_1313 : memref<2x80xi32, #tpu.memory_space<hbm>>) target(%dma_start3A_1311 : memref<2x80xi32, #tpu.memory_space<vmem>>) target_semaphore(%dma_start3A_1307 : memref<!tpu.dma_semaphore, #tpu.memory_space<semaphore_mem>>)
      } else {
      }
      %add3A_1163 = arith.constant 3 : i32
      %add3A_1164 = arith.addi %add3A_1132, %add3A_1163 : i32
      %lt3A_1165 = arith.constant 125 : i32
      %lt3A_1166 = arith.cmpi slt, %add3A_1164, %lt3A_1165 : i32
      %convert_element_type3A_1167 = arith.extui %lt3A_1166 : i1 to i32
      %cond3A_1168 = arith.constant 0 : i32
      %cond3A_1169 = arith.cmpi ne, %convert_element_type3A_1167, %cond3A_1168 : i32
      scf.if %cond3A_1169 {
        %dma_wait3A_1293 = arith.constant 5 : i32
        %dma_wait3A_1294 = arith.constant 5 : i32
        %dma_wait3A_1295 = arith.constant 0 : i32
        %dma_wait3A_1296 = arith.constant 0 : i32
        %dma_wait3A_1297 = tpu.memref_slice %arg8[%dma_wait3A_1293, %dma_wait3A_1295, %dma_wait3A_1296] : memref<6x2x80xi32, #tpu.memory_space<vmem>> -> memref<1x2x80xi32, #tpu.memory_space<vmem>>
        %dma_wait3A_1298 = tpu.memref_squeeze %dma_wait3A_1297 : memref<1x2x80xi32, #tpu.memory_space<vmem>> -> memref<2x80xi32, #tpu.memory_space<vmem>>
        %dma_wait3A_1299 = arith.constant 0 : i32
        %dma_wait3A_1300 = arith.constant 0 : i32
        %dma_wait3A_1301 = tpu.memref_slice %arg3[%dma_wait3A_1299, %dma_wait3A_1300] : memref<2x320000xi32, #tpu.memory_space<hbm>> -> memref<2x80xi32, #tpu.memory_space<hbm>>
        %dma_wait3A_1302 = tpu.memref_slice %arg11[%dma_wait3A_1294] : memref<6x!tpu.dma_semaphore, #tpu.memory_space<semaphore_mem>> -> memref<1x!tpu.dma_semaphore, #tpu.memory_space<semaphore_mem>>
        %dma_wait3A_1303 = tpu.memref_squeeze %dma_wait3A_1302 : memref<1x!tpu.dma_semaphore, #tpu.memory_space<semaphore_mem>> -> memref<!tpu.dma_semaphore, #tpu.memory_space<semaphore_mem>>
        %dma_wait3A_1304 = arith.constant 0 : i32
        %dma_wait3A_1305 = arith.constant 0 : i32
        %dma_wait3A_1306 = tpu.memref_slice %arg8[%dma_wait3A_1293, %dma_wait3A_1304, %dma_wait3A_1305] : memref<6x2x80xi32, #tpu.memory_space<vmem>> -> memref<1x2x80xi32, #tpu.memory_space<vmem>>
        %dma_wait3A_1307 = tpu.memref_squeeze %dma_wait3A_1306 : memref<1x2x80xi32, #tpu.memory_space<vmem>> -> memref<2x80xi32, #tpu.memory_space<vmem>>
        %dma_wait3A_1308 = arith.constant 0 : i32
        %dma_wait3A_1309 = arith.constant 0 : i32
        %dma_wait3A_1310 = tpu.memref_slice %arg3[%dma_wait3A_1308, %dma_wait3A_1309] : memref<2x320000xi32, #tpu.memory_space<hbm>> -> memref<2x80xi32, #tpu.memory_space<hbm>>
        tpu.wait_dma2 semaphore(%dma_wait3A_1303 : memref<!tpu.dma_semaphore, #tpu.memory_space<semaphore_mem>>) src(%dma_wait3A_1310 : memref<2x80xi32, #tpu.memory_space<hbm>>) dst(%dma_wait3A_1307 : memref<2x80xi32, #tpu.memory_space<vmem>>)
        %dma_start3A_1311 = arith.constant 5 : i32
        %dma_start3A_1312 = arith.constant 0 : i32
        %dma_start3A_1313 = arith.constant 2 : i32
        %dma_start3A_1314 = arith.constant 2 : i32
        %dma_start3A_1315 = arith.constant 0 : i32
        %dma_start3A_1316 = arith.constant 0 : i32
        %dma_start3A_1317 = tpu.memref_slice %arg9[%dma_start3A_1313, %dma_start3A_1315, %dma_start3A_1316] : memref<3x80x128xf32, #tpu.memory_space<vmem>> -> memref<1x80x128xf32, #tpu.memory_space<vmem>>
        %dma_start3A_1318 = tpu.memref_squeeze %dma_start3A_1317 : memref<1x80x128xf32, #tpu.memory_space<vmem>> -> memref<80x128xf32, #tpu.memory_space<vmem>>
        %dma_start3A_1319 = arith.constant 0 : i32
        %dma_start3A_1320 = tpu.memref_slice %arg8[%dma_start3A_1311, %dma_start3A_1312, %dma_start3A_1319] : memref<6x2x80xi32, #tpu.memory_space<vmem>> -> memref<1x1x80xi32, #tpu.memory_space<vmem>>
        %dma_start3A_1321 = tpu.memref_squeeze %dma_start3A_1320 : memref<1x1x80xi32, #tpu.memory_space<vmem>> -> memref<80xi32, #tpu.memory_space<vmem>>
        %dma_start3A_1322 = arith.constant 0 : i32
        %dma_start3A_1323 = arith.constant 0 : i32
        %dma_start3A_1324 = tpu.memref_slice %arg2[%dma_start3A_1322, %dma_start3A_1323] : memref<10000x128xf32, #tpu.memory_space<hbm>> -> memref<10000x128xf32, #tpu.memory_space<hbm>>
        %dma_start3A_1325 = tpu.memref_slice %arg12[%dma_start3A_1314] : memref<3x!tpu.dma_semaphore, #tpu.memory_space<semaphore_mem>> -> memref<1x!tpu.dma_semaphore, #tpu.memory_space<semaphore_mem>>
        %dma_start3A_1326 = tpu.memref_squeeze %dma_start3A_1325 : memref<1x!tpu.dma_semaphore, #tpu.memory_space<semaphore_mem>> -> memref<!tpu.dma_semaphore, #tpu.memory_space<semaphore_mem>>
        tpu.enqueue_indirect_dma source(%dma_start3A_1324 : memref<10000x128xf32, #tpu.memory_space<hbm>>) target(%dma_start3A_1318 : memref<80x128xf32, #tpu.memory_space<vmem>>) offsets(%dma_start3A_1321 : memref<80xi32, #tpu.memory_space<vmem>>) semaphore(%dma_start3A_1326 : memref<!tpu.dma_semaphore, #tpu.memory_space<semaphore_mem>>)
      } else {
      }
      %mul3A_1170 = arith.constant 6 : i32
      %mul3A_1171 = arith.muli %scan3A_1049, %mul3A_1170 : i32
      %add3A_1172 = arith.constant 3 : i32
      %add3A_1173 = arith.addi %mul3A_1171, %add3A_1172 : i32
      %dma_wait3A_1174 = arith.constant 0 : i32
      %dma_wait3A_1175 = arith.constant 0 : i32
      %dma_wait3A_1176 = arith.constant 0 : i32
      %dma_wait3A_1177 = arith.constant 0 : i32
      %dma_wait3A_1178 = tpu.memref_slice %arg9[%dma_wait3A_1174, %dma_wait3A_1176, %dma_wait3A_1177] : memref<3x80x128xf32, #tpu.memory_space<vmem>> -> memref<1x80x128xf32, #tpu.memory_space<vmem>>
      %dma_wait3A_1179 = tpu.memref_squeeze %dma_wait3A_1178 : memref<1x80x128xf32, #tpu.memory_space<vmem>> -> memref<80x128xf32, #tpu.memory_space<vmem>>
      %dma_wait3A_1180 = arith.constant 0 : i32
      %dma_wait3A_1181 = arith.constant 0 : i32
      %dma_wait3A_1182 = tpu.memref_slice %arg2[%dma_wait3A_1180, %dma_wait3A_1181] : memref<10000x128xf32, #tpu.memory_space<hbm>> -> memref<80x128xf32, #tpu.memory_space<hbm>>
      %dma_wait3A_1183 = tpu.memref_slice %arg12[%dma_wait3A_1175] : memref<3x!tpu.dma_semaphore, #tpu.memory_space<semaphore_mem>> -> memref<1x!tpu.dma_semaphore, #tpu.memory_space<semaphore_mem>>
      %dma_wait3A_1184 = tpu.memref_squeeze %dma_wait3A_1183 : memref<1x!tpu.dma_semaphore, #tpu.memory_space<semaphore_mem>> -> memref<!tpu.dma_semaphore, #tpu.memory_space<semaphore_mem>>
      %dma_wait3A_1185 = arith.constant 0 : i32
      %dma_wait3A_1186 = arith.constant 0 : i32
      %dma_wait3A_1187 = tpu.memref_slice %arg9[%dma_wait3A_1174, %dma_wait3A_1185, %dma_wait3A_1186] : memref<3x80x128xf32, #tpu.memory_space<vmem>> -> memref<1x80x128xf32, #tpu.memory_space<vmem>>
      %dma_wait3A_1188 = tpu.memref_squeeze %dma_wait3A_1187 : memref<1x80x128xf32, #tpu.memory_space<vmem>> -> memref<80x128xf32, #tpu.memory_space<vmem>>
      %dma_wait3A_1189 = arith.constant 0 : i32
      %dma_wait3A_1190 = arith.constant 0 : i32
      %dma_wait3A_1191 = tpu.memref_slice %arg2[%dma_wait3A_1189, %dma_wait3A_1190] : memref<10000x128xf32, #tpu.memory_space<hbm>> -> memref<80x128xf32, #tpu.memory_space<hbm>>
      tpu.wait_dma2 semaphore(%dma_wait3A_1184 : memref<!tpu.dma_semaphore, #tpu.memory_space<semaphore_mem>>) src(%dma_wait3A_1191 : memref<80x128xf32, #tpu.memory_space<hbm>>) dst(%dma_wait3A_1188 : memref<80x128xf32, #tpu.memory_space<vmem>>)
      %run_scoped3A_1192 = arith.constant 0 : i32
      %run_scoped3A_1193 = arith.constant 3 : i32
      %run_scoped3A_1194 = arith.constant 1 : i32
      "tpu.region"() ({
        %run_scoped3A_1293 = tpu.sem_alloc : memref<!tpu.dma_semaphore, #tpu.memory_space<semaphore_mem>>
        %dma_start3A_1294 = arith.constant 0 : i32
        %dma_start3A_1295 = arith.constant 0 : i32
        %dma_start3A_1296 = tpu.memref_slice %arg9[%run_scoped3A_1192, %dma_start3A_1294, %dma_start3A_1295] : memref<3x80x128xf32, #tpu.memory_space<vmem>> -> memref<1x80x128xf32, #tpu.memory_space<vmem>>
        %dma_start3A_1297 = tpu.memref_squeeze %dma_start3A_1296 : memref<1x80x128xf32, #tpu.memory_space<vmem>> -> memref<80x128xf32, #tpu.memory_space<vmem>>
        %dma_start3A_1298 = arith.constant 0 : i32
        %dma_start3A_1299 = tpu.memref_slice %arg8[%run_scoped3A_1193, %run_scoped3A_1194, %dma_start3A_1298] : memref<6x2x80xi32, #tpu.memory_space<vmem>> -> memref<1x1x80xi32, #tpu.memory_space<vmem>>
        %dma_start3A_1300 = tpu.memref_squeeze %dma_start3A_1299 : memref<1x1x80xi32, #tpu.memory_space<vmem>> -> memref<80xi32, #tpu.memory_space<vmem>>
        %dma_start3A_1301 = arith.constant 0 : i32
        %dma_start3A_1302 = arith.constant 0 : i32
        %dma_start3A_1303 = tpu.memref_slice %arg10[%dma_start3A_1301, %dma_start3A_1302] : memref<10112x128xf32, #tpu.memory_space<vmem_shared>> -> memref<10112x128xf32, #tpu.memory_space<vmem_shared>>
        tpu.enqueue_indirect_dma source(%dma_start3A_1297 : memref<80x128xf32, #tpu.memory_space<vmem>>) target(%dma_start3A_1303 : memref<10112x128xf32, #tpu.memory_space<vmem_shared>>) offsets(%dma_start3A_1300 : memref<80xi32, #tpu.memory_space<vmem>>) semaphore(%run_scoped3A_1293 : memref<!tpu.dma_semaphore, #tpu.memory_space<semaphore_mem>>) {add = true}
        %dma_wait3A_1304 = arith.constant 0 : i32
        %dma_wait3A_1305 = arith.constant 0 : i32
        %dma_wait3A_1306 = tpu.memref_slice %arg9[%run_scoped3A_1192, %dma_wait3A_1304, %dma_wait3A_1305] : memref<3x80x128xf32, #tpu.memory_space<vmem>> -> memref<1x80x128xf32, #tpu.memory_space<vmem>>
        %dma_wait3A_1307 = tpu.memref_squeeze %dma_wait3A_1306 : memref<1x80x128xf32, #tpu.memory_space<vmem>> -> memref<80x128xf32, #tpu.memory_space<vmem>>
        %dma_wait3A_1308 = arith.constant 0 : i32
        %dma_wait3A_1309 = tpu.memref_slice %arg8[%run_scoped3A_1193, %run_scoped3A_1194, %dma_wait3A_1308] : memref<6x2x80xi32, #tpu.memory_space<vmem>> -> memref<1x1x80xi32, #tpu.memory_space<vmem>>
        %dma_wait3A_1310 = tpu.memref_squeeze %dma_wait3A_1309 : memref<1x1x80xi32, #tpu.memory_space<vmem>> -> memref<80xi32, #tpu.memory_space<vmem>>
        %dma_wait3A_1311 = arith.constant 0 : i32
        %dma_wait3A_1312 = arith.constant 0 : i32
        %dma_wait3A_1313 = tpu.memref_slice %arg10[%dma_wait3A_1311, %dma_wait3A_1312] : memref<10112x128xf32, #tpu.memory_space<vmem_shared>> -> memref<10112x128xf32, #tpu.memory_space<vmem_shared>>
        tpu.wait_indirect_dma semaphore(%run_scoped3A_1293 : memref<!tpu.dma_semaphore, #tpu.memory_space<semaphore_mem>>) src(%dma_wait3A_1307 : memref<80x128xf32, #tpu.memory_space<vmem>>) dst(%dma_wait3A_1313 : memref<10112x128xf32, #tpu.memory_space<vmem_shared>>)
        tpu.yield
      }) : () -> ()
      %run_scoped3A_1195 = arith.constant 3 : i32
      %run_scoped3A_1196 = arith.constant 1 : i32
      "tpu.region"() ({
        %run_scoped3A_1293 = tpu.sem_alloc : memref<!tpu.dma_semaphore, #tpu.memory_space<semaphore_mem>>
        %dma_start3A_1294 = arith.constant 0 : i32
        %dma_start3A_1295 = tpu.memref_slice %arg8[%run_scoped3A_1195, %run_scoped3A_1196, %dma_start3A_1294] : memref<6x2x80xi32, #tpu.memory_space<vmem>> -> memref<1x1x80xi32, #tpu.memory_space<vmem>>
        %dma_start3A_1296 = tpu.memref_squeeze %dma_start3A_1295 : memref<1x1x80xi32, #tpu.memory_space<vmem>> -> memref<80xi32, #tpu.memory_space<vmem>>
        %dma_start3A_1297 = arith.constant 0 : i32
        %dma_start3A_1298 = arith.constant 0 : i32
        %dma_start3A_1299 = tpu.memref_slice %arg14[%dma_start3A_1297, %dma_start3A_1298] : memref<10112x16xf32, #tpu.memory_space<vmem_shared>> -> memref<10112x16xf32, #tpu.memory_space<vmem_shared>>
        tpu.enqueue_indirect_dma source(%arg13 : memref<80x16xf32, #tpu.memory_space<vmem>>) target(%dma_start3A_1299 : memref<10112x16xf32, #tpu.memory_space<vmem_shared>>) offsets(%dma_start3A_1296 : memref<80xi32, #tpu.memory_space<vmem>>) semaphore(%run_scoped3A_1293 : memref<!tpu.dma_semaphore, #tpu.memory_space<semaphore_mem>>) {add = true}
        %dma_wait3A_1300 = arith.constant 0 : i32
        %dma_wait3A_1301 = tpu.memref_slice %arg8[%run_scoped3A_1195, %run_scoped3A_1196, %dma_wait3A_1300] : memref<6x2x80xi32, #tpu.memory_space<vmem>> -> memref<1x1x80xi32, #tpu.memory_space<vmem>>
        %dma_wait3A_1302 = tpu.memref_squeeze %dma_wait3A_1301 : memref<1x1x80xi32, #tpu.memory_space<vmem>> -> memref<80xi32, #tpu.memory_space<vmem>>
        %dma_wait3A_1303 = arith.constant 0 : i32
        %dma_wait3A_1304 = arith.constant 0 : i32
        %dma_wait3A_1305 = tpu.memref_slice %arg14[%dma_wait3A_1303, %dma_wait3A_1304] : memref<10112x16xf32, #tpu.memory_space<vmem_shared>> -> memref<10112x16xf32, #tpu.memory_space<vmem_shared>>
        tpu.wait_indirect_dma semaphore(%run_scoped3A_1293 : memref<!tpu.dma_semaphore, #tpu.memory_space<semaphore_mem>>) src(%arg13 : memref<80x16xf32, #tpu.memory_space<vmem>>) dst(%dma_wait3A_1305 : memref<10112x16xf32, #tpu.memory_space<vmem_shared>>)
        tpu.yield
      }) : () -> ()
      %add3A_1197 = arith.constant 6 : i32
      %add3A_1198 = arith.addi %add3A_1173, %add3A_1197 : i32
      %lt3A_1199 = arith.constant 125 : i32
      %lt3A_1200 = arith.cmpi slt, %add3A_1198, %lt3A_1199 : i32
      %convert_element_type3A_1201 = arith.extui %lt3A_1200 : i1 to i32
      %cond3A_1202 = arith.constant 0 : i32
      %cond3A_1203 = arith.cmpi ne, %convert_element_type3A_1201, %cond3A_1202 : i32
      scf.if %cond3A_1203 {
        %add3A_1293 = arith.constant 6 : i32
        %add3A_1294 = arith.addi %add3A_1173, %add3A_1293 : i32
        %mul3A_1295 = arith.constant 80 : i32
        %mul3A_1296 = arith.muli %add3A_1294, %mul3A_1295 : i32
        %add3A_1297 = arith.addi %mul3A_2, %mul3A_1296 : i32
        %dma_start3A_1298 = arith.constant 3 : i32
        %dma_start3A_1299 = arith.constant 3 : i32
        %dma_start3A_1300 = arith.constant 0 : i32
        %dma_start3A_1301 = arith.constant 0 : i32
        %dma_start3A_1302 = tpu.memref_slice %arg8[%dma_start3A_1298, %dma_start3A_1300, %dma_start3A_1301] : memref<6x2x80xi32, #tpu.memory_space<vmem>> -> memref<1x2x80xi32, #tpu.memory_space<vmem>>
        %dma_start3A_1303 = tpu.memref_squeeze %dma_start3A_1302 : memref<1x2x80xi32, #tpu.memory_space<vmem>> -> memref<2x80xi32, #tpu.memory_space<vmem>>
        %dma_start3A_1304 = arith.constant 0 : i32
        %dma_start3A_1305 = tpu.memref_slice %arg3[%dma_start3A_1304, %add3A_1297] : memref<2x320000xi32, #tpu.memory_space<hbm>> -> memref<2x80xi32, #tpu.memory_space<hbm>>
        %dma_start3A_1306 = tpu.memref_slice %arg11[%dma_start3A_1299] : memref<6x!tpu.dma_semaphore, #tpu.memory_space<semaphore_mem>> -> memref<1x!tpu.dma_semaphore, #tpu.memory_space<semaphore_mem>>
        %dma_start3A_1307 = tpu.memref_squeeze %dma_start3A_1306 : memref<1x!tpu.dma_semaphore, #tpu.memory_space<semaphore_mem>> -> memref<!tpu.dma_semaphore, #tpu.memory_space<semaphore_mem>>
        %dma_start3A_1308 = arith.constant 0 : i32
        %dma_start3A_1309 = arith.constant 0 : i32
        %dma_start3A_1310 = tpu.memref_slice %arg8[%dma_start3A_1298, %dma_start3A_1308, %dma_start3A_1309] : memref<6x2x80xi32, #tpu.memory_space<vmem>> -> memref<1x2x80xi32, #tpu.memory_space<vmem>>
        %dma_start3A_1311 = tpu.memref_squeeze %dma_start3A_1310 : memref<1x2x80xi32, #tpu.memory_space<vmem>> -> memref<2x80xi32, #tpu.memory_space<vmem>>
        %dma_start3A_1312 = arith.constant 0 : i32
        %dma_start3A_1313 = tpu.memref_slice %arg3[%dma_start3A_1312, %add3A_1297] : memref<2x320000xi32, #tpu.memory_space<hbm>> -> memref<2x80xi32, #tpu.memory_space<hbm>>
        tpu.enqueue_dma source(%dma_start3A_1313 : memref<2x80xi32, #tpu.memory_space<hbm>>) target(%dma_start3A_1311 : memref<2x80xi32, #tpu.memory_space<vmem>>) target_semaphore(%dma_start3A_1307 : memref<!tpu.dma_semaphore, #tpu.memory_space<semaphore_mem>>)
      } else {
      }
      %add3A_1204 = arith.constant 3 : i32
      %add3A_1205 = arith.addi %add3A_1173, %add3A_1204 : i32
      %lt3A_1206 = arith.constant 125 : i32
      %lt3A_1207 = arith.cmpi slt, %add3A_1205, %lt3A_1206 : i32
      %convert_element_type3A_1208 = arith.extui %lt3A_1207 : i1 to i32
      %cond3A_1209 = arith.constant 0 : i32
      %cond3A_1210 = arith.cmpi ne, %convert_element_type3A_1208, %cond3A_1209 : i32
      scf.if %cond3A_1210 {
        %dma_wait3A_1293 = arith.constant 0 : i32
        %dma_wait3A_1294 = arith.constant 0 : i32
        %dma_wait3A_1295 = arith.constant 0 : i32
        %dma_wait3A_1296 = arith.constant 0 : i32
        %dma_wait3A_1297 = tpu.memref_slice %arg8[%dma_wait3A_1293, %dma_wait3A_1295, %dma_wait3A_1296] : memref<6x2x80xi32, #tpu.memory_space<vmem>> -> memref<1x2x80xi32, #tpu.memory_space<vmem>>
        %dma_wait3A_1298 = tpu.memref_squeeze %dma_wait3A_1297 : memref<1x2x80xi32, #tpu.memory_space<vmem>> -> memref<2x80xi32, #tpu.memory_space<vmem>>
        %dma_wait3A_1299 = arith.constant 0 : i32
        %dma_wait3A_1300 = arith.constant 0 : i32
        %dma_wait3A_1301 = tpu.memref_slice %arg3[%dma_wait3A_1299, %dma_wait3A_1300] : memref<2x320000xi32, #tpu.memory_space<hbm>> -> memref<2x80xi32, #tpu.memory_space<hbm>>
        %dma_wait3A_1302 = tpu.memref_slice %arg11[%dma_wait3A_1294] : memref<6x!tpu.dma_semaphore, #tpu.memory_space<semaphore_mem>> -> memref<1x!tpu.dma_semaphore, #tpu.memory_space<semaphore_mem>>
        %dma_wait3A_1303 = tpu.memref_squeeze %dma_wait3A_1302 : memref<1x!tpu.dma_semaphore, #tpu.memory_space<semaphore_mem>> -> memref<!tpu.dma_semaphore, #tpu.memory_space<semaphore_mem>>
        %dma_wait3A_1304 = arith.constant 0 : i32
        %dma_wait3A_1305 = arith.constant 0 : i32
        %dma_wait3A_1306 = tpu.memref_slice %arg8[%dma_wait3A_1293, %dma_wait3A_1304, %dma_wait3A_1305] : memref<6x2x80xi32, #tpu.memory_space<vmem>> -> memref<1x2x80xi32, #tpu.memory_space<vmem>>
        %dma_wait3A_1307 = tpu.memref_squeeze %dma_wait3A_1306 : memref<1x2x80xi32, #tpu.memory_space<vmem>> -> memref<2x80xi32, #tpu.memory_space<vmem>>
        %dma_wait3A_1308 = arith.constant 0 : i32
        %dma_wait3A_1309 = arith.constant 0 : i32
        %dma_wait3A_1310 = tpu.memref_slice %arg3[%dma_wait3A_1308, %dma_wait3A_1309] : memref<2x320000xi32, #tpu.memory_space<hbm>> -> memref<2x80xi32, #tpu.memory_space<hbm>>
        tpu.wait_dma2 semaphore(%dma_wait3A_1303 : memref<!tpu.dma_semaphore, #tpu.memory_space<semaphore_mem>>) src(%dma_wait3A_1310 : memref<2x80xi32, #tpu.memory_space<hbm>>) dst(%dma_wait3A_1307 : memref<2x80xi32, #tpu.memory_space<vmem>>)
        %dma_start3A_1311 = arith.constant 0 : i32
        %dma_start3A_1312 = arith.constant 0 : i32
        %dma_start3A_1313 = arith.constant 0 : i32
        %dma_start3A_1314 = arith.constant 0 : i32
        %dma_start3A_1315 = arith.constant 0 : i32
        %dma_start3A_1316 = arith.constant 0 : i32
        %dma_start3A_1317 = tpu.memref_slice %arg9[%dma_start3A_1313, %dma_start3A_1315, %dma_start3A_1316] : memref<3x80x128xf32, #tpu.memory_space<vmem>> -> memref<1x80x128xf32, #tpu.memory_space<vmem>>
        %dma_start3A_1318 = tpu.memref_squeeze %dma_start3A_1317 : memref<1x80x128xf32, #tpu.memory_space<vmem>> -> memref<80x128xf32, #tpu.memory_space<vmem>>
        %dma_start3A_1319 = arith.constant 0 : i32
        %dma_start3A_1320 = tpu.memref_slice %arg8[%dma_start3A_1311, %dma_start3A_1312, %dma_start3A_1319] : memref<6x2x80xi32, #tpu.memory_space<vmem>> -> memref<1x1x80xi32, #tpu.memory_space<vmem>>
        %dma_start3A_1321 = tpu.memref_squeeze %dma_start3A_1320 : memref<1x1x80xi32, #tpu.memory_space<vmem>> -> memref<80xi32, #tpu.memory_space<vmem>>
        %dma_start3A_1322 = arith.constant 0 : i32
        %dma_start3A_1323 = arith.constant 0 : i32
        %dma_start3A_1324 = tpu.memref_slice %arg2[%dma_start3A_1322, %dma_start3A_1323] : memref<10000x128xf32, #tpu.memory_space<hbm>> -> memref<10000x128xf32, #tpu.memory_space<hbm>>
        %dma_start3A_1325 = tpu.memref_slice %arg12[%dma_start3A_1314] : memref<3x!tpu.dma_semaphore, #tpu.memory_space<semaphore_mem>> -> memref<1x!tpu.dma_semaphore, #tpu.memory_space<semaphore_mem>>
        %dma_start3A_1326 = tpu.memref_squeeze %dma_start3A_1325 : memref<1x!tpu.dma_semaphore, #tpu.memory_space<semaphore_mem>> -> memref<!tpu.dma_semaphore, #tpu.memory_space<semaphore_mem>>
        tpu.enqueue_indirect_dma source(%dma_start3A_1324 : memref<10000x128xf32, #tpu.memory_space<hbm>>) target(%dma_start3A_1318 : memref<80x128xf32, #tpu.memory_space<vmem>>) offsets(%dma_start3A_1321 : memref<80xi32, #tpu.memory_space<vmem>>) semaphore(%dma_start3A_1326 : memref<!tpu.dma_semaphore, #tpu.memory_space<semaphore_mem>>)
      } else {
      }
      %mul3A_1211 = arith.constant 6 : i32
      %mul3A_1212 = arith.muli %scan3A_1049, %mul3A_1211 : i32
      %add3A_1213 = arith.constant 4 : i32
      %add3A_1214 = arith.addi %mul3A_1212, %add3A_1213 : i32
      %dma_wait3A_1215 = arith.constant 1 : i32
      %dma_wait3A_1216 = arith.constant 1 : i32
      %dma_wait3A_1217 = arith.constant 0 : i32
      %dma_wait3A_1218 = arith.constant 0 : i32
      %dma_wait3A_1219 = tpu.memref_slice %arg9[%dma_wait3A_1215, %dma_wait3A_1217, %dma_wait3A_1218] : memref<3x80x128xf32, #tpu.memory_space<vmem>> -> memref<1x80x128xf32, #tpu.memory_space<vmem>>
      %dma_wait3A_1220 = tpu.memref_squeeze %dma_wait3A_1219 : memref<1x80x128xf32, #tpu.memory_space<vmem>> -> memref<80x128xf32, #tpu.memory_space<vmem>>
      %dma_wait3A_1221 = arith.constant 0 : i32
      %dma_wait3A_1222 = arith.constant 0 : i32
      %dma_wait3A_1223 = tpu.memref_slice %arg2[%dma_wait3A_1221, %dma_wait3A_1222] : memref<10000x128xf32, #tpu.memory_space<hbm>> -> memref<80x128xf32, #tpu.memory_space<hbm>>
      %dma_wait3A_1224 = tpu.memref_slice %arg12[%dma_wait3A_1216] : memref<3x!tpu.dma_semaphore, #tpu.memory_space<semaphore_mem>> -> memref<1x!tpu.dma_semaphore, #tpu.memory_space<semaphore_mem>>
      %dma_wait3A_1225 = tpu.memref_squeeze %dma_wait3A_1224 : memref<1x!tpu.dma_semaphore, #tpu.memory_space<semaphore_mem>> -> memref<!tpu.dma_semaphore, #tpu.memory_space<semaphore_mem>>
      %dma_wait3A_1226 = arith.constant 0 : i32
      %dma_wait3A_1227 = arith.constant 0 : i32
      %dma_wait3A_1228 = tpu.memref_slice %arg9[%dma_wait3A_1215, %dma_wait3A_1226, %dma_wait3A_1227] : memref<3x80x128xf32, #tpu.memory_space<vmem>> -> memref<1x80x128xf32, #tpu.memory_space<vmem>>
      %dma_wait3A_1229 = tpu.memref_squeeze %dma_wait3A_1228 : memref<1x80x128xf32, #tpu.memory_space<vmem>> -> memref<80x128xf32, #tpu.memory_space<vmem>>
      %dma_wait3A_1230 = arith.constant 0 : i32
      %dma_wait3A_1231 = arith.constant 0 : i32
      %dma_wait3A_1232 = tpu.memref_slice %arg2[%dma_wait3A_1230, %dma_wait3A_1231] : memref<10000x128xf32, #tpu.memory_space<hbm>> -> memref<80x128xf32, #tpu.memory_space<hbm>>
      tpu.wait_dma2 semaphore(%dma_wait3A_1225 : memref<!tpu.dma_semaphore, #tpu.memory_space<semaphore_mem>>) src(%dma_wait3A_1232 : memref<80x128xf32, #tpu.memory_space<hbm>>) dst(%dma_wait3A_1229 : memref<80x128xf32, #tpu.memory_space<vmem>>)
      %run_scoped3A_1233 = arith.constant 1 : i32
      %run_scoped3A_1234 = arith.constant 4 : i32
      %run_scoped3A_1235 = arith.constant 1 : i32
      "tpu.region"() ({
        %run_scoped3A_1293 = tpu.sem_alloc : memref<!tpu.dma_semaphore, #tpu.memory_space<semaphore_mem>>
        %dma_start3A_1294 = arith.constant 0 : i32
        %dma_start3A_1295 = arith.constant 0 : i32
        %dma_start3A_1296 = tpu.memref_slice %arg9[%run_scoped3A_1233, %dma_start3A_1294, %dma_start3A_1295] : memref<3x80x128xf32, #tpu.memory_space<vmem>> -> memref<1x80x128xf32, #tpu.memory_space<vmem>>
        %dma_start3A_1297 = tpu.memref_squeeze %dma_start3A_1296 : memref<1x80x128xf32, #tpu.memory_space<vmem>> -> memref<80x128xf32, #tpu.memory_space<vmem>>
        %dma_start3A_1298 = arith.constant 0 : i32
        %dma_start3A_1299 = tpu.memref_slice %arg8[%run_scoped3A_1234, %run_scoped3A_1235, %dma_start3A_1298] : memref<6x2x80xi32, #tpu.memory_space<vmem>> -> memref<1x1x80xi32, #tpu.memory_space<vmem>>
        %dma_start3A_1300 = tpu.memref_squeeze %dma_start3A_1299 : memref<1x1x80xi32, #tpu.memory_space<vmem>> -> memref<80xi32, #tpu.memory_space<vmem>>
        %dma_start3A_1301 = arith.constant 0 : i32
        %dma_start3A_1302 = arith.constant 0 : i32
        %dma_start3A_1303 = tpu.memref_slice %arg10[%dma_start3A_1301, %dma_start3A_1302] : memref<10112x128xf32, #tpu.memory_space<vmem_shared>> -> memref<10112x128xf32, #tpu.memory_space<vmem_shared>>
        tpu.enqueue_indirect_dma source(%dma_start3A_1297 : memref<80x128xf32, #tpu.memory_space<vmem>>) target(%dma_start3A_1303 : memref<10112x128xf32, #tpu.memory_space<vmem_shared>>) offsets(%dma_start3A_1300 : memref<80xi32, #tpu.memory_space<vmem>>) semaphore(%run_scoped3A_1293 : memref<!tpu.dma_semaphore, #tpu.memory_space<semaphore_mem>>) {add = true}
        %dma_wait3A_1304 = arith.constant 0 : i32
        %dma_wait3A_1305 = arith.constant 0 : i32
        %dma_wait3A_1306 = tpu.memref_slice %arg9[%run_scoped3A_1233, %dma_wait3A_1304, %dma_wait3A_1305] : memref<3x80x128xf32, #tpu.memory_space<vmem>> -> memref<1x80x128xf32, #tpu.memory_space<vmem>>
        %dma_wait3A_1307 = tpu.memref_squeeze %dma_wait3A_1306 : memref<1x80x128xf32, #tpu.memory_space<vmem>> -> memref<80x128xf32, #tpu.memory_space<vmem>>
        %dma_wait3A_1308 = arith.constant 0 : i32
        %dma_wait3A_1309 = tpu.memref_slice %arg8[%run_scoped3A_1234, %run_scoped3A_1235, %dma_wait3A_1308] : memref<6x2x80xi32, #tpu.memory_space<vmem>> -> memref<1x1x80xi32, #tpu.memory_space<vmem>>
        %dma_wait3A_1310 = tpu.memref_squeeze %dma_wait3A_1309 : memref<1x1x80xi32, #tpu.memory_space<vmem>> -> memref<80xi32, #tpu.memory_space<vmem>>
        %dma_wait3A_1311 = arith.constant 0 : i32
        %dma_wait3A_1312 = arith.constant 0 : i32
        %dma_wait3A_1313 = tpu.memref_slice %arg10[%dma_wait3A_1311, %dma_wait3A_1312] : memref<10112x128xf32, #tpu.memory_space<vmem_shared>> -> memref<10112x128xf32, #tpu.memory_space<vmem_shared>>
        tpu.wait_indirect_dma semaphore(%run_scoped3A_1293 : memref<!tpu.dma_semaphore, #tpu.memory_space<semaphore_mem>>) src(%dma_wait3A_1307 : memref<80x128xf32, #tpu.memory_space<vmem>>) dst(%dma_wait3A_1313 : memref<10112x128xf32, #tpu.memory_space<vmem_shared>>)
        tpu.yield
      }) : () -> ()
      %run_scoped3A_1236 = arith.constant 4 : i32
      %run_scoped3A_1237 = arith.constant 1 : i32
      "tpu.region"() ({
        %run_scoped3A_1293 = tpu.sem_alloc : memref<!tpu.dma_semaphore, #tpu.memory_space<semaphore_mem>>
        %dma_start3A_1294 = arith.constant 0 : i32
        %dma_start3A_1295 = tpu.memref_slice %arg8[%run_scoped3A_1236, %run_scoped3A_1237, %dma_start3A_1294] : memref<6x2x80xi32, #tpu.memory_space<vmem>> -> memref<1x1x80xi32, #tpu.memory_space<vmem>>
        %dma_start3A_1296 = tpu.memref_squeeze %dma_start3A_1295 : memref<1x1x80xi32, #tpu.memory_space<vmem>> -> memref<80xi32, #tpu.memory_space<vmem>>
        %dma_start3A_1297 = arith.constant 0 : i32
        %dma_start3A_1298 = arith.constant 0 : i32
        %dma_start3A_1299 = tpu.memref_slice %arg14[%dma_start3A_1297, %dma_start3A_1298] : memref<10112x16xf32, #tpu.memory_space<vmem_shared>> -> memref<10112x16xf32, #tpu.memory_space<vmem_shared>>
        tpu.enqueue_indirect_dma source(%arg13 : memref<80x16xf32, #tpu.memory_space<vmem>>) target(%dma_start3A_1299 : memref<10112x16xf32, #tpu.memory_space<vmem_shared>>) offsets(%dma_start3A_1296 : memref<80xi32, #tpu.memory_space<vmem>>) semaphore(%run_scoped3A_1293 : memref<!tpu.dma_semaphore, #tpu.memory_space<semaphore_mem>>) {add = true}
        %dma_wait3A_1300 = arith.constant 0 : i32
        %dma_wait3A_1301 = tpu.memref_slice %arg8[%run_scoped3A_1236, %run_scoped3A_1237, %dma_wait3A_1300] : memref<6x2x80xi32, #tpu.memory_space<vmem>> -> memref<1x1x80xi32, #tpu.memory_space<vmem>>
        %dma_wait3A_1302 = tpu.memref_squeeze %dma_wait3A_1301 : memref<1x1x80xi32, #tpu.memory_space<vmem>> -> memref<80xi32, #tpu.memory_space<vmem>>
        %dma_wait3A_1303 = arith.constant 0 : i32
        %dma_wait3A_1304 = arith.constant 0 : i32
        %dma_wait3A_1305 = tpu.memref_slice %arg14[%dma_wait3A_1303, %dma_wait3A_1304] : memref<10112x16xf32, #tpu.memory_space<vmem_shared>> -> memref<10112x16xf32, #tpu.memory_space<vmem_shared>>
        tpu.wait_indirect_dma semaphore(%run_scoped3A_1293 : memref<!tpu.dma_semaphore, #tpu.memory_space<semaphore_mem>>) src(%arg13 : memref<80x16xf32, #tpu.memory_space<vmem>>) dst(%dma_wait3A_1305 : memref<10112x16xf32, #tpu.memory_space<vmem_shared>>)
        tpu.yield
      }) : () -> ()
      %add3A_1238 = arith.constant 6 : i32
      %add3A_1239 = arith.addi %add3A_1214, %add3A_1238 : i32
      %lt3A_1240 = arith.constant 125 : i32
      %lt3A_1241 = arith.cmpi slt, %add3A_1239, %lt3A_1240 : i32
      %convert_element_type3A_1242 = arith.extui %lt3A_1241 : i1 to i32
      %cond3A_1243 = arith.constant 0 : i32
      %cond3A_1244 = arith.cmpi ne, %convert_element_type3A_1242, %cond3A_1243 : i32
      scf.if %cond3A_1244 {
        %add3A_1293 = arith.constant 6 : i32
        %add3A_1294 = arith.addi %add3A_1214, %add3A_1293 : i32
        %mul3A_1295 = arith.constant 80 : i32
        %mul3A_1296 = arith.muli %add3A_1294, %mul3A_1295 : i32
        %add3A_1297 = arith.addi %mul3A_2, %mul3A_1296 : i32
        %dma_start3A_1298 = arith.constant 4 : i32
        %dma_start3A_1299 = arith.constant 4 : i32
        %dma_start3A_1300 = arith.constant 0 : i32
        %dma_start3A_1301 = arith.constant 0 : i32
        %dma_start3A_1302 = tpu.memref_slice %arg8[%dma_start3A_1298, %dma_start3A_1300, %dma_start3A_1301] : memref<6x2x80xi32, #tpu.memory_space<vmem>> -> memref<1x2x80xi32, #tpu.memory_space<vmem>>
        %dma_start3A_1303 = tpu.memref_squeeze %dma_start3A_1302 : memref<1x2x80xi32, #tpu.memory_space<vmem>> -> memref<2x80xi32, #tpu.memory_space<vmem>>
        %dma_start3A_1304 = arith.constant 0 : i32
        %dma_start3A_1305 = tpu.memref_slice %arg3[%dma_start3A_1304, %add3A_1297] : memref<2x320000xi32, #tpu.memory_space<hbm>> -> memref<2x80xi32, #tpu.memory_space<hbm>>
        %dma_start3A_1306 = tpu.memref_slice %arg11[%dma_start3A_1299] : memref<6x!tpu.dma_semaphore, #tpu.memory_space<semaphore_mem>> -> memref<1x!tpu.dma_semaphore, #tpu.memory_space<semaphore_mem>>
        %dma_start3A_1307 = tpu.memref_squeeze %dma_start3A_1306 : memref<1x!tpu.dma_semaphore, #tpu.memory_space<semaphore_mem>> -> memref<!tpu.dma_semaphore, #tpu.memory_space<semaphore_mem>>
        %dma_start3A_1308 = arith.constant 0 : i32
        %dma_start3A_1309 = arith.constant 0 : i32
        %dma_start3A_1310 = tpu.memref_slice %arg8[%dma_start3A_1298, %dma_start3A_1308, %dma_start3A_1309] : memref<6x2x80xi32, #tpu.memory_space<vmem>> -> memref<1x2x80xi32, #tpu.memory_space<vmem>>
        %dma_start3A_1311 = tpu.memref_squeeze %dma_start3A_1310 : memref<1x2x80xi32, #tpu.memory_space<vmem>> -> memref<2x80xi32, #tpu.memory_space<vmem>>
        %dma_start3A_1312 = arith.constant 0 : i32
        %dma_start3A_1313 = tpu.memref_slice %arg3[%dma_start3A_1312, %add3A_1297] : memref<2x320000xi32, #tpu.memory_space<hbm>> -> memref<2x80xi32, #tpu.memory_space<hbm>>
        tpu.enqueue_dma source(%dma_start3A_1313 : memref<2x80xi32, #tpu.memory_space<hbm>>) target(%dma_start3A_1311 : memref<2x80xi32, #tpu.memory_space<vmem>>) target_semaphore(%dma_start3A_1307 : memref<!tpu.dma_semaphore, #tpu.memory_space<semaphore_mem>>)
      } else {
      }
      %add3A_1245 = arith.constant 3 : i32
      %add3A_1246 = arith.addi %add3A_1214, %add3A_1245 : i32
      %lt3A_1247 = arith.constant 125 : i32
      %lt3A_1248 = arith.cmpi slt, %add3A_1246, %lt3A_1247 : i32
      %convert_element_type3A_1249 = arith.extui %lt3A_1248 : i1 to i32
      %cond3A_1250 = arith.constant 0 : i32
      %cond3A_1251 = arith.cmpi ne, %convert_element_type3A_1249, %cond3A_1250 : i32
      scf.if %cond3A_1251 {
        %dma_wait3A_1293 = arith.constant 1 : i32
        %dma_wait3A_1294 = arith.constant 1 : i32
        %dma_wait3A_1295 = arith.constant 0 : i32
        %dma_wait3A_1296 = arith.constant 0 : i32
        %dma_wait3A_1297 = tpu.memref_slice %arg8[%dma_wait3A_1293, %dma_wait3A_1295, %dma_wait3A_1296] : memref<6x2x80xi32, #tpu.memory_space<vmem>> -> memref<1x2x80xi32, #tpu.memory_space<vmem>>
        %dma_wait3A_1298 = tpu.memref_squeeze %dma_wait3A_1297 : memref<1x2x80xi32, #tpu.memory_space<vmem>> -> memref<2x80xi32, #tpu.memory_space<vmem>>
        %dma_wait3A_1299 = arith.constant 0 : i32
        %dma_wait3A_1300 = arith.constant 0 : i32
        %dma_wait3A_1301 = tpu.memref_slice %arg3[%dma_wait3A_1299, %dma_wait3A_1300] : memref<2x320000xi32, #tpu.memory_space<hbm>> -> memref<2x80xi32, #tpu.memory_space<hbm>>
        %dma_wait3A_1302 = tpu.memref_slice %arg11[%dma_wait3A_1294] : memref<6x!tpu.dma_semaphore, #tpu.memory_space<semaphore_mem>> -> memref<1x!tpu.dma_semaphore, #tpu.memory_space<semaphore_mem>>
        %dma_wait3A_1303 = tpu.memref_squeeze %dma_wait3A_1302 : memref<1x!tpu.dma_semaphore, #tpu.memory_space<semaphore_mem>> -> memref<!tpu.dma_semaphore, #tpu.memory_space<semaphore_mem>>
        %dma_wait3A_1304 = arith.constant 0 : i32
        %dma_wait3A_1305 = arith.constant 0 : i32
        %dma_wait3A_1306 = tpu.memref_slice %arg8[%dma_wait3A_1293, %dma_wait3A_1304, %dma_wait3A_1305] : memref<6x2x80xi32, #tpu.memory_space<vmem>> -> memref<1x2x80xi32, #tpu.memory_space<vmem>>
        %dma_wait3A_1307 = tpu.memref_squeeze %dma_wait3A_1306 : memref<1x2x80xi32, #tpu.memory_space<vmem>> -> memref<2x80xi32, #tpu.memory_space<vmem>>
        %dma_wait3A_1308 = arith.constant 0 : i32
        %dma_wait3A_1309 = arith.constant 0 : i32
        %dma_wait3A_1310 = tpu.memref_slice %arg3[%dma_wait3A_1308, %dma_wait3A_1309] : memref<2x320000xi32, #tpu.memory_space<hbm>> -> memref<2x80xi32, #tpu.memory_space<hbm>>
        tpu.wait_dma2 semaphore(%dma_wait3A_1303 : memref<!tpu.dma_semaphore, #tpu.memory_space<semaphore_mem>>) src(%dma_wait3A_1310 : memref<2x80xi32, #tpu.memory_space<hbm>>) dst(%dma_wait3A_1307 : memref<2x80xi32, #tpu.memory_space<vmem>>)
        %dma_start3A_1311 = arith.constant 1 : i32
        %dma_start3A_1312 = arith.constant 0 : i32
        %dma_start3A_1313 = arith.constant 1 : i32
        %dma_start3A_1314 = arith.constant 1 : i32
        %dma_start3A_1315 = arith.constant 0 : i32
        %dma_start3A_1316 = arith.constant 0 : i32
        %dma_start3A_1317 = tpu.memref_slice %arg9[%dma_start3A_1313, %dma_start3A_1315, %dma_start3A_1316] : memref<3x80x128xf32, #tpu.memory_space<vmem>> -> memref<1x80x128xf32, #tpu.memory_space<vmem>>
        %dma_start3A_1318 = tpu.memref_squeeze %dma_start3A_1317 : memref<1x80x128xf32, #tpu.memory_space<vmem>> -> memref<80x128xf32, #tpu.memory_space<vmem>>
        %dma_start3A_1319 = arith.constant 0 : i32
        %dma_start3A_1320 = tpu.memref_slice %arg8[%dma_start3A_1311, %dma_start3A_1312, %dma_start3A_1319] : memref<6x2x80xi32, #tpu.memory_space<vmem>> -> memref<1x1x80xi32, #tpu.memory_space<vmem>>
        %dma_start3A_1321 = tpu.memref_squeeze %dma_start3A_1320 : memref<1x1x80xi32, #tpu.memory_space<vmem>> -> memref<80xi32, #tpu.memory_space<vmem>>
        %dma_start3A_1322 = arith.constant 0 : i32
        %dma_start3A_1323 = arith.constant 0 : i32
        %dma_start3A_1324 = tpu.memref_slice %arg2[%dma_start3A_1322, %dma_start3A_1323] : memref<10000x128xf32, #tpu.memory_space<hbm>> -> memref<10000x128xf32, #tpu.memory_space<hbm>>
        %dma_start3A_1325 = tpu.memref_slice %arg12[%dma_start3A_1314] : memref<3x!tpu.dma_semaphore, #tpu.memory_space<semaphore_mem>> -> memref<1x!tpu.dma_semaphore, #tpu.memory_space<semaphore_mem>>
        %dma_start3A_1326 = tpu.memref_squeeze %dma_start3A_1325 : memref<1x!tpu.dma_semaphore, #tpu.memory_space<semaphore_mem>> -> memref<!tpu.dma_semaphore, #tpu.memory_space<semaphore_mem>>
        tpu.enqueue_indirect_dma source(%dma_start3A_1324 : memref<10000x128xf32, #tpu.memory_space<hbm>>) target(%dma_start3A_1318 : memref<80x128xf32, #tpu.memory_space<vmem>>) offsets(%dma_start3A_1321 : memref<80xi32, #tpu.memory_space<vmem>>) semaphore(%dma_start3A_1326 : memref<!tpu.dma_semaphore, #tpu.memory_space<semaphore_mem>>)
      } else {
      }
      %mul3A_1252 = arith.constant 6 : i32
      %mul3A_1253 = arith.muli %scan3A_1049, %mul3A_1252 : i32
      %add3A_1254 = arith.constant 5 : i32
      %add3A_1255 = arith.addi %mul3A_1253, %add3A_1254 : i32
      %dma_wait3A_1256 = arith.constant 2 : i32
      %dma_wait3A_1257 = arith.constant 2 : i32
      %dma_wait3A_1258 = arith.constant 0 : i32
      %dma_wait3A_1259 = arith.constant 0 : i32
      %dma_wait3A_1260 = tpu.memref_slice %arg9[%dma_wait3A_1256, %dma_wait3A_1258, %dma_wait3A_1259] : memref<3x80x128xf32, #tpu.memory_space<vmem>> -> memref<1x80x128xf32, #tpu.memory_space<vmem>>
      %dma_wait3A_1261 = tpu.memref_squeeze %dma_wait3A_1260 : memref<1x80x128xf32, #tpu.memory_space<vmem>> -> memref<80x128xf32, #tpu.memory_space<vmem>>
      %dma_wait3A_1262 = arith.constant 0 : i32
      %dma_wait3A_1263 = arith.constant 0 : i32
      %dma_wait3A_1264 = tpu.memref_slice %arg2[%dma_wait3A_1262, %dma_wait3A_1263] : memref<10000x128xf32, #tpu.memory_space<hbm>> -> memref<80x128xf32, #tpu.memory_space<hbm>>
      %dma_wait3A_1265 = tpu.memref_slice %arg12[%dma_wait3A_1257] : memref<3x!tpu.dma_semaphore, #tpu.memory_space<semaphore_mem>> -> memref<1x!tpu.dma_semaphore, #tpu.memory_space<semaphore_mem>>
      %dma_wait3A_1266 = tpu.memref_squeeze %dma_wait3A_1265 : memref<1x!tpu.dma_semaphore, #tpu.memory_space<semaphore_mem>> -> memref<!tpu.dma_semaphore, #tpu.memory_space<semaphore_mem>>
      %dma_wait3A_1267 = arith.constant 0 : i32
      %dma_wait3A_1268 = arith.constant 0 : i32
      %dma_wait3A_1269 = tpu.memref_slice %arg9[%dma_wait3A_1256, %dma_wait3A_1267, %dma_wait3A_1268] : memref<3x80x128xf32, #tpu.memory_space<vmem>> -> memref<1x80x128xf32, #tpu.memory_space<vmem>>
      %dma_wait3A_1270 = tpu.memref_squeeze %dma_wait3A_1269 : memref<1x80x128xf32, #tpu.memory_space<vmem>> -> memref<80x128xf32, #tpu.memory_space<vmem>>
      %dma_wait3A_1271 = arith.constant 0 : i32
      %dma_wait3A_1272 = arith.constant 0 : i32
      %dma_wait3A_1273 = tpu.memref_slice %arg2[%dma_wait3A_1271, %dma_wait3A_1272] : memref<10000x128xf32, #tpu.memory_space<hbm>> -> memref<80x128xf32, #tpu.memory_space<hbm>>
      tpu.wait_dma2 semaphore(%dma_wait3A_1266 : memref<!tpu.dma_semaphore, #tpu.memory_space<semaphore_mem>>) src(%dma_wait3A_1273 : memref<80x128xf32, #tpu.memory_space<hbm>>) dst(%dma_wait3A_1270 : memref<80x128xf32, #tpu.memory_space<vmem>>)
      %run_scoped3A_1274 = arith.constant 2 : i32
      %run_scoped3A_1275 = arith.constant 5 : i32
      %run_scoped3A_1276 = arith.constant 1 : i32
      "tpu.region"() ({
        %run_scoped3A_1293 = tpu.sem_alloc : memref<!tpu.dma_semaphore, #tpu.memory_space<semaphore_mem>>
        %dma_start3A_1294 = arith.constant 0 : i32
        %dma_start3A_1295 = arith.constant 0 : i32
        %dma_start3A_1296 = tpu.memref_slice %arg9[%run_scoped3A_1274, %dma_start3A_1294, %dma_start3A_1295] : memref<3x80x128xf32, #tpu.memory_space<vmem>> -> memref<1x80x128xf32, #tpu.memory_space<vmem>>
        %dma_start3A_1297 = tpu.memref_squeeze %dma_start3A_1296 : memref<1x80x128xf32, #tpu.memory_space<vmem>> -> memref<80x128xf32, #tpu.memory_space<vmem>>
        %dma_start3A_1298 = arith.constant 0 : i32
        %dma_start3A_1299 = tpu.memref_slice %arg8[%run_scoped3A_1275, %run_scoped3A_1276, %dma_start3A_1298] : memref<6x2x80xi32, #tpu.memory_space<vmem>> -> memref<1x1x80xi32, #tpu.memory_space<vmem>>
        %dma_start3A_1300 = tpu.memref_squeeze %dma_start3A_1299 : memref<1x1x80xi32, #tpu.memory_space<vmem>> -> memref<80xi32, #tpu.memory_space<vmem>>
        %dma_start3A_1301 = arith.constant 0 : i32
        %dma_start3A_1302 = arith.constant 0 : i32
        %dma_start3A_1303 = tpu.memref_slice %arg10[%dma_start3A_1301, %dma_start3A_1302] : memref<10112x128xf32, #tpu.memory_space<vmem_shared>> -> memref<10112x128xf32, #tpu.memory_space<vmem_shared>>
        tpu.enqueue_indirect_dma source(%dma_start3A_1297 : memref<80x128xf32, #tpu.memory_space<vmem>>) target(%dma_start3A_1303 : memref<10112x128xf32, #tpu.memory_space<vmem_shared>>) offsets(%dma_start3A_1300 : memref<80xi32, #tpu.memory_space<vmem>>) semaphore(%run_scoped3A_1293 : memref<!tpu.dma_semaphore, #tpu.memory_space<semaphore_mem>>) {add = true}
        %dma_wait3A_1304 = arith.constant 0 : i32
        %dma_wait3A_1305 = arith.constant 0 : i32
        %dma_wait3A_1306 = tpu.memref_slice %arg9[%run_scoped3A_1274, %dma_wait3A_1304, %dma_wait3A_1305] : memref<3x80x128xf32, #tpu.memory_space<vmem>> -> memref<1x80x128xf32, #tpu.memory_space<vmem>>
        %dma_wait3A_1307 = tpu.memref_squeeze %dma_wait3A_1306 : memref<1x80x128xf32, #tpu.memory_space<vmem>> -> memref<80x128xf32, #tpu.memory_space<vmem>>
        %dma_wait3A_1308 = arith.constant 0 : i32
        %dma_wait3A_1309 = tpu.memref_slice %arg8[%run_scoped3A_1275, %run_scoped3A_1276, %dma_wait3A_1308] : memref<6x2x80xi32, #tpu.memory_space<vmem>> -> memref<1x1x80xi32, #tpu.memory_space<vmem>>
        %dma_wait3A_1310 = tpu.memref_squeeze %dma_wait3A_1309 : memref<1x1x80xi32, #tpu.memory_space<vmem>> -> memref<80xi32, #tpu.memory_space<vmem>>
        %dma_wait3A_1311 = arith.constant 0 : i32
        %dma_wait3A_1312 = arith.constant 0 : i32
        %dma_wait3A_1313 = tpu.memref_slice %arg10[%dma_wait3A_1311, %dma_wait3A_1312] : memref<10112x128xf32, #tpu.memory_space<vmem_shared>> -> memref<10112x128xf32, #tpu.memory_space<vmem_shared>>
        tpu.wait_indirect_dma semaphore(%run_scoped3A_1293 : memref<!tpu.dma_semaphore, #tpu.memory_space<semaphore_mem>>) src(%dma_wait3A_1307 : memref<80x128xf32, #tpu.memory_space<vmem>>) dst(%dma_wait3A_1313 : memref<10112x128xf32, #tpu.memory_space<vmem_shared>>)
        tpu.yield
      }) : () -> ()
      %run_scoped3A_1277 = arith.constant 5 : i32
      %run_scoped3A_1278 = arith.constant 1 : i32
      "tpu.region"() ({
        %run_scoped3A_1293 = tpu.sem_alloc : memref<!tpu.dma_semaphore, #tpu.memory_space<semaphore_mem>>
        %dma_start3A_1294 = arith.constant 0 : i32
        %dma_start3A_1295 = tpu.memref_slice %arg8[%run_scoped3A_1277, %run_scoped3A_1278, %dma_start3A_1294] : memref<6x2x80xi32, #tpu.memory_space<vmem>> -> memref<1x1x80xi32, #tpu.memory_space<vmem>>
        %dma_start3A_1296 = tpu.memref_squeeze %dma_start3A_1295 : memref<1x1x80xi32, #tpu.memory_space<vmem>> -> memref<80xi32, #tpu.memory_space<vmem>>
        %dma_start3A_1297 = arith.constant 0 : i32
        %dma_start3A_1298 = arith.constant 0 : i32
        %dma_start3A_1299 = tpu.memref_slice %arg14[%dma_start3A_1297, %dma_start3A_1298] : memref<10112x16xf32, #tpu.memory_space<vmem_shared>> -> memref<10112x16xf32, #tpu.memory_space<vmem_shared>>
        tpu.enqueue_indirect_dma source(%arg13 : memref<80x16xf32, #tpu.memory_space<vmem>>) target(%dma_start3A_1299 : memref<10112x16xf32, #tpu.memory_space<vmem_shared>>) offsets(%dma_start3A_1296 : memref<80xi32, #tpu.memory_space<vmem>>) semaphore(%run_scoped3A_1293 : memref<!tpu.dma_semaphore, #tpu.memory_space<semaphore_mem>>) {add = true}
        %dma_wait3A_1300 = arith.constant 0 : i32
        %dma_wait3A_1301 = tpu.memref_slice %arg8[%run_scoped3A_1277, %run_scoped3A_1278, %dma_wait3A_1300] : memref<6x2x80xi32, #tpu.memory_space<vmem>> -> memref<1x1x80xi32, #tpu.memory_space<vmem>>
        %dma_wait3A_1302 = tpu.memref_squeeze %dma_wait3A_1301 : memref<1x1x80xi32, #tpu.memory_space<vmem>> -> memref<80xi32, #tpu.memory_space<vmem>>
        %dma_wait3A_1303 = arith.constant 0 : i32
        %dma_wait3A_1304 = arith.constant 0 : i32
        %dma_wait3A_1305 = tpu.memref_slice %arg14[%dma_wait3A_1303, %dma_wait3A_1304] : memref<10112x16xf32, #tpu.memory_space<vmem_shared>> -> memref<10112x16xf32, #tpu.memory_space<vmem_shared>>
        tpu.wait_indirect_dma semaphore(%run_scoped3A_1293 : memref<!tpu.dma_semaphore, #tpu.memory_space<semaphore_mem>>) src(%arg13 : memref<80x16xf32, #tpu.memory_space<vmem>>) dst(%dma_wait3A_1305 : memref<10112x16xf32, #tpu.memory_space<vmem_shared>>)
        tpu.yield
      }) : () -> ()
      %add3A_1279 = arith.constant 6 : i32
      %add3A_1280 = arith.addi %add3A_1255, %add3A_1279 : i32
      %lt3A_1281 = arith.constant 125 : i32
      %lt3A_1282 = arith.cmpi slt, %add3A_1280, %lt3A_1281 : i32
      %convert_element_type3A_1283 = arith.extui %lt3A_1282 : i1 to i32
      %cond3A_1284 = arith.constant 0 : i32
      %cond3A_1285 = arith.cmpi ne, %convert_element_type3A_1283, %cond3A_1284 : i32
      scf.if %cond3A_1285 {
        %add3A_1293 = arith.constant 6 : i32
        %add3A_1294 = arith.addi %add3A_1255, %add3A_1293 : i32
        %mul3A_1295 = arith.constant 80 : i32
        %mul3A_1296 = arith.muli %add3A_1294, %mul3A_1295 : i32
        %add3A_1297 = arith.addi %mul3A_2, %mul3A_1296 : i32
        %dma_start3A_1298 = arith.constant 5 : i32
        %dma_start3A_1299 = arith.constant 5 : i32
        %dma_start3A_1300 = arith.constant 0 : i32
        %dma_start3A_1301 = arith.constant 0 : i32
        %dma_start3A_1302 = tpu.memref_slice %arg8[%dma_start3A_1298, %dma_start3A_1300, %dma_start3A_1301] : memref<6x2x80xi32, #tpu.memory_space<vmem>> -> memref<1x2x80xi32, #tpu.memory_space<vmem>>
        %dma_start3A_1303 = tpu.memref_squeeze %dma_start3A_1302 : memref<1x2x80xi32, #tpu.memory_space<vmem>> -> memref<2x80xi32, #tpu.memory_space<vmem>>
        %dma_start3A_1304 = arith.constant 0 : i32
        %dma_start3A_1305 = tpu.memref_slice %arg3[%dma_start3A_1304, %add3A_1297] : memref<2x320000xi32, #tpu.memory_space<hbm>> -> memref<2x80xi32, #tpu.memory_space<hbm>>
        %dma_start3A_1306 = tpu.memref_slice %arg11[%dma_start3A_1299] : memref<6x!tpu.dma_semaphore, #tpu.memory_space<semaphore_mem>> -> memref<1x!tpu.dma_semaphore, #tpu.memory_space<semaphore_mem>>
        %dma_start3A_1307 = tpu.memref_squeeze %dma_start3A_1306 : memref<1x!tpu.dma_semaphore, #tpu.memory_space<semaphore_mem>> -> memref<!tpu.dma_semaphore, #tpu.memory_space<semaphore_mem>>
        %dma_start3A_1308 = arith.constant 0 : i32
        %dma_start3A_1309 = arith.constant 0 : i32
        %dma_start3A_1310 = tpu.memref_slice %arg8[%dma_start3A_1298, %dma_start3A_1308, %dma_start3A_1309] : memref<6x2x80xi32, #tpu.memory_space<vmem>> -> memref<1x2x80xi32, #tpu.memory_space<vmem>>
        %dma_start3A_1311 = tpu.memref_squeeze %dma_start3A_1310 : memref<1x2x80xi32, #tpu.memory_space<vmem>> -> memref<2x80xi32, #tpu.memory_space<vmem>>
        %dma_start3A_1312 = arith.constant 0 : i32
        %dma_start3A_1313 = tpu.memref_slice %arg3[%dma_start3A_1312, %add3A_1297] : memref<2x320000xi32, #tpu.memory_space<hbm>> -> memref<2x80xi32, #tpu.memory_space<hbm>>
        tpu.enqueue_dma source(%dma_start3A_1313 : memref<2x80xi32, #tpu.memory_space<hbm>>) target(%dma_start3A_1311 : memref<2x80xi32, #tpu.memory_space<vmem>>) target_semaphore(%dma_start3A_1307 : memref<!tpu.dma_semaphore, #tpu.memory_space<semaphore_mem>>)
      } else {
      }
      %add3A_1286 = arith.constant 3 : i32
      %add3A_1287 = arith.addi %add3A_1255, %add3A_1286 : i32
      %lt3A_1288 = arith.constant 125 : i32
      %lt3A_1289 = arith.cmpi slt, %add3A_1287, %lt3A_1288 : i32
      %convert_element_type3A_1290 = arith.extui %lt3A_1289 : i1 to i32
      %cond3A_1291 = arith.constant 0 : i32
      %cond3A_1292 = arith.cmpi ne, %convert_element_type3A_1290, %cond3A_1291 : i32
      scf.if %cond3A_1292 {
        %dma_wait3A_1293 = arith.constant 2 : i32
        %dma_wait3A_1294 = arith.constant 2 : i32
        %dma_wait3A_1295 = arith.constant 0 : i32
        %dma_wait3A_1296 = arith.constant 0 : i32
        %dma_wait3A_1297 = tpu.memref_slice %arg8[%dma_wait3A_1293, %dma_wait3A_1295, %dma_wait3A_1296] : memref<6x2x80xi32, #tpu.memory_space<vmem>> -> memref<1x2x80xi32, #tpu.memory_space<vmem>>
        %dma_wait3A_1298 = tpu.memref_squeeze %dma_wait3A_1297 : memref<1x2x80xi32, #tpu.memory_space<vmem>> -> memref<2x80xi32, #tpu.memory_space<vmem>>
        %dma_wait3A_1299 = arith.constant 0 : i32
        %dma_wait3A_1300 = arith.constant 0 : i32
        %dma_wait3A_1301 = tpu.memref_slice %arg3[%dma_wait3A_1299, %dma_wait3A_1300] : memref<2x320000xi32, #tpu.memory_space<hbm>> -> memref<2x80xi32, #tpu.memory_space<hbm>>
        %dma_wait3A_1302 = tpu.memref_slice %arg11[%dma_wait3A_1294] : memref<6x!tpu.dma_semaphore, #tpu.memory_space<semaphore_mem>> -> memref<1x!tpu.dma_semaphore, #tpu.memory_space<semaphore_mem>>
        %dma_wait3A_1303 = tpu.memref_squeeze %dma_wait3A_1302 : memref<1x!tpu.dma_semaphore, #tpu.memory_space<semaphore_mem>> -> memref<!tpu.dma_semaphore, #tpu.memory_space<semaphore_mem>>
        %dma_wait3A_1304 = arith.constant 0 : i32
        %dma_wait3A_1305 = arith.constant 0 : i32
        %dma_wait3A_1306 = tpu.memref_slice %arg8[%dma_wait3A_1293, %dma_wait3A_1304, %dma_wait3A_1305] : memref<6x2x80xi32, #tpu.memory_space<vmem>> -> memref<1x2x80xi32, #tpu.memory_space<vmem>>
        %dma_wait3A_1307 = tpu.memref_squeeze %dma_wait3A_1306 : memref<1x2x80xi32, #tpu.memory_space<vmem>> -> memref<2x80xi32, #tpu.memory_space<vmem>>
        %dma_wait3A_1308 = arith.constant 0 : i32
        %dma_wait3A_1309 = arith.constant 0 : i32
        %dma_wait3A_1310 = tpu.memref_slice %arg3[%dma_wait3A_1308, %dma_wait3A_1309] : memref<2x320000xi32, #tpu.memory_space<hbm>> -> memref<2x80xi32, #tpu.memory_space<hbm>>
        tpu.wait_dma2 semaphore(%dma_wait3A_1303 : memref<!tpu.dma_semaphore, #tpu.memory_space<semaphore_mem>>) src(%dma_wait3A_1310 : memref<2x80xi32, #tpu.memory_space<hbm>>) dst(%dma_wait3A_1307 : memref<2x80xi32, #tpu.memory_space<vmem>>)
        %dma_start3A_1311 = arith.constant 2 : i32
        %dma_start3A_1312 = arith.constant 0 : i32
        %dma_start3A_1313 = arith.constant 2 : i32
        %dma_start3A_1314 = arith.constant 2 : i32
        %dma_start3A_1315 = arith.constant 0 : i32
        %dma_start3A_1316 = arith.constant 0 : i32
        %dma_start3A_1317 = tpu.memref_slice %arg9[%dma_start3A_1313, %dma_start3A_1315, %dma_start3A_1316] : memref<3x80x128xf32, #tpu.memory_space<vmem>> -> memref<1x80x128xf32, #tpu.memory_space<vmem>>
        %dma_start3A_1318 = tpu.memref_squeeze %dma_start3A_1317 : memref<1x80x128xf32, #tpu.memory_space<vmem>> -> memref<80x128xf32, #tpu.memory_space<vmem>>
        %dma_start3A_1319 = arith.constant 0 : i32
        %dma_start3A_1320 = tpu.memref_slice %arg8[%dma_start3A_1311, %dma_start3A_1312, %dma_start3A_1319] : memref<6x2x80xi32, #tpu.memory_space<vmem>> -> memref<1x1x80xi32, #tpu.memory_space<vmem>>
        %dma_start3A_1321 = tpu.memref_squeeze %dma_start3A_1320 : memref<1x1x80xi32, #tpu.memory_space<vmem>> -> memref<80xi32, #tpu.memory_space<vmem>>
        %dma_start3A_1322 = arith.constant 0 : i32
        %dma_start3A_1323 = arith.constant 0 : i32
        %dma_start3A_1324 = tpu.memref_slice %arg2[%dma_start3A_1322, %dma_start3A_1323] : memref<10000x128xf32, #tpu.memory_space<hbm>> -> memref<10000x128xf32, #tpu.memory_space<hbm>>
        %dma_start3A_1325 = tpu.memref_slice %arg12[%dma_start3A_1314] : memref<3x!tpu.dma_semaphore, #tpu.memory_space<semaphore_mem>> -> memref<1x!tpu.dma_semaphore, #tpu.memory_space<semaphore_mem>>
        %dma_start3A_1326 = tpu.memref_squeeze %dma_start3A_1325 : memref<1x!tpu.dma_semaphore, #tpu.memory_space<semaphore_mem>> -> memref<!tpu.dma_semaphore, #tpu.memory_space<semaphore_mem>>
        tpu.enqueue_indirect_dma source(%dma_start3A_1324 : memref<10000x128xf32, #tpu.memory_space<hbm>>) target(%dma_start3A_1318 : memref<80x128xf32, #tpu.memory_space<vmem>>) offsets(%dma_start3A_1321 : memref<80xi32, #tpu.memory_space<vmem>>) semaphore(%dma_start3A_1326 : memref<!tpu.dma_semaphore, #tpu.memory_space<semaphore_mem>>)
      } else {
      }
    }
    %scan3A_857 = arith.constant 20 : i32
    %dma_wait3A_858 = arith.constant 0 : i32
    %dma_wait3A_859 = arith.constant 0 : i32
    %dma_wait3A_860 = arith.constant 0 : i32
    %dma_wait3A_861 = arith.constant 0 : i32
    %dma_wait3A_862 = tpu.memref_slice %arg9[%dma_wait3A_858, %dma_wait3A_860, %dma_wait3A_861] : memref<3x80x128xf32, #tpu.memory_space<vmem>> -> memref<1x80x128xf32, #tpu.memory_space<vmem>>
    %dma_wait3A_863 = tpu.memref_squeeze %dma_wait3A_862 : memref<1x80x128xf32, #tpu.memory_space<vmem>> -> memref<80x128xf32, #tpu.memory_space<vmem>>
    %dma_wait3A_864 = arith.constant 0 : i32
    %dma_wait3A_865 = arith.constant 0 : i32
    %dma_wait3A_866 = tpu.memref_slice %arg2[%dma_wait3A_864, %dma_wait3A_865] : memref<10000x128xf32, #tpu.memory_space<hbm>> -> memref<80x128xf32, #tpu.memory_space<hbm>>
    %dma_wait3A_867 = tpu.memref_slice %arg12[%dma_wait3A_859] : memref<3x!tpu.dma_semaphore, #tpu.memory_space<semaphore_mem>> -> memref<1x!tpu.dma_semaphore, #tpu.memory_space<semaphore_mem>>
    %dma_wait3A_868 = tpu.memref_squeeze %dma_wait3A_867 : memref<1x!tpu.dma_semaphore, #tpu.memory_space<semaphore_mem>> -> memref<!tpu.dma_semaphore, #tpu.memory_space<semaphore_mem>>
    %dma_wait3A_869 = arith.constant 0 : i32
    %dma_wait3A_870 = arith.constant 0 : i32
    %dma_wait3A_871 = tpu.memref_slice %arg9[%dma_wait3A_858, %dma_wait3A_869, %dma_wait3A_870] : memref<3x80x128xf32, #tpu.memory_space<vmem>> -> memref<1x80x128xf32, #tpu.memory_space<vmem>>
    %dma_wait3A_872 = tpu.memref_squeeze %dma_wait3A_871 : memref<1x80x128xf32, #tpu.memory_space<vmem>> -> memref<80x128xf32, #tpu.memory_space<vmem>>
    %dma_wait3A_873 = arith.constant 0 : i32
    %dma_wait3A_874 = arith.constant 0 : i32
    %dma_wait3A_875 = tpu.memref_slice %arg2[%dma_wait3A_873, %dma_wait3A_874] : memref<10000x128xf32, #tpu.memory_space<hbm>> -> memref<80x128xf32, #tpu.memory_space<hbm>>
    tpu.wait_dma2 semaphore(%dma_wait3A_868 : memref<!tpu.dma_semaphore, #tpu.memory_space<semaphore_mem>>) src(%dma_wait3A_875 : memref<80x128xf32, #tpu.memory_space<hbm>>) dst(%dma_wait3A_872 : memref<80x128xf32, #tpu.memory_space<vmem>>)
    %run_scoped3A = arith.constant 0 : i32
    %run_scoped3A_876 = arith.constant 0 : i32
    %run_scoped3A_877 = arith.constant 1 : i32
    "tpu.region"() ({
      %run_scoped3A_1049 = tpu.sem_alloc : memref<!tpu.dma_semaphore, #tpu.memory_space<semaphore_mem>>
      %dma_start3A_1050 = arith.constant 0 : i32
      %dma_start3A_1051 = arith.constant 0 : i32
      %dma_start3A_1052 = tpu.memref_slice %arg9[%run_scoped3A, %dma_start3A_1050, %dma_start3A_1051] : memref<3x80x128xf32, #tpu.memory_space<vmem>> -> memref<1x80x128xf32, #tpu.memory_space<vmem>>
      %dma_start3A_1053 = tpu.memref_squeeze %dma_start3A_1052 : memref<1x80x128xf32, #tpu.memory_space<vmem>> -> memref<80x128xf32, #tpu.memory_space<vmem>>
      %dma_start3A_1054 = arith.constant 0 : i32
      %dma_start3A_1055 = tpu.memref_slice %arg8[%run_scoped3A_876, %run_scoped3A_877, %dma_start3A_1054] : memref<6x2x80xi32, #tpu.memory_space<vmem>> -> memref<1x1x80xi32, #tpu.memory_space<vmem>>
      %dma_start3A_1056 = tpu.memref_squeeze %dma_start3A_1055 : memref<1x1x80xi32, #tpu.memory_space<vmem>> -> memref<80xi32, #tpu.memory_space<vmem>>
      %dma_start3A_1057 = arith.constant 0 : i32
      %dma_start3A_1058 = arith.constant 0 : i32
      %dma_start3A_1059 = tpu.memref_slice %arg10[%dma_start3A_1057, %dma_start3A_1058] : memref<10112x128xf32, #tpu.memory_space<vmem_shared>> -> memref<10112x128xf32, #tpu.memory_space<vmem_shared>>
      tpu.enqueue_indirect_dma source(%dma_start3A_1053 : memref<80x128xf32, #tpu.memory_space<vmem>>) target(%dma_start3A_1059 : memref<10112x128xf32, #tpu.memory_space<vmem_shared>>) offsets(%dma_start3A_1056 : memref<80xi32, #tpu.memory_space<vmem>>) semaphore(%run_scoped3A_1049 : memref<!tpu.dma_semaphore, #tpu.memory_space<semaphore_mem>>) {add = true}
      %dma_wait3A_1060 = arith.constant 0 : i32
      %dma_wait3A_1061 = arith.constant 0 : i32
      %dma_wait3A_1062 = tpu.memref_slice %arg9[%run_scoped3A, %dma_wait3A_1060, %dma_wait3A_1061] : memref<3x80x128xf32, #tpu.memory_space<vmem>> -> memref<1x80x128xf32, #tpu.memory_space<vmem>>
      %dma_wait3A_1063 = tpu.memref_squeeze %dma_wait3A_1062 : memref<1x80x128xf32, #tpu.memory_space<vmem>> -> memref<80x128xf32, #tpu.memory_space<vmem>>
      %dma_wait3A_1064 = arith.constant 0 : i32
      %dma_wait3A_1065 = tpu.memref_slice %arg8[%run_scoped3A_876, %run_scoped3A_877, %dma_wait3A_1064] : memref<6x2x80xi32, #tpu.memory_space<vmem>> -> memref<1x1x80xi32, #tpu.memory_space<vmem>>
      %dma_wait3A_1066 = tpu.memref_squeeze %dma_wait3A_1065 : memref<1x1x80xi32, #tpu.memory_space<vmem>> -> memref<80xi32, #tpu.memory_space<vmem>>
      %dma_wait3A_1067 = arith.constant 0 : i32
      %dma_wait3A_1068 = arith.constant 0 : i32
      %dma_wait3A_1069 = tpu.memref_slice %arg10[%dma_wait3A_1067, %dma_wait3A_1068] : memref<10112x128xf32, #tpu.memory_space<vmem_shared>> -> memref<10112x128xf32, #tpu.memory_space<vmem_shared>>
      tpu.wait_indirect_dma semaphore(%run_scoped3A_1049 : memref<!tpu.dma_semaphore, #tpu.memory_space<semaphore_mem>>) src(%dma_wait3A_1063 : memref<80x128xf32, #tpu.memory_space<vmem>>) dst(%dma_wait3A_1069 : memref<10112x128xf32, #tpu.memory_space<vmem_shared>>)
      tpu.yield
    }) : () -> ()
    %run_scoped3A_878 = arith.constant 0 : i32
    %run_scoped3A_879 = arith.constant 1 : i32
    "tpu.region"() ({
      %run_scoped3A_1049 = tpu.sem_alloc : memref<!tpu.dma_semaphore, #tpu.memory_space<semaphore_mem>>
      %dma_start3A_1050 = arith.constant 0 : i32
      %dma_start3A_1051 = tpu.memref_slice %arg8[%run_scoped3A_878, %run_scoped3A_879, %dma_start3A_1050] : memref<6x2x80xi32, #tpu.memory_space<vmem>> -> memref<1x1x80xi32, #tpu.memory_space<vmem>>
      %dma_start3A_1052 = tpu.memref_squeeze %dma_start3A_1051 : memref<1x1x80xi32, #tpu.memory_space<vmem>> -> memref<80xi32, #tpu.memory_space<vmem>>
      %dma_start3A_1053 = arith.constant 0 : i32
      %dma_start3A_1054 = arith.constant 0 : i32
      %dma_start3A_1055 = tpu.memref_slice %arg14[%dma_start3A_1053, %dma_start3A_1054] : memref<10112x16xf32, #tpu.memory_space<vmem_shared>> -> memref<10112x16xf32, #tpu.memory_space<vmem_shared>>
      tpu.enqueue_indirect_dma source(%arg13 : memref<80x16xf32, #tpu.memory_space<vmem>>) target(%dma_start3A_1055 : memref<10112x16xf32, #tpu.memory_space<vmem_shared>>) offsets(%dma_start3A_1052 : memref<80xi32, #tpu.memory_space<vmem>>) semaphore(%run_scoped3A_1049 : memref<!tpu.dma_semaphore, #tpu.memory_space<semaphore_mem>>) {add = true}
      %dma_wait3A_1056 = arith.constant 0 : i32
      %dma_wait3A_1057 = tpu.memref_slice %arg8[%run_scoped3A_878, %run_scoped3A_879, %dma_wait3A_1056] : memref<6x2x80xi32, #tpu.memory_space<vmem>> -> memref<1x1x80xi32, #tpu.memory_space<vmem>>
      %dma_wait3A_1058 = tpu.memref_squeeze %dma_wait3A_1057 : memref<1x1x80xi32, #tpu.memory_space<vmem>> -> memref<80xi32, #tpu.memory_space<vmem>>
      %dma_wait3A_1059 = arith.constant 0 : i32
      %dma_wait3A_1060 = arith.constant 0 : i32
      %dma_wait3A_1061 = tpu.memref_slice %arg14[%dma_wait3A_1059, %dma_wait3A_1060] : memref<10112x16xf32, #tpu.memory_space<vmem_shared>> -> memref<10112x16xf32, #tpu.memory_space<vmem_shared>>
      tpu.wait_indirect_dma semaphore(%run_scoped3A_1049 : memref<!tpu.dma_semaphore, #tpu.memory_space<semaphore_mem>>) src(%arg13 : memref<80x16xf32, #tpu.memory_space<vmem>>) dst(%dma_wait3A_1061 : memref<10112x16xf32, #tpu.memory_space<vmem_shared>>)
      tpu.yield
    }) : () -> ()
    %dma_wait3A_880 = arith.constant 3 : i32
    %dma_wait3A_881 = arith.constant 3 : i32
    %dma_wait3A_882 = arith.constant 0 : i32
    %dma_wait3A_883 = arith.constant 0 : i32
    %dma_wait3A_884 = tpu.memref_slice %arg8[%dma_wait3A_880, %dma_wait3A_882, %dma_wait3A_883] : memref<6x2x80xi32, #tpu.memory_space<vmem>> -> memref<1x2x80xi32, #tpu.memory_space<vmem>>
    %dma_wait3A_885 = tpu.memref_squeeze %dma_wait3A_884 : memref<1x2x80xi32, #tpu.memory_space<vmem>> -> memref<2x80xi32, #tpu.memory_space<vmem>>
    %dma_wait3A_886 = arith.constant 0 : i32
    %dma_wait3A_887 = arith.constant 0 : i32
    %dma_wait3A_888 = tpu.memref_slice %arg3[%dma_wait3A_886, %dma_wait3A_887] : memref<2x320000xi32, #tpu.memory_space<hbm>> -> memref<2x80xi32, #tpu.memory_space<hbm>>
    %dma_wait3A_889 = tpu.memref_slice %arg11[%dma_wait3A_881] : memref<6x!tpu.dma_semaphore, #tpu.memory_space<semaphore_mem>> -> memref<1x!tpu.dma_semaphore, #tpu.memory_space<semaphore_mem>>
    %dma_wait3A_890 = tpu.memref_squeeze %dma_wait3A_889 : memref<1x!tpu.dma_semaphore, #tpu.memory_space<semaphore_mem>> -> memref<!tpu.dma_semaphore, #tpu.memory_space<semaphore_mem>>
    %dma_wait3A_891 = arith.constant 0 : i32
    %dma_wait3A_892 = arith.constant 0 : i32
    %dma_wait3A_893 = tpu.memref_slice %arg8[%dma_wait3A_880, %dma_wait3A_891, %dma_wait3A_892] : memref<6x2x80xi32, #tpu.memory_space<vmem>> -> memref<1x2x80xi32, #tpu.memory_space<vmem>>
    %dma_wait3A_894 = tpu.memref_squeeze %dma_wait3A_893 : memref<1x2x80xi32, #tpu.memory_space<vmem>> -> memref<2x80xi32, #tpu.memory_space<vmem>>
    %dma_wait3A_895 = arith.constant 0 : i32
    %dma_wait3A_896 = arith.constant 0 : i32
    %dma_wait3A_897 = tpu.memref_slice %arg3[%dma_wait3A_895, %dma_wait3A_896] : memref<2x320000xi32, #tpu.memory_space<hbm>> -> memref<2x80xi32, #tpu.memory_space<hbm>>
    tpu.wait_dma2 semaphore(%dma_wait3A_890 : memref<!tpu.dma_semaphore, #tpu.memory_space<semaphore_mem>>) src(%dma_wait3A_897 : memref<2x80xi32, #tpu.memory_space<hbm>>) dst(%dma_wait3A_894 : memref<2x80xi32, #tpu.memory_space<vmem>>)
    %dma_start3A_898 = arith.constant 3 : i32
    %dma_start3A_899 = arith.constant 0 : i32
    %dma_start3A_900 = arith.constant 0 : i32
    %dma_start3A_901 = arith.constant 0 : i32
    %dma_start3A_902 = arith.constant 0 : i32
    %dma_start3A_903 = arith.constant 0 : i32
    %dma_start3A_904 = tpu.memref_slice %arg9[%dma_start3A_900, %dma_start3A_902, %dma_start3A_903] : memref<3x80x128xf32, #tpu.memory_space<vmem>> -> memref<1x80x128xf32, #tpu.memory_space<vmem>>
    %dma_start3A_905 = tpu.memref_squeeze %dma_start3A_904 : memref<1x80x128xf32, #tpu.memory_space<vmem>> -> memref<80x128xf32, #tpu.memory_space<vmem>>
    %dma_start3A_906 = arith.constant 0 : i32
    %dma_start3A_907 = tpu.memref_slice %arg8[%dma_start3A_898, %dma_start3A_899, %dma_start3A_906] : memref<6x2x80xi32, #tpu.memory_space<vmem>> -> memref<1x1x80xi32, #tpu.memory_space<vmem>>
    %dma_start3A_908 = tpu.memref_squeeze %dma_start3A_907 : memref<1x1x80xi32, #tpu.memory_space<vmem>> -> memref<80xi32, #tpu.memory_space<vmem>>
    %dma_start3A_909 = arith.constant 0 : i32
    %dma_start3A_910 = arith.constant 0 : i32
    %dma_start3A_911 = tpu.memref_slice %arg2[%dma_start3A_909, %dma_start3A_910] : memref<10000x128xf32, #tpu.memory_space<hbm>> -> memref<10000x128xf32, #tpu.memory_space<hbm>>
    %dma_start3A_912 = tpu.memref_slice %arg12[%dma_start3A_901] : memref<3x!tpu.dma_semaphore, #tpu.memory_space<semaphore_mem>> -> memref<1x!tpu.dma_semaphore, #tpu.memory_space<semaphore_mem>>
    %dma_start3A_913 = tpu.memref_squeeze %dma_start3A_912 : memref<1x!tpu.dma_semaphore, #tpu.memory_space<semaphore_mem>> -> memref<!tpu.dma_semaphore, #tpu.memory_space<semaphore_mem>>
    tpu.enqueue_indirect_dma source(%dma_start3A_911 : memref<10000x128xf32, #tpu.memory_space<hbm>>) target(%dma_start3A_905 : memref<80x128xf32, #tpu.memory_space<vmem>>) offsets(%dma_start3A_908 : memref<80xi32, #tpu.memory_space<vmem>>) semaphore(%dma_start3A_913 : memref<!tpu.dma_semaphore, #tpu.memory_space<semaphore_mem>>)
    %dma_wait3A_914 = arith.constant 1 : i32
    %dma_wait3A_915 = arith.constant 1 : i32
    %dma_wait3A_916 = arith.constant 0 : i32
    %dma_wait3A_917 = arith.constant 0 : i32
    %dma_wait3A_918 = tpu.memref_slice %arg9[%dma_wait3A_914, %dma_wait3A_916, %dma_wait3A_917] : memref<3x80x128xf32, #tpu.memory_space<vmem>> -> memref<1x80x128xf32, #tpu.memory_space<vmem>>
    %dma_wait3A_919 = tpu.memref_squeeze %dma_wait3A_918 : memref<1x80x128xf32, #tpu.memory_space<vmem>> -> memref<80x128xf32, #tpu.memory_space<vmem>>
    %dma_wait3A_920 = arith.constant 0 : i32
    %dma_wait3A_921 = arith.constant 0 : i32
    %dma_wait3A_922 = tpu.memref_slice %arg2[%dma_wait3A_920, %dma_wait3A_921] : memref<10000x128xf32, #tpu.memory_space<hbm>> -> memref<80x128xf32, #tpu.memory_space<hbm>>
    %dma_wait3A_923 = tpu.memref_slice %arg12[%dma_wait3A_915] : memref<3x!tpu.dma_semaphore, #tpu.memory_space<semaphore_mem>> -> memref<1x!tpu.dma_semaphore, #tpu.memory_space<semaphore_mem>>
    %dma_wait3A_924 = tpu.memref_squeeze %dma_wait3A_923 : memref<1x!tpu.dma_semaphore, #tpu.memory_space<semaphore_mem>> -> memref<!tpu.dma_semaphore, #tpu.memory_space<semaphore_mem>>
    %dma_wait3A_925 = arith.constant 0 : i32
    %dma_wait3A_926 = arith.constant 0 : i32
    %dma_wait3A_927 = tpu.memref_slice %arg9[%dma_wait3A_914, %dma_wait3A_925, %dma_wait3A_926] : memref<3x80x128xf32, #tpu.memory_space<vmem>> -> memref<1x80x128xf32, #tpu.memory_space<vmem>>
    %dma_wait3A_928 = tpu.memref_squeeze %dma_wait3A_927 : memref<1x80x128xf32, #tpu.memory_space<vmem>> -> memref<80x128xf32, #tpu.memory_space<vmem>>
    %dma_wait3A_929 = arith.constant 0 : i32
    %dma_wait3A_930 = arith.constant 0 : i32
    %dma_wait3A_931 = tpu.memref_slice %arg2[%dma_wait3A_929, %dma_wait3A_930] : memref<10000x128xf32, #tpu.memory_space<hbm>> -> memref<80x128xf32, #tpu.memory_space<hbm>>
    tpu.wait_dma2 semaphore(%dma_wait3A_924 : memref<!tpu.dma_semaphore, #tpu.memory_space<semaphore_mem>>) src(%dma_wait3A_931 : memref<80x128xf32, #tpu.memory_space<hbm>>) dst(%dma_wait3A_928 : memref<80x128xf32, #tpu.memory_space<vmem>>)
    %run_scoped3A_932 = arith.constant 1 : i32
    %run_scoped3A_933 = arith.constant 1 : i32
    %run_scoped3A_934 = arith.constant 1 : i32
    "tpu.region"() ({
      %run_scoped3A_1049 = tpu.sem_alloc : memref<!tpu.dma_semaphore, #tpu.memory_space<semaphore_mem>>
      %dma_start3A_1050 = arith.constant 0 : i32
      %dma_start3A_1051 = arith.constant 0 : i32
      %dma_start3A_1052 = tpu.memref_slice %arg9[%run_scoped3A_932, %dma_start3A_1050, %dma_start3A_1051] : memref<3x80x128xf32, #tpu.memory_space<vmem>> -> memref<1x80x128xf32, #tpu.memory_space<vmem>>
      %dma_start3A_1053 = tpu.memref_squeeze %dma_start3A_1052 : memref<1x80x128xf32, #tpu.memory_space<vmem>> -> memref<80x128xf32, #tpu.memory_space<vmem>>
      %dma_start3A_1054 = arith.constant 0 : i32
      %dma_start3A_1055 = tpu.memref_slice %arg8[%run_scoped3A_933, %run_scoped3A_934, %dma_start3A_1054] : memref<6x2x80xi32, #tpu.memory_space<vmem>> -> memref<1x1x80xi32, #tpu.memory_space<vmem>>
      %dma_start3A_1056 = tpu.memref_squeeze %dma_start3A_1055 : memref<1x1x80xi32, #tpu.memory_space<vmem>> -> memref<80xi32, #tpu.memory_space<vmem>>
      %dma_start3A_1057 = arith.constant 0 : i32
      %dma_start3A_1058 = arith.constant 0 : i32
      %dma_start3A_1059 = tpu.memref_slice %arg10[%dma_start3A_1057, %dma_start3A_1058] : memref<10112x128xf32, #tpu.memory_space<vmem_shared>> -> memref<10112x128xf32, #tpu.memory_space<vmem_shared>>
      tpu.enqueue_indirect_dma source(%dma_start3A_1053 : memref<80x128xf32, #tpu.memory_space<vmem>>) target(%dma_start3A_1059 : memref<10112x128xf32, #tpu.memory_space<vmem_shared>>) offsets(%dma_start3A_1056 : memref<80xi32, #tpu.memory_space<vmem>>) semaphore(%run_scoped3A_1049 : memref<!tpu.dma_semaphore, #tpu.memory_space<semaphore_mem>>) {add = true}
      %dma_wait3A_1060 = arith.constant 0 : i32
      %dma_wait3A_1061 = arith.constant 0 : i32
      %dma_wait3A_1062 = tpu.memref_slice %arg9[%run_scoped3A_932, %dma_wait3A_1060, %dma_wait3A_1061] : memref<3x80x128xf32, #tpu.memory_space<vmem>> -> memref<1x80x128xf32, #tpu.memory_space<vmem>>
      %dma_wait3A_1063 = tpu.memref_squeeze %dma_wait3A_1062 : memref<1x80x128xf32, #tpu.memory_space<vmem>> -> memref<80x128xf32, #tpu.memory_space<vmem>>
      %dma_wait3A_1064 = arith.constant 0 : i32
      %dma_wait3A_1065 = tpu.memref_slice %arg8[%run_scoped3A_933, %run_scoped3A_934, %dma_wait3A_1064] : memref<6x2x80xi32, #tpu.memory_space<vmem>> -> memref<1x1x80xi32, #tpu.memory_space<vmem>>
      %dma_wait3A_1066 = tpu.memref_squeeze %dma_wait3A_1065 : memref<1x1x80xi32, #tpu.memory_space<vmem>> -> memref<80xi32, #tpu.memory_space<vmem>>
      %dma_wait3A_1067 = arith.constant 0 : i32
      %dma_wait3A_1068 = arith.constant 0 : i32
      %dma_wait3A_1069 = tpu.memref_slice %arg10[%dma_wait3A_1067, %dma_wait3A_1068] : memref<10112x128xf32, #tpu.memory_space<vmem_shared>> -> memref<10112x128xf32, #tpu.memory_space<vmem_shared>>
      tpu.wait_indirect_dma semaphore(%run_scoped3A_1049 : memref<!tpu.dma_semaphore, #tpu.memory_space<semaphore_mem>>) src(%dma_wait3A_1063 : memref<80x128xf32, #tpu.memory_space<vmem>>) dst(%dma_wait3A_1069 : memref<10112x128xf32, #tpu.memory_space<vmem_shared>>)
      tpu.yield
    }) : () -> ()
    %run_scoped3A_935 = arith.constant 1 : i32
    %run_scoped3A_936 = arith.constant 1 : i32
    "tpu.region"() ({
      %run_scoped3A_1049 = tpu.sem_alloc : memref<!tpu.dma_semaphore, #tpu.memory_space<semaphore_mem>>
      %dma_start3A_1050 = arith.constant 0 : i32
      %dma_start3A_1051 = tpu.memref_slice %arg8[%run_scoped3A_935, %run_scoped3A_936, %dma_start3A_1050] : memref<6x2x80xi32, #tpu.memory_space<vmem>> -> memref<1x1x80xi32, #tpu.memory_space<vmem>>
      %dma_start3A_1052 = tpu.memref_squeeze %dma_start3A_1051 : memref<1x1x80xi32, #tpu.memory_space<vmem>> -> memref<80xi32, #tpu.memory_space<vmem>>
      %dma_start3A_1053 = arith.constant 0 : i32
      %dma_start3A_1054 = arith.constant 0 : i32
      %dma_start3A_1055 = tpu.memref_slice %arg14[%dma_start3A_1053, %dma_start3A_1054] : memref<10112x16xf32, #tpu.memory_space<vmem_shared>> -> memref<10112x16xf32, #tpu.memory_space<vmem_shared>>
      tpu.enqueue_indirect_dma source(%arg13 : memref<80x16xf32, #tpu.memory_space<vmem>>) target(%dma_start3A_1055 : memref<10112x16xf32, #tpu.memory_space<vmem_shared>>) offsets(%dma_start3A_1052 : memref<80xi32, #tpu.memory_space<vmem>>) semaphore(%run_scoped3A_1049 : memref<!tpu.dma_semaphore, #tpu.memory_space<semaphore_mem>>) {add = true}
      %dma_wait3A_1056 = arith.constant 0 : i32
      %dma_wait3A_1057 = tpu.memref_slice %arg8[%run_scoped3A_935, %run_scoped3A_936, %dma_wait3A_1056] : memref<6x2x80xi32, #tpu.memory_space<vmem>> -> memref<1x1x80xi32, #tpu.memory_space<vmem>>
      %dma_wait3A_1058 = tpu.memref_squeeze %dma_wait3A_1057 : memref<1x1x80xi32, #tpu.memory_space<vmem>> -> memref<80xi32, #tpu.memory_space<vmem>>
      %dma_wait3A_1059 = arith.constant 0 : i32
      %dma_wait3A_1060 = arith.constant 0 : i32
      %dma_wait3A_1061 = tpu.memref_slice %arg14[%dma_wait3A_1059, %dma_wait3A_1060] : memref<10112x16xf32, #tpu.memory_space<vmem_shared>> -> memref<10112x16xf32, #tpu.memory_space<vmem_shared>>
      tpu.wait_indirect_dma semaphore(%run_scoped3A_1049 : memref<!tpu.dma_semaphore, #tpu.memory_space<semaphore_mem>>) src(%arg13 : memref<80x16xf32, #tpu.memory_space<vmem>>) dst(%dma_wait3A_1061 : memref<10112x16xf32, #tpu.memory_space<vmem_shared>>)
      tpu.yield
    }) : () -> ()
    %dma_wait3A_937 = arith.constant 4 : i32
    %dma_wait3A_938 = arith.constant 4 : i32
    %dma_wait3A_939 = arith.constant 0 : i32
    %dma_wait3A_940 = arith.constant 0 : i32
    %dma_wait3A_941 = tpu.memref_slice %arg8[%dma_wait3A_937, %dma_wait3A_939, %dma_wait3A_940] : memref<6x2x80xi32, #tpu.memory_space<vmem>> -> memref<1x2x80xi32, #tpu.memory_space<vmem>>
    %dma_wait3A_942 = tpu.memref_squeeze %dma_wait3A_941 : memref<1x2x80xi32, #tpu.memory_space<vmem>> -> memref<2x80xi32, #tpu.memory_space<vmem>>
    %dma_wait3A_943 = arith.constant 0 : i32
    %dma_wait3A_944 = arith.constant 0 : i32
    %dma_wait3A_945 = tpu.memref_slice %arg3[%dma_wait3A_943, %dma_wait3A_944] : memref<2x320000xi32, #tpu.memory_space<hbm>> -> memref<2x80xi32, #tpu.memory_space<hbm>>
    %dma_wait3A_946 = tpu.memref_slice %arg11[%dma_wait3A_938] : memref<6x!tpu.dma_semaphore, #tpu.memory_space<semaphore_mem>> -> memref<1x!tpu.dma_semaphore, #tpu.memory_space<semaphore_mem>>
    %dma_wait3A_947 = tpu.memref_squeeze %dma_wait3A_946 : memref<1x!tpu.dma_semaphore, #tpu.memory_space<semaphore_mem>> -> memref<!tpu.dma_semaphore, #tpu.memory_space<semaphore_mem>>
    %dma_wait3A_948 = arith.constant 0 : i32
    %dma_wait3A_949 = arith.constant 0 : i32
    %dma_wait3A_950 = tpu.memref_slice %arg8[%dma_wait3A_937, %dma_wait3A_948, %dma_wait3A_949] : memref<6x2x80xi32, #tpu.memory_space<vmem>> -> memref<1x2x80xi32, #tpu.memory_space<vmem>>
    %dma_wait3A_951 = tpu.memref_squeeze %dma_wait3A_950 : memref<1x2x80xi32, #tpu.memory_space<vmem>> -> memref<2x80xi32, #tpu.memory_space<vmem>>
    %dma_wait3A_952 = arith.constant 0 : i32
    %dma_wait3A_953 = arith.constant 0 : i32
    %dma_wait3A_954 = tpu.memref_slice %arg3[%dma_wait3A_952, %dma_wait3A_953] : memref<2x320000xi32, #tpu.memory_space<hbm>> -> memref<2x80xi32, #tpu.memory_space<hbm>>
    tpu.wait_dma2 semaphore(%dma_wait3A_947 : memref<!tpu.dma_semaphore, #tpu.memory_space<semaphore_mem>>) src(%dma_wait3A_954 : memref<2x80xi32, #tpu.memory_space<hbm>>) dst(%dma_wait3A_951 : memref<2x80xi32, #tpu.memory_space<vmem>>)
    %dma_start3A_955 = arith.constant 4 : i32
    %dma_start3A_956 = arith.constant 0 : i32
    %dma_start3A_957 = arith.constant 1 : i32
    %dma_start3A_958 = arith.constant 1 : i32
    %dma_start3A_959 = arith.constant 0 : i32
    %dma_start3A_960 = arith.constant 0 : i32
    %dma_start3A_961 = tpu.memref_slice %arg9[%dma_start3A_957, %dma_start3A_959, %dma_start3A_960] : memref<3x80x128xf32, #tpu.memory_space<vmem>> -> memref<1x80x128xf32, #tpu.memory_space<vmem>>
    %dma_start3A_962 = tpu.memref_squeeze %dma_start3A_961 : memref<1x80x128xf32, #tpu.memory_space<vmem>> -> memref<80x128xf32, #tpu.memory_space<vmem>>
    %dma_start3A_963 = arith.constant 0 : i32
    %dma_start3A_964 = tpu.memref_slice %arg8[%dma_start3A_955, %dma_start3A_956, %dma_start3A_963] : memref<6x2x80xi32, #tpu.memory_space<vmem>> -> memref<1x1x80xi32, #tpu.memory_space<vmem>>
    %dma_start3A_965 = tpu.memref_squeeze %dma_start3A_964 : memref<1x1x80xi32, #tpu.memory_space<vmem>> -> memref<80xi32, #tpu.memory_space<vmem>>
    %dma_start3A_966 = arith.constant 0 : i32
    %dma_start3A_967 = arith.constant 0 : i32
    %dma_start3A_968 = tpu.memref_slice %arg2[%dma_start3A_966, %dma_start3A_967] : memref<10000x128xf32, #tpu.memory_space<hbm>> -> memref<10000x128xf32, #tpu.memory_space<hbm>>
    %dma_start3A_969 = tpu.memref_slice %arg12[%dma_start3A_958] : memref<3x!tpu.dma_semaphore, #tpu.memory_space<semaphore_mem>> -> memref<1x!tpu.dma_semaphore, #tpu.memory_space<semaphore_mem>>
    %dma_start3A_970 = tpu.memref_squeeze %dma_start3A_969 : memref<1x!tpu.dma_semaphore, #tpu.memory_space<semaphore_mem>> -> memref<!tpu.dma_semaphore, #tpu.memory_space<semaphore_mem>>
    tpu.enqueue_indirect_dma source(%dma_start3A_968 : memref<10000x128xf32, #tpu.memory_space<hbm>>) target(%dma_start3A_962 : memref<80x128xf32, #tpu.memory_space<vmem>>) offsets(%dma_start3A_965 : memref<80xi32, #tpu.memory_space<vmem>>) semaphore(%dma_start3A_970 : memref<!tpu.dma_semaphore, #tpu.memory_space<semaphore_mem>>)
    %dma_wait3A_971 = arith.constant 2 : i32
    %dma_wait3A_972 = arith.constant 2 : i32
    %dma_wait3A_973 = arith.constant 0 : i32
    %dma_wait3A_974 = arith.constant 0 : i32
    %dma_wait3A_975 = tpu.memref_slice %arg9[%dma_wait3A_971, %dma_wait3A_973, %dma_wait3A_974] : memref<3x80x128xf32, #tpu.memory_space<vmem>> -> memref<1x80x128xf32, #tpu.memory_space<vmem>>
    %dma_wait3A_976 = tpu.memref_squeeze %dma_wait3A_975 : memref<1x80x128xf32, #tpu.memory_space<vmem>> -> memref<80x128xf32, #tpu.memory_space<vmem>>
    %dma_wait3A_977 = arith.constant 0 : i32
    %dma_wait3A_978 = arith.constant 0 : i32
    %dma_wait3A_979 = tpu.memref_slice %arg2[%dma_wait3A_977, %dma_wait3A_978] : memref<10000x128xf32, #tpu.memory_space<hbm>> -> memref<80x128xf32, #tpu.memory_space<hbm>>
    %dma_wait3A_980 = tpu.memref_slice %arg12[%dma_wait3A_972] : memref<3x!tpu.dma_semaphore, #tpu.memory_space<semaphore_mem>> -> memref<1x!tpu.dma_semaphore, #tpu.memory_space<semaphore_mem>>
    %dma_wait3A_981 = tpu.memref_squeeze %dma_wait3A_980 : memref<1x!tpu.dma_semaphore, #tpu.memory_space<semaphore_mem>> -> memref<!tpu.dma_semaphore, #tpu.memory_space<semaphore_mem>>
    %dma_wait3A_982 = arith.constant 0 : i32
    %dma_wait3A_983 = arith.constant 0 : i32
    %dma_wait3A_984 = tpu.memref_slice %arg9[%dma_wait3A_971, %dma_wait3A_982, %dma_wait3A_983] : memref<3x80x128xf32, #tpu.memory_space<vmem>> -> memref<1x80x128xf32, #tpu.memory_space<vmem>>
    %dma_wait3A_985 = tpu.memref_squeeze %dma_wait3A_984 : memref<1x80x128xf32, #tpu.memory_space<vmem>> -> memref<80x128xf32, #tpu.memory_space<vmem>>
    %dma_wait3A_986 = arith.constant 0 : i32
    %dma_wait3A_987 = arith.constant 0 : i32
    %dma_wait3A_988 = tpu.memref_slice %arg2[%dma_wait3A_986, %dma_wait3A_987] : memref<10000x128xf32, #tpu.memory_space<hbm>> -> memref<80x128xf32, #tpu.memory_space<hbm>>
    tpu.wait_dma2 semaphore(%dma_wait3A_981 : memref<!tpu.dma_semaphore, #tpu.memory_space<semaphore_mem>>) src(%dma_wait3A_988 : memref<80x128xf32, #tpu.memory_space<hbm>>) dst(%dma_wait3A_985 : memref<80x128xf32, #tpu.memory_space<vmem>>)
    %run_scoped3A_989 = arith.constant 2 : i32
    %run_scoped3A_990 = arith.constant 2 : i32
    %run_scoped3A_991 = arith.constant 1 : i32
    "tpu.region"() ({
      %run_scoped3A_1049 = tpu.sem_alloc : memref<!tpu.dma_semaphore, #tpu.memory_space<semaphore_mem>>
      %dma_start3A_1050 = arith.constant 0 : i32
      %dma_start3A_1051 = arith.constant 0 : i32
      %dma_start3A_1052 = tpu.memref_slice %arg9[%run_scoped3A_989, %dma_start3A_1050, %dma_start3A_1051] : memref<3x80x128xf32, #tpu.memory_space<vmem>> -> memref<1x80x128xf32, #tpu.memory_space<vmem>>
      %dma_start3A_1053 = tpu.memref_squeeze %dma_start3A_1052 : memref<1x80x128xf32, #tpu.memory_space<vmem>> -> memref<80x128xf32, #tpu.memory_space<vmem>>
      %dma_start3A_1054 = arith.constant 0 : i32
      %dma_start3A_1055 = tpu.memref_slice %arg8[%run_scoped3A_990, %run_scoped3A_991, %dma_start3A_1054] : memref<6x2x80xi32, #tpu.memory_space<vmem>> -> memref<1x1x80xi32, #tpu.memory_space<vmem>>
      %dma_start3A_1056 = tpu.memref_squeeze %dma_start3A_1055 : memref<1x1x80xi32, #tpu.memory_space<vmem>> -> memref<80xi32, #tpu.memory_space<vmem>>
      %dma_start3A_1057 = arith.constant 0 : i32
      %dma_start3A_1058 = arith.constant 0 : i32
      %dma_start3A_1059 = tpu.memref_slice %arg10[%dma_start3A_1057, %dma_start3A_1058] : memref<10112x128xf32, #tpu.memory_space<vmem_shared>> -> memref<10112x128xf32, #tpu.memory_space<vmem_shared>>
      tpu.enqueue_indirect_dma source(%dma_start3A_1053 : memref<80x128xf32, #tpu.memory_space<vmem>>) target(%dma_start3A_1059 : memref<10112x128xf32, #tpu.memory_space<vmem_shared>>) offsets(%dma_start3A_1056 : memref<80xi32, #tpu.memory_space<vmem>>) semaphore(%run_scoped3A_1049 : memref<!tpu.dma_semaphore, #tpu.memory_space<semaphore_mem>>) {add = true}
      %dma_wait3A_1060 = arith.constant 0 : i32
      %dma_wait3A_1061 = arith.constant 0 : i32
      %dma_wait3A_1062 = tpu.memref_slice %arg9[%run_scoped3A_989, %dma_wait3A_1060, %dma_wait3A_1061] : memref<3x80x128xf32, #tpu.memory_space<vmem>> -> memref<1x80x128xf32, #tpu.memory_space<vmem>>
      %dma_wait3A_1063 = tpu.memref_squeeze %dma_wait3A_1062 : memref<1x80x128xf32, #tpu.memory_space<vmem>> -> memref<80x128xf32, #tpu.memory_space<vmem>>
      %dma_wait3A_1064 = arith.constant 0 : i32
      %dma_wait3A_1065 = tpu.memref_slice %arg8[%run_scoped3A_990, %run_scoped3A_991, %dma_wait3A_1064] : memref<6x2x80xi32, #tpu.memory_space<vmem>> -> memref<1x1x80xi32, #tpu.memory_space<vmem>>
      %dma_wait3A_1066 = tpu.memref_squeeze %dma_wait3A_1065 : memref<1x1x80xi32, #tpu.memory_space<vmem>> -> memref<80xi32, #tpu.memory_space<vmem>>
      %dma_wait3A_1067 = arith.constant 0 : i32
      %dma_wait3A_1068 = arith.constant 0 : i32
      %dma_wait3A_1069 = tpu.memref_slice %arg10[%dma_wait3A_1067, %dma_wait3A_1068] : memref<10112x128xf32, #tpu.memory_space<vmem_shared>> -> memref<10112x128xf32, #tpu.memory_space<vmem_shared>>
      tpu.wait_indirect_dma semaphore(%run_scoped3A_1049 : memref<!tpu.dma_semaphore, #tpu.memory_space<semaphore_mem>>) src(%dma_wait3A_1063 : memref<80x128xf32, #tpu.memory_space<vmem>>) dst(%dma_wait3A_1069 : memref<10112x128xf32, #tpu.memory_space<vmem_shared>>)
      tpu.yield
    }) : () -> ()
    %run_scoped3A_992 = arith.constant 2 : i32
    %run_scoped3A_993 = arith.constant 1 : i32
    "tpu.region"() ({
      %run_scoped3A_1049 = tpu.sem_alloc : memref<!tpu.dma_semaphore, #tpu.memory_space<semaphore_mem>>
      %dma_start3A_1050 = arith.constant 0 : i32
      %dma_start3A_1051 = tpu.memref_slice %arg8[%run_scoped3A_992, %run_scoped3A_993, %dma_start3A_1050] : memref<6x2x80xi32, #tpu.memory_space<vmem>> -> memref<1x1x80xi32, #tpu.memory_space<vmem>>
      %dma_start3A_1052 = tpu.memref_squeeze %dma_start3A_1051 : memref<1x1x80xi32, #tpu.memory_space<vmem>> -> memref<80xi32, #tpu.memory_space<vmem>>
      %dma_start3A_1053 = arith.constant 0 : i32
      %dma_start3A_1054 = arith.constant 0 : i32
      %dma_start3A_1055 = tpu.memref_slice %arg14[%dma_start3A_1053, %dma_start3A_1054] : memref<10112x16xf32, #tpu.memory_space<vmem_shared>> -> memref<10112x16xf32, #tpu.memory_space<vmem_shared>>
      tpu.enqueue_indirect_dma source(%arg13 : memref<80x16xf32, #tpu.memory_space<vmem>>) target(%dma_start3A_1055 : memref<10112x16xf32, #tpu.memory_space<vmem_shared>>) offsets(%dma_start3A_1052 : memref<80xi32, #tpu.memory_space<vmem>>) semaphore(%run_scoped3A_1049 : memref<!tpu.dma_semaphore, #tpu.memory_space<semaphore_mem>>) {add = true}
      %dma_wait3A_1056 = arith.constant 0 : i32
      %dma_wait3A_1057 = tpu.memref_slice %arg8[%run_scoped3A_992, %run_scoped3A_993, %dma_wait3A_1056] : memref<6x2x80xi32, #tpu.memory_space<vmem>> -> memref<1x1x80xi32, #tpu.memory_space<vmem>>
      %dma_wait3A_1058 = tpu.memref_squeeze %dma_wait3A_1057 : memref<1x1x80xi32, #tpu.memory_space<vmem>> -> memref<80xi32, #tpu.memory_space<vmem>>
      %dma_wait3A_1059 = arith.constant 0 : i32
      %dma_wait3A_1060 = arith.constant 0 : i32
      %dma_wait3A_1061 = tpu.memref_slice %arg14[%dma_wait3A_1059, %dma_wait3A_1060] : memref<10112x16xf32, #tpu.memory_space<vmem_shared>> -> memref<10112x16xf32, #tpu.memory_space<vmem_shared>>
      tpu.wait_indirect_dma semaphore(%run_scoped3A_1049 : memref<!tpu.dma_semaphore, #tpu.memory_space<semaphore_mem>>) src(%arg13 : memref<80x16xf32, #tpu.memory_space<vmem>>) dst(%dma_wait3A_1061 : memref<10112x16xf32, #tpu.memory_space<vmem_shared>>)
      tpu.yield
    }) : () -> ()
    %dma_wait3A_994 = arith.constant 0 : i32
    %dma_wait3A_995 = arith.constant 0 : i32
    %dma_wait3A_996 = arith.constant 0 : i32
    %dma_wait3A_997 = arith.constant 0 : i32
    %dma_wait3A_998 = tpu.memref_slice %arg9[%dma_wait3A_994, %dma_wait3A_996, %dma_wait3A_997] : memref<3x80x128xf32, #tpu.memory_space<vmem>> -> memref<1x80x128xf32, #tpu.memory_space<vmem>>
    %dma_wait3A_999 = tpu.memref_squeeze %dma_wait3A_998 : memref<1x80x128xf32, #tpu.memory_space<vmem>> -> memref<80x128xf32, #tpu.memory_space<vmem>>
    %dma_wait3A_1000 = arith.constant 0 : i32
    %dma_wait3A_1001 = arith.constant 0 : i32
    %dma_wait3A_1002 = tpu.memref_slice %arg2[%dma_wait3A_1000, %dma_wait3A_1001] : memref<10000x128xf32, #tpu.memory_space<hbm>> -> memref<80x128xf32, #tpu.memory_space<hbm>>
    %dma_wait3A_1003 = tpu.memref_slice %arg12[%dma_wait3A_995] : memref<3x!tpu.dma_semaphore, #tpu.memory_space<semaphore_mem>> -> memref<1x!tpu.dma_semaphore, #tpu.memory_space<semaphore_mem>>
    %dma_wait3A_1004 = tpu.memref_squeeze %dma_wait3A_1003 : memref<1x!tpu.dma_semaphore, #tpu.memory_space<semaphore_mem>> -> memref<!tpu.dma_semaphore, #tpu.memory_space<semaphore_mem>>
    %dma_wait3A_1005 = arith.constant 0 : i32
    %dma_wait3A_1006 = arith.constant 0 : i32
    %dma_wait3A_1007 = tpu.memref_slice %arg9[%dma_wait3A_994, %dma_wait3A_1005, %dma_wait3A_1006] : memref<3x80x128xf32, #tpu.memory_space<vmem>> -> memref<1x80x128xf32, #tpu.memory_space<vmem>>
    %dma_wait3A_1008 = tpu.memref_squeeze %dma_wait3A_1007 : memref<1x80x128xf32, #tpu.memory_space<vmem>> -> memref<80x128xf32, #tpu.memory_space<vmem>>
    %dma_wait3A_1009 = arith.constant 0 : i32
    %dma_wait3A_1010 = arith.constant 0 : i32
    %dma_wait3A_1011 = tpu.memref_slice %arg2[%dma_wait3A_1009, %dma_wait3A_1010] : memref<10000x128xf32, #tpu.memory_space<hbm>> -> memref<80x128xf32, #tpu.memory_space<hbm>>
    tpu.wait_dma2 semaphore(%dma_wait3A_1004 : memref<!tpu.dma_semaphore, #tpu.memory_space<semaphore_mem>>) src(%dma_wait3A_1011 : memref<80x128xf32, #tpu.memory_space<hbm>>) dst(%dma_wait3A_1008 : memref<80x128xf32, #tpu.memory_space<vmem>>)
    %run_scoped3A_1012 = arith.constant 0 : i32
    %run_scoped3A_1013 = arith.constant 3 : i32
    %run_scoped3A_1014 = arith.constant 1 : i32
    "tpu.region"() ({
      %run_scoped3A_1049 = tpu.sem_alloc : memref<!tpu.dma_semaphore, #tpu.memory_space<semaphore_mem>>
      %dma_start3A_1050 = arith.constant 0 : i32
      %dma_start3A_1051 = arith.constant 0 : i32
      %dma_start3A_1052 = tpu.memref_slice %arg9[%run_scoped3A_1012, %dma_start3A_1050, %dma_start3A_1051] : memref<3x80x128xf32, #tpu.memory_space<vmem>> -> memref<1x80x128xf32, #tpu.memory_space<vmem>>
      %dma_start3A_1053 = tpu.memref_squeeze %dma_start3A_1052 : memref<1x80x128xf32, #tpu.memory_space<vmem>> -> memref<80x128xf32, #tpu.memory_space<vmem>>
      %dma_start3A_1054 = arith.constant 0 : i32
      %dma_start3A_1055 = tpu.memref_slice %arg8[%run_scoped3A_1013, %run_scoped3A_1014, %dma_start3A_1054] : memref<6x2x80xi32, #tpu.memory_space<vmem>> -> memref<1x1x80xi32, #tpu.memory_space<vmem>>
      %dma_start3A_1056 = tpu.memref_squeeze %dma_start3A_1055 : memref<1x1x80xi32, #tpu.memory_space<vmem>> -> memref<80xi32, #tpu.memory_space<vmem>>
      %dma_start3A_1057 = arith.constant 0 : i32
      %dma_start3A_1058 = arith.constant 0 : i32
      %dma_start3A_1059 = tpu.memref_slice %arg10[%dma_start3A_1057, %dma_start3A_1058] : memref<10112x128xf32, #tpu.memory_space<vmem_shared>> -> memref<10112x128xf32, #tpu.memory_space<vmem_shared>>
      tpu.enqueue_indirect_dma source(%dma_start3A_1053 : memref<80x128xf32, #tpu.memory_space<vmem>>) target(%dma_start3A_1059 : memref<10112x128xf32, #tpu.memory_space<vmem_shared>>) offsets(%dma_start3A_1056 : memref<80xi32, #tpu.memory_space<vmem>>) semaphore(%run_scoped3A_1049 : memref<!tpu.dma_semaphore, #tpu.memory_space<semaphore_mem>>) {add = true}
      %dma_wait3A_1060 = arith.constant 0 : i32
      %dma_wait3A_1061 = arith.constant 0 : i32
      %dma_wait3A_1062 = tpu.memref_slice %arg9[%run_scoped3A_1012, %dma_wait3A_1060, %dma_wait3A_1061] : memref<3x80x128xf32, #tpu.memory_space<vmem>> -> memref<1x80x128xf32, #tpu.memory_space<vmem>>
      %dma_wait3A_1063 = tpu.memref_squeeze %dma_wait3A_1062 : memref<1x80x128xf32, #tpu.memory_space<vmem>> -> memref<80x128xf32, #tpu.memory_space<vmem>>
      %dma_wait3A_1064 = arith.constant 0 : i32
      %dma_wait3A_1065 = tpu.memref_slice %arg8[%run_scoped3A_1013, %run_scoped3A_1014, %dma_wait3A_1064] : memref<6x2x80xi32, #tpu.memory_space<vmem>> -> memref<1x1x80xi32, #tpu.memory_space<vmem>>
      %dma_wait3A_1066 = tpu.memref_squeeze %dma_wait3A_1065 : memref<1x1x80xi32, #tpu.memory_space<vmem>> -> memref<80xi32, #tpu.memory_space<vmem>>
      %dma_wait3A_1067 = arith.constant 0 : i32
      %dma_wait3A_1068 = arith.constant 0 : i32
      %dma_wait3A_1069 = tpu.memref_slice %arg10[%dma_wait3A_1067, %dma_wait3A_1068] : memref<10112x128xf32, #tpu.memory_space<vmem_shared>> -> memref<10112x128xf32, #tpu.memory_space<vmem_shared>>
      tpu.wait_indirect_dma semaphore(%run_scoped3A_1049 : memref<!tpu.dma_semaphore, #tpu.memory_space<semaphore_mem>>) src(%dma_wait3A_1063 : memref<80x128xf32, #tpu.memory_space<vmem>>) dst(%dma_wait3A_1069 : memref<10112x128xf32, #tpu.memory_space<vmem_shared>>)
      tpu.yield
    }) : () -> ()
    %run_scoped3A_1015 = arith.constant 3 : i32
    %run_scoped3A_1016 = arith.constant 1 : i32
    "tpu.region"() ({
      %run_scoped3A_1049 = tpu.sem_alloc : memref<!tpu.dma_semaphore, #tpu.memory_space<semaphore_mem>>
      %dma_start3A_1050 = arith.constant 0 : i32
      %dma_start3A_1051 = tpu.memref_slice %arg8[%run_scoped3A_1015, %run_scoped3A_1016, %dma_start3A_1050] : memref<6x2x80xi32, #tpu.memory_space<vmem>> -> memref<1x1x80xi32, #tpu.memory_space<vmem>>
      %dma_start3A_1052 = tpu.memref_squeeze %dma_start3A_1051 : memref<1x1x80xi32, #tpu.memory_space<vmem>> -> memref<80xi32, #tpu.memory_space<vmem>>
      %dma_start3A_1053 = arith.constant 0 : i32
      %dma_start3A_1054 = arith.constant 0 : i32
      %dma_start3A_1055 = tpu.memref_slice %arg14[%dma_start3A_1053, %dma_start3A_1054] : memref<10112x16xf32, #tpu.memory_space<vmem_shared>> -> memref<10112x16xf32, #tpu.memory_space<vmem_shared>>
      tpu.enqueue_indirect_dma source(%arg13 : memref<80x16xf32, #tpu.memory_space<vmem>>) target(%dma_start3A_1055 : memref<10112x16xf32, #tpu.memory_space<vmem_shared>>) offsets(%dma_start3A_1052 : memref<80xi32, #tpu.memory_space<vmem>>) semaphore(%run_scoped3A_1049 : memref<!tpu.dma_semaphore, #tpu.memory_space<semaphore_mem>>) {add = true}
      %dma_wait3A_1056 = arith.constant 0 : i32
      %dma_wait3A_1057 = tpu.memref_slice %arg8[%run_scoped3A_1015, %run_scoped3A_1016, %dma_wait3A_1056] : memref<6x2x80xi32, #tpu.memory_space<vmem>> -> memref<1x1x80xi32, #tpu.memory_space<vmem>>
      %dma_wait3A_1058 = tpu.memref_squeeze %dma_wait3A_1057 : memref<1x1x80xi32, #tpu.memory_space<vmem>> -> memref<80xi32, #tpu.memory_space<vmem>>
      %dma_wait3A_1059 = arith.constant 0 : i32
      %dma_wait3A_1060 = arith.constant 0 : i32
      %dma_wait3A_1061 = tpu.memref_slice %arg14[%dma_wait3A_1059, %dma_wait3A_1060] : memref<10112x16xf32, #tpu.memory_space<vmem_shared>> -> memref<10112x16xf32, #tpu.memory_space<vmem_shared>>
      tpu.wait_indirect_dma semaphore(%run_scoped3A_1049 : memref<!tpu.dma_semaphore, #tpu.memory_space<semaphore_mem>>) src(%arg13 : memref<80x16xf32, #tpu.memory_space<vmem>>) dst(%dma_wait3A_1061 : memref<10112x16xf32, #tpu.memory_space<vmem_shared>>)
      tpu.yield
    }) : () -> ()
    %dma_wait3A_1017 = arith.constant 1 : i32
    %dma_wait3A_1018 = arith.constant 1 : i32
    %dma_wait3A_1019 = arith.constant 0 : i32
    %dma_wait3A_1020 = arith.constant 0 : i32
    %dma_wait3A_1021 = tpu.memref_slice %arg9[%dma_wait3A_1017, %dma_wait3A_1019, %dma_wait3A_1020] : memref<3x80x128xf32, #tpu.memory_space<vmem>> -> memref<1x80x128xf32, #tpu.memory_space<vmem>>
    %dma_wait3A_1022 = tpu.memref_squeeze %dma_wait3A_1021 : memref<1x80x128xf32, #tpu.memory_space<vmem>> -> memref<80x128xf32, #tpu.memory_space<vmem>>
    %dma_wait3A_1023 = arith.constant 0 : i32
    %dma_wait3A_1024 = arith.constant 0 : i32
    %dma_wait3A_1025 = tpu.memref_slice %arg2[%dma_wait3A_1023, %dma_wait3A_1024] : memref<10000x128xf32, #tpu.memory_space<hbm>> -> memref<80x128xf32, #tpu.memory_space<hbm>>
    %dma_wait3A_1026 = tpu.memref_slice %arg12[%dma_wait3A_1018] : memref<3x!tpu.dma_semaphore, #tpu.memory_space<semaphore_mem>> -> memref<1x!tpu.dma_semaphore, #tpu.memory_space<semaphore_mem>>
    %dma_wait3A_1027 = tpu.memref_squeeze %dma_wait3A_1026 : memref<1x!tpu.dma_semaphore, #tpu.memory_space<semaphore_mem>> -> memref<!tpu.dma_semaphore, #tpu.memory_space<semaphore_mem>>
    %dma_wait3A_1028 = arith.constant 0 : i32
    %dma_wait3A_1029 = arith.constant 0 : i32
    %dma_wait3A_1030 = tpu.memref_slice %arg9[%dma_wait3A_1017, %dma_wait3A_1028, %dma_wait3A_1029] : memref<3x80x128xf32, #tpu.memory_space<vmem>> -> memref<1x80x128xf32, #tpu.memory_space<vmem>>
    %dma_wait3A_1031 = tpu.memref_squeeze %dma_wait3A_1030 : memref<1x80x128xf32, #tpu.memory_space<vmem>> -> memref<80x128xf32, #tpu.memory_space<vmem>>
    %dma_wait3A_1032 = arith.constant 0 : i32
    %dma_wait3A_1033 = arith.constant 0 : i32
    %dma_wait3A_1034 = tpu.memref_slice %arg2[%dma_wait3A_1032, %dma_wait3A_1033] : memref<10000x128xf32, #tpu.memory_space<hbm>> -> memref<80x128xf32, #tpu.memory_space<hbm>>
    tpu.wait_dma2 semaphore(%dma_wait3A_1027 : memref<!tpu.dma_semaphore, #tpu.memory_space<semaphore_mem>>) src(%dma_wait3A_1034 : memref<80x128xf32, #tpu.memory_space<hbm>>) dst(%dma_wait3A_1031 : memref<80x128xf32, #tpu.memory_space<vmem>>)
    %run_scoped3A_1035 = arith.constant 1 : i32
    %run_scoped3A_1036 = arith.constant 4 : i32
    %run_scoped3A_1037 = arith.constant 1 : i32
    "tpu.region"() ({
      %run_scoped3A_1049 = tpu.sem_alloc : memref<!tpu.dma_semaphore, #tpu.memory_space<semaphore_mem>>
      %dma_start3A_1050 = arith.constant 0 : i32
      %dma_start3A_1051 = arith.constant 0 : i32
      %dma_start3A_1052 = tpu.memref_slice %arg9[%run_scoped3A_1035, %dma_start3A_1050, %dma_start3A_1051] : memref<3x80x128xf32, #tpu.memory_space<vmem>> -> memref<1x80x128xf32, #tpu.memory_space<vmem>>
      %dma_start3A_1053 = tpu.memref_squeeze %dma_start3A_1052 : memref<1x80x128xf32, #tpu.memory_space<vmem>> -> memref<80x128xf32, #tpu.memory_space<vmem>>
      %dma_start3A_1054 = arith.constant 0 : i32
      %dma_start3A_1055 = tpu.memref_slice %arg8[%run_scoped3A_1036, %run_scoped3A_1037, %dma_start3A_1054] : memref<6x2x80xi32, #tpu.memory_space<vmem>> -> memref<1x1x80xi32, #tpu.memory_space<vmem>>
      %dma_start3A_1056 = tpu.memref_squeeze %dma_start3A_1055 : memref<1x1x80xi32, #tpu.memory_space<vmem>> -> memref<80xi32, #tpu.memory_space<vmem>>
      %dma_start3A_1057 = arith.constant 0 : i32
      %dma_start3A_1058 = arith.constant 0 : i32
      %dma_start3A_1059 = tpu.memref_slice %arg10[%dma_start3A_1057, %dma_start3A_1058] : memref<10112x128xf32, #tpu.memory_space<vmem_shared>> -> memref<10112x128xf32, #tpu.memory_space<vmem_shared>>
      tpu.enqueue_indirect_dma source(%dma_start3A_1053 : memref<80x128xf32, #tpu.memory_space<vmem>>) target(%dma_start3A_1059 : memref<10112x128xf32, #tpu.memory_space<vmem_shared>>) offsets(%dma_start3A_1056 : memref<80xi32, #tpu.memory_space<vmem>>) semaphore(%run_scoped3A_1049 : memref<!tpu.dma_semaphore, #tpu.memory_space<semaphore_mem>>) {add = true}
      %dma_wait3A_1060 = arith.constant 0 : i32
      %dma_wait3A_1061 = arith.constant 0 : i32
      %dma_wait3A_1062 = tpu.memref_slice %arg9[%run_scoped3A_1035, %dma_wait3A_1060, %dma_wait3A_1061] : memref<3x80x128xf32, #tpu.memory_space<vmem>> -> memref<1x80x128xf32, #tpu.memory_space<vmem>>
      %dma_wait3A_1063 = tpu.memref_squeeze %dma_wait3A_1062 : memref<1x80x128xf32, #tpu.memory_space<vmem>> -> memref<80x128xf32, #tpu.memory_space<vmem>>
      %dma_wait3A_1064 = arith.constant 0 : i32
      %dma_wait3A_1065 = tpu.memref_slice %arg8[%run_scoped3A_1036, %run_scoped3A_1037, %dma_wait3A_1064] : memref<6x2x80xi32, #tpu.memory_space<vmem>> -> memref<1x1x80xi32, #tpu.memory_space<vmem>>
      %dma_wait3A_1066 = tpu.memref_squeeze %dma_wait3A_1065 : memref<1x1x80xi32, #tpu.memory_space<vmem>> -> memref<80xi32, #tpu.memory_space<vmem>>
      %dma_wait3A_1067 = arith.constant 0 : i32
      %dma_wait3A_1068 = arith.constant 0 : i32
      %dma_wait3A_1069 = tpu.memref_slice %arg10[%dma_wait3A_1067, %dma_wait3A_1068] : memref<10112x128xf32, #tpu.memory_space<vmem_shared>> -> memref<10112x128xf32, #tpu.memory_space<vmem_shared>>
      tpu.wait_indirect_dma semaphore(%run_scoped3A_1049 : memref<!tpu.dma_semaphore, #tpu.memory_space<semaphore_mem>>) src(%dma_wait3A_1063 : memref<80x128xf32, #tpu.memory_space<vmem>>) dst(%dma_wait3A_1069 : memref<10112x128xf32, #tpu.memory_space<vmem_shared>>)
      tpu.yield
    }) : () -> ()
    %run_scoped3A_1038 = arith.constant 4 : i32
    %run_scoped3A_1039 = arith.constant 1 : i32
    "tpu.region"() ({
      %run_scoped3A_1049 = tpu.sem_alloc : memref<!tpu.dma_semaphore, #tpu.memory_space<semaphore_mem>>
      %dma_start3A_1050 = arith.constant 0 : i32
      %dma_start3A_1051 = tpu.memref_slice %arg8[%run_scoped3A_1038, %run_scoped3A_1039, %dma_start3A_1050] : memref<6x2x80xi32, #tpu.memory_space<vmem>> -> memref<1x1x80xi32, #tpu.memory_space<vmem>>
      %dma_start3A_1052 = tpu.memref_squeeze %dma_start3A_1051 : memref<1x1x80xi32, #tpu.memory_space<vmem>> -> memref<80xi32, #tpu.memory_space<vmem>>
      %dma_start3A_1053 = arith.constant 0 : i32
      %dma_start3A_1054 = arith.constant 0 : i32
      %dma_start3A_1055 = tpu.memref_slice %arg14[%dma_start3A_1053, %dma_start3A_1054] : memref<10112x16xf32, #tpu.memory_space<vmem_shared>> -> memref<10112x16xf32, #tpu.memory_space<vmem_shared>>
      tpu.enqueue_indirect_dma source(%arg13 : memref<80x16xf32, #tpu.memory_space<vmem>>) target(%dma_start3A_1055 : memref<10112x16xf32, #tpu.memory_space<vmem_shared>>) offsets(%dma_start3A_1052 : memref<80xi32, #tpu.memory_space<vmem>>) semaphore(%run_scoped3A_1049 : memref<!tpu.dma_semaphore, #tpu.memory_space<semaphore_mem>>) {add = true}
      %dma_wait3A_1056 = arith.constant 0 : i32
      %dma_wait3A_1057 = tpu.memref_slice %arg8[%run_scoped3A_1038, %run_scoped3A_1039, %dma_wait3A_1056] : memref<6x2x80xi32, #tpu.memory_space<vmem>> -> memref<1x1x80xi32, #tpu.memory_space<vmem>>
      %dma_wait3A_1058 = tpu.memref_squeeze %dma_wait3A_1057 : memref<1x1x80xi32, #tpu.memory_space<vmem>> -> memref<80xi32, #tpu.memory_space<vmem>>
      %dma_wait3A_1059 = arith.constant 0 : i32
      %dma_wait3A_1060 = arith.constant 0 : i32
      %dma_wait3A_1061 = tpu.memref_slice %arg14[%dma_wait3A_1059, %dma_wait3A_1060] : memref<10112x16xf32, #tpu.memory_space<vmem_shared>> -> memref<10112x16xf32, #tpu.memory_space<vmem_shared>>
      tpu.wait_indirect_dma semaphore(%run_scoped3A_1049 : memref<!tpu.dma_semaphore, #tpu.memory_space<semaphore_mem>>) src(%arg13 : memref<80x16xf32, #tpu.memory_space<vmem>>) dst(%dma_wait3A_1061 : memref<10112x16xf32, #tpu.memory_space<vmem_shared>>)
      tpu.yield
    }) : () -> ()
    %barrier3A_1040 = arith.constant 0 : index
    tpu.barrier barrier_id(%barrier3A_1040)
    %mul3A_1041 = arith.constant 632 : i32
    %mul3A_1042 = arith.muli %arg1, %mul3A_1041 : i32
    %mul3A_1043 = arith.constant 632 : i32
    %mul3A_1044 = arith.muli %arg1, %mul3A_1043 : i32
    "tpu.region"() ({
      %run_scoped3A_1049 = tpu.sem_alloc : memref<!tpu.dma_semaphore, #tpu.memory_space<semaphore_mem>>
      %dma_start3A_1050 = arith.constant 0 : i32
      %dma_start3A_1051 = tpu.memref_slice %arg6[%arg0, %mul3A_1044, %dma_start3A_1050] : memref<2x10112x128xf32, #tpu.memory_space<hbm>> -> memref<1x632x128xf32, #tpu.memory_space<hbm>>
      %dma_start3A_1052 = tpu.memref_squeeze %dma_start3A_1051 : memref<1x632x128xf32, #tpu.memory_space<hbm>> -> memref<632x128xf32, #tpu.memory_space<hbm>>
      %dma_start3A_1053 = arith.constant 0 : i32
      %dma_start3A_1054 = tpu.memref_slice %arg10[%mul3A_1042, %dma_start3A_1053] : memref<10112x128xf32, #tpu.memory_space<vmem_shared>> -> memref<632x128xf32, #tpu.memory_space<vmem_shared>>
      tpu.enqueue_dma source(%dma_start3A_1054 : memref<632x128xf32, #tpu.memory_space<vmem_shared>>) target(%dma_start3A_1052 : memref<632x128xf32, #tpu.memory_space<hbm>>) target_semaphore(%run_scoped3A_1049 : memref<!tpu.dma_semaphore, #tpu.memory_space<semaphore_mem>>)
      %dma_wait3A_1055 = arith.constant 0 : i32
      %dma_wait3A_1056 = tpu.memref_slice %arg6[%arg0, %mul3A_1044, %dma_wait3A_1055] : memref<2x10112x128xf32, #tpu.memory_space<hbm>> -> memref<1x632x128xf32, #tpu.memory_space<hbm>>
      %dma_wait3A_1057 = tpu.memref_squeeze %dma_wait3A_1056 : memref<1x632x128xf32, #tpu.memory_space<hbm>> -> memref<632x128xf32, #tpu.memory_space<hbm>>
      %dma_wait3A_1058 = arith.constant 0 : i32
      %dma_wait3A_1059 = tpu.memref_slice %arg10[%mul3A_1042, %dma_wait3A_1058] : memref<10112x128xf32, #tpu.memory_space<vmem_shared>> -> memref<632x128xf32, #tpu.memory_space<vmem_shared>>
      tpu.wait_dma2 semaphore(%run_scoped3A_1049 : memref<!tpu.dma_semaphore, #tpu.memory_space<semaphore_mem>>) src(%dma_wait3A_1059 : memref<632x128xf32, #tpu.memory_space<vmem_shared>>) dst(%dma_wait3A_1057 : memref<632x128xf32, #tpu.memory_space<hbm>>)
      tpu.yield
    }) : () -> ()
    %mul3A_1045 = arith.constant 632 : i32
    %mul3A_1046 = arith.muli %arg1, %mul3A_1045 : i32
    %mul3A_1047 = arith.constant 632 : i32
    %mul3A_1048 = arith.muli %arg1, %mul3A_1047 : i32
    "tpu.region"() ({
      %run_scoped3A_1049 = tpu.sem_alloc : memref<!tpu.dma_semaphore, #tpu.memory_space<semaphore_mem>>
      %dma_start3A_1050 = arith.constant 0 : i32
      %dma_start3A_1051 = tpu.memref_slice %arg7[%arg0, %mul3A_1048, %dma_start3A_1050] : memref<2x10112x16xf32, #tpu.memory_space<hbm>> -> memref<1x632x16xf32, #tpu.memory_space<hbm>>
      %dma_start3A_1052 = tpu.memref_squeeze %dma_start3A_1051 : memref<1x632x16xf32, #tpu.memory_space<hbm>> -> memref<632x16xf32, #tpu.memory_space<hbm>>
      %dma_start3A_1053 = arith.constant 0 : i32
      %dma_start3A_1054 = tpu.memref_slice %arg14[%mul3A_1046, %dma_start3A_1053] : memref<10112x16xf32, #tpu.memory_space<vmem_shared>> -> memref<632x16xf32, #tpu.memory_space<vmem_shared>>
      tpu.enqueue_dma source(%dma_start3A_1054 : memref<632x16xf32, #tpu.memory_space<vmem_shared>>) target(%dma_start3A_1052 : memref<632x16xf32, #tpu.memory_space<hbm>>) target_semaphore(%run_scoped3A_1049 : memref<!tpu.dma_semaphore, #tpu.memory_space<semaphore_mem>>)
      %dma_wait3A_1055 = arith.constant 0 : i32
      %dma_wait3A_1056 = tpu.memref_slice %arg7[%arg0, %mul3A_1048, %dma_wait3A_1055] : memref<2x10112x16xf32, #tpu.memory_space<hbm>> -> memref<1x632x16xf32, #tpu.memory_space<hbm>>
      %dma_wait3A_1057 = tpu.memref_squeeze %dma_wait3A_1056 : memref<1x632x16xf32, #tpu.memory_space<hbm>> -> memref<632x16xf32, #tpu.memory_space<hbm>>
      %dma_wait3A_1058 = arith.constant 0 : i32
      %dma_wait3A_1059 = tpu.memref_slice %arg14[%mul3A_1046, %dma_wait3A_1058] : memref<10112x16xf32, #tpu.memory_space<vmem_shared>> -> memref<632x16xf32, #tpu.memory_space<vmem_shared>>
      tpu.wait_dma2 semaphore(%run_scoped3A_1049 : memref<!tpu.dma_semaphore, #tpu.memory_space<semaphore_mem>>) src(%dma_wait3A_1059 : memref<632x16xf32, #tpu.memory_space<vmem_shared>>) dst(%dma_wait3A_1057 : memref<632x16xf32, #tpu.memory_space<hbm>>)
      tpu.yield
    }) : () -> ()
    return
  }
}

module attributes {stable_mosaic.version = 14 : i64} {
  func.func @_layer1_body(%arg0: i32, %arg1: memref<2x2000x128xf32, #tpu.memory_space<vmem>>, %arg2: memref<2x2000x16xf32, #tpu.memory_space<vmem>>, %arg3: memref<2000x128xf32, #tpu.memory_space<vmem>>, %arg4: memref<128x256xf32, #tpu.memory_space<vmem>>, %arg5: memref<1x256xf32, #tpu.memory_space<vmem>>, %arg6: memref<256x16xf32, #tpu.memory_space<vmem>>, %arg7: memref<2000x16xf32, #tpu.memory_space<vmem>>, %arg8: memref<2000x16xf32, #tpu.memory_space<vmem>>) attributes {dimension_semantics = [#tpu.dimension_semantics<arbitrary>], iteration_bounds = array<i64: 5>, scalar_prefetch = 0 : i64, scratch_operands = 0 : i64, tpu.core_type = #tpu.core_type<tc>, window_params = [{transform_indices = @transform_0, window_bounds = array<i64: 2, 2000, 128>}, {transform_indices = @transform_1, window_bounds = array<i64: 2, 2000, 16>}, {transform_indices = @transform_2, window_bounds = array<i64: 2000, 128>}, {pipeline_mode = #tpu.pipeline_mode<synchronous>, transform_indices = @transform_3, window_bounds = array<i64: 128, 256>}, {pipeline_mode = #tpu.pipeline_mode<synchronous>, transform_indices = @transform_4, window_bounds = array<i64: 1, 256>}, {pipeline_mode = #tpu.pipeline_mode<synchronous>, transform_indices = @transform_5, window_bounds = array<i64: 256, 16>}, {transform_indices = @transform_6, window_bounds = array<i64: 2000, 16>}, {transform_indices = @transform_7, window_bounds = array<i64: 2000, 16>}]} {
    %get3A = arith.constant 0 : index
    %get3A_0 = arith.constant 0 : index
    %get3A_1 = arith.constant 0 : index
    %get3A_2 = vector.load %arg1[%get3A, %get3A_0, %get3A_1] : memref<2x2000x128xf32, #tpu.memory_space<vmem>>, vector<1x2000x128xf32>
    %get3A_3 = vector.shape_cast %get3A_2 : vector<1x2000x128xf32> to vector<2000x128xf32>
    %get3A_4 = arith.constant 1 : index
    %get3A_5 = arith.constant 0 : index
    %get3A_6 = arith.constant 0 : index
    %get3A_7 = vector.load %arg1[%get3A_4, %get3A_5, %get3A_6] : memref<2x2000x128xf32, #tpu.memory_space<vmem>>, vector<1x2000x128xf32>
    %get3A_8 = vector.shape_cast %get3A_7 : vector<1x2000x128xf32> to vector<2000x128xf32>
    %add3A = arith.addf %get3A_3, %get3A_8 : vector<2000x128xf32>
    %get3A_9 = arith.constant 0 : index
    %get3A_10 = arith.constant 0 : index
    %get3A_11 = vector.load %arg3[%get3A_9, %get3A_10] : memref<2000x128xf32, #tpu.memory_space<vmem>>, vector<2000x128xf32>
    %add3A_12 = arith.addf %add3A, %get3A_11 : vector<2000x128xf32>
    %get3A_13 = arith.constant 0 : index
    %get3A_14 = arith.constant 0 : index
    %get3A_15 = arith.constant 0 : index
    %get3A_16 = vector.load %arg2[%get3A_13, %get3A_14, %get3A_15] : memref<2x2000x16xf32, #tpu.memory_space<vmem>>, vector<1x2000x16xf32>
    %get3A_17 = vector.shape_cast %get3A_16 : vector<1x2000x16xf32> to vector<2000x16xf32>
    %get3A_18 = arith.constant 1 : index
    %get3A_19 = arith.constant 0 : index
    %get3A_20 = arith.constant 0 : index
    %get3A_21 = vector.load %arg2[%get3A_18, %get3A_19, %get3A_20] : memref<2x2000x16xf32, #tpu.memory_space<vmem>>, vector<1x2000x16xf32>
    %get3A_22 = vector.shape_cast %get3A_21 : vector<1x2000x16xf32> to vector<2000x16xf32>
    %add3A_23 = arith.addf %get3A_17, %get3A_22 : vector<2000x16xf32>
    %reduce_max3A = arith.constant dense<0xFF800000> : vector<2000xf32>
    %reduce_max3A_24 = vector.multi_reduction <maximumf>, %add3A_23, %reduce_max3A [1] : vector<2000x16xf32> to vector<2000xf32>
    %broadcast_in_dim3A = vector.shape_cast %reduce_max3A_24 : vector<2000xf32> to vector<2000x1xf32>
    %add3A_25 = arith.constant 1.000000e+00 : f32
    %add3A_26 = vector.broadcast %add3A_25 : f32 to vector<2000x1xf32>
    %add3A_27 = arith.addf %broadcast_in_dim3A, %add3A_26 : vector<2000x1xf32>
    %div3A = arith.constant 1.000000e+00 : f32
    %div3A_28 = vector.broadcast %div3A : f32 to vector<2000x1xf32>
    %div3A_29 = arith.divf %div3A_28, %add3A_27 : vector<2000x1xf32>
    %mul3A = vector.broadcast %div3A_29 : vector<2000x1xf32> to vector<2000x128xf32>
    %mul3A_30 = arith.mulf %add3A_12, %mul3A : vector<2000x128xf32>
    %get3A_31 = arith.constant 0 : index
    %get3A_32 = arith.constant 0 : index
    %get3A_33 = vector.load %arg4[%get3A_31, %get3A_32] : memref<128x256xf32, #tpu.memory_space<vmem>>, vector<128x256xf32>
    %dot_general3A = arith.constant dense<0.000000e+00> : vector<2000x256xf32>
    %dot_general3A_34 = tpu.matmul %mul3A_30, %get3A_33, %dot_general3A {dimension_numbers = #tpu.dot_dimension_numbers<[1], [0], [0], [1], [0, 0, 1, 1], [], []>, transpose_lhs_hint = false} : vector<2000x128xf32>, vector<128x256xf32>, vector<2000x256xf32> -> vector<2000x256xf32>
    %get3A_35 = arith.constant 0 : index
    %get3A_36 = arith.constant 0 : index
    %get3A_37 = vector.load %arg5[%get3A_35, %get3A_36] : memref<1x256xf32, #tpu.memory_space<vmem>>, vector<1x256xf32>
    %add3A_38 = vector.broadcast %get3A_37 : vector<1x256xf32> to vector<2000x256xf32>
    %add3A_39 = arith.addf %dot_general3A_34, %add3A_38 : vector<2000x256xf32>
    %max3A = arith.constant 0.000000e+00 : f32
    %max3A_40 = vector.broadcast %max3A : f32 to vector<2000x256xf32>
    %max3A_41 = arith.maximumf %add3A_39, %max3A_40 : vector<2000x256xf32>
    %get3A_42 = arith.constant 0 : index
    %get3A_43 = arith.constant 0 : index
    %get3A_44 = vector.load %arg6[%get3A_42, %get3A_43] : memref<256x16xf32, #tpu.memory_space<vmem>>, vector<256x16xf32>
    %dot_general3A_45 = arith.constant dense<0.000000e+00> : vector<2000x16xf32>
    %dot_general3A_46 = tpu.matmul %max3A_41, %get3A_44, %dot_general3A_45 {dimension_numbers = #tpu.dot_dimension_numbers<[1], [0], [0], [1], [0, 0, 1, 1], [], []>, transpose_lhs_hint = false} : vector<2000x256xf32>, vector<256x16xf32>, vector<2000x16xf32> -> vector<2000x16xf32>
    %swap3A = arith.constant 0 : index
    %swap3A_47 = arith.constant 0 : index
    %swap3A_48 = vector.load %arg7[%swap3A, %swap3A_47] : memref<2000x16xf32, #tpu.memory_space<vmem>>, vector<2000x16xf32>
    tpu.vector_store %arg7[%swap3A, %swap3A_47], %dot_general3A_46 {strides = array<i32>} : memref<2000x16xf32, #tpu.memory_space<vmem>>, vector<2000x16xf32>,
    %broadcast_in_dim3A_49 = vector.shape_cast %div3A_29 : vector<2000x1xf32> to vector<2000x1xf32>
    %broadcast_in_dim3A_50 = vector.broadcast %broadcast_in_dim3A_49 : vector<2000x1xf32> to vector<2000x16xf32>
    %swap3A_51 = arith.constant 0 : index
    %swap3A_52 = arith.constant 0 : index
    %swap3A_53 = vector.load %arg8[%swap3A_51, %swap3A_52] : memref<2000x16xf32, #tpu.memory_space<vmem>>, vector<2000x16xf32>
    tpu.vector_store %arg8[%swap3A_51, %swap3A_52], %broadcast_in_dim3A_50 {strides = array<i32>} : memref<2000x16xf32, #tpu.memory_space<vmem>>, vector<2000x16xf32>,
    return
  }
  func.func @transform_0(%arg0: i32) -> (i32, i32, i32) {
    %c0_i32 = arith.constant 0 : i32
    %c0_i32_0 = arith.constant 0 : i32
    %c0_i32_1 = arith.constant 0 : i32
    return %c0_i32, %arg0, %c0_i32_0 : i32, i32, i32
  }
  func.func @transform_1(%arg0: i32) -> (i32, i32, i32) {
    %c0_i32 = arith.constant 0 : i32
    %c0_i32_0 = arith.constant 0 : i32
    %c0_i32_1 = arith.constant 0 : i32
    return %c0_i32, %arg0, %c0_i32_0 : i32, i32, i32
  }
  func.func @transform_2(%arg0: i32) -> (i32, i32) {
    %c0_i32 = arith.constant 0 : i32
    %c0_i32_0 = arith.constant 0 : i32
    return %arg0, %c0_i32 : i32, i32
  }
  func.func @transform_3(%arg0: i32) -> (i32, i32) {
    %c0_i32 = arith.constant 0 : i32
    %c0_i32_0 = arith.constant 0 : i32
    %c0_i32_1 = arith.constant 0 : i32
    return %c0_i32, %c0_i32_0 : i32, i32
  }
  func.func @transform_4(%arg0: i32) -> (i32, i32) {
    %c0_i32 = arith.constant 0 : i32
    %c0_i32_0 = arith.constant 0 : i32
    %c0_i32_1 = arith.constant 0 : i32
    return %c0_i32, %c0_i32_0 : i32, i32
  }
  func.func @transform_5(%arg0: i32) -> (i32, i32) {
    %c0_i32 = arith.constant 0 : i32
    %c0_i32_0 = arith.constant 0 : i32
    %c0_i32_1 = arith.constant 0 : i32
    return %c0_i32, %c0_i32_0 : i32, i32
  }
  func.func @transform_6(%arg0: i32) -> (i32, i32) {
    %c0_i32 = arith.constant 0 : i32
    %c0_i32_0 = arith.constant 0 : i32
    return %arg0, %c0_i32 : i32, i32
  }
  func.func @transform_7(%arg0: i32) -> (i32, i32) {
    %c0_i32 = arith.constant 0 : i32
    %c0_i32_0 = arith.constant 0 : i32
    return %arg0, %c0_i32 : i32, i32
  }
}

module attributes {stable_mosaic.version = 14 : i64} {
  func.func @_layer2_body(%arg0: i32, %arg1: memref<2x2000x16xf32, #tpu.memory_space<vmem>>, %arg2: memref<2000x16xf32, #tpu.memory_space<vmem>>, %arg3: memref<2000x16xf32, #tpu.memory_space<vmem>>, %arg4: memref<1x16xf32, #tpu.memory_space<vmem>>, %arg5: memref<2000x16xf32, #tpu.memory_space<vmem>>) attributes {dimension_semantics = [#tpu.dimension_semantics<arbitrary>], iteration_bounds = array<i64: 5>, scalar_prefetch = 0 : i64, scratch_operands = 0 : i64, tpu.core_type = #tpu.core_type<tc>, window_params = [{transform_indices = @transform_0, window_bounds = array<i64: 2, 2000, 16>}, {transform_indices = @transform_1, window_bounds = array<i64: 2000, 16>}, {transform_indices = @transform_2, window_bounds = array<i64: 2000, 16>}, {pipeline_mode = #tpu.pipeline_mode<synchronous>, transform_indices = @transform_3, window_bounds = array<i64: 1, 16>}, {transform_indices = @transform_4, window_bounds = array<i64: 2000, 16>}]} {
    %get3A = arith.constant 0 : index
    %get3A_0 = arith.constant 0 : index
    %get3A_1 = arith.constant 0 : index
    %get3A_2 = vector.load %arg1[%get3A, %get3A_0, %get3A_1] : memref<2x2000x16xf32, #tpu.memory_space<vmem>>, vector<1x2000x16xf32>
    %get3A_3 = vector.shape_cast %get3A_2 : vector<1x2000x16xf32> to vector<2000x16xf32>
    %get3A_4 = arith.constant 1 : index
    %get3A_5 = arith.constant 0 : index
    %get3A_6 = arith.constant 0 : index
    %get3A_7 = vector.load %arg1[%get3A_4, %get3A_5, %get3A_6] : memref<2x2000x16xf32, #tpu.memory_space<vmem>>, vector<1x2000x16xf32>
    %get3A_8 = vector.shape_cast %get3A_7 : vector<1x2000x16xf32> to vector<2000x16xf32>
    %add3A = arith.addf %get3A_3, %get3A_8 : vector<2000x16xf32>
    %get3A_9 = arith.constant 0 : index
    %get3A_10 = arith.constant 0 : index
    %get3A_11 = vector.load %arg2[%get3A_9, %get3A_10] : memref<2000x16xf32, #tpu.memory_space<vmem>>, vector<2000x16xf32>
    %add3A_12 = arith.addf %add3A, %get3A_11 : vector<2000x16xf32>
    %get3A_13 = arith.constant 0 : index
    %get3A_14 = arith.constant 0 : index
    %get3A_15 = vector.load %arg3[%get3A_13, %get3A_14] : memref<2000x16xf32, #tpu.memory_space<vmem>>, vector<2000x16xf32>
    %mul3A = arith.mulf %add3A_12, %get3A_15 : vector<2000x16xf32>
    %get3A_16 = arith.constant 0 : index
    %get3A_17 = arith.constant 0 : index
    %get3A_18 = vector.load %arg4[%get3A_16, %get3A_17] : memref<1x16xf32, #tpu.memory_space<vmem>>, vector<1x16xf32>
    %add3A_19 = vector.broadcast %get3A_18 : vector<1x16xf32> to vector<2000x16xf32>
    %add3A_20 = arith.addf %mul3A, %add3A_19 : vector<2000x16xf32>
    %swap3A = arith.constant 0 : index
    %swap3A_21 = arith.constant 0 : index
    %swap3A_22 = vector.load %arg5[%swap3A, %swap3A_21] : memref<2000x16xf32, #tpu.memory_space<vmem>>, vector<2000x16xf32>
    tpu.vector_store %arg5[%swap3A, %swap3A_21], %add3A_20 {strides = array<i32>} : memref<2000x16xf32, #tpu.memory_space<vmem>>, vector<2000x16xf32>,
    return
  }
  func.func @transform_0(%arg0: i32) -> (i32, i32, i32) {
    %c0_i32 = arith.constant 0 : i32
    %c0_i32_0 = arith.constant 0 : i32
    %c0_i32_1 = arith.constant 0 : i32
    return %c0_i32, %arg0, %c0_i32_0 : i32, i32, i32
  }
  func.func @transform_1(%arg0: i32) -> (i32, i32) {
    %c0_i32 = arith.constant 0 : i32
    %c0_i32_0 = arith.constant 0 : i32
    return %arg0, %c0_i32 : i32, i32
  }
  func.func @transform_2(%arg0: i32) -> (i32, i32) {
    %c0_i32 = arith.constant 0 : i32
    %c0_i32_0 = arith.constant 0 : i32
    return %arg0, %c0_i32 : i32, i32
  }
  func.func @transform_3(%arg0: i32) -> (i32, i32) {
    %c0_i32 = arith.constant 0 : i32
    %c0_i32_0 = arith.constant 0 : i32
    %c0_i32_1 = arith.constant 0 : i32
    return %c0_i32, %c0_i32_0 : i32, i32
  }
  func.func @transform_4(%arg0: i32) -> (i32, i32) {
    %c0_i32 = arith.constant 0 : i32
    %c0_i32_0 = arith.constant 0 : i32
    return %arg0, %c0_i32 : i32, i32
  }
}

module attributes {stable_mosaic.version = 14 : i64} {
  func.func @_decoder_body(%arg0: i32, %arg1: memref<512x16xf32, #tpu.memory_space<vmem>>, %arg2: memref<10000x16xf32, #tpu.memory_space<vmem>>, %arg3: memref<512x10000xf32, #tpu.memory_space<vmem>>) attributes {dimension_semantics = [#tpu.dimension_semantics<arbitrary>], iteration_bounds = array<i64: 20>, scalar_prefetch = 0 : i64, scratch_operands = 0 : i64, tpu.core_type = #tpu.core_type<tc>, window_params = [{transform_indices = @transform_0, window_bounds = array<i64: 512, 16>}, {pipeline_mode = #tpu.pipeline_mode<synchronous>, transform_indices = @transform_1, window_bounds = array<i64: 10000, 16>}, {transform_indices = @transform_2, window_bounds = array<i64: 512, 10000>}]} {
    %get3A = arith.constant 0 : index
    %get3A_0 = arith.constant 0 : index
    %get3A_1 = vector.load %arg1[%get3A, %get3A_0] : memref<512x16xf32, #tpu.memory_space<vmem>>, vector<512x16xf32>
    %get3A_2 = arith.constant 0 : index
    %get3A_3 = arith.constant 0 : index
    %get3A_4 = vector.load %arg2[%get3A_2, %get3A_3] : memref<10000x16xf32, #tpu.memory_space<vmem>>, vector<10000x16xf32>
    %dot_general3A = arith.constant dense<0.000000e+00> : vector<512x10000xf32>
    %dot_general3A_5 = tpu.matmul %get3A_1, %get3A_4, %dot_general3A {dimension_numbers = #tpu.dot_dimension_numbers<[1], [1], [0], [0], [0, 0, 1, 0], [], []>, transpose_lhs_hint = false} : vector<512x16xf32>, vector<10000x16xf32>, vector<512x10000xf32> -> vector<512x10000xf32>
    %swap3A = arith.constant 0 : index
    %swap3A_6 = arith.constant 0 : index
    %swap3A_7 = vector.load %arg3[%swap3A, %swap3A_6] : memref<512x10000xf32, #tpu.memory_space<vmem>>, vector<512x10000xf32>
    tpu.vector_store %arg3[%swap3A, %swap3A_6], %dot_general3A_5 {strides = array<i32>} : memref<512x10000xf32, #tpu.memory_space<vmem>>, vector<512x10000xf32>,
    return
  }
  func.func @transform_0(%arg0: i32) -> (i32, i32) {
    %c0_i32 = arith.constant 0 : i32
    %c0_i32_0 = arith.constant 0 : i32
    return %arg0, %c0_i32 : i32, i32
  }
  func.func @transform_1(%arg0: i32) -> (i32, i32) {
    %c0_i32 = arith.constant 0 : i32
    %c0_i32_0 = arith.constant 0 : i32
    %c0_i32_1 = arith.constant 0 : i32
    return %c0_i32, %c0_i32_0 : i32, i32
  }
  func.func @transform_2(%arg0: i32) -> (i32, i32) {
    %c0_i32 = arith.constant 0 : i32
    %c0_i32_0 = arith.constant 0 : i32
    return %arg0, %c0_i32 : i32, i32
  }
}

</mosaic_0001>

<sc_bundles>
// kernel: kernel.10.cloned.1.call-start
scs
__scs_entry_jumppad:
0x0: {  	(pc) =	sbr.rel $0x88, $3  }
0x1: {  	(tag) =	ssettag $0x0;
	lr =	simm.s32 $0x1  }
0x2: {  	[smem:$0x3F9B] =	sst lr;
	_ =	strace $0xD0000000  }
0x3: {  	_ = 	snop  }
0x4: {  	_ = 	snop  }
0x5: {  	_ = 	snop  }
0x6: {  	_ = 	snop  }
0x7: {  	_ = 	snop  }
__scs_overlays_trampoline_lowered:
0x8: {  	[smem:$0x3FAA] =	sst s0  }
0x9: {  	[smem:$0x3FAB] =	sst s1  }
0xa: {  	[smem:$0x3FAC] =	sst s2  }
0xb: {  	[smem:$0x3FAD] =	sst s3  }
0xc: {  	[smem:$0x3FAE] =	sst s4  }
0xd: {  	[smem:$0x3FAF] =	sst s5  }
0xe: {  	[smem:$0x3FB0] =	sst s6  }
0xf: {  	[smem:$0x3FB1] =	sst s7  }
0x10: {  	[smem:$0x3FB2] =	sst s8  }
0x11: {  	[smem:$0x3FB3] =	sst s9;
	s0 =	simm.s32 @!p0 $0x0  }
0x12: {  	s1 =	sld [smem:$0x3F99];
	s0 =	simm.s32 @p0 $0x1  }
0x13: {  	[smem:$0x3FB4] =	sst s0;
	s0 =	simm.s32 @!p1 $0x0  }
0x14: {  	s2 =	sld [smem:$0x3F98];
	s0 =	simm.s32 @p1 $0x1  }
0x15: {  	[smem:$0x3FB5] =	sst s0;
	s0 =	simm.s32 @!p2 $0x0  }
0x16: {  	s3 =	sld [smem:$0x3FDB];
	s0 =	simm.s32 @p2 $0x1  }
0x17: {  	s4 =	simm.s32 $0x1BF5;
	[smem:$0x3FB7] =	sst s0  }
0x18: {  	s0 =	sld [smem:$0x3F9A];
	_ =	swait.ge [sflag:s4], $0x0  }
0x19: {  	s7 =	sld [smem:$0x3F9B]  }
0x1a: {  	s8 =	sadd.s32 $0xFFFFE003, lr  }
0x1b: {  	s9 =	sadd.s32 $0xFFFFFEF7, lr;
	s5 =	simm.s32 $0xFFFFFFFF;
	p2 =	slt.u32 s8, $0xFFFFF086  }
0x1c: {  	p1 =	slt.u32 s9, $0xF7A;
	s5 =	simm.s32 @!p2 $0x0  }
0x1d: {  	s5 =	simm.s32 @p1 $0x1;
	p0 =	seq.s32 s7, s2  }
0x1e: {  	s7 =	smul.u32 @!p0 $0xF7A, s2;
	p2 =	seq.s32 @!p0 s5, $0x0  }
0x1f: {  	s9 =	smul.u32 $0xF7A, s1;
	s8 =	simm.s32 @!p0 $0x1BF5;
	p2 =	por !p2, p0  }
0x20: {  	[sflag:s8] =	ssyncset.s32 @!p0 $0xFFFFF086;
	s6 =	sadd.s32 @!p0 s3, s7;
	s7 =	simm.s32 @!p0 $0x108  }
0x21: {  	s3 =	sadd.s32 s3, s9;
	s6 =	sadd.s32 @!p0 $0x88, s6;
	s7 =	simm.s32 @p2 $0x1082  }
0x22: {  	[simem:s7], [sflag:s8] =	dma.local @!p0 [hbm:s6], $0xF7A  }
0x23: {  	s9 =	sor.u32 $0xD0000000, s2;
	s6 =	simm.s32 $0x108;
	_ =	swait.ge @!p0 [sflag:s8], $0x0  }
0x24: {  	s3 =	sadd.s32 $0x88, s3;
	s6 =	simm.s32 @!p1 $0x1082;
	[sflag:s4] =	ssyncset.s32 $0xFFFFF086  }
0x25: {  	[simem:s6], [sflag:s4] =	dma.local [hbm:s3], $0xF7A  }
0x26: {  	[smem:$0x3F9B] =	sst s1;
	(tag) =	ssettag s2;
	_ =	strace s9  }
0x27: {  	s1 =	sld [smem:$0x3FAB]  }
0x28: {  	s2 =	sld [smem:$0x3FAC]  }
0x29: {  	s4 =	sld [smem:$0x3FAE]  }
0x2a: {  	p0 =	seq.s32 s5, $0x0;
	s5 =	sld [smem:$0x3FAF]  }
0x2b: {  	s6 =	sld [smem:$0x3FB0]  }
0x2c: {  	s7 =	sld [smem:$0x3FB1]  }
0x2d: {  	s3 =	simm.s32 $0x108;
	s8 =	sld [smem:$0x3FB2]  }
0x2e: {  	s3 =	simm.s32 @!p0 $0x1082;
	s9 =	sld [smem:$0x3FB3]  }
0x2f: {  	lr =	sadd.s32 s0, s3;
	s0 =	sld [smem:$0x3FAA]  }
0x30: {  	s3 =	sld [smem:$0x3FAD]  }
0x31: {  	[smem:$0x3FB6] =	sst s10  }
0x32: {  	s10 =	sld [smem:$0x3FB4];
	_ =	sdelay $0x3  }
0x33: {  	p0 =	seq.s32 s10, $0x1;
	s10 =	sld [smem:$0x3FB6];
	_ =	sdelay $0x3  }
0x34: {  	[smem:$0x3FB6] =	sst s10  }
0x35: {  	s10 =	sld [smem:$0x3FB5];
	_ =	sdelay $0x3  }
0x36: {  	p1 =	seq.s32 s10, $0x1;
	s10 =	sld [smem:$0x3FB6];
	_ =	sdelay $0x3  }
0x37: {  	[smem:$0x3FB6] =	sst s10  }
0x38: {  	s10 =	sld [smem:$0x3FB7]  }
0x39: {  	_ = 	snop;
	(pc) =	sbr.ind lr, $3  }
0x3a: {  	_ = 	snop  }
0x3b: {  	_ = 	snop  }
0x3c: {  	p2 =	seq.s32 s10, $0x1;
	s10 =	sld [smem:$0x3FB6]  }
0x3d: {  	_ =	shalt  }
0x3e: {  	_ =	shalt  }
0x3f: {  	_ =	shalt  }
0x40: {  	_ =	shalt  }
0x41: {  	_ =	shalt  }
0x42: {  	_ =	shalt  }
0x43: {  	_ =	shalt  }
0x44: {  	_ =	shalt  }
0x45: {  	_ =	shalt  }
0x46: {  	_ =	shalt  }
0x47: {  	_ =	shalt  }
0x48: {  	_ =	shalt  }
0x49: {  	_ =	shalt  }
0x4a: {  	_ =	shalt  }
0x4b: {  	_ =	shalt  }
0x4c: {  	_ =	shalt  }
0x4d: {  	_ =	shalt  }
0x4e: {  	_ =	shalt  }
0x4f: {  	_ =	shalt  }
0x50: {  	_ =	shalt  }
0x51: {  	_ =	shalt  }
0x52: {  	_ =	shalt  }
0x53: {  	_ =	shalt  }
0x54: {  	_ =	shalt  }
0x55: {  	_ =	shalt  }
0x56: {  	_ =	shalt  }
0x57: {  	_ =	shalt  }
0x58: {  	_ =	shalt  }
0x59: {  	_ =	shalt  }
0x5a: {  	_ =	shalt  }
0x5b: {  	_ =	shalt  }
0x5c: {  	_ =	shalt  }
0x5d: {  	_ =	shalt  }
0x5e: {  	_ =	shalt  }
0x5f: {  	_ =	shalt  }
0x60: {  	_ =	shalt  }
0x61: {  	_ =	shalt  }
0x62: {  	_ =	shalt  }
0x63: {  	_ =	shalt  }
0x64: {  	_ =	shalt  }
0x65: {  	_ =	shalt  }
0x66: {  	_ =	shalt  }
0x67: {  	_ =	shalt  }
0x68: {  	_ =	shalt  }
0x69: {  	_ =	shalt  }
0x6a: {  	_ =	shalt  }
0x6b: {  	_ =	shalt  }
0x6c: {  	_ =	shalt  }
0x6d: {  	_ =	shalt  }
0x6e: {  	_ =	shalt  }
0x6f: {  	_ =	shalt  }
0x70: {  	_ =	shalt  }
0x71: {  	_ =	shalt  }
0x72: {  	_ =	shalt  }
0x73: {  	_ =	shalt  }
0x74: {  	_ =	shalt  }
0x75: {  	_ =	shalt  }
0x76: {  	_ =	shalt  }
0x77: {  	_ =	shalt  }
0x78: {  	_ =	shalt  }
0x79: {  	_ =	shalt  }
0x7a: {  	_ =	shalt  }
0x7b: {  	_ =	shalt  }
0x7c: {  	_ =	shalt  }
0x7d: {  	_ =	shalt  }
0x7e: {  	_ =	shalt  }
0x7f: {  	_ =	shalt  }
0x80: {  	_ =	shalt  }
0x81: {  	_ =	shalt  }
0x82: {  	_ =	shalt  }
0x83: {  	_ =	shalt  }
0x84: {  	_ =	shalt  }
0x85: {  	_ =	shalt  }
0x86: {  	_ =	shalt  }
0x87: {  	_ =	shalt  }
.Lfunc_end0:
.L_simem_size_0:
called_computation.1_lowered:
.L_overlay_start_0:
0x88: {  	s2 =	sld [smem:$0x3FD9]  }
0x89: {  	s3 =	sld [smem:$0x3FFE];
	_ =	sdelay $0x1  }
0x8a: {  	s1 =	srdreg.scid  }
0x8b: {  	s0 =	sand.u32 $0x1, s1  }
0x8c: {  	s14 =	sshll.u32 s0, $0xA;
	s2 =	sadd.s32 s3, s2  }
0x8d: {  	s2 =	sadd.s32 s2, s14  }
0x8e: {  	[smem:$0x3FC2] =	sst s2  }
0x8f: {  	_ = 	snop  }
0x90: {  	s2 =	sld [smem:$0x3FD0];
	_ =	sdelay $0x2  }
0x91: {  	s15 =	simm.s32 $0xA;
	s4 =	simm.s32 $0x10  }
0x92: {  	[smem:s4], [sflag:s15] =	dma.local [hbm:s2], $0x1  }
0x93: {  	_ =	swait.eq [sflag:s15], $0x1  }
0x94: {  	[sflag:s15] =	ssyncset.done $0x0  }
0x95: {  	[sflag:s15] =	ssyncadd.s32 $0xFFFFFFFF  }
0x96: {  	s16 =	sld [smem:$0x10];
	(tm) =	ssettm $0x1  }
0x97: {  	s17 =	sld [smem:$0x3FFB];
	_ =	sdelay $0x3  }
0x98: {  	_ =	strace s17  }
0x99: {  	s3 =	sld [smem:$0x3FFC];
	_ =	sdelay $0x3  }
0x9a: {  	_ =	strace s3  }
0x9b: {  	s3 =	sld [smem:$0x3FFD];
	_ =	sdelay $0x3  }
0x9c: {  	_ =	strace s3  }
0x9d: {  	_ =	strace $0x8FFFFFFF  }
0x9e: {  	s18 =	sld [smem:$0x3FDB];
	_ =	sdelay $0x1  }
0x9f: {  	s19 =	simm.s32 $_scs_section_size  }
0xa0: {  	s5 =	simm.s32 $_size__tile_overlayer_lowered;
	s6 =	simm.s32 $_tile_overlayer_lowered  }
0xa1: {  	s22 =	simm.s32 $0x1BFF;
	s21 =	sshll.u32 s6, $0x1;
	s3 =	sadd.s32 s19, s18  }
0xa2: {  	s7 =	simm.s32 $0x0;
	s20 =	sshll.u32 s5, $0x1;
	s5 =	sadd.s32 s21, s3  }
0xa3: {  	[timem:s7], [sflag:s22] =	dma.local [hbm:s5], s20  }
0xa4: {  	_ =	swait.ge [sflag:s22], s20  }
0xa5: {  	s4 =	ssub.s32 $0x0, s20;
	[sflag:s22] =	ssyncset.done $0x0  }
0xa6: {  	[sflag:s22] =	ssyncadd.s32 s4;
	_ =	sdelay $0x1  }
0xa7: {  	s23 =	simm.s32 $0x1B8B  }
0xa8: {  	_ =	swait.ge [sflag:s23], $0x1  }
0xa9: {  	[sflag:s23] =	ssyncset.done $0x0  }
0xaa: {  	s25 =	simm.s32 $0x1B8E;
	s24 =	sld [smem:$0x3FFE];
	[sflag:s23] =	ssyncadd.s32 $0xFFFFFFFF  }
0xab: {  	s26 =	simm.s32 $execute0_lowered;
	[smem:$0x3FD2] =	sst s25  }
0xac: {  	s5 =	sshll.u32 s26, $0x1;
	_ =	strace $0x80000049;
	[dreg:$0x1] =	wrdreg $0xFFFFFFFF  }
0xad: {  	s28 =	simm.s32 $_size_execute0_lowered;
	s3 =	sadd.s32 s3, s5;
	[dreg:$0x0] =	wrdreg $0x0  }
0xae: {  	s5 =	sshll.u32 s28, $0x1;
	[dreg:$0x2] =	wrdreg s3  }
0xaf: {  	[dreg:$0x3] =	wrdreg s5  }
0xb0: {  	[dreg:$0x4] =	wrdreg $0xC0  }
0xb1: {  	_ =	task [dreg:s7], $0x5FFFF  }
0xb2: {  	[dreg:$0x1] =	wrdreg $0xFFFFFFFF  }
0xb3: {  	[dreg:$0x0] =	wrdreg $0x60  }
0xb4: {  	[dreg:$0x2] =	wrdreg s16  }
0xb5: {  	[dreg:$0x3] =	wrdreg s24  }
0xb6: {  	[dreg:$0x4] =	wrdreg $0x1E000  }
0xb7: {  	[dreg:$0x5] =	wrdreg $0x9  }
0xb8: {  	_ =	task.clear_ibuf [dreg:s7], $0x6FFFF;
	_ =	strace $0x90000049  }
0xb9: {  	s29 =	simm.s32 $0x9;
	_ =	strace $0x8000004B  }
0xba: {  	_ =	swait.ge [sflag:s29], $0x1  }
0xbb: {  	[sflag:s29] =	ssyncadd.s32 $0xFFFFFFFF  }
0xbc: {  	_ =	strace $0x9000004B  }
0xbd: {  	_ =	sfence  }
0xbe: {  	s30 =	sld [smem:$0x0];
	_ =	sdelay $0x2  }
0xbf: {  	s31 =	sshll.u32 s1, $0xD;
	s1 =	sshrl.u32 s1, $0x2  }
0xc0: {  	s3 =	sand.u32 $0x4000, s31;
	s1 =	sadd.s32 s1, s30  }
0xc1: {  	s0 =	sor.u32 s3, s0;
	s1 =	sshll.u32 s1, $0x11  }
0xc2: {  	s0 =	sor.u32 s1, s0  }
0xc3: {  	s0 =	sadd.s32 $0x8F2B, s0  }
0xc4: {  	[sflag:s0] =	ssyncadd.remote.s32 $0x1  }
0xc5: {  	_ =	sfence.sel $0xFFFF  }
0xc6: {  	[dreg:$0x0] =	wrdreg $0xFFFFFFFF;
	(pc) =	sbr.abs _section_cstart, $3  }
0xc7: {  	[dreg:$0x1] =	wrdreg $0xFFFFFFFF  }
0xc8: {  	_ =	task.clear_ibuf [dreg:s7], $0x2FFFF;
	_ =	strace $0x9FFFFFFF  }
0xc9: {  	(tm) =	ssettm $0x7FFFFFFF  }
tec
execute0_lowered:
.L_overlay_start_1:
0x0: {  	(tag) =	ssettag $0x1  }
0x1: {  	s1 =	rddreg [dreg:$0x0]  }
0x2: {  	s0 =	rddreg [dreg:$0x1]  }
0x3: {  	s3 =	rddreg [dreg:$0x2]  }
0x4: {  	s2 =	srdreg.scid;
	s10 =	stileid.u32;
	s5 =	simm.s32 $0x0  }
0x5: {  	s28 =	simm.s32 $0x4;
	s2 =	sand.u32 $0x1, s2;
	s4 =	smul.u32 $0x2780, s10  }
0x6: {  	[smem:$0x7FF] =	sst s5;
	s5 =	sadd.s32 $0x2000, s0;
	s7 =	sshll.u32 s10, $0x1  }
0x7: {  	s11 =	sadd.s32 $0x15A00, s0;
	s14 =	smul.u32 $0x4E20, s10;
	s15 =	sshll.u32 s10, $0x6  }
0x8: {  	s10 =	simm.s32 $0x3;
	s6 =	smul.u32 $0x27800, s2;
	_ =	strace $0x8000004A  }
0x9: {  	s8 =	ssub.s32 $0x2, s2;
	s7 =	sor.u32 s2, s7;
	[dreg:$0x4] =	wrdreg s11  }
0xa: {  	s2 =	smul.u32 $0x2710, s2;
	s12 =	sor.u32 $0x1C0B, s15;
	s11 =	simm.s32 $0x1600  }
0xb: {  	s9 =	sshrl.u32 s8, $0x1;
	s7 =	smul.u32 $0x2710, s7;
	[dreg:$0x6] =	wrdreg s12  }
0xc: {  	s6 =	sadd.s32 s4, s6;
	s13 =	ssub.s32 s8, s9;
	s4 =	sadd.s32 s4, s3  }
0xd: {  	s2 =	sadd.s32 s2, s14;
	s9 =	simm.s32 $0xE00;
	s14 =	simm.s32 $0x9  }
0xe: {  	s8 =	simm.s32 $0x0;
	s6 =	sshrl.u32 s6, $0x3;
	s7 =	sshrl.u32 s7, $0x3  }
0xf: {  	s21 =	sadd.s32 $0x580, s2;
	s23 =	sadd.s32 $0x500, s2;
	s31 =	sadd.s32 $0x300, s2  }
0x10: {  	s25 =	sadd.s32 $0x480, s2;
	s7 =	sadd.s32 s5, s7;
	[dreg:$0xf] =	wrdreg s31  }
0x11: {  	s0 =	sadd.s32 s6, s0;
	s6 =	smax.u32 s13, $0x1;
	[dreg:$0x5] =	wrdreg s7  }
0x12: {  	s26 =	sadd.s32 $0x400, s2;
	s16 =	sadd.s32 $0x10, s7;
	[dreg:$0xe] =	wrdreg s6  }
0x13: {  	s29 =	sadd.s32 $0x380, s2;
	s17 =	sadd.s32 $0x20, s7;
	[dreg:$0x7] =	wrdreg s16  }
0x14: {  	s22 =	sshrl.u32 s21, $0x3;
	s18 =	sadd.s32 $0x30, s7;
	[dreg:$0x8] =	wrdreg s17  }
0x15: {  	s24 =	sshrl.u32 s23, $0x3;
	s19 =	sadd.s32 $0x40, s7;
	[dreg:$0x9] =	wrdreg s18  }
0x16: {  	s30 =	sshrl.u32 s29, $0x3;
	s20 =	sadd.s32 $0x50, s7;
	[dreg:$0xa] =	wrdreg s19  }
0x17: {  	s13 =	simm.s32 $0x5;
	s7 =	sadd.s32 $0x4E0, s7;
	[dreg:$0xb] =	wrdreg s20  }
0x18: {  	s0 =	sadd.s32 $0x16000, s0;
	s6 =	sshrl.u32 s26, $0x3;
	[dreg:$0xc] =	wrdreg s7  }
0x19: {  	s21 =	sadd.s32 s30, s5;
	s26 =	simm.s32 $0x4E200;
	[dreg:$0xd] =	wrdreg s0  }
.Ltmp0:
0x1a: {  	s17 =	sadd.s32 s22, s5;
	s18 =	sadd.s32 s24, s5;
	(pc) =	sbr.rel .LBB2_1-.Ltmp0, $4  }
0x1b: {  	s0 =	sshrl.u32 s25, $0x3;
	s20 =	sadd.s32 s6, s5;
	s7 =	sshrl.u32 s4, $0x3  }
0x1c: {  	s24 =	simm.s32 $0xB;
	s25 =	simm.s32 $0x80;
	s4 =	simm.s32 $0x600  }
0x1d: {  	s16 =	simm.s32 $0x7;
	s22 =	simm.s32 $0x8;
	s6 =	simm.s32 $0x6  }
0x1e: {  	s19 =	sadd.s32 s0, s5;
	s0 =	simm.s32 $0x500;
	[dreg:$0x10] =	wrdreg s7  }
.LBB2_4:
0x1f: {  	[bflag:$0x0] =	sbarrier.arrive $0xFFFF  }
0x20: {  	s12 =	rddreg [dreg:$0x6]  }
0x21: {  	s2 =	rddreg [dreg:$0xd]  }
0x22: {  	s7 =	rddreg [dreg:$0x10]  }
0x23: {  	[hbm:s2], [sflag:s12] =	dma.local [spmem:s7], $0x4F0  }
0x24: {  	_ =	swait.ge [sflag:s24], $0x4F0  }
0x25: {  	s8 =	rddreg [dreg:$0x11]  }
0x26: {  	s31 =	rddreg [dreg:$0xe];
	s8 =	sadd.s32 $0x1, s8  }
0x27: {  	p0 =	sne.s32 s8, s31  }
.Ltmp1:
0x28: {  	_ = 	snop;
	(pc) =	sbr.rel @!p0 .LBB2_5-.Ltmp1, $3  }
0x29: {  	_ =	sdelay $0x1  }
0x2a: {  	[sflag:s24] =	ssyncset.done $0x0  }
0x2b: {  	[sflag:s24] =	ssyncadd.s32 $0xFFFFFB10  }
.LBB2_1:
0x2c: {  	[dreg:$0x11] =	wrdreg s8  }
0x2d: {  	s2 =	rddreg [dreg:$0x4]  }
0x2e: {  	[spmem:s7], [sflag:s12] =	dma.local [hbm:s2], $0x4F0  }
0x2f: {  	_ =	swait.ge [sflag:s24], $0x4F0  }
0x30: {  	s15 =	simm.s32 $0x4E200;
	[sflag:s24] =	ssyncset.done $0x0  }
0x31: {  	s2 =	simm.s32 $0x0;
	s23 =	rddreg [dreg:$0x5];
	[sflag:s24] =	ssyncadd.s32 $0xFFFFFB10  }
0x32: {  	[tilespmem:s2], [sflag:$0x1] =	stream.strided.gather [hbm4b:s23+s25], $0x100, s15, s25, $0x38;
	[tilespmem:$0x46A0] =	vst v63  }
0x33: {  	s8 =	simm.s32 $0x100;
	s29 =	rddreg [dreg:$0x7]  }
0x34: {  	[tilespmem:s8], [sflag:$0x2] =	stream.strided.gather [hbm4b:s29+s25], $0x100, s15, s25, $0x38;
	[tilespmem:$0x46A0] =	vst v63  }
0x35: {  	s12 =	simm.s32 $0x200;
	s30 =	rddreg [dreg:$0x8]  }
0x36: {  	[tilespmem:s12], [sflag:$0x3] =	stream.strided.gather [hbm4b:s30+s25], $0x100, s15, s25, $0x38;
	[tilespmem:$0x46A0] =	vst v63  }
0x37: {  	s31 =	rddreg [dreg:$0x9];
	s23 =	simm.s32 $0x300  }
0x38: {  	[tilespmem:s23], [sflag:$0x4] =	stream.strided.gather [hbm4b:s31+s25], $0x100, s15, s25, $0x38;
	[tilespmem:$0x46A0] =	vst v63  }
0x39: {  	s29 =	simm.s32 $0x400;
	s23 =	rddreg [dreg:$0xa]  }
0x3a: {  	[tilespmem:s29], [sflag:$0x5] =	stream.strided.gather [hbm4b:s23+s25], $0x100, s15, s25, $0x38;
	[tilespmem:$0x46A0] =	vst v63  }
0x3b: {  	s30 =	rddreg [dreg:$0xb];
	s31 =	simm.s32 $0x1  }
0x3c: {  	[tilespmem:s0], [sflag:$0x6] =	stream.strided.gather [hbm4b:s30+s25], $0x100, s15, s25, $0x38;
	[tilespmem:$0x46A0] =	vst v63  }
0x3d: {  	_ =	swait.ge [sflag:s31], $0x100  }
0x3e: {  	[sflag:s31] =	ssyncset.done $0x0  }
0x3f: {  	s7 =	simm.s32 $0x2;
	[sflag:s31] =	ssyncadd.s32 $0xFFFFFF00  }
0x40: {  	[tilespmem:s4], [sflag:$0x7] =	stream.indirect.gather [hbm4b:s1+s25], $0x10, s2, s25, $0xb8;
	[tilespmem:$0x46A0] =	vst v63  }
0x41: {  	_ =	swait.ge [sflag:s7], $0x100  }
0x42: {  	[sflag:s7] =	ssyncset.done $0x0  }
0x43: {  	[sflag:s7] =	ssyncadd.s32 $0xFFFFFF00  }
0x44: {  	[tilespmem:s9], [sflag:$0x8] =	stream.indirect.gather [hbm4b:s1+s25], $0x10, s8, s25, $0xb8;
	[tilespmem:$0x46A0] =	vst v63  }
0x45: {  	_ =	swait.ge [sflag:s10], $0x100  }
0x46: {  	[sflag:s10] =	ssyncset.done $0x0  }
0x47: {  	[sflag:s10] =	ssyncadd.s32 $0xFFFFFF00  }
0x48: {  	[tilespmem:s11], [sflag:$0x9] =	stream.indirect.gather [hbm4b:s1+s25], $0x10, s12, s25, $0xb8;
	[tilespmem:$0x46A0] =	vst v63  }
0x49: {  	[bflag:$0x0] =	sbarrier.arrive $0xFFFF  }
0x4a: {  	s23 =	simm.s32 $0x4580;
	s12 =	simm.s32 $0x10;
	s8 =	rddreg [dreg:$0xc]  }
0x4b: {  	[tilespmem:s23], [sflag:$0xB] =	stream.strided.gather [hbm4b:s8+s12], $0x20, s15, s12, $0x38;
	[tilespmem:$0x46A0] =	vst v63  }
0x4c: {  	_ =	swait.ge [sflag:s24], $0x20  }
0x4d: {  	[sflag:s24] =	ssyncset.done $0x0  }
0x4e: {  	s29 =	simm.s32 $0x45A0;
	s30 =	simm.s32 $0xA;
	[sflag:s24] =	ssyncadd.s32 $0xFFFFFFE0  }
0x4f: {  	[tilespmem:s29], [sflag:$0xA] =	stream.indirect.gather [hbm4b:s1+s12], $0x10, s23, s12, $0xb8;
	[tilespmem:$0x46A0] =	vst v63  }
0x50: {  	_ =	swait.ge [sflag:s30], $0x100  }
0x51: {  	[sflag:s30] =	ssyncset.done $0x0  }
0x52: {  	s31 =	simm.s32 $0x4590;
	[sflag:s30] =	ssyncadd.s32 $0xFFFFFF00  }
0x53: {  	[spmem:s3] =	stream.indirect.scatter.add.f32 [tilespmem:s29], [sflag:$0xB], $0x10, s31, s12, $0xb8;
	[tilespmem:$0x46A0] =	vst v63  }
0x54: {  	_ =	swait.ge [sflag:s24], $0x100  }
0x55: {  	[sflag:s24] =	ssyncset.done $0x0  }
0x56: {  	s8 =	simm.s32 $0x0;
	s23 =	rddreg [dreg:$0xf];
	[sflag:s24] =	ssyncadd.s32 $0xFFFFFF00  }
.LBB2_2:
0x57: {  	_ =	swait.ge [sflag:s16], $0x800  }
0x58: {  	[sflag:s16] =	ssyncset.done $0x0  }
0x59: {  	p0 =	seq.s32 s8, $0x480;
	[sflag:s16] =	ssyncadd.s32 $0xFFFFF800  }
0x5a: {  	[spmem:s3] =	stream.indirect.scatter.add.f32 [tilespmem:s4], [sflag:$0xB], $0x10, s25, s25, $0xb8;
	[tilespmem:$0x46A0] =	vst v63  }
0x5b: {  	s29 =	sshrl.u32 @!p0 s23, $0x3;
	_ =	swait.ge [sflag:s24], $0x800  }
0x5c: {  	s30 =	simm.s32 @!p0 $0x4E200;
	s7 =	simm.s32 @!p0 $0x0;
	[sflag:s24] =	ssyncset.done $0x0  }
0x5d: {  	s31 =	sadd.s32 @!p0 s5, s29;
	s29 =	simm.s32 @!p0 $0x80;
	[sflag:s24] =	ssyncadd.s32 $0xFFFFF800  }
0x5e: {  	[tilespmem:s7], [sflag:$0x1] =	stream.strided.gather @!p0 [hbm4b:s31+s29], $0x100, s30, s29, $0x38;
	[tilespmem:$0x46A0] =	vst v63  }
0x5f: {  	_ =	swait.ge [sflag:s28], $0x100  }
0x60: {  	[sflag:s28] =	ssyncset.done $0x0  }
0x61: {  	s2 =	simm.s32 $0x300;
	[sflag:s28] =	ssyncadd.s32 $0xFFFFFF00  }
0x62: {  	[tilespmem:s4], [sflag:$0x7] =	stream.indirect.gather [hbm4b:s1+s25], $0x10, s2, s25, $0xb8;
	[tilespmem:$0x46A0] =	vst v63  }
0x63: {  	_ =	swait.ge [sflag:s22], $0x800  }
0x64: {  	[sflag:s22] =	ssyncset.done $0x0  }
0x65: {  	s12 =	simm.s32 $0x180;
	[sflag:s22] =	ssyncadd.s32 $0xFFFFF800  }
0x66: {  	[spmem:s3] =	stream.indirect.scatter.add.f32 [tilespmem:s9], [sflag:$0xB], $0x10, s12, s25, $0xb8;
	[tilespmem:$0x46A0] =	vst v63  }
0x67: {  	_ =	swait.ge [sflag:s24], $0x800  }
0x68: {  	[sflag:s24] =	ssyncset.done $0x0  }
0x69: {  	s31 =	simm.s32 @!p0 $0x100;
	s2 =	sadd.s32 @!p0 s8, s21;
	[sflag:s24] =	ssyncadd.s32 $0xFFFFF800  }
0x6a: {  	[tilespmem:s31], [sflag:$0x2] =	stream.strided.gather @!p0 [hbm4b:s2+s29], $0x100, s30, s29, $0x38;
	[tilespmem:$0x46A0] =	vst v63  }
0x6b: {  	_ =	swait.ge [sflag:s13], $0x100  }
0x6c: {  	[sflag:s13] =	ssyncset.done $0x0  }
0x6d: {  	s15 =	simm.s32 $0x400;
	[sflag:s13] =	ssyncadd.s32 $0xFFFFFF00  }
0x6e: {  	[tilespmem:s9], [sflag:$0x8] =	stream.indirect.gather [hbm4b:s1+s25], $0x10, s15, s25, $0xb8;
	[tilespmem:$0x46A0] =	vst v63  }
0x6f: {  	_ =	swait.ge [sflag:s14], $0x800  }
0x70: {  	[sflag:s14] =	ssyncset.done $0x0  }
0x71: {  	s12 =	simm.s32 $0x280;
	[sflag:s14] =	ssyncadd.s32 $0xFFFFF800  }
0x72: {  	[spmem:s3] =	stream.indirect.scatter.add.f32 [tilespmem:s11], [sflag:$0xB], $0x10, s12, s25, $0xb8;
	[tilespmem:$0x46A0] =	vst v63  }
0x73: {  	_ =	swait.ge [sflag:s24], $0x800  }
0x74: {  	[sflag:s24] =	ssyncset.done $0x0  }
0x75: {  	s2 =	sadd.s32 @!p0 s8, s20;
	s12 =	simm.s32 @!p0 $0x200;
	[sflag:s24] =	ssyncadd.s32 $0xFFFFF800  }
0x76: {  	[tilespmem:s12], [sflag:$0x3] =	stream.strided.gather @!p0 [hbm4b:s2+s29], $0x100, s30, s29, $0x38;
	[tilespmem:$0x46A0] =	vst v63  }
0x77: {  	_ =	swait.ge [sflag:s6], $0x100  }
0x78: {  	[sflag:s6] =	ssyncset.done $0x0  }
0x79: {  	[sflag:s6] =	ssyncadd.s32 $0xFFFFFF00  }
0x7a: {  	[tilespmem:s11], [sflag:$0x9] =	stream.indirect.gather [hbm4b:s1+s25], $0x10, s0, s25, $0xb8;
	[tilespmem:$0x46A0] =	vst v63  }
0x7b: {  	_ =	swait.ge [sflag:s16], $0x800  }
0x7c: {  	[sflag:s16] =	ssyncset.done $0x0  }
0x7d: {  	s15 =	simm.s32 $0x380;
	[sflag:s16] =	ssyncadd.s32 $0xFFFFF800  }
0x7e: {  	[spmem:s3] =	stream.indirect.scatter.add.f32 [tilespmem:s4], [sflag:$0xB], $0x10, s15, s25, $0xb8;
	[tilespmem:$0x46A0] =	vst v63  }
0x7f: {  	_ =	swait.ge [sflag:s24], $0x800  }
0x80: {  	[sflag:s24] =	ssyncset.done $0x0  }
0x81: {  	s2 =	simm.s32 @p0 $0x8;
	[sflag:s24] =	ssyncadd.s32 $0xFFFFF800  }
0x82: {  	_ =	swait.ge @p0 [sflag:s2], $0x800  }
0x83: {  	s12 =	simm.s32 @p0 $0x480;
	[sflag:s2] =	ssyncset.done @p0 $0x0  }
0x84: {  	s15 =	simm.s32 @p0 $0xE00;
	[sflag:s2] =	ssyncadd.s32 @p0 $0xFFFFF800;
	s2 =	simm.s32 @p0 $0x80  }
0x85: {  	[spmem:s3] =	stream.indirect.scatter.add.f32 @p0 [tilespmem:s15], [sflag:$0xB], $0x10, s12, s2, $0xb8;
	[tilespmem:$0x46A0] =	vst v63  }
0x86: {  	s2 =	simm.s32 @p0 $0xB  }
0x87: {  	_ =	swait.ge @p0 [sflag:s2], $0x800  }
0x88: {  	[sflag:s2] =	ssyncset.done @p0 $0x0  }
0x89: {  	s12 =	simm.s32 @!p0 $0x300;
	[sflag:s2] =	ssyncadd.s32 @p0 $0xFFFFF800;
	s2 =	sadd.s32 @!p0 s8, s19  }
0x8a: {  	[tilespmem:s12], [sflag:$0x4] =	stream.strided.gather @!p0 [hbm4b:s2+s29], $0x100, s30, s29, $0x38;
	[tilespmem:$0x46A0] =	vst v63  }
0x8b: {  	s2 =	simm.s32 @!p0 $0x1  }
0x8c: {  	_ =	swait.ge @!p0 [sflag:s2], $0x100  }
0x8d: {  	[sflag:s2] =	ssyncset.done @!p0 $0x0  }
0x8e: {  	[sflag:s2] =	ssyncadd.s32 @!p0 $0xFFFFFF00;
	s2 =	simm.s32 @!p0 $0x600  }
0x8f: {  	[tilespmem:s2], [sflag:$0x7] =	stream.indirect.gather @!p0 [hbm4b:s1+s29], $0x10, s7, s29, $0xb8;
	[tilespmem:$0x46A0] =	vst v63  }
0x90: {  	s2 =	simm.s32 @!p0 $0x8  }
0x91: {  	_ =	swait.ge @!p0 [sflag:s2], $0x800  }
0x92: {  	[sflag:s2] =	ssyncset.done @!p0 $0x0  }
0x93: {  	s7 =	simm.s32 @!p0 $0xE00;
	[sflag:s2] =	ssyncadd.s32 @!p0 $0xFFFFF800;
	s2 =	simm.s32 @!p0 $0x480  }
0x94: {  	[spmem:s3] =	stream.indirect.scatter.add.f32 @!p0 [tilespmem:s7], [sflag:$0xB], $0x10, s2, s29, $0xb8;
	[tilespmem:$0x46A0] =	vst v63  }
0x95: {  	s2 =	simm.s32 @!p0 $0xB  }
0x96: {  	_ =	swait.ge @!p0 [sflag:s2], $0x800  }
0x97: {  	[sflag:s2] =	ssyncset.done @!p0 $0x0  }
0x98: {  	s12 =	simm.s32 @!p0 $0x400;
	[sflag:s2] =	ssyncadd.s32 @!p0 $0xFFFFF800;
	s2 =	sadd.s32 @!p0 s8, s18  }
0x99: {  	[tilespmem:s12], [sflag:$0x5] =	stream.strided.gather @!p0 [hbm4b:s2+s29], $0x100, s30, s29, $0x38;
	[tilespmem:$0x46A0] =	vst v63  }
0x9a: {  	s2 =	simm.s32 @!p0 $0x2  }
0x9b: {  	_ =	swait.ge @!p0 [sflag:s2], $0x100  }
0x9c: {  	[sflag:s2] =	ssyncset.done @!p0 $0x0  }
0x9d: {  	[sflag:s2] =	ssyncadd.s32 @!p0 $0xFFFFFF00  }
0x9e: {  	[tilespmem:s7], [sflag:$0x8] =	stream.indirect.gather @!p0 [hbm4b:s1+s29], $0x10, s31, s29, $0xb8;
	[tilespmem:$0x46A0] =	vst v63  }
0x9f: {  	_ =	swait.ge [sflag:s14], $0x800  }
0xa0: {  	[sflag:s14] =	ssyncset.done $0x0  }
.Ltmp2:
0xa1: {  	s31 =	simm.s32 $0x580;
	[sflag:s14] =	ssyncadd.s32 $0xFFFFF800;
	(pc) =	sbr.rel @p0 .LBB2_4-.Ltmp2, $4  }
0xa2: {  	[spmem:s3] =	stream.indirect.scatter.add.f32 [tilespmem:s11], [sflag:$0xB], $0x10, s31, s25, $0xb8;
	[tilespmem:$0x46A0] =	vst v63  }
0xa3: {  	_ =	swait.ge [sflag:s24], $0x800  }
0xa4: {  	[sflag:s24] =	ssyncset.done $0x0  }
0xa5: {  	[sflag:s24] =	ssyncadd.s32 $0xFFFFF800  }
0xa6: {  	s2 =	sadd.s32 s8, s17  }
0xa7: {  	[tilespmem:s0], [sflag:$0x6] =	stream.strided.gather [hbm4b:s2+s25], $0x100, s26, s25, $0x38;
	[tilespmem:$0x46A0] =	vst v63  }
.Ltmp3:
0xa8: {  	_ = 	snop;
	(pc) =	sbr.rel .LBB2_2-.Ltmp3, $4  }
0xa9: {  	_ =	swait.ge [sflag:s10], $0x100  }
0xaa: {  	s31 =	simm.s32 $0x200;
	[sflag:s10] =	ssyncset.done $0x0  }
0xab: {  	s8 =	sadd.s32 $0x60, s8;
	s23 =	sadd.s32 $0x300, s23;
	[sflag:s10] =	ssyncadd.s32 $0xFFFFFF00  }
0xac: {  	[tilespmem:s11], [sflag:$0x9] =	stream.indirect.gather [hbm4b:s1+s25], $0x10, s31, s25, $0xb8;
	[tilespmem:$0x46A0] =	vst v63  }
.LBB2_5:
0xad: {  	_ =	sfence.sel $0x180000  }
0xae: {  	[bflag:$0x0] =	sbarrier.arrive $0xFFFF  }
0xaf: {  	_ =	strace $0x9000004A  }
0xb0: {  	s0 =	stileid.u32;
	[bflag:$0x2] =	sbarrier.arrive $0xFFFF  }
0xb1: {  	p0 =	sne.s32 s0, $0x0;
	s0 =	rddreg [dreg:$0x3]  }
0xb2: {  	s0 =	sadd.s32 @!p0 $0x100000, s0  }
0xb3: {  	[sflag:s0] =	ssyncadd.tile.s32 @!p0 $0x1;
	_ =	shalt  }
.Lfunc_end2:
_tile_overlayer_lowered:
.L_overlay_start_2:
0xb4: {  	(tag) =	ssettag $0x2  }
0xb5: {  	s0 =	rddreg [dreg:$0x0];
	s2 =	stileid.u32  }
0xb6: {  	s1 =	rddreg [dreg:$0x1];
	p0 =	sne.s32 s2, $0x0  }
0xb7: {  	s3 =	rddreg [dreg:$0x2];
	[bflag:$0x3] =	sbarrier.arrive $0xFFFF;
	s2 =	simm.s32 @!p0 $0x1C0B  }
0xb8: {  	[timem:s3], [sflag:s2] =	dma.local @!p0 [hbm:s0], s1  }
0xb9: {  	s0 =	simm.s32 @!p0 $0xB  }
0xba: {  	_ =	swait.ge @!p0 [sflag:s0], s1  }
0xbb: {  	s1 =	ssub.s32 @!p0 $0x0, s1;
	[sflag:s0] =	ssyncset.done @!p0 $0x0  }
0xbc: {  	[sflag:s0] =	ssyncadd.s32 @!p0 s1  }
0xbd: {  	[bflag:$0x3] =	sbarrier.arrive $0xFFFF  }
0xbe: {  	_ =	shalt  }

// kernel: kernel.7.cloned.1.call-start
scs
__scs_entry_jumppad:
0x0: {  	(pc) =	sbr.rel $0x88, $3  }
0x1: {  	(tag) =	ssettag $0x0;
	lr =	simm.s32 $0x1  }
0x2: {  	[smem:$0x3F9B] =	sst lr;
	_ =	strace $0xD0000000  }
0x3: {  	_ = 	snop  }
0x4: {  	_ = 	snop  }
0x5: {  	_ = 	snop  }
0x6: {  	_ = 	snop  }
0x7: {  	_ = 	snop  }
__scs_overlays_trampoline_lowered:
0x8: {  	[smem:$0x3FAA] =	sst s0  }
0x9: {  	[smem:$0x3FAB] =	sst s1  }
0xa: {  	[smem:$0x3FAC] =	sst s2  }
0xb: {  	[smem:$0x3FAD] =	sst s3  }
0xc: {  	[smem:$0x3FAE] =	sst s4  }
0xd: {  	[smem:$0x3FAF] =	sst s5  }
0xe: {  	[smem:$0x3FB0] =	sst s6  }
0xf: {  	[smem:$0x3FB1] =	sst s7  }
0x10: {  	[smem:$0x3FB2] =	sst s8  }
0x11: {  	[smem:$0x3FB3] =	sst s9;
	s0 =	simm.s32 @!p0 $0x0  }
0x12: {  	s1 =	sld [smem:$0x3F99];
	s0 =	simm.s32 @p0 $0x1  }
0x13: {  	[smem:$0x3FB4] =	sst s0;
	s0 =	simm.s32 @!p1 $0x0  }
0x14: {  	s2 =	sld [smem:$0x3F98];
	s0 =	simm.s32 @p1 $0x1  }
0x15: {  	[smem:$0x3FB5] =	sst s0;
	s0 =	simm.s32 @!p2 $0x0  }
0x16: {  	s3 =	sld [smem:$0x3FDB];
	s0 =	simm.s32 @p2 $0x1  }
0x17: {  	s4 =	simm.s32 $0x1BF5;
	[smem:$0x3FB7] =	sst s0  }
0x18: {  	s0 =	sld [smem:$0x3F9A];
	_ =	swait.ge [sflag:s4], $0x0  }
0x19: {  	s7 =	sld [smem:$0x3F9B]  }
0x1a: {  	s8 =	sadd.s32 $0xFFFFE003, lr  }
0x1b: {  	s9 =	sadd.s32 $0xFFFFFEF7, lr;
	s5 =	simm.s32 $0xFFFFFFFF;
	p2 =	slt.u32 s8, $0xFFFFF086  }
0x1c: {  	p1 =	slt.u32 s9, $0xF7A;
	s5 =	simm.s32 @!p2 $0x0  }
0x1d: {  	s5 =	simm.s32 @p1 $0x1;
	p0 =	seq.s32 s7, s2  }
0x1e: {  	s7 =	smul.u32 @!p0 $0xF7A, s2;
	p2 =	seq.s32 @!p0 s5, $0x0  }
0x1f: {  	s9 =	smul.u32 $0xF7A, s1;
	s8 =	simm.s32 @!p0 $0x1BF5;
	p2 =	por !p2, p0  }
0x20: {  	[sflag:s8] =	ssyncset.s32 @!p0 $0xFFFFF086;
	s6 =	sadd.s32 @!p0 s3, s7;
	s7 =	simm.s32 @!p0 $0x108  }
0x21: {  	s3 =	sadd.s32 s3, s9;
	s6 =	sadd.s32 @!p0 $0x88, s6;
	s7 =	simm.s32 @p2 $0x1082  }
0x22: {  	[simem:s7], [sflag:s8] =	dma.local @!p0 [hbm:s6], $0xF7A  }
0x23: {  	s9 =	sor.u32 $0xD0000000, s2;
	s6 =	simm.s32 $0x108;
	_ =	swait.ge @!p0 [sflag:s8], $0x0  }
0x24: {  	s3 =	sadd.s32 $0x88, s3;
	s6 =	simm.s32 @!p1 $0x1082;
	[sflag:s4] =	ssyncset.s32 $0xFFFFF086  }
0x25: {  	[simem:s6], [sflag:s4] =	dma.local [hbm:s3], $0xF7A  }
0x26: {  	[smem:$0x3F9B] =	sst s1;
	(tag) =	ssettag s2;
	_ =	strace s9  }
0x27: {  	s1 =	sld [smem:$0x3FAB]  }
0x28: {  	s2 =	sld [smem:$0x3FAC]  }
0x29: {  	s4 =	sld [smem:$0x3FAE]  }
0x2a: {  	p0 =	seq.s32 s5, $0x0;
	s5 =	sld [smem:$0x3FAF]  }
0x2b: {  	s6 =	sld [smem:$0x3FB0]  }
0x2c: {  	s7 =	sld [smem:$0x3FB1]  }
0x2d: {  	s3 =	simm.s32 $0x108;
	s8 =	sld [smem:$0x3FB2]  }
0x2e: {  	s3 =	simm.s32 @!p0 $0x1082;
	s9 =	sld [smem:$0x3FB3]  }
0x2f: {  	lr =	sadd.s32 s0, s3;
	s0 =	sld [smem:$0x3FAA]  }
0x30: {  	s3 =	sld [smem:$0x3FAD]  }
0x31: {  	[smem:$0x3FB6] =	sst s10  }
0x32: {  	s10 =	sld [smem:$0x3FB4];
	_ =	sdelay $0x3  }
0x33: {  	p0 =	seq.s32 s10, $0x1;
	s10 =	sld [smem:$0x3FB6];
	_ =	sdelay $0x3  }
0x34: {  	[smem:$0x3FB6] =	sst s10  }
0x35: {  	s10 =	sld [smem:$0x3FB5];
	_ =	sdelay $0x3  }
0x36: {  	p1 =	seq.s32 s10, $0x1;
	s10 =	sld [smem:$0x3FB6];
	_ =	sdelay $0x3  }
0x37: {  	[smem:$0x3FB6] =	sst s10  }
0x38: {  	s10 =	sld [smem:$0x3FB7]  }
0x39: {  	_ = 	snop;
	(pc) =	sbr.ind lr, $3  }
0x3a: {  	_ = 	snop  }
0x3b: {  	_ = 	snop  }
0x3c: {  	p2 =	seq.s32 s10, $0x1;
	s10 =	sld [smem:$0x3FB6]  }
0x3d: {  	_ =	shalt  }
0x3e: {  	_ =	shalt  }
0x3f: {  	_ =	shalt  }
0x40: {  	_ =	shalt  }
0x41: {  	_ =	shalt  }
0x42: {  	_ =	shalt  }
0x43: {  	_ =	shalt  }
0x44: {  	_ =	shalt  }
0x45: {  	_ =	shalt  }
0x46: {  	_ =	shalt  }
0x47: {  	_ =	shalt  }
0x48: {  	_ =	shalt  }
0x49: {  	_ =	shalt  }
0x4a: {  	_ =	shalt  }
0x4b: {  	_ =	shalt  }
0x4c: {  	_ =	shalt  }
0x4d: {  	_ =	shalt  }
0x4e: {  	_ =	shalt  }
0x4f: {  	_ =	shalt  }
0x50: {  	_ =	shalt  }
0x51: {  	_ =	shalt  }
0x52: {  	_ =	shalt  }
0x53: {  	_ =	shalt  }
0x54: {  	_ =	shalt  }
0x55: {  	_ =	shalt  }
0x56: {  	_ =	shalt  }
0x57: {  	_ =	shalt  }
0x58: {  	_ =	shalt  }
0x59: {  	_ =	shalt  }
0x5a: {  	_ =	shalt  }
0x5b: {  	_ =	shalt  }
0x5c: {  	_ =	shalt  }
0x5d: {  	_ =	shalt  }
0x5e: {  	_ =	shalt  }
0x5f: {  	_ =	shalt  }
0x60: {  	_ =	shalt  }
0x61: {  	_ =	shalt  }
0x62: {  	_ =	shalt  }
0x63: {  	_ =	shalt  }
0x64: {  	_ =	shalt  }
0x65: {  	_ =	shalt  }
0x66: {  	_ =	shalt  }
0x67: {  	_ =	shalt  }
0x68: {  	_ =	shalt  }
0x69: {  	_ =	shalt  }
0x6a: {  	_ =	shalt  }
0x6b: {  	_ =	shalt  }
0x6c: {  	_ =	shalt  }
0x6d: {  	_ =	shalt  }
0x6e: {  	_ =	shalt  }
0x6f: {  	_ =	shalt  }
0x70: {  	_ =	shalt  }
0x71: {  	_ =	shalt  }
0x72: {  	_ =	shalt  }
0x73: {  	_ =	shalt  }
0x74: {  	_ =	shalt  }
0x75: {  	_ =	shalt  }
0x76: {  	_ =	shalt  }
0x77: {  	_ =	shalt  }
0x78: {  	_ =	shalt  }
0x79: {  	_ =	shalt  }
0x7a: {  	_ =	shalt  }
0x7b: {  	_ =	shalt  }
0x7c: {  	_ =	shalt  }
0x7d: {  	_ =	shalt  }
0x7e: {  	_ =	shalt  }
0x7f: {  	_ =	shalt  }
0x80: {  	_ =	shalt  }
0x81: {  	_ =	shalt  }
0x82: {  	_ =	shalt  }
0x83: {  	_ =	shalt  }
0x84: {  	_ =	shalt  }
0x85: {  	_ =	shalt  }
0x86: {  	_ =	shalt  }
0x87: {  	_ =	shalt  }
.Lfunc_end0:
.L_simem_size_0:
called_computation_lowered:
.L_overlay_start_0:
0x88: {  	s2 =	sld [smem:$0x3FD9]  }
0x89: {  	s3 =	sld [smem:$0x3FFE];
	_ =	sdelay $0x1  }
0x8a: {  	s1 =	srdreg.scid  }
0x8b: {  	s0 =	sand.u32 $0x1, s1  }
0x8c: {  	s14 =	sshll.u32 s0, $0xA;
	s2 =	sadd.s32 s3, s2  }
0x8d: {  	s2 =	sadd.s32 s2, s14  }
0x8e: {  	[smem:$0x3FC2] =	sst s2  }
0x8f: {  	_ = 	snop  }
0x90: {  	s2 =	sld [smem:$0x3FD0];
	_ =	sdelay $0x2  }
0x91: {  	s4 =	simm.s32 $0xA;
	s5 =	simm.s32 $0x10;
	s15 =	sld [smem:$0x3FC9]  }
0x92: {  	[smem:s5], [sflag:s4] =	dma.local [hbm:s2], $0x1  }
0x93: {  	_ =	swait.eq [sflag:s4], $0x1  }
0x94: {  	[sflag:s4] =	ssyncset.done $0x0  }
0x95: {  	[sflag:s4] =	ssyncadd.s32 $0xFFFFFFFF  }
0x96: {  	s16 =	sld [smem:$0x10];
	(tm) =	ssettm $0x1  }
0x97: {  	s17 =	sld [smem:$0x3FFB];
	_ =	sdelay $0x3  }
0x98: {  	_ =	strace s17  }
0x99: {  	s4 =	sld [smem:$0x3FFC];
	_ =	sdelay $0x3  }
0x9a: {  	_ =	strace s4  }
0x9b: {  	s4 =	sld [smem:$0x3FFD];
	_ =	sdelay $0x3  }
0x9c: {  	_ =	strace s4  }
0x9d: {  	_ =	strace $0x8FFFFFFF  }
0x9e: {  	s18 =	sld [smem:$0x3FDB];
	_ =	sdelay $0x1  }
0x9f: {  	s19 =	simm.s32 $_scs_section_size  }
0xa0: {  	s6 =	simm.s32 $_size__tile_overlayer_lowered;
	s7 =	simm.s32 $_tile_overlayer_lowered  }
0xa1: {  	s22 =	simm.s32 $0x1BFF;
	s21 =	sshll.u32 s7, $0x1;
	s4 =	sadd.s32 s19, s18  }
0xa2: {  	s8 =	simm.s32 $0x0;
	s20 =	sshll.u32 s6, $0x1;
	s6 =	sadd.s32 s21, s4  }
0xa3: {  	[timem:s8], [sflag:s22] =	dma.local [hbm:s6], s20  }
0xa4: {  	_ =	swait.ge [sflag:s22], s20  }
0xa5: {  	s5 =	ssub.s32 $0x0, s20;
	[sflag:s22] =	ssyncset.done $0x0  }
0xa6: {  	[sflag:s22] =	ssyncadd.s32 s5;
	_ =	sdelay $0x1  }
0xa7: {  	s23 =	simm.s32 $0x1B8B  }
0xa8: {  	_ =	swait.ge [sflag:s23], $0x1  }
0xa9: {  	[sflag:s23] =	ssyncset.done $0x0  }
0xaa: {  	s25 =	simm.s32 $0x1B8E;
	s24 =	sld [smem:$0x3FFE];
	[sflag:s23] =	ssyncadd.s32 $0xFFFFFFFF  }
0xab: {  	s26 =	simm.s32 $execute0_lowered;
	[smem:$0x3FD2] =	sst s25  }
0xac: {  	s6 =	sshll.u32 s26, $0x1;
	_ =	strace $0x80000046;
	[dreg:$0x1] =	wrdreg $0xFFFFFFFF  }
0xad: {  	s28 =	simm.s32 $_size_execute0_lowered;
	s4 =	sadd.s32 s4, s6;
	[dreg:$0x0] =	wrdreg $0x0  }
0xae: {  	s6 =	sshll.u32 s28, $0x1;
	[dreg:$0x2] =	wrdreg s4  }
0xaf: {  	[dreg:$0x3] =	wrdreg s6  }
0xb0: {  	[dreg:$0x4] =	wrdreg $0xC0  }
0xb1: {  	_ =	task [dreg:s8], $0x5FFFF  }
0xb2: {  	[dreg:$0x1] =	wrdreg $0xFFFFFFFF  }
0xb3: {  	[dreg:$0x0] =	wrdreg $0x60  }
0xb4: {  	[dreg:$0x2] =	wrdreg s15  }
0xb5: {  	[dreg:$0x3] =	wrdreg s24  }
0xb6: {  	[dreg:$0x4] =	wrdreg s16  }
0xb7: {  	[dreg:$0x5] =	wrdreg $0x7BC00  }
0xb8: {  	[dreg:$0x6] =	wrdreg $0x1BCC00  }
0xb9: {  	[dreg:$0x7] =	wrdreg $0x9  }
0xba: {  	_ =	task.clear_ibuf [dreg:s8], $0x8FFFF;
	_ =	strace $0x90000046  }
0xbb: {  	s29 =	simm.s32 $0x9;
	_ =	strace $0x80000048  }
0xbc: {  	_ =	swait.ge [sflag:s29], $0x1  }
0xbd: {  	[sflag:s29] =	ssyncadd.s32 $0xFFFFFFFF  }
0xbe: {  	_ =	strace $0x90000048  }
0xbf: {  	_ =	sfence  }
0xc0: {  	s30 =	sld [smem:$0x0];
	_ =	sdelay $0x2  }
0xc1: {  	s31 =	sshll.u32 s1, $0xD;
	s1 =	sshrl.u32 s1, $0x2  }
0xc2: {  	s3 =	sand.u32 $0x4000, s31;
	s1 =	sadd.s32 s1, s30  }
0xc3: {  	s0 =	sor.u32 s3, s0;
	s1 =	sshll.u32 s1, $0x11  }
0xc4: {  	s0 =	sor.u32 s1, s0  }
0xc5: {  	s0 =	sadd.s32 $0x8F2B, s0  }
0xc6: {  	[sflag:s0] =	ssyncadd.remote.s32 $0x1  }
0xc7: {  	_ =	sfence.sel $0xFFFF  }
0xc8: {  	[dreg:$0x0] =	wrdreg $0xFFFFFFFF;
	(pc) =	sbr.abs _section_cstart, $3  }
0xc9: {  	[dreg:$0x1] =	wrdreg $0xFFFFFFFF  }
0xca: {  	_ =	task.clear_ibuf [dreg:s8], $0x2FFFF;
	_ =	strace $0x9FFFFFFF  }
0xcb: {  	(tm) =	ssettm $0x7FFFFFFF  }
tec
execute0_lowered:
.L_overlay_start_1:
0x0: {  	(tag) =	ssettag $0x1  }
0x1: {  	s0 =	rddreg [dreg:$0x0]  }
0x2: {  	s1 =	rddreg [dreg:$0x1]  }
0x3: {  	s4 =	rddreg [dreg:$0x3];
	s2 =	srdreg.scid  }
0x4: {  	s11 =	stileid.u32;
	s5 =	rddreg [dreg:$0x4];
	s26 =	simm.s32 $0x0  }
0x5: {  	s29 =	simm.s32 $0xA0;
	s31 =	simm.s32 $0x1;
	s3 =	smul.u32 $0x13C00, s11  }
0x6: {  	s2 =	sand.u32 $0x1, s2;
	[smem:$0x7FF] =	sst s26;
	s7 =	smul.u32 $0x2780, s11  }
0x7: {  	s28 =	sadd.s32 $0x2000, s1;
	s9 =	sadd.s32 $0x15A00, s1;
	s24 =	smul.u32 $0x4E20, s11  }
0x8: {  	s22 =	sshll.u32 s11, $0x1;
	s25 =	sshll.u32 s11, $0x6;
	s6 =	smul.u32 $0x13C000, s2  }
0x9: {  	_ =	strace $0x80000047;
	s8 =	smul.u32 $0x27800, s2;
	[dreg:$0xb] =	wrdreg s9  }
0xa: {  	s10 =	ssub.s32 $0x2, s2;
	s9 =	sor.u32 s2, s22;
	s2 =	smul.u32 $0x2710, s2  }
0xb: {  	s25 =	sor.u32 $0x1C0A, s25;
	s23 =	sshrl.u32 s10, $0x1;
	s9 =	smul.u32 $0x2710, s9  }
0xc: {  	[dreg:$0xd] =	wrdreg s25;
	s6 =	sadd.s32 s3, s6;
	s8 =	sadd.s32 s7, s8  }
0xd: {  	s3 =	sadd.s32 s3, s4;
	s7 =	sadd.s32 s7, s5;
	s2 =	sadd.s32 s2, s24  }
0xe: {  	s6 =	sshrl.u32 s6, $0x3;
	s8 =	sshrl.u32 s8, $0x3;
	[dreg:$0xc] =	wrdreg s3  }
0xf: {  	s9 =	sshrl.u32 s9, $0x3;
	[dreg:$0xe] =	wrdreg s7;
	s13 =	sadd.s32 $0x370, s2  }
0x10: {  	s14 =	sadd.s32 $0x320, s2;
	s17 =	sadd.s32 $0x2D0, s2;
	s19 =	sadd.s32 $0x280, s2  }
0x11: {  	s20 =	sadd.s32 $0x230, s2;
	s6 =	sadd.s32 s6, s1;
	s1 =	sadd.s32 s8, s1  }
0x12: {  	s8 =	ssub.s32 s10, s23;
	s30 =	sadd.s32 s28, s9;
	s3 =	sshrl.u32 s13, $0x3  }
0x13: {  	s15 =	sshrl.u32 s14, $0x3;
	s9 =	sadd.s32 $0xA, s30;
	[dreg:$0xf] =	wrdreg s30  }
0x14: {  	s18 =	sshrl.u32 s17, $0x3;
	s10 =	sadd.s32 $0x14, s30;
	[dreg:$0x10] =	wrdreg s9  }
0x15: {  	s22 =	sshrl.u32 s20, $0x3;
	s11 =	sadd.s32 $0x1E, s30;
	[dreg:$0x11] =	wrdreg s10  }
0x16: {  	s13 =	simm.s32 $0x1B7C0;
	s12 =	sadd.s32 $0x28, s30;
	[dreg:$0x12] =	wrdreg s11  }
0x17: {  	s14 =	simm.s32 $0x4;
	s7 =	sadd.s32 $0x32, s30;
	[dreg:$0x13] =	wrdreg s12  }
0x18: {  	s17 =	simm.s32 $0x5;
	s6 =	sadd.s32 $0x1FE00, s6;
	[dreg:$0x14] =	wrdreg s7  }
0x19: {  	s20 =	simm.s32 $0x6;
	s3 =	sadd.s32 s3, s28;
	[dreg:$0x15] =	wrdreg s6  }
0x1a: {  	s16 =	sadd.s32 s15, s28;
	s1 =	sadd.s32 $0x16000, s1;
	[dreg:$0x6] =	wrdreg s3  }
0x1b: {  	s23 =	sadd.s32 s22, s28;
	s24 =	smax.u32 s8, $0x1;
	[dreg:$0x7] =	wrdreg s16  }
0x1c: {  	s30 =	sadd.s32 $0x1E0, s2;
	s22 =	simm.s32 $0xA;
	[dreg:$0x16] =	wrdreg s1  }
0x1d: {  	s2 =	simm.s32 $0x2BC0;
	s8 =	simm.s32 $0x3;
	[dreg:$0x17] =	wrdreg s24  }
0x1e: {  	s15 =	simm.s32 $0x8;
	s3 =	sadd.s32 s18, s28;
	[dreg:$0xa] =	wrdreg s23  }
0x1f: {  	s6 =	sshrl.u32 s19, $0x3;
	[dreg:$0x18] =	wrdreg s30;
	s23 =	simm.s32 $0x50  }
0x20: {  	s24 =	simm.s32 $0x4E200;
	s10 =	simm.s32 $0x320;
	s1 =	simm.s32 $0x2  }
0x21: {  	s9 =	simm.s32 $0x53C0;
	s11 =	simm.s32 $0x7;
	s18 =	simm.s32 $0x9  }
0x22: {  	s7 =	simm.s32 $0x0;
	[dreg:$0x8] =	wrdreg s3;
	s21 =	sadd.s32 s6, s28  }
0x23: {  	v0 =	vimm.f32 $1.000000000e+00;
	s3 =	simm.s32 $0x3C0;
	[dreg:$0x9] =	wrdreg s21;
	s21 =	simm.s32 $0x370  }
.LBB2_1:
0x24: {  	[dreg:$0x19] =	wrdreg s7  }
0x25: {  	s6 =	rddreg [dreg:$0xc]  }
0x26: {  	s19 =	rddreg [dreg:$0x2];
	s16 =	sshrl.u32 s6, $0x3  }
0x27: {  	[dreg:$0x1a] =	wrdreg s16  }
0x28: {  	[spmem:s16], [sflag:s25] =	dma.local [hbm:s19], $0x2780  }
0x29: {  	_ =	swait.ge [sflag:s22], $0x2780  }
0x2a: {  	s12 =	rddreg [dreg:$0xe]  }
0x2b: {  	[sflag:s22] =	ssyncset.done $0x0;
	s19 =	rddreg [dreg:$0xb];
	s16 =	sshrl.u32 s12, $0x3  }
0x2c: {  	[sflag:s22] =	ssyncadd.s32 $0xFFFFD880;
	[dreg:$0x1b] =	wrdreg s16  }
0x2d: {  	[spmem:s16], [sflag:s25] =	dma.local [hbm:s19], $0x4F0  }
0x2e: {  	_ =	swait.ge [sflag:s22], $0x4F0  }
0x2f: {  	[sflag:s22] =	ssyncset.done $0x0  }
0x30: {  	[sflag:s22] =	ssyncadd.s32 $0xFFFFFB10  }
0x31: {  	[tilespmem:$0x1B7C0] =	vst v0  }
0x32: {  	[tilespmem:$0x1B7D0] =	vst v0  }
0x33: {  	[tilespmem:$0x1B7E0] =	vst v0  }
0x34: {  	[tilespmem:$0x1B7F0] =	vst v0  }
0x35: {  	[tilespmem:$0x1B800] =	vst v0  }
0x36: {  	[tilespmem:$0x1B810] =	vst v0  }
0x37: {  	[tilespmem:$0x1B820] =	vst v0  }
0x38: {  	[tilespmem:$0x1B830] =	vst v0  }
0x39: {  	[tilespmem:$0x1B840] =	vst v0  }
0x3a: {  	[tilespmem:$0x1B850] =	vst v0  }
0x3b: {  	[tilespmem:$0x1B860] =	vst v0  }
0x3c: {  	[tilespmem:$0x1B870] =	vst v0  }
0x3d: {  	[tilespmem:$0x1B880] =	vst v0  }
0x3e: {  	[tilespmem:$0x1B890] =	vst v0  }
0x3f: {  	[tilespmem:$0x1B8A0] =	vst v0  }
0x40: {  	[tilespmem:$0x1B8B0] =	vst v0  }
0x41: {  	[tilespmem:$0x1B8C0] =	vst v0  }
0x42: {  	[tilespmem:$0x1B8D0] =	vst v0  }
0x43: {  	[tilespmem:$0x1B8E0] =	vst v0  }
0x44: {  	[tilespmem:$0x1B8F0] =	vst v0  }
0x45: {  	[tilespmem:$0x1B900] =	vst v0  }
0x46: {  	[tilespmem:$0x1B910] =	vst v0  }
0x47: {  	[tilespmem:$0x1B920] =	vst v0  }
0x48: {  	[tilespmem:$0x1B930] =	vst v0  }
0x49: {  	[tilespmem:$0x1B940] =	vst v0  }
0x4a: {  	[tilespmem:$0x1B950] =	vst v0  }
0x4b: {  	[tilespmem:$0x1B960] =	vst v0  }
0x4c: {  	[tilespmem:$0x1B970] =	vst v0  }
0x4d: {  	[tilespmem:$0x1B980] =	vst v0  }
0x4e: {  	[tilespmem:$0x1B990] =	vst v0  }
0x4f: {  	[tilespmem:$0x1B9A0] =	vst v0  }
0x50: {  	[tilespmem:$0x1B9B0] =	vst v0  }
0x51: {  	[tilespmem:$0x1B9C0] =	vst v0  }
0x52: {  	[tilespmem:$0x1B9D0] =	vst v0  }
0x53: {  	[tilespmem:$0x1B9E0] =	vst v0  }
0x54: {  	[tilespmem:$0x1B9F0] =	vst v0  }
0x55: {  	[tilespmem:$0x1BA00] =	vst v0  }
0x56: {  	[tilespmem:$0x1BA10] =	vst v0  }
0x57: {  	[tilespmem:$0x1BA20] =	vst v0  }
0x58: {  	[tilespmem:$0x1BA30] =	vst v0  }
0x59: {  	[tilespmem:$0x1BA40] =	vst v0  }
0x5a: {  	[tilespmem:$0x1BA50] =	vst v0  }
0x5b: {  	[tilespmem:$0x1BA60] =	vst v0  }
0x5c: {  	[tilespmem:$0x1BA70] =	vst v0  }
0x5d: {  	[tilespmem:$0x1BA80] =	vst v0  }
0x5e: {  	[tilespmem:$0x1BA90] =	vst v0  }
0x5f: {  	[tilespmem:$0x1BAA0] =	vst v0  }
0x60: {  	[tilespmem:$0x1BAB0] =	vst v0  }
0x61: {  	[tilespmem:$0x1BAC0] =	vst v0  }
0x62: {  	[tilespmem:$0x1BAD0] =	vst v0  }
0x63: {  	[tilespmem:$0x1BAE0] =	vst v0  }
0x64: {  	[tilespmem:$0x1BAF0] =	vst v0  }
0x65: {  	[tilespmem:$0x1BB00] =	vst v0  }
0x66: {  	[tilespmem:$0x1BB10] =	vst v0  }
0x67: {  	[tilespmem:$0x1BB20] =	vst v0  }
0x68: {  	[tilespmem:$0x1BB30] =	vst v0  }
0x69: {  	[tilespmem:$0x1BB40] =	vst v0  }
0x6a: {  	[tilespmem:$0x1BB50] =	vst v0  }
0x6b: {  	[tilespmem:$0x1BB60] =	vst v0  }
0x6c: {  	[tilespmem:$0x1BB70] =	vst v0  }
0x6d: {  	[tilespmem:$0x1BB80] =	vst v0  }
0x6e: {  	[tilespmem:$0x1BB90] =	vst v0  }
0x6f: {  	[tilespmem:$0x1BBA0] =	vst v0  }
0x70: {  	[tilespmem:$0x1BBB0] =	vst v0  }
0x71: {  	[tilespmem:$0x1BBC0] =	vst v0  }
0x72: {  	[tilespmem:$0x1BBD0] =	vst v0  }
0x73: {  	[tilespmem:$0x1BBE0] =	vst v0  }
0x74: {  	[tilespmem:$0x1BBF0] =	vst v0  }
0x75: {  	[tilespmem:$0x1BC00] =	vst v0  }
0x76: {  	[tilespmem:$0x1BC10] =	vst v0  }
0x77: {  	[tilespmem:$0x1BC20] =	vst v0  }
0x78: {  	[tilespmem:$0x1BC30] =	vst v0  }
0x79: {  	[tilespmem:$0x1BC40] =	vst v0  }
0x7a: {  	[tilespmem:$0x1BC50] =	vst v0  }
0x7b: {  	[tilespmem:$0x1BC60] =	vst v0  }
0x7c: {  	[tilespmem:$0x1BC70] =	vst v0  }
0x7d: {  	[tilespmem:$0x1BC80] =	vst v0  }
0x7e: {  	[tilespmem:$0x1BC90] =	vst v0  }
0x7f: {  	[tilespmem:$0x1BCA0] =	vst v0  }
0x80: {  	s25 =	rddreg [dreg:$0xf];
	[tilespmem:$0x1BCB0] =	vst v0  }
0x81: {  	[tilespmem:s26], [sflag:$0x1] =	stream.strided.gather [hbm4b:s25+s23], $0xA0, s24, s23, $0x38;
	[tilespmem:$0x1E440] =	vst v63  }
0x82: {  	s7 =	rddreg [dreg:$0x10]  }
0x83: {  	[tilespmem:s29], [sflag:$0x2] =	stream.strided.gather [hbm4b:s7+s23], $0xA0, s24, s23, $0x38;
	[tilespmem:$0x1E440] =	vst v63  }
0x84: {  	s12 =	rddreg [dreg:$0x11];
	s7 =	simm.s32 $0x140  }
0x85: {  	[tilespmem:s7], [sflag:$0x3] =	stream.strided.gather [hbm4b:s12+s23], $0xA0, s24, s23, $0x38;
	[tilespmem:$0x1E440] =	vst v63  }
0x86: {  	s16 =	rddreg [dreg:$0x12];
	s12 =	simm.s32 $0x1E0  }
0x87: {  	[tilespmem:s12], [sflag:$0x4] =	stream.strided.gather [hbm4b:s16+s23], $0xA0, s24, s23, $0x38;
	[tilespmem:$0x1E440] =	vst v63  }
0x88: {  	s19 =	rddreg [dreg:$0x13];
	s16 =	simm.s32 $0x280  }
0x89: {  	[tilespmem:s16], [sflag:$0x5] =	stream.strided.gather [hbm4b:s19+s23], $0xA0, s24, s23, $0x38;
	[tilespmem:$0x1E440] =	vst v63  }
0x8a: {  	s25 =	rddreg [dreg:$0x14]  }
0x8b: {  	[tilespmem:s10], [sflag:$0x6] =	stream.strided.gather [hbm4b:s25+s23], $0xA0, s24, s23, $0x38;
	[tilespmem:$0x1E440] =	vst v63  }
0x8c: {  	_ =	swait.ge [sflag:s31], $0xA0  }
0x8d: {  	[sflag:s31] =	ssyncset.done $0x0  }
0x8e: {  	[sflag:s31] =	ssyncadd.s32 $0xFFFFFF60  }
0x8f: {  	[tilespmem:s3], [sflag:$0x7] =	stream.indirect.gather [hbm4b:s0+s23], $0x80, s26, s23, $0xb8;
	[tilespmem:$0x1E440] =	vst v63  }
0x90: {  	_ =	swait.ge [sflag:s1], $0xA0  }
0x91: {  	[sflag:s1] =	ssyncset.done $0x0  }
0x92: {  	[sflag:s1] =	ssyncadd.s32 $0xFFFFFF60  }
0x93: {  	[tilespmem:s2], [sflag:$0x8] =	stream.indirect.gather [hbm4b:s0+s23], $0x80, s29, s23, $0xb8;
	[tilespmem:$0x1E440] =	vst v63  }
0x94: {  	_ =	swait.ge [sflag:s8], $0xA0  }
0x95: {  	[sflag:s8] =	ssyncset.done $0x0  }
0x96: {  	[sflag:s8] =	ssyncadd.s32 $0xFFFFFF60  }
0x97: {  	[tilespmem:s9], [sflag:$0x9] =	stream.indirect.gather [hbm4b:s0+s23], $0x80, s7, s23, $0xb8;
	[tilespmem:$0x1E440] =	vst v63  }
0x98: {  	[bflag:$0x0] =	sbarrier.arrive $0xFFFF  }
0x99: {  	_ =	swait.ge [sflag:s11], $0x2800  }
0x9a: {  	[sflag:s11] =	ssyncset.done $0x0  }
0x9b: {  	[sflag:s11] =	ssyncadd.s32 $0xFFFFD800  }
0x9c: {  	[spmem:s4] =	stream.indirect.scatter.add.f32 [tilespmem:s3], [sflag:$0xA], $0x80, s23, s23, $0xb8;
	[tilespmem:$0x1E440] =	vst v63  }
0x9d: {  	_ =	swait.ge [sflag:s22], $0x2800  }
0x9e: {  	[sflag:s22] =	ssyncset.done $0x0  }
0x9f: {  	[sflag:s22] =	ssyncadd.s32 $0xFFFFD800  }
0xa0: {  	[spmem:s5] =	stream.indirect.scatter.add.f32 [tilespmem:s13], [sflag:$0xA], $0x10, s23, s23, $0xb8;
	[tilespmem:$0x1E440] =	vst v63  }
0xa1: {  	_ =	swait.ge [sflag:s22], $0x500  }
0xa2: {  	s25 =	rddreg [dreg:$0x18]  }
0xa3: {  	[sflag:s22] =	ssyncset.done $0x0;
	s19 =	sshrl.u32 s25, $0x3  }
0xa4: {  	[sflag:s22] =	ssyncadd.s32 $0xFFFFFB00;
	s6 =	sadd.s32 s28, s19  }
0xa5: {  	[tilespmem:s26], [sflag:$0x1] =	stream.strided.gather [hbm4b:s6+s23], $0xA0, s24, s23, $0x38;
	[tilespmem:$0x1E440] =	vst v63  }
0xa6: {  	_ =	swait.ge [sflag:s14], $0xA0  }
0xa7: {  	[sflag:s14] =	ssyncset.done $0x0  }
0xa8: {  	[sflag:s14] =	ssyncadd.s32 $0xFFFFFF60  }
0xa9: {  	[tilespmem:s3], [sflag:$0x7] =	stream.indirect.gather [hbm4b:s0+s23], $0x80, s12, s23, $0xb8;
	[tilespmem:$0x1E440] =	vst v63  }
0xaa: {  	_ =	swait.ge [sflag:s15], $0x2800  }
0xab: {  	[sflag:s15] =	ssyncset.done $0x0  }
0xac: {  	s19 =	simm.s32 $0xF0;
	[sflag:s15] =	ssyncadd.s32 $0xFFFFD800  }
0xad: {  	[spmem:s4] =	stream.indirect.scatter.add.f32 [tilespmem:s2], [sflag:$0xA], $0x80, s19, s23, $0xb8;
	[tilespmem:$0x1E440] =	vst v63  }
0xae: {  	_ =	swait.ge [sflag:s22], $0x2800  }
0xaf: {  	[sflag:s22] =	ssyncset.done $0x0  }
0xb0: {  	[sflag:s22] =	ssyncadd.s32 $0xFFFFD800  }
0xb1: {  	[spmem:s5] =	stream.indirect.scatter.add.f32 [tilespmem:s13], [sflag:$0xA], $0x10, s19, s23, $0xb8;
	[tilespmem:$0x1E440] =	vst v63  }
0xb2: {  	_ =	swait.ge [sflag:s22], $0x500  }
0xb3: {  	s19 =	rddreg [dreg:$0xa];
	[sflag:s22] =	ssyncset.done $0x0  }
0xb4: {  	[sflag:s22] =	ssyncadd.s32 $0xFFFFFB00;
	s6 =	sadd.s32 $0x0, s19  }
0xb5: {  	[tilespmem:s29], [sflag:$0x2] =	stream.strided.gather [hbm4b:s6+s23], $0xA0, s24, s23, $0x38;
	[tilespmem:$0x1E440] =	vst v63  }
0xb6: {  	_ =	swait.ge [sflag:s17], $0xA0  }
0xb7: {  	[sflag:s17] =	ssyncset.done $0x0  }
0xb8: {  	[sflag:s17] =	ssyncadd.s32 $0xFFFFFF60  }
0xb9: {  	[tilespmem:s2], [sflag:$0x8] =	stream.indirect.gather [hbm4b:s0+s23], $0x80, s16, s23, $0xb8;
	[tilespmem:$0x1E440] =	vst v63  }
0xba: {  	_ =	swait.ge [sflag:s18], $0x2800  }
0xbb: {  	[sflag:s18] =	ssyncset.done $0x0  }
0xbc: {  	s19 =	simm.s32 $0x190;
	[sflag:s18] =	ssyncadd.s32 $0xFFFFD800  }
0xbd: {  	[spmem:s4] =	stream.indirect.scatter.add.f32 [tilespmem:s9], [sflag:$0xA], $0x80, s19, s23, $0xb8;
	[tilespmem:$0x1E440] =	vst v63  }
0xbe: {  	_ =	swait.ge [sflag:s22], $0x2800  }
0xbf: {  	[sflag:s22] =	ssyncset.done $0x0  }
0xc0: {  	[sflag:s22] =	ssyncadd.s32 $0xFFFFD800  }
0xc1: {  	[spmem:s5] =	stream.indirect.scatter.add.f32 [tilespmem:s13], [sflag:$0xA], $0x10, s19, s23, $0xb8;
	[tilespmem:$0x1E440] =	vst v63  }
0xc2: {  	_ =	swait.ge [sflag:s22], $0x500  }
0xc3: {  	s19 =	rddreg [dreg:$0x9];
	[sflag:s22] =	ssyncset.done $0x0  }
0xc4: {  	[sflag:s22] =	ssyncadd.s32 $0xFFFFFB00;
	s6 =	sadd.s32 $0x0, s19  }
0xc5: {  	[tilespmem:s7], [sflag:$0x3] =	stream.strided.gather [hbm4b:s6+s23], $0xA0, s24, s23, $0x38;
	[tilespmem:$0x1E440] =	vst v63  }
0xc6: {  	_ =	swait.ge [sflag:s20], $0xA0  }
0xc7: {  	[sflag:s20] =	ssyncset.done $0x0  }
0xc8: {  	[sflag:s20] =	ssyncadd.s32 $0xFFFFFF60  }
0xc9: {  	[tilespmem:s9], [sflag:$0x9] =	stream.indirect.gather [hbm4b:s0+s23], $0x80, s10, s23, $0xb8;
	[tilespmem:$0x1E440] =	vst v63  }
0xca: {  	_ =	swait.ge [sflag:s11], $0x2800  }
0xcb: {  	[sflag:s11] =	ssyncset.done $0x0  }
0xcc: {  	s7 =	simm.s32 $0x230;
	[sflag:s11] =	ssyncadd.s32 $0xFFFFD800  }
0xcd: {  	[spmem:s4] =	stream.indirect.scatter.add.f32 [tilespmem:s3], [sflag:$0xA], $0x80, s7, s23, $0xb8;
	[tilespmem:$0x1E440] =	vst v63  }
0xce: {  	_ =	swait.ge [sflag:s22], $0x2800  }
0xcf: {  	[sflag:s22] =	ssyncset.done $0x0  }
0xd0: {  	[sflag:s22] =	ssyncadd.s32 $0xFFFFD800  }
0xd1: {  	[spmem:s5] =	stream.indirect.scatter.add.f32 [tilespmem:s13], [sflag:$0xA], $0x10, s7, s23, $0xb8;
	[tilespmem:$0x1E440] =	vst v63  }
0xd2: {  	_ =	swait.ge [sflag:s22], $0x500  }
0xd3: {  	s10 =	rddreg [dreg:$0x8];
	[sflag:s22] =	ssyncset.done $0x0  }
0xd4: {  	[sflag:s22] =	ssyncadd.s32 $0xFFFFFB00;
	s6 =	sadd.s32 $0x0, s10  }
0xd5: {  	[tilespmem:s12], [sflag:$0x4] =	stream.strided.gather [hbm4b:s6+s23], $0xA0, s24, s23, $0x38;
	[tilespmem:$0x1E440] =	vst v63  }
0xd6: {  	_ =	swait.ge [sflag:s31], $0xA0  }
0xd7: {  	[sflag:s31] =	ssyncset.done $0x0  }
0xd8: {  	[sflag:s31] =	ssyncadd.s32 $0xFFFFFF60  }
0xd9: {  	[tilespmem:s3], [sflag:$0x7] =	stream.indirect.gather [hbm4b:s0+s23], $0x80, s26, s23, $0xb8;
	[tilespmem:$0x1E440] =	vst v63  }
0xda: {  	_ =	swait.ge [sflag:s15], $0x2800  }
0xdb: {  	[sflag:s15] =	ssyncset.done $0x0  }
0xdc: {  	s12 =	simm.s32 $0x2D0;
	[sflag:s15] =	ssyncadd.s32 $0xFFFFD800  }
0xdd: {  	[spmem:s4] =	stream.indirect.scatter.add.f32 [tilespmem:s2], [sflag:$0xA], $0x80, s12, s23, $0xb8;
	[tilespmem:$0x1E440] =	vst v63  }
0xde: {  	_ =	swait.ge [sflag:s22], $0x2800  }
0xdf: {  	[sflag:s22] =	ssyncset.done $0x0  }
0xe0: {  	[sflag:s22] =	ssyncadd.s32 $0xFFFFD800  }
0xe1: {  	[spmem:s5] =	stream.indirect.scatter.add.f32 [tilespmem:s13], [sflag:$0xA], $0x10, s12, s23, $0xb8;
	[tilespmem:$0x1E440] =	vst v63  }
0xe2: {  	_ =	swait.ge [sflag:s22], $0x500  }
0xe3: {  	s19 =	rddreg [dreg:$0x7];
	[sflag:s22] =	ssyncset.done $0x0  }
0xe4: {  	[sflag:s22] =	ssyncadd.s32 $0xFFFFFB00;
	s6 =	sadd.s32 $0x0, s19  }
0xe5: {  	[tilespmem:s16], [sflag:$0x5] =	stream.strided.gather [hbm4b:s6+s23], $0xA0, s24, s23, $0x38;
	[tilespmem:$0x1E440] =	vst v63  }
0xe6: {  	_ =	swait.ge [sflag:s1], $0xA0  }
0xe7: {  	[sflag:s1] =	ssyncset.done $0x0  }
0xe8: {  	[sflag:s1] =	ssyncadd.s32 $0xFFFFFF60  }
0xe9: {  	[tilespmem:s2], [sflag:$0x8] =	stream.indirect.gather [hbm4b:s0+s23], $0x80, s29, s23, $0xb8;
	[tilespmem:$0x1E440] =	vst v63  }
0xea: {  	_ =	swait.ge [sflag:s18], $0x2800  }
0xeb: {  	[sflag:s18] =	ssyncset.done $0x0  }
0xec: {  	[sflag:s18] =	ssyncadd.s32 $0xFFFFD800  }
0xed: {  	[spmem:s4] =	stream.indirect.scatter.add.f32 [tilespmem:s9], [sflag:$0xA], $0x80, s21, s23, $0xb8;
	[tilespmem:$0x1E440] =	vst v63  }
0xee: {  	_ =	swait.ge [sflag:s22], $0x2800  }
0xef: {  	[sflag:s22] =	ssyncset.done $0x0  }
0xf0: {  	p0 =	por $0x0, $0x0;
	[sflag:s22] =	ssyncadd.s32 $0xFFFFD800  }
0xf1: {  	[spmem:s5] =	stream.indirect.scatter.add.f32 [tilespmem:s13], [sflag:$0xA], $0x10, s21, s23, $0xb8;
	[tilespmem:$0x1E440] =	vst v63  }
0xf2: {  	s30 =	simm.s32 @!p0 $0x50;
	_ =	swait.ge [sflag:s22], $0x500  }
0xf3: {  	s7 =	simm.s32 @!p0 $0x4E200;
	s6 =	rddreg [dreg:$0x6];
	[sflag:s22] =	ssyncset.done $0x0  }
0xf4: {  	s10 =	simm.s32 @!p0 $0x320;
	[sflag:s22] =	ssyncadd.s32 $0xFFFFFB00;
	s6 =	sadd.s32 @!p0 $0x0, s6  }
0xf5: {  	[tilespmem:s10], [sflag:$0x6] =	stream.strided.gather @!p0 [hbm4b:s6+s30], $0xA0, s7, s30, $0x38;
	[tilespmem:$0x1E440] =	vst v63  }
0xf6: {  	s30 =	simm.s32 $0x3C;
	_ =	swait.ge [sflag:s8], $0xA0  }
0xf7: {  	s6 =	smov.u32 s25;
	s10 =	simm.s32 $0x320;
	[sflag:s8] =	ssyncset.done $0x0  }
.LBB2_2:
0xf8: {  	[sflag:s8] =	ssyncadd.s32 $0xFFFFFF60;
	s19 =	simm.s32 $0x140  }
0xf9: {  	[tilespmem:s9], [sflag:$0x9] =	stream.indirect.gather [hbm4b:s0+s23], $0x80, s19, s23, $0xb8;
	[tilespmem:$0x1E440] =	vst v63  }
0xfa: {  	_ =	swait.ge [sflag:s11], $0x2800  }
0xfb: {  	[sflag:s11] =	ssyncset.done $0x0  }
0xfc: {  	[sflag:s11] =	ssyncadd.s32 $0xFFFFD800  }
0xfd: {  	[spmem:s4] =	stream.indirect.scatter.add.f32 [tilespmem:s3], [sflag:$0xA], $0x80, s23, s23, $0xb8;
	[tilespmem:$0x1E440] =	vst v63  }
0xfe: {  	_ =	swait.ge [sflag:s22], $0x2800  }
0xff: {  	[sflag:s22] =	ssyncset.done $0x0  }
0x100: {  	[sflag:s22] =	ssyncadd.s32 $0xFFFFD800  }
0x101: {  	[spmem:s5] =	stream.indirect.scatter.add.f32 [tilespmem:s13], [sflag:$0xA], $0x10, s23, s23, $0xb8;
	[tilespmem:$0x1E440] =	vst v63  }
0x102: {  	s6 =	sadd.s32 $0x1E0, s6;
	_ =	swait.ge [sflag:s22], $0x500  }
0x103: {  	s25 =	sshrl.u32 s6, $0x3;
	[sflag:s22] =	ssyncset.done $0x0  }
0x104: {  	s25 =	sadd.s32 s28, s25;
	[sflag:s22] =	ssyncadd.s32 $0xFFFFFB00  }
0x105: {  	[tilespmem:s26], [sflag:$0x1] =	stream.strided.gather [hbm4b:s25+s23], $0xA0, s24, s23, $0x38;
	[tilespmem:$0x1E440] =	vst v63  }
0x106: {  	_ =	swait.ge [sflag:s14], $0xA0  }
0x107: {  	[sflag:s14] =	ssyncset.done $0x0  }
0x108: {  	s12 =	simm.s32 $0x1E0;
	[sflag:s14] =	ssyncadd.s32 $0xFFFFFF60  }
0x109: {  	[tilespmem:s3], [sflag:$0x7] =	stream.indirect.gather [hbm4b:s0+s23], $0x80, s12, s23, $0xb8;
	[tilespmem:$0x1E440] =	vst v63  }
0x10a: {  	_ =	swait.ge [sflag:s15], $0x2800  }
0x10b: {  	[sflag:s15] =	ssyncset.done $0x0  }
0x10c: {  	s16 =	simm.s32 $0xF0;
	[sflag:s15] =	ssyncadd.s32 $0xFFFFD800  }
0x10d: {  	[spmem:s4] =	stream.indirect.scatter.add.f32 [tilespmem:s2], [sflag:$0xA], $0x80, s16, s23, $0xb8;
	[tilespmem:$0x1E440] =	vst v63  }
0x10e: {  	_ =	swait.ge [sflag:s22], $0x2800  }
0x10f: {  	[sflag:s22] =	ssyncset.done $0x0  }
0x110: {  	[sflag:s22] =	ssyncadd.s32 $0xFFFFD800  }
0x111: {  	[spmem:s5] =	stream.indirect.scatter.add.f32 [tilespmem:s13], [sflag:$0xA], $0x10, s16, s23, $0xb8;
	[tilespmem:$0x1E440] =	vst v63  }
0x112: {  	_ =	swait.ge [sflag:s22], $0x500  }
0x113: {  	s7 =	smov.u32 s30;
	s21 =	rddreg [dreg:$0xa];
	[sflag:s22] =	ssyncset.done $0x0  }
0x114: {  	[sflag:s22] =	ssyncadd.s32 $0xFFFFFB00;
	s25 =	sadd.s32 s7, s21  }
0x115: {  	[tilespmem:s29], [sflag:$0x2] =	stream.strided.gather [hbm4b:s25+s23], $0xA0, s24, s23, $0x38;
	[tilespmem:$0x1E440] =	vst v63  }
0x116: {  	_ =	swait.ge [sflag:s17], $0xA0  }
0x117: {  	[sflag:s17] =	ssyncset.done $0x0  }
0x118: {  	s21 =	simm.s32 $0x280;
	[sflag:s17] =	ssyncadd.s32 $0xFFFFFF60  }
0x119: {  	[tilespmem:s2], [sflag:$0x8] =	stream.indirect.gather [hbm4b:s0+s23], $0x80, s21, s23, $0xb8;
	[tilespmem:$0x1E440] =	vst v63  }
0x11a: {  	_ =	swait.ge [sflag:s18], $0x2800  }
0x11b: {  	[sflag:s18] =	ssyncset.done $0x0  }
0x11c: {  	s25 =	simm.s32 $0x190;
	[sflag:s18] =	ssyncadd.s32 $0xFFFFD800  }
0x11d: {  	[spmem:s4] =	stream.indirect.scatter.add.f32 [tilespmem:s9], [sflag:$0xA], $0x80, s25, s23, $0xb8;
	[tilespmem:$0x1E440] =	vst v63  }
0x11e: {  	_ =	swait.ge [sflag:s22], $0x2800  }
0x11f: {  	[sflag:s22] =	ssyncset.done $0x0  }
0x120: {  	[sflag:s22] =	ssyncadd.s32 $0xFFFFD800  }
0x121: {  	[spmem:s5] =	stream.indirect.scatter.add.f32 [tilespmem:s13], [sflag:$0xA], $0x10, s25, s23, $0xb8;
	[tilespmem:$0x1E440] =	vst v63  }
0x122: {  	_ =	swait.ge [sflag:s22], $0x500  }
0x123: {  	s16 =	rddreg [dreg:$0x9];
	[sflag:s22] =	ssyncset.done $0x0  }
0x124: {  	[sflag:s22] =	ssyncadd.s32 $0xFFFFFB00;
	s25 =	sadd.s32 s7, s16  }
0x125: {  	[tilespmem:s19], [sflag:$0x3] =	stream.strided.gather [hbm4b:s25+s23], $0xA0, s24, s23, $0x38;
	[tilespmem:$0x1E440] =	vst v63  }
0x126: {  	_ =	swait.ge [sflag:s20], $0xA0  }
0x127: {  	[sflag:s20] =	ssyncset.done $0x0  }
0x128: {  	[sflag:s20] =	ssyncadd.s32 $0xFFFFFF60  }
0x129: {  	[tilespmem:s9], [sflag:$0x9] =	stream.indirect.gather [hbm4b:s0+s23], $0x80, s10, s23, $0xb8;
	[tilespmem:$0x1E440] =	vst v63  }
0x12a: {  	_ =	swait.ge [sflag:s11], $0x2800  }
0x12b: {  	[sflag:s11] =	ssyncset.done $0x0  }
0x12c: {  	s25 =	simm.s32 $0x230;
	[sflag:s11] =	ssyncadd.s32 $0xFFFFD800  }
0x12d: {  	[spmem:s4] =	stream.indirect.scatter.add.f32 [tilespmem:s3], [sflag:$0xA], $0x80, s25, s23, $0xb8;
	[tilespmem:$0x1E440] =	vst v63  }
0x12e: {  	_ =	swait.ge [sflag:s22], $0x2800  }
0x12f: {  	[sflag:s22] =	ssyncset.done $0x0  }
0x130: {  	[sflag:s22] =	ssyncadd.s32 $0xFFFFD800  }
0x131: {  	[spmem:s5] =	stream.indirect.scatter.add.f32 [tilespmem:s13], [sflag:$0xA], $0x10, s25, s23, $0xb8;
	[tilespmem:$0x1E440] =	vst v63  }
0x132: {  	_ =	swait.ge [sflag:s22], $0x500  }
0x133: {  	s19 =	rddreg [dreg:$0x8];
	[sflag:s22] =	ssyncset.done $0x0  }
0x134: {  	[sflag:s22] =	ssyncadd.s32 $0xFFFFFB00;
	s25 =	sadd.s32 s7, s19  }
0x135: {  	[tilespmem:s12], [sflag:$0x4] =	stream.strided.gather [hbm4b:s25+s23], $0xA0, s24, s23, $0x38;
	[tilespmem:$0x1E440] =	vst v63  }
0x136: {  	_ =	swait.ge [sflag:s31], $0xA0  }
0x137: {  	[sflag:s31] =	ssyncset.done $0x0  }
0x138: {  	[sflag:s31] =	ssyncadd.s32 $0xFFFFFF60  }
0x139: {  	[tilespmem:s3], [sflag:$0x7] =	stream.indirect.gather [hbm4b:s0+s23], $0x80, s26, s23, $0xb8;
	[tilespmem:$0x1E440] =	vst v63  }
0x13a: {  	_ =	swait.ge [sflag:s15], $0x2800  }
0x13b: {  	[sflag:s15] =	ssyncset.done $0x0  }
0x13c: {  	s25 =	simm.s32 $0x2D0;
	[sflag:s15] =	ssyncadd.s32 $0xFFFFD800  }
0x13d: {  	[spmem:s4] =	stream.indirect.scatter.add.f32 [tilespmem:s2], [sflag:$0xA], $0x80, s25, s23, $0xb8;
	[tilespmem:$0x1E440] =	vst v63  }
0x13e: {  	_ =	swait.ge [sflag:s22], $0x2800  }
0x13f: {  	[sflag:s22] =	ssyncset.done $0x0  }
0x140: {  	[sflag:s22] =	ssyncadd.s32 $0xFFFFD800  }
0x141: {  	[spmem:s5] =	stream.indirect.scatter.add.f32 [tilespmem:s13], [sflag:$0xA], $0x10, s25, s23, $0xb8;
	[tilespmem:$0x1E440] =	vst v63  }
0x142: {  	_ =	swait.ge [sflag:s22], $0x500  }
0x143: {  	s26 =	rddreg [dreg:$0x7];
	[sflag:s22] =	ssyncset.done $0x0  }
0x144: {  	[sflag:s22] =	ssyncadd.s32 $0xFFFFFB00;
	s25 =	sadd.s32 s7, s26  }
0x145: {  	[tilespmem:s21], [sflag:$0x5] =	stream.strided.gather [hbm4b:s25+s23], $0xA0, s24, s23, $0x38;
	[tilespmem:$0x1E440] =	vst v63  }
0x146: {  	_ =	swait.ge [sflag:s1], $0xA0  }
0x147: {  	[sflag:s1] =	ssyncset.done $0x0  }
0x148: {  	[sflag:s1] =	ssyncadd.s32 $0xFFFFFF60  }
0x149: {  	[tilespmem:s2], [sflag:$0x8] =	stream.indirect.gather [hbm4b:s0+s23], $0x80, s29, s23, $0xb8;
	[tilespmem:$0x1E440] =	vst v63  }
0x14a: {  	_ =	swait.ge [sflag:s18], $0x2800  }
0x14b: {  	[sflag:s18] =	ssyncset.done $0x0  }
0x14c: {  	s21 =	simm.s32 $0x370;
	[sflag:s18] =	ssyncadd.s32 $0xFFFFD800  }
0x14d: {  	[spmem:s4] =	stream.indirect.scatter.add.f32 [tilespmem:s9], [sflag:$0xA], $0x80, s21, s23, $0xb8;
	[tilespmem:$0x1E440] =	vst v63  }
0x14e: {  	s30 =	sadd.s32 $0x3C, s30;
	_ =	swait.ge [sflag:s22], $0x2800  }
0x14f: {  	p0 =	sne.s32 s30, $0x4B0;
	[sflag:s22] =	ssyncset.done $0x0  }
0x150: {  	p1 =	seq.s32 s7, $0x474;
	s16 =	simm.s32 $0x140;
	[sflag:s22] =	ssyncadd.s32 $0xFFFFD800  }
0x151: {  	[spmem:s5] =	stream.indirect.scatter.add.f32 [tilespmem:s13], [sflag:$0xA], $0x10, s21, s23, $0xb8;
	[tilespmem:$0x1E440] =	vst v63  }
0x152: {  	s26 =	simm.s32 @!p1 $0x50;
	s29 =	simm.s32 @!p1 $0x4E200;
	_ =	swait.ge [sflag:s22], $0x500  }
.Ltmp0:
0x153: {  	s25 =	rddreg [dreg:$0x6];
	[sflag:s22] =	ssyncset.done $0x0;
	(pc) =	sbr.rel @p0 .LBB2_2-.Ltmp0, $4  }
0x154: {  	[sflag:s22] =	ssyncadd.s32 $0xFFFFFB00;
	s7 =	sadd.s32 @!p1 s7, s25;
	s25 =	simm.s32 @!p1 $0x320  }
0x155: {  	[tilespmem:s25], [sflag:$0x6] =	stream.strided.gather @!p1 [hbm4b:s7+s26], $0xA0, s29, s26, $0x38;
	[tilespmem:$0x1E440] =	vst v63  }
0x156: {  	s19 =	simm.s32 $0x1E0;
	s12 =	simm.s32 $0x280;
	_ =	swait.ge [sflag:s8], $0xA0  }
0x157: {  	s29 =	simm.s32 $0xA0;
	s26 =	simm.s32 $0x0;
	[sflag:s8] =	ssyncset.done $0x0  }
0x158: {  	[sflag:s8] =	ssyncadd.s32 $0xFFFFFF60  }
0x159: {  	[tilespmem:s9], [sflag:$0x9] =	stream.indirect.gather [hbm4b:s0+s23], $0x80, s16, s23, $0xb8;
	[tilespmem:$0x1E440] =	vst v63  }
0x15a: {  	_ =	swait.ge [sflag:s11], $0x2800  }
0x15b: {  	[sflag:s11] =	ssyncset.done $0x0  }
0x15c: {  	[sflag:s11] =	ssyncadd.s32 $0xFFFFD800  }
0x15d: {  	[spmem:s4] =	stream.indirect.scatter.add.f32 [tilespmem:s3], [sflag:$0xA], $0x80, s23, s23, $0xb8;
	[tilespmem:$0x1E440] =	vst v63  }
0x15e: {  	_ =	swait.ge [sflag:s22], $0x2800  }
0x15f: {  	[sflag:s22] =	ssyncset.done $0x0  }
0x160: {  	[sflag:s22] =	ssyncadd.s32 $0xFFFFD800  }
0x161: {  	[spmem:s5] =	stream.indirect.scatter.add.f32 [tilespmem:s13], [sflag:$0xA], $0x10, s23, s23, $0xb8;
	[tilespmem:$0x1E440] =	vst v63  }
0x162: {  	_ =	swait.ge [sflag:s22], $0x500  }
0x163: {  	[sflag:s22] =	ssyncset.done $0x0  }
0x164: {  	[sflag:s22] =	ssyncadd.s32 $0xFFFFFB00  }
0x165: {  	_ =	swait.ge [sflag:s14], $0xA0  }
0x166: {  	[sflag:s14] =	ssyncset.done $0x0  }
0x167: {  	[sflag:s14] =	ssyncadd.s32 $0xFFFFFF60  }
0x168: {  	[tilespmem:s3], [sflag:$0x7] =	stream.indirect.gather [hbm4b:s0+s23], $0x80, s19, s23, $0xb8;
	[tilespmem:$0x1E440] =	vst v63  }
0x169: {  	_ =	swait.ge [sflag:s15], $0x2800  }
0x16a: {  	[sflag:s15] =	ssyncset.done $0x0  }
0x16b: {  	s6 =	simm.s32 $0xF0;
	[sflag:s15] =	ssyncadd.s32 $0xFFFFD800  }
0x16c: {  	[spmem:s4] =	stream.indirect.scatter.add.f32 [tilespmem:s2], [sflag:$0xA], $0x80, s6, s23, $0xb8;
	[tilespmem:$0x1E440] =	vst v63  }
0x16d: {  	_ =	swait.ge [sflag:s22], $0x2800  }
0x16e: {  	[sflag:s22] =	ssyncset.done $0x0  }
0x16f: {  	[sflag:s22] =	ssyncadd.s32 $0xFFFFD800  }
0x170: {  	[spmem:s5] =	stream.indirect.scatter.add.f32 [tilespmem:s13], [sflag:$0xA], $0x10, s6, s23, $0xb8;
	[tilespmem:$0x1E440] =	vst v63  }
0x171: {  	_ =	swait.ge [sflag:s22], $0x500  }
0x172: {  	[sflag:s22] =	ssyncset.done $0x0  }
0x173: {  	[sflag:s22] =	ssyncadd.s32 $0xFFFFFB00  }
0x174: {  	_ =	swait.ge [sflag:s17], $0xA0  }
0x175: {  	[sflag:s17] =	ssyncset.done $0x0  }
0x176: {  	[sflag:s17] =	ssyncadd.s32 $0xFFFFFF60  }
0x177: {  	[tilespmem:s2], [sflag:$0x8] =	stream.indirect.gather [hbm4b:s0+s23], $0x80, s12, s23, $0xb8;
	[tilespmem:$0x1E440] =	vst v63  }
0x178: {  	_ =	swait.ge [sflag:s18], $0x2800  }
0x179: {  	[sflag:s18] =	ssyncset.done $0x0  }
0x17a: {  	s25 =	simm.s32 $0x190;
	[sflag:s18] =	ssyncadd.s32 $0xFFFFD800  }
0x17b: {  	[spmem:s4] =	stream.indirect.scatter.add.f32 [tilespmem:s9], [sflag:$0xA], $0x80, s25, s23, $0xb8;
	[tilespmem:$0x1E440] =	vst v63  }
0x17c: {  	_ =	swait.ge [sflag:s22], $0x2800  }
0x17d: {  	[sflag:s22] =	ssyncset.done $0x0  }
0x17e: {  	[sflag:s22] =	ssyncadd.s32 $0xFFFFD800  }
0x17f: {  	[spmem:s5] =	stream.indirect.scatter.add.f32 [tilespmem:s13], [sflag:$0xA], $0x10, s25, s23, $0xb8;
	[tilespmem:$0x1E440] =	vst v63  }
0x180: {  	_ =	swait.ge [sflag:s22], $0x500  }
0x181: {  	[sflag:s22] =	ssyncset.done $0x0  }
0x182: {  	[sflag:s22] =	ssyncadd.s32 $0xFFFFFB00  }
0x183: {  	_ =	swait.ge [sflag:s11], $0x2800  }
0x184: {  	[sflag:s11] =	ssyncset.done $0x0  }
0x185: {  	s30 =	simm.s32 $0x230;
	[sflag:s11] =	ssyncadd.s32 $0xFFFFD800  }
0x186: {  	[spmem:s4] =	stream.indirect.scatter.add.f32 [tilespmem:s3], [sflag:$0xA], $0x80, s30, s23, $0xb8;
	[tilespmem:$0x1E440] =	vst v63  }
0x187: {  	_ =	swait.ge [sflag:s22], $0x2800  }
0x188: {  	[sflag:s22] =	ssyncset.done $0x0  }
0x189: {  	[sflag:s22] =	ssyncadd.s32 $0xFFFFD800  }
0x18a: {  	[spmem:s5] =	stream.indirect.scatter.add.f32 [tilespmem:s13], [sflag:$0xA], $0x10, s30, s23, $0xb8;
	[tilespmem:$0x1E440] =	vst v63  }
0x18b: {  	_ =	swait.ge [sflag:s22], $0x500  }
0x18c: {  	[sflag:s22] =	ssyncset.done $0x0  }
0x18d: {  	[sflag:s22] =	ssyncadd.s32 $0xFFFFFB00  }
0x18e: {  	_ =	swait.ge [sflag:s15], $0x2800  }
0x18f: {  	[sflag:s15] =	ssyncset.done $0x0  }
0x190: {  	s7 =	simm.s32 $0x2D0;
	[sflag:s15] =	ssyncadd.s32 $0xFFFFD800  }
0x191: {  	[spmem:s4] =	stream.indirect.scatter.add.f32 [tilespmem:s2], [sflag:$0xA], $0x80, s7, s23, $0xb8;
	[tilespmem:$0x1E440] =	vst v63  }
0x192: {  	_ =	swait.ge [sflag:s22], $0x2800  }
0x193: {  	[sflag:s22] =	ssyncset.done $0x0  }
0x194: {  	[sflag:s22] =	ssyncadd.s32 $0xFFFFD800  }
0x195: {  	[spmem:s5] =	stream.indirect.scatter.add.f32 [tilespmem:s13], [sflag:$0xA], $0x10, s7, s23, $0xb8;
	[tilespmem:$0x1E440] =	vst v63  }
0x196: {  	_ =	swait.ge [sflag:s22], $0x500  }
0x197: {  	[sflag:s22] =	ssyncset.done $0x0  }
0x198: {  	[sflag:s22] =	ssyncadd.s32 $0xFFFFFB00  }
0x199: {  	[bflag:$0x0] =	sbarrier.arrive $0xFFFF  }
0x19a: {  	s25 =	rddreg [dreg:$0xd]  }
0x19b: {  	s10 =	rddreg [dreg:$0x15]  }
0x19c: {  	s7 =	rddreg [dreg:$0x1a]  }
0x19d: {  	[hbm:s10], [sflag:s25] =	dma.local [spmem:s7], $0x2780  }
0x19e: {  	_ =	swait.ge [sflag:s22], $0x2780  }
0x19f: {  	[sflag:s22] =	ssyncset.done $0x0;
	s12 =	rddreg [dreg:$0x16]  }
0x1a0: {  	s16 =	rddreg [dreg:$0x1b];
	[sflag:s22] =	ssyncadd.s32 $0xFFFFD880  }
0x1a1: {  	[hbm:s12], [sflag:s25] =	dma.local [spmem:s16], $0x4F0  }
0x1a2: {  	_ =	swait.ge [sflag:s22], $0x4F0  }
0x1a3: {  	s19 =	rddreg [dreg:$0x19]  }
0x1a4: {  	s30 =	rddreg [dreg:$0x17];
	s7 =	sadd.s32 $0x1, s19  }
0x1a5: {  	p0 =	sne.s32 s7, s30  }
.Ltmp1:
0x1a6: {  	_ = 	snop;
	(pc) =	sbr.rel @p0 .LBB2_1-.Ltmp1, $3  }
0x1a7: {  	_ =	sdelay $0x1  }
0x1a8: {  	[sflag:s22] =	ssyncset.done $0x0  }
0x1a9: {  	s10 =	simm.s32 $0x320;
	[sflag:s22] =	ssyncadd.s32 $0xFFFFFB10  }
0x1aa: {  	_ =	sfence.sel $0x180000  }
0x1ab: {  	[bflag:$0x0] =	sbarrier.arrive $0xFFFF  }
0x1ac: {  	_ =	strace $0x90000047  }
0x1ad: {  	s0 =	stileid.u32;
	[bflag:$0x2] =	sbarrier.arrive $0xFFFF  }
0x1ae: {  	p0 =	sne.s32 s0, $0x0;
	s0 =	rddreg [dreg:$0x5]  }
0x1af: {  	s0 =	sadd.s32 @!p0 $0x100000, s0  }
0x1b0: {  	[sflag:s0] =	ssyncadd.tile.s32 @!p0 $0x1;
	_ =	shalt  }
.Lfunc_end2:
_tile_overlayer_lowered:
.L_overlay_start_2:
0x1b1: {  	(tag) =	ssettag $0x2  }
0x1b2: {  	s0 =	rddreg [dreg:$0x0];
	s2 =	stileid.u32  }
0x1b3: {  	s1 =	rddreg [dreg:$0x1];
	p0 =	sne.s32 s2, $0x0  }
0x1b4: {  	s3 =	rddreg [dreg:$0x2];
	[bflag:$0x3] =	sbarrier.arrive $0xFFFF;
	s2 =	simm.s32 @!p0 $0x1C0A  }
0x1b5: {  	[timem:s3], [sflag:s2] =	dma.local @!p0 [hbm:s0], s1  }
0x1b6: {  	s0 =	simm.s32 @!p0 $0xA  }
0x1b7: {  	_ =	swait.ge @!p0 [sflag:s0], s1  }
0x1b8: {  	s1 =	ssub.s32 @!p0 $0x0, s1;
	[sflag:s0] =	ssyncset.done @!p0 $0x0  }
0x1b9: {  	[sflag:s0] =	ssyncadd.s32 @!p0 s1  }
0x1ba: {  	[bflag:$0x3] =	sbarrier.arrive $0xFFFF  }
0x1bb: {  	_ =	shalt  }

</sc_bundles>
